<compile_context>
chip_gen: v7x
topology: tpu7x:2x2x1
jax: 0.10.2.dev20260603
libtpu: 0.0.44.dev20260713+nightly
codegen_flags: <defaults>
</compile_context>

<pallas_src>
import functools

import jax
import jax.numpy as jnp
from jax import lax
from jax.experimental import pallas as pl
from jax.experimental.pallas import tpu as pltpu
from jax.experimental.pallas import tpu_sc as plsc

N_NODES = 10000
N_EDGES = 160000
D = 256
DH = 128
DEGW = 16
TILE_R0 = 624
TILE_ROWS = 640
ZR = 128

_mesh = plsc.VectorSubcoreMesh(core_axis_name="c", subcore_axis_name="s")

_f32 = jnp.float32


DK = 40
DG = (N_EDGES // 32) // DK


@functools.partial(
    pl.kernel,
    mesh=_mesh,
    out_type=[
        jax.ShapeDtypeStruct((N_NODES, DEGW), _f32),
        jax.ShapeDtypeStruct((N_NODES, DEGW), _f32),
    ],
    scratch_types=[
        pltpu.VMEM((DK, DEGW), _f32),
        pltpu.VMEM((DG, DK), jnp.int32),
        pltpu.VMEM((ZR, DEGW), _f32),
        pltpu.VMEM_SHARED((N_NODES, DEGW), _f32),
    ],
)
def _sc_degree(dst_hbm, outa, outb, ones_v, idx_v, zbuf, acc):
    c = lax.axis_index("c")
    s = lax.axis_index("s")

    def fill_ones(i, _):
        ones_v[i, :] = jnp.ones((DEGW,), _f32)
        return 0

    lax.fori_loop(0, DK, fill_ones, 0)

    def fill_zeros(i, _):
        zbuf[i, :] = jnp.zeros((DEGW,), _f32)
        return 0

    lax.fori_loop(0, ZR, fill_zeros, 0)

    pltpu.sync_copy(dst_hbm.at[c * 16 + s], idx_v)

    row0 = s * TILE_R0
    for m in range(TILE_ROWS // ZR):
        pltpu.sync_copy(zbuf, acc.at[pl.ds(row0 + m * ZR, ZR)])
    plsc.subcore_barrier()

    def chunk(g, _):
        pltpu.sync_copy(ones_v, acc.at[idx_v.at[g]], add=True)
        return 0

    lax.fori_loop(0, DG, chunk, 0)
    plsc.subcore_barrier()

    @pl.when(c == 0)
    def _():
        pltpu.sync_copy(acc.at[pl.ds(row0, TILE_ROWS)],
                        outa.at[pl.ds(row0, TILE_ROWS)])

    @pl.when(c == 1)
    def _():
        pltpu.sync_copy(acc.at[pl.ds(row0, TILE_ROWS)],
                        outb.at[pl.ds(row0, TILE_ROWS)])


AK = 100
AG = (N_EDGES // 16) // AK
AZR = 16


@functools.partial(
    pl.kernel,
    mesh=_mesh,
    out_type=[
        jax.ShapeDtypeStruct((N_NODES, DH), _f32),
        jax.ShapeDtypeStruct((N_NODES, DH), _f32),
    ],
    scratch_types=[
        pltpu.VMEM((2, AK, DH), _f32),
        pltpu.VMEM((2, AK), jnp.int32),
        pltpu.VMEM((2, AK), jnp.int32),
        pltpu.VMEM((AZR, DH), _f32),
        pltpu.VMEM_SHARED((N_NODES, DH), _f32),
        pltpu.SemaphoreType.DMA,
        pltpu.SemaphoreType.DMA,
        pltpu.SemaphoreType.DMA,
        pltpu.SemaphoreType.DMA,
    ],
)
def _sc_aggregate(pa_hbm, pb_hbm, src_hbm, dst_hbm, outa, outb,
                  rows_v, srcv, dstv, zbuf, acc, gsem0, gsem1, isem0, isem1):
    c = lax.axis_index("c")
    s = lax.axis_index("s")

    def fill_zeros(i, _):
        for j in range(DH // 16):
            zbuf[i, pl.ds(j * 16, 16)] = jnp.zeros((16,), _f32)
        return 0

    lax.fori_loop(0, AZR, fill_zeros, 0)

    row0 = s * TILE_R0
    for m in range(TILE_ROWS // AZR):
        pltpu.sync_copy(zbuf, acc.at[pl.ds(row0 + m * AZR, AZR)])
    plsc.subcore_barrier()

    gsems = (gsem0, gsem1)
    isems = (isem0, isem1)

    def idxcpy(g, b):
        pltpu.sync_copy(src_hbm.at[s, g], srcv.at[b])
        pltpu.sync_copy(dst_hbm.at[s, g], dstv.at[b])

    def run(p_hbm, out_hbm):
        def gather(g, b):
            return pltpu.make_async_copy(
                p_hbm.at[srcv.at[b]], rows_v.at[b], gsems[b])

        def scat(b):
            pltpu.sync_copy(rows_v.at[b], acc.at[dstv.at[b]], add=True)

        idxcpy(0, 0)
        idxcpy(1, 1)
        gather(0, 0).start()

        def pipe(i, _):
            g0 = 2 * i
            gather(g0 + 1, 1).start()
            gather(g0, 0).wait()
            scat(0)

            @pl.when(g0 + 2 < AG)
            def _():
                idxcpy(g0 + 2, 0)
                gather(g0 + 2, 0).start()

            gather(g0 + 1, 1).wait()
            scat(1)

            @pl.when(g0 + 3 < AG)
            def _():
                idxcpy(g0 + 3, 1)

            return 0

        lax.fori_loop(0, AG // 2, pipe, 0)
        plsc.subcore_barrier()
        pltpu.sync_copy(acc.at[pl.ds(row0, TILE_ROWS)],
                        out_hbm.at[pl.ds(row0, TILE_ROWS)])

    @pl.when(c == 0)
    def _():
        run(pa_hbm, outa)

    @pl.when(c == 1)
    def _():
        run(pb_hbm, outb)


BN = 400


def _dinv_from(da, db):
    deg = da[:, 0:1] + db[:, 0:1] + 1.0
    return lax.rsqrt(deg)


def _tc1_body(x_ref, w_ref, da_ref, db_ref, pa_ref, pb_ref):
    dinv = _dinv_from(da_ref[...], db_ref[...])
    m = jnp.dot(x_ref[...], w_ref[...], preferred_element_type=_f32)
    p = m * dinv
    pa_ref[...] = p[:, :DH]
    pb_ref[...] = p[:, DH:]


def _tc2_body(aa_ref, ab_ref, pa_ref, pb_ref, da_ref, db_ref, b1_ref,
              w2_ref, oa_ref, ob_ref):
    dinv = _dinv_from(da_ref[...], db_ref[...])
    hsum = jnp.concatenate(
        [aa_ref[...] + pa_ref[...], ab_ref[...] + pb_ref[...]], axis=1)
    h1 = jax.nn.relu(dinv * hsum + b1_ref[...])
    m2 = jnp.dot(h1, w2_ref[...], preferred_element_type=_f32)
    p2 = m2 * dinv
    oa_ref[...] = p2[:, :DH]
    ob_ref[...] = p2[:, DH:]


def _tc3_body(aa_ref, ab_ref, pa_ref, pb_ref, da_ref, db_ref, b2_ref,
              f1w_ref, f1b_ref, f2w_ref, f2b_ref, out_ref):
    dinv = _dinv_from(da_ref[...], db_ref[...])
    hsum = jnp.concatenate(
        [aa_ref[...] + pa_ref[...], ab_ref[...] + pb_ref[...]], axis=1)
    h2 = dinv * hsum + b2_ref[...]
    row = lax.broadcasted_iota(jnp.int32, (16, 128), 0)
    col = lax.broadcasted_iota(jnp.int32, (16, 128), 1)
    g = jnp.where(col // 8 == row, 0.125, 0.0).astype(_f32)
    agg = jnp.dot(g, h2, preferred_element_type=_f32)
    y = jax.nn.relu(jnp.dot(agg, f1w_ref[...], preferred_element_type=_f32)
                    + f1b_ref[...])
    out_ref[...] = (jnp.dot(y, f2w_ref[...], preferred_element_type=_f32)
                    + f2b_ref[...])


def _node_spec(w):
    return pl.BlockSpec((BN, w), lambda i: (i, 0))


def _full_spec(shape):
    return pl.BlockSpec(shape, lambda i: (0,) * len(shape))


_tc1 = pl.pallas_call(
    _tc1_body,
    grid=(N_NODES // BN,),
    in_specs=[_node_spec(D), _full_spec((D, D)),
              _node_spec(DEGW), _node_spec(DEGW)],
    out_specs=[_node_spec(DH), _node_spec(DH)],
    out_shape=[jax.ShapeDtypeStruct((N_NODES, DH), _f32)] * 2,
)

_tc2 = pl.pallas_call(
    _tc2_body,
    grid=(N_NODES // BN,),
    in_specs=[_node_spec(DH)] * 4 + [_node_spec(DEGW)] * 2
    + [_full_spec((1, D)), _full_spec((D, D))],
    out_specs=[_node_spec(DH), _node_spec(DH)],
    out_shape=[jax.ShapeDtypeStruct((N_NODES, DH), _f32)] * 2,
)

_tc3 = pl.pallas_call(
    _tc3_body,
    grid=(1,),
    in_specs=[_full_spec((128, DH))] * 4 + [_full_spec((128, DEGW))] * 2
    + [_full_spec((1, D)), _full_spec((D, D)), _full_spec((1, D)),
       _full_spec((D, 64)), _full_spec((1, 64))],
    out_specs=[_full_spec((16, 64))],
    out_shape=[jax.ShapeDtypeStruct((16, 64), _f32)],
)


def kernel(x, edge_index, W1, b1, W2, b2, fc1_w, fc1_b, fc2_w, fc2_b):
    src = edge_index[0]
    dst = edge_index[1]
    src3 = src.reshape(16, AG, AK)
    dst3 = dst.reshape(16, AG, AK)
    dega, degb = _sc_degree(dst.reshape(32, DG, DK))
    p1a, p1b = _tc1(x, W1, dega, degb)
    a1a, a1b = _sc_aggregate(p1a, p1b, src3, dst3)
    p2a, p2b = _tc2(a1a, a1b, p1a, p1b, dega, degb,
                    b1.reshape(1, D), W2)
    a2a, a2b = _sc_aggregate(p2a, p2b, src3, dst3)
    (y,) = _tc3(a2a, a2b, p2a, p2b, dega, degb, b2.reshape(1, D),
                fc1_w, fc1_b.reshape(1, D), fc2_w, fc2_b.reshape(1, 64))
    return y

# --- scband reference (transcript-rebuilt; emitter-appended) ---
"""Pipeline reference for scband-gcn-model-52836687675466 (READ-ONLY COPY).

The authoritative reference and input builder live on the scoring server;
editing this copy changes nothing except your own understanding.
"""

import jax, jax.numpy as jnp
import numpy as np

N = 10000
E = 160000
D_IN = 256
H1 = 256
H2 = 256
OUT = 64
N_VIRUS = 16
PER_VIRUS = 8


def setup_inputs(seed: int = 0) -> dict:
    key = jax.random.key(seed)
    ks = jax.random.split(key, 10)
    x = jax.random.normal(ks[0], (N, D_IN), dtype=jnp.float32)
    edge_index = jax.random.randint(ks[1], (2, E), 0, N, dtype=jnp.int32)
    W1 = jax.random.normal(ks[2], (D_IN, H1), dtype=jnp.float32) * (1.0 / np.sqrt(D_IN))
    b1 = jnp.zeros((H1,), dtype=jnp.float32)
    W2 = jax.random.normal(ks[3], (H1, H2), dtype=jnp.float32) * (1.0 / np.sqrt(H1))
    b2 = jnp.zeros((H2,), dtype=jnp.float32)
    fc1_w = jax.random.normal(ks[4], (H2, H2), dtype=jnp.float32) * (1.0 / np.sqrt(H2))
    fc1_b = jnp.zeros((H2,), dtype=jnp.float32)
    fc2_w = jax.random.normal(ks[5], (H2, OUT), dtype=jnp.float32) * (1.0 / np.sqrt(H2))
    fc2_b = jnp.zeros((OUT,), dtype=jnp.float32)
    return {"x": x, "edge_index": edge_index, "W1": W1, "b1": b1, "W2": W2, "b2": b2,
            "fc1_w": fc1_w, "fc1_b": fc1_b, "fc2_w": fc2_w, "fc2_b": fc2_b}


def _gcn_conv(x, edge_index, W, b):
    # GCNConv: add self-loops, symmetric degree normalization, then aggregate.
    n = x.shape[0]
    loop = jnp.arange(n, dtype=edge_index.dtype)
    src = jnp.concatenate([edge_index[0], loop])
    dst = jnp.concatenate([edge_index[1], loop])
    ones = jnp.ones_like(dst, dtype=jnp.float32)
    deg = jax.ops.segment_sum(ones, dst, num_segments=n)
    dinv = jnp.where(deg > 0, jax.lax.rsqrt(deg), 0.0)
    norm = dinv[src] * dinv[dst]
    h = x @ W
    msg = h[src] * norm[:, None]
    out = jax.ops.segment_sum(msg, dst, num_segments=n)
    return out + b


def reference(x, edge_index, W1, b1, W2, b2, fc1_w, fc1_b, fc2_w, fc2_b):
    h = jax.nn.relu(_gcn_conv(x, edge_index, W1, b1))
    # dropout p=0.5 is identity at inference (training=False)
    h = _gcn_conv(h, edge_index, W2, b2)
    # aggregate_features_by_virus: mean over each virus's protein-node indices
    vidx = jnp.arange(N_VIRUS * PER_VIRUS).reshape(N_VIRUS, PER_VIRUS)
    agg = h[vidx].mean(axis=1)
    y = jax.nn.relu(agg @ fc1_w + fc1_b)
    y = y @ fc2_w + fc2_b
    return y

if __name__ == "__main__":
    import jax
    _d = setup_inputs()
    print(jax.jit(kernel)(*tuple(_d.values())))

</pallas_src>

<mosaic_0001>
#map = affine_map<(d0, d1) -> (0, 0)>
#map1 = affine_map<(d0, d1) -> (0, 0, 0)>
module attributes {stable_mosaic.version = 14 : i64} {
  func.func @_sc_aggregate(%arg0: i32, %arg1: i32, %arg2: memref<10000x128xf32, #tpu.memory_space<hbm>>, %arg3: memref<10000x128xf32, #tpu.memory_space<hbm>>, %arg4: memref<16x100x100xi32, #tpu.memory_space<hbm>>, %arg5: memref<16x100x100xi32, #tpu.memory_space<hbm>>, %arg6: memref<10000x128xf32, #tpu.memory_space<hbm>>, %arg7: memref<10000x128xf32, #tpu.memory_space<hbm>>, %arg8: memref<2x100x128xf32, #tpu.memory_space<vmem>>, %arg9: memref<2x100xi32, #tpu.memory_space<vmem>>, %arg10: memref<2x100xi32, #tpu.memory_space<vmem>>, %arg11: memref<16x128xf32, #tpu.memory_space<vmem>>, %arg12: memref<10000x128xf32, #tpu.memory_space<vmem_shared>>, %arg13: memref<!tpu.dma_semaphore, #tpu.memory_space<semaphore_mem>>, %arg14: memref<!tpu.dma_semaphore, #tpu.memory_space<semaphore_mem>>, %arg15: memref<!tpu.dma_semaphore, #tpu.memory_space<semaphore_mem>>, %arg16: memref<!tpu.dma_semaphore, #tpu.memory_space<semaphore_mem>>) attributes {dimension_semantics = [#tpu.dimension_semantics<core_parallel>, #tpu.dimension_semantics<subcore_parallel>], iteration_bounds = array<i64: 2, 16>, scalar_prefetch = 0 : i64, scratch_operands = 9 : i64, tpu.core_type = #tpu.core_type<sc_vector_subcore>, window_params = [{transform_indices = #map}, {transform_indices = #map}, {transform_indices = #map1}, {transform_indices = #map1}, {transform_indices = #map}, {transform_indices = #map}]} {
    %scan3A = arith.constant 0 : i32
    %scan3A_0 = arith.constant 0 : i32
    %scan3A_1 = arith.constant 16 : i32
    %scan3A_2 = arith.addi %scan3A_0, %scan3A_1 : i32
    %scan3A_3 = arith.constant 1 : i32
    %scan3A_4 = scf.for %scan3A_93 = %scan3A_0 to %scan3A_2 step %scan3A_3 iter_args(%scan3A_94 = %scan3A) -> (i32)  : i32 {
      %broadcast_in_dim3A = arith.constant 0.000000e+00 : f32
      %broadcast_in_dim3A_95 = vector.broadcast %broadcast_in_dim3A : f32 to vector<16xf32>
      %swap3A = arith.index_cast %scan3A_93 : i32 to index
      %swap3A_96 = arith.constant 0 : index
      %swap3A_97 = tpu.vector_load %arg11[%swap3A, %swap3A_96] {strides = array<i32>} : memref<16x128xf32, #tpu.memory_space<vmem>>, vector<1x16xf32>,
      %swap3A_98 = vector.shape_cast %swap3A_97 : vector<1x16xf32> to vector<16xf32>
      %swap3A_99 = vector.shape_cast %broadcast_in_dim3A_95 : vector<16xf32> to vector<1x16xf32>
      tpu.vector_store %arg11[%swap3A, %swap3A_96], %swap3A_99 {strides = array<i32>} : memref<16x128xf32, #tpu.memory_space<vmem>>, vector<1x16xf32>,
      %broadcast_in_dim3A_100 = arith.constant 0.000000e+00 : f32
      %broadcast_in_dim3A_101 = vector.broadcast %broadcast_in_dim3A_100 : f32 to vector<16xf32>
      %swap3A_102 = arith.index_cast %scan3A_93 : i32 to index
      %swap3A_103 = arith.constant 16 : index
      %swap3A_104 = tpu.vector_load %arg11[%swap3A_102, %swap3A_103] {strides = array<i32>} : memref<16x128xf32, #tpu.memory_space<vmem>>, vector<1x16xf32>,
      %swap3A_105 = vector.shape_cast %swap3A_104 : vector<1x16xf32> to vector<16xf32>
      %swap3A_106 = vector.shape_cast %broadcast_in_dim3A_101 : vector<16xf32> to vector<1x16xf32>
      tpu.vector_store %arg11[%swap3A_102, %swap3A_103], %swap3A_106 {strides = array<i32>} : memref<16x128xf32, #tpu.memory_space<vmem>>, vector<1x16xf32>,
      %broadcast_in_dim3A_107 = arith.constant 0.000000e+00 : f32
      %broadcast_in_dim3A_108 = vector.broadcast %broadcast_in_dim3A_107 : f32 to vector<16xf32>
      %swap3A_109 = arith.index_cast %scan3A_93 : i32 to index
      %swap3A_110 = arith.constant 32 : index
      %swap3A_111 = tpu.vector_load %arg11[%swap3A_109, %swap3A_110] {strides = array<i32>} : memref<16x128xf32, #tpu.memory_space<vmem>>, vector<1x16xf32>,
      %swap3A_112 = vector.shape_cast %swap3A_111 : vector<1x16xf32> to vector<16xf32>
      %swap3A_113 = vector.shape_cast %broadcast_in_dim3A_108 : vector<16xf32> to vector<1x16xf32>
      tpu.vector_store %arg11[%swap3A_109, %swap3A_110], %swap3A_113 {strides = array<i32>} : memref<16x128xf32, #tpu.memory_space<vmem>>, vector<1x16xf32>,
      %broadcast_in_dim3A_114 = arith.constant 0.000000e+00 : f32
      %broadcast_in_dim3A_115 = vector.broadcast %broadcast_in_dim3A_114 : f32 to vector<16xf32>
      %swap3A_116 = arith.index_cast %scan3A_93 : i32 to index
      %swap3A_117 = arith.constant 48 : index
      %swap3A_118 = tpu.vector_load %arg11[%swap3A_116, %swap3A_117] {strides = array<i32>} : memref<16x128xf32, #tpu.memory_space<vmem>>, vector<1x16xf32>,
      %swap3A_119 = vector.shape_cast %swap3A_118 : vector<1x16xf32> to vector<16xf32>
      %swap3A_120 = vector.shape_cast %broadcast_in_dim3A_115 : vector<16xf32> to vector<1x16xf32>
      tpu.vector_store %arg11[%swap3A_116, %swap3A_117], %swap3A_120 {strides = array<i32>} : memref<16x128xf32, #tpu.memory_space<vmem>>, vector<1x16xf32>,
      %broadcast_in_dim3A_121 = arith.constant 0.000000e+00 : f32
      %broadcast_in_dim3A_122 = vector.broadcast %broadcast_in_dim3A_121 : f32 to vector<16xf32>
      %swap3A_123 = arith.index_cast %scan3A_93 : i32 to index
      %swap3A_124 = arith.constant 64 : index
      %swap3A_125 = tpu.vector_load %arg11[%swap3A_123, %swap3A_124] {strides = array<i32>} : memref<16x128xf32, #tpu.memory_space<vmem>>, vector<1x16xf32>,
      %swap3A_126 = vector.shape_cast %swap3A_125 : vector<1x16xf32> to vector<16xf32>
      %swap3A_127 = vector.shape_cast %broadcast_in_dim3A_122 : vector<16xf32> to vector<1x16xf32>
      tpu.vector_store %arg11[%swap3A_123, %swap3A_124], %swap3A_127 {strides = array<i32>} : memref<16x128xf32, #tpu.memory_space<vmem>>, vector<1x16xf32>,
      %broadcast_in_dim3A_128 = arith.constant 0.000000e+00 : f32
      %broadcast_in_dim3A_129 = vector.broadcast %broadcast_in_dim3A_128 : f32 to vector<16xf32>
      %swap3A_130 = arith.index_cast %scan3A_93 : i32 to index
      %swap3A_131 = arith.constant 80 : index
      %swap3A_132 = tpu.vector_load %arg11[%swap3A_130, %swap3A_131] {strides = array<i32>} : memref<16x128xf32, #tpu.memory_space<vmem>>, vector<1x16xf32>,
      %swap3A_133 = vector.shape_cast %swap3A_132 : vector<1x16xf32> to vector<16xf32>
      %swap3A_134 = vector.shape_cast %broadcast_in_dim3A_129 : vector<16xf32> to vector<1x16xf32>
      tpu.vector_store %arg11[%swap3A_130, %swap3A_131], %swap3A_134 {strides = array<i32>} : memref<16x128xf32, #tpu.memory_space<vmem>>, vector<1x16xf32>,
      %broadcast_in_dim3A_135 = arith.constant 0.000000e+00 : f32
      %broadcast_in_dim3A_136 = vector.broadcast %broadcast_in_dim3A_135 : f32 to vector<16xf32>
      %swap3A_137 = arith.index_cast %scan3A_93 : i32 to index
      %swap3A_138 = arith.constant 96 : index
      %swap3A_139 = tpu.vector_load %arg11[%swap3A_137, %swap3A_138] {strides = array<i32>} : memref<16x128xf32, #tpu.memory_space<vmem>>, vector<1x16xf32>,
      %swap3A_140 = vector.shape_cast %swap3A_139 : vector<1x16xf32> to vector<16xf32>
      %swap3A_141 = vector.shape_cast %broadcast_in_dim3A_136 : vector<16xf32> to vector<1x16xf32>
      tpu.vector_store %arg11[%swap3A_137, %swap3A_138], %swap3A_141 {strides = array<i32>} : memref<16x128xf32, #tpu.memory_space<vmem>>, vector<1x16xf32>,
      %broadcast_in_dim3A_142 = arith.constant 0.000000e+00 : f32
      %broadcast_in_dim3A_143 = vector.broadcast %broadcast_in_dim3A_142 : f32 to vector<16xf32>
      %swap3A_144 = arith.index_cast %scan3A_93 : i32 to index
      %swap3A_145 = arith.constant 112 : index
      %swap3A_146 = tpu.vector_load %arg11[%swap3A_144, %swap3A_145] {strides = array<i32>} : memref<16x128xf32, #tpu.memory_space<vmem>>, vector<1x16xf32>,
      %swap3A_147 = vector.shape_cast %swap3A_146 : vector<1x16xf32> to vector<16xf32>
      %swap3A_148 = vector.shape_cast %broadcast_in_dim3A_143 : vector<16xf32> to vector<1x16xf32>
      tpu.vector_store %arg11[%swap3A_144, %swap3A_145], %swap3A_148 {strides = array<i32>} : memref<16x128xf32, #tpu.memory_space<vmem>>, vector<1x16xf32>,
      %scan3A_149 = arith.constant 0 : i32
      scf.yield %scan3A_149 : i32
    }
    %scan3A_5 = arith.constant 16 : i32
    %mul3A = arith.constant 624 : i32
    %mul3A_6 = arith.muli %arg1, %mul3A : i32
    %add3A = arith.constant 0 : i32
    %add3A_7 = arith.addi %mul3A_6, %add3A : i32
    "tpu.region"() ({
      %run_scoped3A = tpu.sem_alloc : memref<!tpu.dma_semaphore, #tpu.memory_space<semaphore_mem>>
      %dma_start3A = arith.constant 0 : i32
      %dma_start3A_93 = tpu.memref_slice %arg12[%add3A_7, %dma_start3A] : memref<10000x128xf32, #tpu.memory_space<vmem_shared>> -> memref<16x128xf32, #tpu.memory_space<vmem_shared>>
      %dma_start3A_94 = arith.constant 0 : i32
      %dma_start3A_95 = tpu.memref_slice %arg12[%add3A_7, %dma_start3A_94] : memref<10000x128xf32, #tpu.memory_space<vmem_shared>> -> memref<16x128xf32, #tpu.memory_space<vmem_shared>>
      tpu.enqueue_dma source(%arg11 : memref<16x128xf32, #tpu.memory_space<vmem>>) target(%dma_start3A_95 : memref<16x128xf32, #tpu.memory_space<vmem_shared>>) target_semaphore(%run_scoped3A : memref<!tpu.dma_semaphore, #tpu.memory_space<semaphore_mem>>)
      %dma_wait3A = arith.constant 0 : i32
      %dma_wait3A_96 = tpu.memref_slice %arg12[%add3A_7, %dma_wait3A] : memref<10000x128xf32, #tpu.memory_space<vmem_shared>> -> memref<16x128xf32, #tpu.memory_space<vmem_shared>>
      %dma_wait3A_97 = arith.constant 0 : i32
      %dma_wait3A_98 = tpu.memref_slice %arg12[%add3A_7, %dma_wait3A_97] : memref<10000x128xf32, #tpu.memory_space<vmem_shared>> -> memref<16x128xf32, #tpu.memory_space<vmem_shared>>
      tpu.wait_dma2 semaphore(%run_scoped3A : memref<!tpu.dma_semaphore, #tpu.memory_space<semaphore_mem>>) src(%arg11 : memref<16x128xf32, #tpu.memory_space<vmem>>) dst(%dma_wait3A_98 : memref<16x128xf32, #tpu.memory_space<vmem_shared>>)
      tpu.yield
    }) : () -> ()
    %add3A_8 = arith.constant 16 : i32
    %add3A_9 = arith.addi %mul3A_6, %add3A_8 : i32
    "tpu.region"() ({
      %run_scoped3A = tpu.sem_alloc : memref<!tpu.dma_semaphore, #tpu.memory_space<semaphore_mem>>
      %dma_start3A = arith.constant 0 : i32
      %dma_start3A_93 = tpu.memref_slice %arg12[%add3A_9, %dma_start3A] : memref<10000x128xf32, #tpu.memory_space<vmem_shared>> -> memref<16x128xf32, #tpu.memory_space<vmem_shared>>
      %dma_start3A_94 = arith.constant 0 : i32
      %dma_start3A_95 = tpu.memref_slice %arg12[%add3A_9, %dma_start3A_94] : memref<10000x128xf32, #tpu.memory_space<vmem_shared>> -> memref<16x128xf32, #tpu.memory_space<vmem_shared>>
      tpu.enqueue_dma source(%arg11 : memref<16x128xf32, #tpu.memory_space<vmem>>) target(%dma_start3A_95 : memref<16x128xf32, #tpu.memory_space<vmem_shared>>) target_semaphore(%run_scoped3A : memref<!tpu.dma_semaphore, #tpu.memory_space<semaphore_mem>>)
      %dma_wait3A = arith.constant 0 : i32
      %dma_wait3A_96 = tpu.memref_slice %arg12[%add3A_9, %dma_wait3A] : memref<10000x128xf32, #tpu.memory_space<vmem_shared>> -> memref<16x128xf32, #tpu.memory_space<vmem_shared>>
      %dma_wait3A_97 = arith.constant 0 : i32
      %dma_wait3A_98 = tpu.memref_slice %arg12[%add3A_9, %dma_wait3A_97] : memref<10000x128xf32, #tpu.memory_space<vmem_shared>> -> memref<16x128xf32, #tpu.memory_space<vmem_shared>>
      tpu.wait_dma2 semaphore(%run_scoped3A : memref<!tpu.dma_semaphore, #tpu.memory_space<semaphore_mem>>) src(%arg11 : memref<16x128xf32, #tpu.memory_space<vmem>>) dst(%dma_wait3A_98 : memref<16x128xf32, #tpu.memory_space<vmem_shared>>)
      tpu.yield
    }) : () -> ()
    %add3A_10 = arith.constant 32 : i32
    %add3A_11 = arith.addi %mul3A_6, %add3A_10 : i32
    "tpu.region"() ({
      %run_scoped3A = tpu.sem_alloc : memref<!tpu.dma_semaphore, #tpu.memory_space<semaphore_mem>>
      %dma_start3A = arith.constant 0 : i32
      %dma_start3A_93 = tpu.memref_slice %arg12[%add3A_11, %dma_start3A] : memref<10000x128xf32, #tpu.memory_space<vmem_shared>> -> memref<16x128xf32, #tpu.memory_space<vmem_shared>>
      %dma_start3A_94 = arith.constant 0 : i32
      %dma_start3A_95 = tpu.memref_slice %arg12[%add3A_11, %dma_start3A_94] : memref<10000x128xf32, #tpu.memory_space<vmem_shared>> -> memref<16x128xf32, #tpu.memory_space<vmem_shared>>
      tpu.enqueue_dma source(%arg11 : memref<16x128xf32, #tpu.memory_space<vmem>>) target(%dma_start3A_95 : memref<16x128xf32, #tpu.memory_space<vmem_shared>>) target_semaphore(%run_scoped3A : memref<!tpu.dma_semaphore, #tpu.memory_space<semaphore_mem>>)
      %dma_wait3A = arith.constant 0 : i32
      %dma_wait3A_96 = tpu.memref_slice %arg12[%add3A_11, %dma_wait3A] : memref<10000x128xf32, #tpu.memory_space<vmem_shared>> -> memref<16x128xf32, #tpu.memory_space<vmem_shared>>
      %dma_wait3A_97 = arith.constant 0 : i32
      %dma_wait3A_98 = tpu.memref_slice %arg12[%add3A_11, %dma_wait3A_97] : memref<10000x128xf32, #tpu.memory_space<vmem_shared>> -> memref<16x128xf32, #tpu.memory_space<vmem_shared>>
      tpu.wait_dma2 semaphore(%run_scoped3A : memref<!tpu.dma_semaphore, #tpu.memory_space<semaphore_mem>>) src(%arg11 : memref<16x128xf32, #tpu.memory_space<vmem>>) dst(%dma_wait3A_98 : memref<16x128xf32, #tpu.memory_space<vmem_shared>>)
      tpu.yield
    }) : () -> ()
    %add3A_12 = arith.constant 48 : i32
    %add3A_13 = arith.addi %mul3A_6, %add3A_12 : i32
    "tpu.region"() ({
      %run_scoped3A = tpu.sem_alloc : memref<!tpu.dma_semaphore, #tpu.memory_space<semaphore_mem>>
      %dma_start3A = arith.constant 0 : i32
      %dma_start3A_93 = tpu.memref_slice %arg12[%add3A_13, %dma_start3A] : memref<10000x128xf32, #tpu.memory_space<vmem_shared>> -> memref<16x128xf32, #tpu.memory_space<vmem_shared>>
      %dma_start3A_94 = arith.constant 0 : i32
      %dma_start3A_95 = tpu.memref_slice %arg12[%add3A_13, %dma_start3A_94] : memref<10000x128xf32, #tpu.memory_space<vmem_shared>> -> memref<16x128xf32, #tpu.memory_space<vmem_shared>>
      tpu.enqueue_dma source(%arg11 : memref<16x128xf32, #tpu.memory_space<vmem>>) target(%dma_start3A_95 : memref<16x128xf32, #tpu.memory_space<vmem_shared>>) target_semaphore(%run_scoped3A : memref<!tpu.dma_semaphore, #tpu.memory_space<semaphore_mem>>)
      %dma_wait3A = arith.constant 0 : i32
      %dma_wait3A_96 = tpu.memref_slice %arg12[%add3A_13, %dma_wait3A] : memref<10000x128xf32, #tpu.memory_space<vmem_shared>> -> memref<16x128xf32, #tpu.memory_space<vmem_shared>>
      %dma_wait3A_97 = arith.constant 0 : i32
      %dma_wait3A_98 = tpu.memref_slice %arg12[%add3A_13, %dma_wait3A_97] : memref<10000x128xf32, #tpu.memory_space<vmem_shared>> -> memref<16x128xf32, #tpu.memory_space<vmem_shared>>
      tpu.wait_dma2 semaphore(%run_scoped3A : memref<!tpu.dma_semaphore, #tpu.memory_space<semaphore_mem>>) src(%arg11 : memref<16x128xf32, #tpu.memory_space<vmem>>) dst(%dma_wait3A_98 : memref<16x128xf32, #tpu.memory_space<vmem_shared>>)
      tpu.yield
    }) : () -> ()
    %add3A_14 = arith.constant 64 : i32
    %add3A_15 = arith.addi %mul3A_6, %add3A_14 : i32
    "tpu.region"() ({
      %run_scoped3A = tpu.sem_alloc : memref<!tpu.dma_semaphore, #tpu.memory_space<semaphore_mem>>
      %dma_start3A = arith.constant 0 : i32
      %dma_start3A_93 = tpu.memref_slice %arg12[%add3A_15, %dma_start3A] : memref<10000x128xf32, #tpu.memory_space<vmem_shared>> -> memref<16x128xf32, #tpu.memory_space<vmem_shared>>
      %dma_start3A_94 = arith.constant 0 : i32
      %dma_start3A_95 = tpu.memref_slice %arg12[%add3A_15, %dma_start3A_94] : memref<10000x128xf32, #tpu.memory_space<vmem_shared>> -> memref<16x128xf32, #tpu.memory_space<vmem_shared>>
      tpu.enqueue_dma source(%arg11 : memref<16x128xf32, #tpu.memory_space<vmem>>) target(%dma_start3A_95 : memref<16x128xf32, #tpu.memory_space<vmem_shared>>) target_semaphore(%run_scoped3A : memref<!tpu.dma_semaphore, #tpu.memory_space<semaphore_mem>>)
      %dma_wait3A = arith.constant 0 : i32
      %dma_wait3A_96 = tpu.memref_slice %arg12[%add3A_15, %dma_wait3A] : memref<10000x128xf32, #tpu.memory_space<vmem_shared>> -> memref<16x128xf32, #tpu.memory_space<vmem_shared>>
      %dma_wait3A_97 = arith.constant 0 : i32
      %dma_wait3A_98 = tpu.memref_slice %arg12[%add3A_15, %dma_wait3A_97] : memref<10000x128xf32, #tpu.memory_space<vmem_shared>> -> memref<16x128xf32, #tpu.memory_space<vmem_shared>>
      tpu.wait_dma2 semaphore(%run_scoped3A : memref<!tpu.dma_semaphore, #tpu.memory_space<semaphore_mem>>) src(%arg11 : memref<16x128xf32, #tpu.memory_space<vmem>>) dst(%dma_wait3A_98 : memref<16x128xf32, #tpu.memory_space<vmem_shared>>)
      tpu.yield
    }) : () -> ()
    %add3A_16 = arith.constant 80 : i32
    %add3A_17 = arith.addi %mul3A_6, %add3A_16 : i32
    "tpu.region"() ({
      %run_scoped3A = tpu.sem_alloc : memref<!tpu.dma_semaphore, #tpu.memory_space<semaphore_mem>>
      %dma_start3A = arith.constant 0 : i32
      %dma_start3A_93 = tpu.memref_slice %arg12[%add3A_17, %dma_start3A] : memref<10000x128xf32, #tpu.memory_space<vmem_shared>> -> memref<16x128xf32, #tpu.memory_space<vmem_shared>>
      %dma_start3A_94 = arith.constant 0 : i32
      %dma_start3A_95 = tpu.memref_slice %arg12[%add3A_17, %dma_start3A_94] : memref<10000x128xf32, #tpu.memory_space<vmem_shared>> -> memref<16x128xf32, #tpu.memory_space<vmem_shared>>
      tpu.enqueue_dma source(%arg11 : memref<16x128xf32, #tpu.memory_space<vmem>>) target(%dma_start3A_95 : memref<16x128xf32, #tpu.memory_space<vmem_shared>>) target_semaphore(%run_scoped3A : memref<!tpu.dma_semaphore, #tpu.memory_space<semaphore_mem>>)
      %dma_wait3A = arith.constant 0 : i32
      %dma_wait3A_96 = tpu.memref_slice %arg12[%add3A_17, %dma_wait3A] : memref<10000x128xf32, #tpu.memory_space<vmem_shared>> -> memref<16x128xf32, #tpu.memory_space<vmem_shared>>
      %dma_wait3A_97 = arith.constant 0 : i32
      %dma_wait3A_98 = tpu.memref_slice %arg12[%add3A_17, %dma_wait3A_97] : memref<10000x128xf32, #tpu.memory_space<vmem_shared>> -> memref<16x128xf32, #tpu.memory_space<vmem_shared>>
      tpu.wait_dma2 semaphore(%run_scoped3A : memref<!tpu.dma_semaphore, #tpu.memory_space<semaphore_mem>>) src(%arg11 : memref<16x128xf32, #tpu.memory_space<vmem>>) dst(%dma_wait3A_98 : memref<16x128xf32, #tpu.memory_space<vmem_shared>>)
      tpu.yield
    }) : () -> ()
    %add3A_18 = arith.constant 96 : i32
    %add3A_19 = arith.addi %mul3A_6, %add3A_18 : i32
    "tpu.region"() ({
      %run_scoped3A = tpu.sem_alloc : memref<!tpu.dma_semaphore, #tpu.memory_space<semaphore_mem>>
      %dma_start3A = arith.constant 0 : i32
      %dma_start3A_93 = tpu.memref_slice %arg12[%add3A_19, %dma_start3A] : memref<10000x128xf32, #tpu.memory_space<vmem_shared>> -> memref<16x128xf32, #tpu.memory_space<vmem_shared>>
      %dma_start3A_94 = arith.constant 0 : i32
      %dma_start3A_95 = tpu.memref_slice %arg12[%add3A_19, %dma_start3A_94] : memref<10000x128xf32, #tpu.memory_space<vmem_shared>> -> memref<16x128xf32, #tpu.memory_space<vmem_shared>>
      tpu.enqueue_dma source(%arg11 : memref<16x128xf32, #tpu.memory_space<vmem>>) target(%dma_start3A_95 : memref<16x128xf32, #tpu.memory_space<vmem_shared>>) target_semaphore(%run_scoped3A : memref<!tpu.dma_semaphore, #tpu.memory_space<semaphore_mem>>)
      %dma_wait3A = arith.constant 0 : i32
      %dma_wait3A_96 = tpu.memref_slice %arg12[%add3A_19, %dma_wait3A] : memref<10000x128xf32, #tpu.memory_space<vmem_shared>> -> memref<16x128xf32, #tpu.memory_space<vmem_shared>>
      %dma_wait3A_97 = arith.constant 0 : i32
      %dma_wait3A_98 = tpu.memref_slice %arg12[%add3A_19, %dma_wait3A_97] : memref<10000x128xf32, #tpu.memory_space<vmem_shared>> -> memref<16x128xf32, #tpu.memory_space<vmem_shared>>
      tpu.wait_dma2 semaphore(%run_scoped3A : memref<!tpu.dma_semaphore, #tpu.memory_space<semaphore_mem>>) src(%arg11 : memref<16x128xf32, #tpu.memory_space<vmem>>) dst(%dma_wait3A_98 : memref<16x128xf32, #tpu.memory_space<vmem_shared>>)
      tpu.yield
    }) : () -> ()
    %add3A_20 = arith.constant 112 : i32
    %add3A_21 = arith.addi %mul3A_6, %add3A_20 : i32
    "tpu.region"() ({
      %run_scoped3A = tpu.sem_alloc : memref<!tpu.dma_semaphore, #tpu.memory_space<semaphore_mem>>
      %dma_start3A = arith.constant 0 : i32
      %dma_start3A_93 = tpu.memref_slice %arg12[%add3A_21, %dma_start3A] : memref<10000x128xf32, #tpu.memory_space<vmem_shared>> -> memref<16x128xf32, #tpu.memory_space<vmem_shared>>
      %dma_start3A_94 = arith.constant 0 : i32
      %dma_start3A_95 = tpu.memref_slice %arg12[%add3A_21, %dma_start3A_94] : memref<10000x128xf32, #tpu.memory_space<vmem_shared>> -> memref<16x128xf32, #tpu.memory_space<vmem_shared>>
      tpu.enqueue_dma source(%arg11 : memref<16x128xf32, #tpu.memory_space<vmem>>) target(%dma_start3A_95 : memref<16x128xf32, #tpu.memory_space<vmem_shared>>) target_semaphore(%run_scoped3A : memref<!tpu.dma_semaphore, #tpu.memory_space<semaphore_mem>>)
      %dma_wait3A = arith.constant 0 : i32
      %dma_wait3A_96 = tpu.memref_slice %arg12[%add3A_21, %dma_wait3A] : memref<10000x128xf32, #tpu.memory_space<vmem_shared>> -> memref<16x128xf32, #tpu.memory_space<vmem_shared>>
      %dma_wait3A_97 = arith.constant 0 : i32
      %dma_wait3A_98 = tpu.memref_slice %arg12[%add3A_21, %dma_wait3A_97] : memref<10000x128xf32, #tpu.memory_space<vmem_shared>> -> memref<16x128xf32, #tpu.memory_space<vmem_shared>>
      tpu.wait_dma2 semaphore(%run_scoped3A : memref<!tpu.dma_semaphore, #tpu.memory_space<semaphore_mem>>) src(%arg11 : memref<16x128xf32, #tpu.memory_space<vmem>>) dst(%dma_wait3A_98 : memref<16x128xf32, #tpu.memory_space<vmem_shared>>)
      tpu.yield
    }) : () -> ()
    %add3A_22 = arith.constant 128 : i32
    %add3A_23 = arith.addi %mul3A_6, %add3A_22 : i32
    "tpu.region"() ({
      %run_scoped3A = tpu.sem_alloc : memref<!tpu.dma_semaphore, #tpu.memory_space<semaphore_mem>>
      %dma_start3A = arith.constant 0 : i32
      %dma_start3A_93 = tpu.memref_slice %arg12[%add3A_23, %dma_start3A] : memref<10000x128xf32, #tpu.memory_space<vmem_shared>> -> memref<16x128xf32, #tpu.memory_space<vmem_shared>>
      %dma_start3A_94 = arith.constant 0 : i32
      %dma_start3A_95 = tpu.memref_slice %arg12[%add3A_23, %dma_start3A_94] : memref<10000x128xf32, #tpu.memory_space<vmem_shared>> -> memref<16x128xf32, #tpu.memory_space<vmem_shared>>
      tpu.enqueue_dma source(%arg11 : memref<16x128xf32, #tpu.memory_space<vmem>>) target(%dma_start3A_95 : memref<16x128xf32, #tpu.memory_space<vmem_shared>>) target_semaphore(%run_scoped3A : memref<!tpu.dma_semaphore, #tpu.memory_space<semaphore_mem>>)
      %dma_wait3A = arith.constant 0 : i32
      %dma_wait3A_96 = tpu.memref_slice %arg12[%add3A_23, %dma_wait3A] : memref<10000x128xf32, #tpu.memory_space<vmem_shared>> -> memref<16x128xf32, #tpu.memory_space<vmem_shared>>
      %dma_wait3A_97 = arith.constant 0 : i32
      %dma_wait3A_98 = tpu.memref_slice %arg12[%add3A_23, %dma_wait3A_97] : memref<10000x128xf32, #tpu.memory_space<vmem_shared>> -> memref<16x128xf32, #tpu.memory_space<vmem_shared>>
      tpu.wait_dma2 semaphore(%run_scoped3A : memref<!tpu.dma_semaphore, #tpu.memory_space<semaphore_mem>>) src(%arg11 : memref<16x128xf32, #tpu.memory_space<vmem>>) dst(%dma_wait3A_98 : memref<16x128xf32, #tpu.memory_space<vmem_shared>>)
      tpu.yield
    }) : () -> ()
    %add3A_24 = arith.constant 144 : i32
    %add3A_25 = arith.addi %mul3A_6, %add3A_24 : i32
    "tpu.region"() ({
      %run_scoped3A = tpu.sem_alloc : memref<!tpu.dma_semaphore, #tpu.memory_space<semaphore_mem>>
      %dma_start3A = arith.constant 0 : i32
      %dma_start3A_93 = tpu.memref_slice %arg12[%add3A_25, %dma_start3A] : memref<10000x128xf32, #tpu.memory_space<vmem_shared>> -> memref<16x128xf32, #tpu.memory_space<vmem_shared>>
      %dma_start3A_94 = arith.constant 0 : i32
      %dma_start3A_95 = tpu.memref_slice %arg12[%add3A_25, %dma_start3A_94] : memref<10000x128xf32, #tpu.memory_space<vmem_shared>> -> memref<16x128xf32, #tpu.memory_space<vmem_shared>>
      tpu.enqueue_dma source(%arg11 : memref<16x128xf32, #tpu.memory_space<vmem>>) target(%dma_start3A_95 : memref<16x128xf32, #tpu.memory_space<vmem_shared>>) target_semaphore(%run_scoped3A : memref<!tpu.dma_semaphore, #tpu.memory_space<semaphore_mem>>)
      %dma_wait3A = arith.constant 0 : i32
      %dma_wait3A_96 = tpu.memref_slice %arg12[%add3A_25, %dma_wait3A] : memref<10000x128xf32, #tpu.memory_space<vmem_shared>> -> memref<16x128xf32, #tpu.memory_space<vmem_shared>>
      %dma_wait3A_97 = arith.constant 0 : i32
      %dma_wait3A_98 = tpu.memref_slice %arg12[%add3A_25, %dma_wait3A_97] : memref<10000x128xf32, #tpu.memory_space<vmem_shared>> -> memref<16x128xf32, #tpu.memory_space<vmem_shared>>
      tpu.wait_dma2 semaphore(%run_scoped3A : memref<!tpu.dma_semaphore, #tpu.memory_space<semaphore_mem>>) src(%arg11 : memref<16x128xf32, #tpu.memory_space<vmem>>) dst(%dma_wait3A_98 : memref<16x128xf32, #tpu.memory_space<vmem_shared>>)
      tpu.yield
    }) : () -> ()
    %add3A_26 = arith.constant 160 : i32
    %add3A_27 = arith.addi %mul3A_6, %add3A_26 : i32
    "tpu.region"() ({
      %run_scoped3A = tpu.sem_alloc : memref<!tpu.dma_semaphore, #tpu.memory_space<semaphore_mem>>
      %dma_start3A = arith.constant 0 : i32
      %dma_start3A_93 = tpu.memref_slice %arg12[%add3A_27, %dma_start3A] : memref<10000x128xf32, #tpu.memory_space<vmem_shared>> -> memref<16x128xf32, #tpu.memory_space<vmem_shared>>
      %dma_start3A_94 = arith.constant 0 : i32
      %dma_start3A_95 = tpu.memref_slice %arg12[%add3A_27, %dma_start3A_94] : memref<10000x128xf32, #tpu.memory_space<vmem_shared>> -> memref<16x128xf32, #tpu.memory_space<vmem_shared>>
      tpu.enqueue_dma source(%arg11 : memref<16x128xf32, #tpu.memory_space<vmem>>) target(%dma_start3A_95 : memref<16x128xf32, #tpu.memory_space<vmem_shared>>) target_semaphore(%run_scoped3A : memref<!tpu.dma_semaphore, #tpu.memory_space<semaphore_mem>>)
      %dma_wait3A = arith.constant 0 : i32
      %dma_wait3A_96 = tpu.memref_slice %arg12[%add3A_27, %dma_wait3A] : memref<10000x128xf32, #tpu.memory_space<vmem_shared>> -> memref<16x128xf32, #tpu.memory_space<vmem_shared>>
      %dma_wait3A_97 = arith.constant 0 : i32
      %dma_wait3A_98 = tpu.memref_slice %arg12[%add3A_27, %dma_wait3A_97] : memref<10000x128xf32, #tpu.memory_space<vmem_shared>> -> memref<16x128xf32, #tpu.memory_space<vmem_shared>>
      tpu.wait_dma2 semaphore(%run_scoped3A : memref<!tpu.dma_semaphore, #tpu.memory_space<semaphore_mem>>) src(%arg11 : memref<16x128xf32, #tpu.memory_space<vmem>>) dst(%dma_wait3A_98 : memref<16x128xf32, #tpu.memory_space<vmem_shared>>)
      tpu.yield
    }) : () -> ()
    %add3A_28 = arith.constant 176 : i32
    %add3A_29 = arith.addi %mul3A_6, %add3A_28 : i32
    "tpu.region"() ({
      %run_scoped3A = tpu.sem_alloc : memref<!tpu.dma_semaphore, #tpu.memory_space<semaphore_mem>>
      %dma_start3A = arith.constant 0 : i32
      %dma_start3A_93 = tpu.memref_slice %arg12[%add3A_29, %dma_start3A] : memref<10000x128xf32, #tpu.memory_space<vmem_shared>> -> memref<16x128xf32, #tpu.memory_space<vmem_shared>>
      %dma_start3A_94 = arith.constant 0 : i32
      %dma_start3A_95 = tpu.memref_slice %arg12[%add3A_29, %dma_start3A_94] : memref<10000x128xf32, #tpu.memory_space<vmem_shared>> -> memref<16x128xf32, #tpu.memory_space<vmem_shared>>
      tpu.enqueue_dma source(%arg11 : memref<16x128xf32, #tpu.memory_space<vmem>>) target(%dma_start3A_95 : memref<16x128xf32, #tpu.memory_space<vmem_shared>>) target_semaphore(%run_scoped3A : memref<!tpu.dma_semaphore, #tpu.memory_space<semaphore_mem>>)
      %dma_wait3A = arith.constant 0 : i32
      %dma_wait3A_96 = tpu.memref_slice %arg12[%add3A_29, %dma_wait3A] : memref<10000x128xf32, #tpu.memory_space<vmem_shared>> -> memref<16x128xf32, #tpu.memory_space<vmem_shared>>
      %dma_wait3A_97 = arith.constant 0 : i32
      %dma_wait3A_98 = tpu.memref_slice %arg12[%add3A_29, %dma_wait3A_97] : memref<10000x128xf32, #tpu.memory_space<vmem_shared>> -> memref<16x128xf32, #tpu.memory_space<vmem_shared>>
      tpu.wait_dma2 semaphore(%run_scoped3A : memref<!tpu.dma_semaphore, #tpu.memory_space<semaphore_mem>>) src(%arg11 : memref<16x128xf32, #tpu.memory_space<vmem>>) dst(%dma_wait3A_98 : memref<16x128xf32, #tpu.memory_space<vmem_shared>>)
      tpu.yield
    }) : () -> ()
    %add3A_30 = arith.constant 192 : i32
    %add3A_31 = arith.addi %mul3A_6, %add3A_30 : i32
    "tpu.region"() ({
      %run_scoped3A = tpu.sem_alloc : memref<!tpu.dma_semaphore, #tpu.memory_space<semaphore_mem>>
      %dma_start3A = arith.constant 0 : i32
      %dma_start3A_93 = tpu.memref_slice %arg12[%add3A_31, %dma_start3A] : memref<10000x128xf32, #tpu.memory_space<vmem_shared>> -> memref<16x128xf32, #tpu.memory_space<vmem_shared>>
      %dma_start3A_94 = arith.constant 0 : i32
      %dma_start3A_95 = tpu.memref_slice %arg12[%add3A_31, %dma_start3A_94] : memref<10000x128xf32, #tpu.memory_space<vmem_shared>> -> memref<16x128xf32, #tpu.memory_space<vmem_shared>>
      tpu.enqueue_dma source(%arg11 : memref<16x128xf32, #tpu.memory_space<vmem>>) target(%dma_start3A_95 : memref<16x128xf32, #tpu.memory_space<vmem_shared>>) target_semaphore(%run_scoped3A : memref<!tpu.dma_semaphore, #tpu.memory_space<semaphore_mem>>)
      %dma_wait3A = arith.constant 0 : i32
      %dma_wait3A_96 = tpu.memref_slice %arg12[%add3A_31, %dma_wait3A] : memref<10000x128xf32, #tpu.memory_space<vmem_shared>> -> memref<16x128xf32, #tpu.memory_space<vmem_shared>>
      %dma_wait3A_97 = arith.constant 0 : i32
      %dma_wait3A_98 = tpu.memref_slice %arg12[%add3A_31, %dma_wait3A_97] : memref<10000x128xf32, #tpu.memory_space<vmem_shared>> -> memref<16x128xf32, #tpu.memory_space<vmem_shared>>
      tpu.wait_dma2 semaphore(%run_scoped3A : memref<!tpu.dma_semaphore, #tpu.memory_space<semaphore_mem>>) src(%arg11 : memref<16x128xf32, #tpu.memory_space<vmem>>) dst(%dma_wait3A_98 : memref<16x128xf32, #tpu.memory_space<vmem_shared>>)
      tpu.yield
    }) : () -> ()
    %add3A_32 = arith.constant 208 : i32
    %add3A_33 = arith.addi %mul3A_6, %add3A_32 : i32
    "tpu.region"() ({
      %run_scoped3A = tpu.sem_alloc : memref<!tpu.dma_semaphore, #tpu.memory_space<semaphore_mem>>
      %dma_start3A = arith.constant 0 : i32
      %dma_start3A_93 = tpu.memref_slice %arg12[%add3A_33, %dma_start3A] : memref<10000x128xf32, #tpu.memory_space<vmem_shared>> -> memref<16x128xf32, #tpu.memory_space<vmem_shared>>
      %dma_start3A_94 = arith.constant 0 : i32
      %dma_start3A_95 = tpu.memref_slice %arg12[%add3A_33, %dma_start3A_94] : memref<10000x128xf32, #tpu.memory_space<vmem_shared>> -> memref<16x128xf32, #tpu.memory_space<vmem_shared>>
      tpu.enqueue_dma source(%arg11 : memref<16x128xf32, #tpu.memory_space<vmem>>) target(%dma_start3A_95 : memref<16x128xf32, #tpu.memory_space<vmem_shared>>) target_semaphore(%run_scoped3A : memref<!tpu.dma_semaphore, #tpu.memory_space<semaphore_mem>>)
      %dma_wait3A = arith.constant 0 : i32
      %dma_wait3A_96 = tpu.memref_slice %arg12[%add3A_33, %dma_wait3A] : memref<10000x128xf32, #tpu.memory_space<vmem_shared>> -> memref<16x128xf32, #tpu.memory_space<vmem_shared>>
      %dma_wait3A_97 = arith.constant 0 : i32
      %dma_wait3A_98 = tpu.memref_slice %arg12[%add3A_33, %dma_wait3A_97] : memref<10000x128xf32, #tpu.memory_space<vmem_shared>> -> memref<16x128xf32, #tpu.memory_space<vmem_shared>>
      tpu.wait_dma2 semaphore(%run_scoped3A : memref<!tpu.dma_semaphore, #tpu.memory_space<semaphore_mem>>) src(%arg11 : memref<16x128xf32, #tpu.memory_space<vmem>>) dst(%dma_wait3A_98 : memref<16x128xf32, #tpu.memory_space<vmem_shared>>)
      tpu.yield
    }) : () -> ()
    %add3A_34 = arith.constant 224 : i32
    %add3A_35 = arith.addi %mul3A_6, %add3A_34 : i32
    "tpu.region"() ({
      %run_scoped3A = tpu.sem_alloc : memref<!tpu.dma_semaphore, #tpu.memory_space<semaphore_mem>>
      %dma_start3A = arith.constant 0 : i32
      %dma_start3A_93 = tpu.memref_slice %arg12[%add3A_35, %dma_start3A] : memref<10000x128xf32, #tpu.memory_space<vmem_shared>> -> memref<16x128xf32, #tpu.memory_space<vmem_shared>>
      %dma_start3A_94 = arith.constant 0 : i32
      %dma_start3A_95 = tpu.memref_slice %arg12[%add3A_35, %dma_start3A_94] : memref<10000x128xf32, #tpu.memory_space<vmem_shared>> -> memref<16x128xf32, #tpu.memory_space<vmem_shared>>
      tpu.enqueue_dma source(%arg11 : memref<16x128xf32, #tpu.memory_space<vmem>>) target(%dma_start3A_95 : memref<16x128xf32, #tpu.memory_space<vmem_shared>>) target_semaphore(%run_scoped3A : memref<!tpu.dma_semaphore, #tpu.memory_space<semaphore_mem>>)
      %dma_wait3A = arith.constant 0 : i32
      %dma_wait3A_96 = tpu.memref_slice %arg12[%add3A_35, %dma_wait3A] : memref<10000x128xf32, #tpu.memory_space<vmem_shared>> -> memref<16x128xf32, #tpu.memory_space<vmem_shared>>
      %dma_wait3A_97 = arith.constant 0 : i32
      %dma_wait3A_98 = tpu.memref_slice %arg12[%add3A_35, %dma_wait3A_97] : memref<10000x128xf32, #tpu.memory_space<vmem_shared>> -> memref<16x128xf32, #tpu.memory_space<vmem_shared>>
      tpu.wait_dma2 semaphore(%run_scoped3A : memref<!tpu.dma_semaphore, #tpu.memory_space<semaphore_mem>>) src(%arg11 : memref<16x128xf32, #tpu.memory_space<vmem>>) dst(%dma_wait3A_98 : memref<16x128xf32, #tpu.memory_space<vmem_shared>>)
      tpu.yield
    }) : () -> ()
    %add3A_36 = arith.constant 240 : i32
    %add3A_37 = arith.addi %mul3A_6, %add3A_36 : i32
    "tpu.region"() ({
      %run_scoped3A = tpu.sem_alloc : memref<!tpu.dma_semaphore, #tpu.memory_space<semaphore_mem>>
      %dma_start3A = arith.constant 0 : i32
      %dma_start3A_93 = tpu.memref_slice %arg12[%add3A_37, %dma_start3A] : memref<10000x128xf32, #tpu.memory_space<vmem_shared>> -> memref<16x128xf32, #tpu.memory_space<vmem_shared>>
      %dma_start3A_94 = arith.constant 0 : i32
      %dma_start3A_95 = tpu.memref_slice %arg12[%add3A_37, %dma_start3A_94] : memref<10000x128xf32, #tpu.memory_space<vmem_shared>> -> memref<16x128xf32, #tpu.memory_space<vmem_shared>>
      tpu.enqueue_dma source(%arg11 : memref<16x128xf32, #tpu.memory_space<vmem>>) target(%dma_start3A_95 : memref<16x128xf32, #tpu.memory_space<vmem_shared>>) target_semaphore(%run_scoped3A : memref<!tpu.dma_semaphore, #tpu.memory_space<semaphore_mem>>)
      %dma_wait3A = arith.constant 0 : i32
      %dma_wait3A_96 = tpu.memref_slice %arg12[%add3A_37, %dma_wait3A] : memref<10000x128xf32, #tpu.memory_space<vmem_shared>> -> memref<16x128xf32, #tpu.memory_space<vmem_shared>>
      %dma_wait3A_97 = arith.constant 0 : i32
      %dma_wait3A_98 = tpu.memref_slice %arg12[%add3A_37, %dma_wait3A_97] : memref<10000x128xf32, #tpu.memory_space<vmem_shared>> -> memref<16x128xf32, #tpu.memory_space<vmem_shared>>
      tpu.wait_dma2 semaphore(%run_scoped3A : memref<!tpu.dma_semaphore, #tpu.memory_space<semaphore_mem>>) src(%arg11 : memref<16x128xf32, #tpu.memory_space<vmem>>) dst(%dma_wait3A_98 : memref<16x128xf32, #tpu.memory_space<vmem_shared>>)
      tpu.yield
    }) : () -> ()
    %add3A_38 = arith.constant 256 : i32
    %add3A_39 = arith.addi %mul3A_6, %add3A_38 : i32
    "tpu.region"() ({
      %run_scoped3A = tpu.sem_alloc : memref<!tpu.dma_semaphore, #tpu.memory_space<semaphore_mem>>
      %dma_start3A = arith.constant 0 : i32
      %dma_start3A_93 = tpu.memref_slice %arg12[%add3A_39, %dma_start3A] : memref<10000x128xf32, #tpu.memory_space<vmem_shared>> -> memref<16x128xf32, #tpu.memory_space<vmem_shared>>
      %dma_start3A_94 = arith.constant 0 : i32
      %dma_start3A_95 = tpu.memref_slice %arg12[%add3A_39, %dma_start3A_94] : memref<10000x128xf32, #tpu.memory_space<vmem_shared>> -> memref<16x128xf32, #tpu.memory_space<vmem_shared>>
      tpu.enqueue_dma source(%arg11 : memref<16x128xf32, #tpu.memory_space<vmem>>) target(%dma_start3A_95 : memref<16x128xf32, #tpu.memory_space<vmem_shared>>) target_semaphore(%run_scoped3A : memref<!tpu.dma_semaphore, #tpu.memory_space<semaphore_mem>>)
      %dma_wait3A = arith.constant 0 : i32
      %dma_wait3A_96 = tpu.memref_slice %arg12[%add3A_39, %dma_wait3A] : memref<10000x128xf32, #tpu.memory_space<vmem_shared>> -> memref<16x128xf32, #tpu.memory_space<vmem_shared>>
      %dma_wait3A_97 = arith.constant 0 : i32
      %dma_wait3A_98 = tpu.memref_slice %arg12[%add3A_39, %dma_wait3A_97] : memref<10000x128xf32, #tpu.memory_space<vmem_shared>> -> memref<16x128xf32, #tpu.memory_space<vmem_shared>>
      tpu.wait_dma2 semaphore(%run_scoped3A : memref<!tpu.dma_semaphore, #tpu.memory_space<semaphore_mem>>) src(%arg11 : memref<16x128xf32, #tpu.memory_space<vmem>>) dst(%dma_wait3A_98 : memref<16x128xf32, #tpu.memory_space<vmem_shared>>)
      tpu.yield
    }) : () -> ()
    %add3A_40 = arith.constant 272 : i32
    %add3A_41 = arith.addi %mul3A_6, %add3A_40 : i32
    "tpu.region"() ({
      %run_scoped3A = tpu.sem_alloc : memref<!tpu.dma_semaphore, #tpu.memory_space<semaphore_mem>>
      %dma_start3A = arith.constant 0 : i32
      %dma_start3A_93 = tpu.memref_slice %arg12[%add3A_41, %dma_start3A] : memref<10000x128xf32, #tpu.memory_space<vmem_shared>> -> memref<16x128xf32, #tpu.memory_space<vmem_shared>>
      %dma_start3A_94 = arith.constant 0 : i32
      %dma_start3A_95 = tpu.memref_slice %arg12[%add3A_41, %dma_start3A_94] : memref<10000x128xf32, #tpu.memory_space<vmem_shared>> -> memref<16x128xf32, #tpu.memory_space<vmem_shared>>
      tpu.enqueue_dma source(%arg11 : memref<16x128xf32, #tpu.memory_space<vmem>>) target(%dma_start3A_95 : memref<16x128xf32, #tpu.memory_space<vmem_shared>>) target_semaphore(%run_scoped3A : memref<!tpu.dma_semaphore, #tpu.memory_space<semaphore_mem>>)
      %dma_wait3A = arith.constant 0 : i32
      %dma_wait3A_96 = tpu.memref_slice %arg12[%add3A_41, %dma_wait3A] : memref<10000x128xf32, #tpu.memory_space<vmem_shared>> -> memref<16x128xf32, #tpu.memory_space<vmem_shared>>
      %dma_wait3A_97 = arith.constant 0 : i32
      %dma_wait3A_98 = tpu.memref_slice %arg12[%add3A_41, %dma_wait3A_97] : memref<10000x128xf32, #tpu.memory_space<vmem_shared>> -> memref<16x128xf32, #tpu.memory_space<vmem_shared>>
      tpu.wait_dma2 semaphore(%run_scoped3A : memref<!tpu.dma_semaphore, #tpu.memory_space<semaphore_mem>>) src(%arg11 : memref<16x128xf32, #tpu.memory_space<vmem>>) dst(%dma_wait3A_98 : memref<16x128xf32, #tpu.memory_space<vmem_shared>>)
      tpu.yield
    }) : () -> ()
    %add3A_42 = arith.constant 288 : i32
    %add3A_43 = arith.addi %mul3A_6, %add3A_42 : i32
    "tpu.region"() ({
      %run_scoped3A = tpu.sem_alloc : memref<!tpu.dma_semaphore, #tpu.memory_space<semaphore_mem>>
      %dma_start3A = arith.constant 0 : i32
      %dma_start3A_93 = tpu.memref_slice %arg12[%add3A_43, %dma_start3A] : memref<10000x128xf32, #tpu.memory_space<vmem_shared>> -> memref<16x128xf32, #tpu.memory_space<vmem_shared>>
      %dma_start3A_94 = arith.constant 0 : i32
      %dma_start3A_95 = tpu.memref_slice %arg12[%add3A_43, %dma_start3A_94] : memref<10000x128xf32, #tpu.memory_space<vmem_shared>> -> memref<16x128xf32, #tpu.memory_space<vmem_shared>>
      tpu.enqueue_dma source(%arg11 : memref<16x128xf32, #tpu.memory_space<vmem>>) target(%dma_start3A_95 : memref<16x128xf32, #tpu.memory_space<vmem_shared>>) target_semaphore(%run_scoped3A : memref<!tpu.dma_semaphore, #tpu.memory_space<semaphore_mem>>)
      %dma_wait3A = arith.constant 0 : i32
      %dma_wait3A_96 = tpu.memref_slice %arg12[%add3A_43, %dma_wait3A] : memref<10000x128xf32, #tpu.memory_space<vmem_shared>> -> memref<16x128xf32, #tpu.memory_space<vmem_shared>>
      %dma_wait3A_97 = arith.constant 0 : i32
      %dma_wait3A_98 = tpu.memref_slice %arg12[%add3A_43, %dma_wait3A_97] : memref<10000x128xf32, #tpu.memory_space<vmem_shared>> -> memref<16x128xf32, #tpu.memory_space<vmem_shared>>
      tpu.wait_dma2 semaphore(%run_scoped3A : memref<!tpu.dma_semaphore, #tpu.memory_space<semaphore_mem>>) src(%arg11 : memref<16x128xf32, #tpu.memory_space<vmem>>) dst(%dma_wait3A_98 : memref<16x128xf32, #tpu.memory_space<vmem_shared>>)
      tpu.yield
    }) : () -> ()
    %add3A_44 = arith.constant 304 : i32
    %add3A_45 = arith.addi %mul3A_6, %add3A_44 : i32
    "tpu.region"() ({
      %run_scoped3A = tpu.sem_alloc : memref<!tpu.dma_semaphore, #tpu.memory_space<semaphore_mem>>
      %dma_start3A = arith.constant 0 : i32
      %dma_start3A_93 = tpu.memref_slice %arg12[%add3A_45, %dma_start3A] : memref<10000x128xf32, #tpu.memory_space<vmem_shared>> -> memref<16x128xf32, #tpu.memory_space<vmem_shared>>
      %dma_start3A_94 = arith.constant 0 : i32
      %dma_start3A_95 = tpu.memref_slice %arg12[%add3A_45, %dma_start3A_94] : memref<10000x128xf32, #tpu.memory_space<vmem_shared>> -> memref<16x128xf32, #tpu.memory_space<vmem_shared>>
      tpu.enqueue_dma source(%arg11 : memref<16x128xf32, #tpu.memory_space<vmem>>) target(%dma_start3A_95 : memref<16x128xf32, #tpu.memory_space<vmem_shared>>) target_semaphore(%run_scoped3A : memref<!tpu.dma_semaphore, #tpu.memory_space<semaphore_mem>>)
      %dma_wait3A = arith.constant 0 : i32
      %dma_wait3A_96 = tpu.memref_slice %arg12[%add3A_45, %dma_wait3A] : memref<10000x128xf32, #tpu.memory_space<vmem_shared>> -> memref<16x128xf32, #tpu.memory_space<vmem_shared>>
      %dma_wait3A_97 = arith.constant 0 : i32
      %dma_wait3A_98 = tpu.memref_slice %arg12[%add3A_45, %dma_wait3A_97] : memref<10000x128xf32, #tpu.memory_space<vmem_shared>> -> memref<16x128xf32, #tpu.memory_space<vmem_shared>>
      tpu.wait_dma2 semaphore(%run_scoped3A : memref<!tpu.dma_semaphore, #tpu.memory_space<semaphore_mem>>) src(%arg11 : memref<16x128xf32, #tpu.memory_space<vmem>>) dst(%dma_wait3A_98 : memref<16x128xf32, #tpu.memory_space<vmem_shared>>)
      tpu.yield
    }) : () -> ()
    %add3A_46 = arith.constant 320 : i32
    %add3A_47 = arith.addi %mul3A_6, %add3A_46 : i32
    "tpu.region"() ({
      %run_scoped3A = tpu.sem_alloc : memref<!tpu.dma_semaphore, #tpu.memory_space<semaphore_mem>>
      %dma_start3A = arith.constant 0 : i32
      %dma_start3A_93 = tpu.memref_slice %arg12[%add3A_47, %dma_start3A] : memref<10000x128xf32, #tpu.memory_space<vmem_shared>> -> memref<16x128xf32, #tpu.memory_space<vmem_shared>>
      %dma_start3A_94 = arith.constant 0 : i32
      %dma_start3A_95 = tpu.memref_slice %arg12[%add3A_47, %dma_start3A_94] : memref<10000x128xf32, #tpu.memory_space<vmem_shared>> -> memref<16x128xf32, #tpu.memory_space<vmem_shared>>
      tpu.enqueue_dma source(%arg11 : memref<16x128xf32, #tpu.memory_space<vmem>>) target(%dma_start3A_95 : memref<16x128xf32, #tpu.memory_space<vmem_shared>>) target_semaphore(%run_scoped3A : memref<!tpu.dma_semaphore, #tpu.memory_space<semaphore_mem>>)
      %dma_wait3A = arith.constant 0 : i32
      %dma_wait3A_96 = tpu.memref_slice %arg12[%add3A_47, %dma_wait3A] : memref<10000x128xf32, #tpu.memory_space<vmem_shared>> -> memref<16x128xf32, #tpu.memory_space<vmem_shared>>
      %dma_wait3A_97 = arith.constant 0 : i32
      %dma_wait3A_98 = tpu.memref_slice %arg12[%add3A_47, %dma_wait3A_97] : memref<10000x128xf32, #tpu.memory_space<vmem_shared>> -> memref<16x128xf32, #tpu.memory_space<vmem_shared>>
      tpu.wait_dma2 semaphore(%run_scoped3A : memref<!tpu.dma_semaphore, #tpu.memory_space<semaphore_mem>>) src(%arg11 : memref<16x128xf32, #tpu.memory_space<vmem>>) dst(%dma_wait3A_98 : memref<16x128xf32, #tpu.memory_space<vmem_shared>>)
      tpu.yield
    }) : () -> ()
    %add3A_48 = arith.constant 336 : i32
    %add3A_49 = arith.addi %mul3A_6, %add3A_48 : i32
    "tpu.region"() ({
      %run_scoped3A = tpu.sem_alloc : memref<!tpu.dma_semaphore, #tpu.memory_space<semaphore_mem>>
      %dma_start3A = arith.constant 0 : i32
      %dma_start3A_93 = tpu.memref_slice %arg12[%add3A_49, %dma_start3A] : memref<10000x128xf32, #tpu.memory_space<vmem_shared>> -> memref<16x128xf32, #tpu.memory_space<vmem_shared>>
      %dma_start3A_94 = arith.constant 0 : i32
      %dma_start3A_95 = tpu.memref_slice %arg12[%add3A_49, %dma_start3A_94] : memref<10000x128xf32, #tpu.memory_space<vmem_shared>> -> memref<16x128xf32, #tpu.memory_space<vmem_shared>>
      tpu.enqueue_dma source(%arg11 : memref<16x128xf32, #tpu.memory_space<vmem>>) target(%dma_start3A_95 : memref<16x128xf32, #tpu.memory_space<vmem_shared>>) target_semaphore(%run_scoped3A : memref<!tpu.dma_semaphore, #tpu.memory_space<semaphore_mem>>)
      %dma_wait3A = arith.constant 0 : i32
      %dma_wait3A_96 = tpu.memref_slice %arg12[%add3A_49, %dma_wait3A] : memref<10000x128xf32, #tpu.memory_space<vmem_shared>> -> memref<16x128xf32, #tpu.memory_space<vmem_shared>>
      %dma_wait3A_97 = arith.constant 0 : i32
      %dma_wait3A_98 = tpu.memref_slice %arg12[%add3A_49, %dma_wait3A_97] : memref<10000x128xf32, #tpu.memory_space<vmem_shared>> -> memref<16x128xf32, #tpu.memory_space<vmem_shared>>
      tpu.wait_dma2 semaphore(%run_scoped3A : memref<!tpu.dma_semaphore, #tpu.memory_space<semaphore_mem>>) src(%arg11 : memref<16x128xf32, #tpu.memory_space<vmem>>) dst(%dma_wait3A_98 : memref<16x128xf32, #tpu.memory_space<vmem_shared>>)
      tpu.yield
    }) : () -> ()
    %add3A_50 = arith.constant 352 : i32
    %add3A_51 = arith.addi %mul3A_6, %add3A_50 : i32
    "tpu.region"() ({
      %run_scoped3A = tpu.sem_alloc : memref<!tpu.dma_semaphore, #tpu.memory_space<semaphore_mem>>
      %dma_start3A = arith.constant 0 : i32
      %dma_start3A_93 = tpu.memref_slice %arg12[%add3A_51, %dma_start3A] : memref<10000x128xf32, #tpu.memory_space<vmem_shared>> -> memref<16x128xf32, #tpu.memory_space<vmem_shared>>
      %dma_start3A_94 = arith.constant 0 : i32
      %dma_start3A_95 = tpu.memref_slice %arg12[%add3A_51, %dma_start3A_94] : memref<10000x128xf32, #tpu.memory_space<vmem_shared>> -> memref<16x128xf32, #tpu.memory_space<vmem_shared>>
      tpu.enqueue_dma source(%arg11 : memref<16x128xf32, #tpu.memory_space<vmem>>) target(%dma_start3A_95 : memref<16x128xf32, #tpu.memory_space<vmem_shared>>) target_semaphore(%run_scoped3A : memref<!tpu.dma_semaphore, #tpu.memory_space<semaphore_mem>>)
      %dma_wait3A = arith.constant 0 : i32
      %dma_wait3A_96 = tpu.memref_slice %arg12[%add3A_51, %dma_wait3A] : memref<10000x128xf32, #tpu.memory_space<vmem_shared>> -> memref<16x128xf32, #tpu.memory_space<vmem_shared>>
      %dma_wait3A_97 = arith.constant 0 : i32
      %dma_wait3A_98 = tpu.memref_slice %arg12[%add3A_51, %dma_wait3A_97] : memref<10000x128xf32, #tpu.memory_space<vmem_shared>> -> memref<16x128xf32, #tpu.memory_space<vmem_shared>>
      tpu.wait_dma2 semaphore(%run_scoped3A : memref<!tpu.dma_semaphore, #tpu.memory_space<semaphore_mem>>) src(%arg11 : memref<16x128xf32, #tpu.memory_space<vmem>>) dst(%dma_wait3A_98 : memref<16x128xf32, #tpu.memory_space<vmem_shared>>)
      tpu.yield
    }) : () -> ()
    %add3A_52 = arith.constant 368 : i32
    %add3A_53 = arith.addi %mul3A_6, %add3A_52 : i32
    "tpu.region"() ({
      %run_scoped3A = tpu.sem_alloc : memref<!tpu.dma_semaphore, #tpu.memory_space<semaphore_mem>>
      %dma_start3A = arith.constant 0 : i32
      %dma_start3A_93 = tpu.memref_slice %arg12[%add3A_53, %dma_start3A] : memref<10000x128xf32, #tpu.memory_space<vmem_shared>> -> memref<16x128xf32, #tpu.memory_space<vmem_shared>>
      %dma_start3A_94 = arith.constant 0 : i32
      %dma_start3A_95 = tpu.memref_slice %arg12[%add3A_53, %dma_start3A_94] : memref<10000x128xf32, #tpu.memory_space<vmem_shared>> -> memref<16x128xf32, #tpu.memory_space<vmem_shared>>
      tpu.enqueue_dma source(%arg11 : memref<16x128xf32, #tpu.memory_space<vmem>>) target(%dma_start3A_95 : memref<16x128xf32, #tpu.memory_space<vmem_shared>>) target_semaphore(%run_scoped3A : memref<!tpu.dma_semaphore, #tpu.memory_space<semaphore_mem>>)
      %dma_wait3A = arith.constant 0 : i32
      %dma_wait3A_96 = tpu.memref_slice %arg12[%add3A_53, %dma_wait3A] : memref<10000x128xf32, #tpu.memory_space<vmem_shared>> -> memref<16x128xf32, #tpu.memory_space<vmem_shared>>
      %dma_wait3A_97 = arith.constant 0 : i32
      %dma_wait3A_98 = tpu.memref_slice %arg12[%add3A_53, %dma_wait3A_97] : memref<10000x128xf32, #tpu.memory_space<vmem_shared>> -> memref<16x128xf32, #tpu.memory_space<vmem_shared>>
      tpu.wait_dma2 semaphore(%run_scoped3A : memref<!tpu.dma_semaphore, #tpu.memory_space<semaphore_mem>>) src(%arg11 : memref<16x128xf32, #tpu.memory_space<vmem>>) dst(%dma_wait3A_98 : memref<16x128xf32, #tpu.memory_space<vmem_shared>>)
      tpu.yield
    }) : () -> ()
    %add3A_54 = arith.constant 384 : i32
    %add3A_55 = arith.addi %mul3A_6, %add3A_54 : i32
    "tpu.region"() ({
      %run_scoped3A = tpu.sem_alloc : memref<!tpu.dma_semaphore, #tpu.memory_space<semaphore_mem>>
      %dma_start3A = arith.constant 0 : i32
      %dma_start3A_93 = tpu.memref_slice %arg12[%add3A_55, %dma_start3A] : memref<10000x128xf32, #tpu.memory_space<vmem_shared>> -> memref<16x128xf32, #tpu.memory_space<vmem_shared>>
      %dma_start3A_94 = arith.constant 0 : i32
      %dma_start3A_95 = tpu.memref_slice %arg12[%add3A_55, %dma_start3A_94] : memref<10000x128xf32, #tpu.memory_space<vmem_shared>> -> memref<16x128xf32, #tpu.memory_space<vmem_shared>>
      tpu.enqueue_dma source(%arg11 : memref<16x128xf32, #tpu.memory_space<vmem>>) target(%dma_start3A_95 : memref<16x128xf32, #tpu.memory_space<vmem_shared>>) target_semaphore(%run_scoped3A : memref<!tpu.dma_semaphore, #tpu.memory_space<semaphore_mem>>)
      %dma_wait3A = arith.constant 0 : i32
      %dma_wait3A_96 = tpu.memref_slice %arg12[%add3A_55, %dma_wait3A] : memref<10000x128xf32, #tpu.memory_space<vmem_shared>> -> memref<16x128xf32, #tpu.memory_space<vmem_shared>>
      %dma_wait3A_97 = arith.constant 0 : i32
      %dma_wait3A_98 = tpu.memref_slice %arg12[%add3A_55, %dma_wait3A_97] : memref<10000x128xf32, #tpu.memory_space<vmem_shared>> -> memref<16x128xf32, #tpu.memory_space<vmem_shared>>
      tpu.wait_dma2 semaphore(%run_scoped3A : memref<!tpu.dma_semaphore, #tpu.memory_space<semaphore_mem>>) src(%arg11 : memref<16x128xf32, #tpu.memory_space<vmem>>) dst(%dma_wait3A_98 : memref<16x128xf32, #tpu.memory_space<vmem_shared>>)
      tpu.yield
    }) : () -> ()
    %add3A_56 = arith.constant 400 : i32
    %add3A_57 = arith.addi %mul3A_6, %add3A_56 : i32
    "tpu.region"() ({
      %run_scoped3A = tpu.sem_alloc : memref<!tpu.dma_semaphore, #tpu.memory_space<semaphore_mem>>
      %dma_start3A = arith.constant 0 : i32
      %dma_start3A_93 = tpu.memref_slice %arg12[%add3A_57, %dma_start3A] : memref<10000x128xf32, #tpu.memory_space<vmem_shared>> -> memref<16x128xf32, #tpu.memory_space<vmem_shared>>
      %dma_start3A_94 = arith.constant 0 : i32
      %dma_start3A_95 = tpu.memref_slice %arg12[%add3A_57, %dma_start3A_94] : memref<10000x128xf32, #tpu.memory_space<vmem_shared>> -> memref<16x128xf32, #tpu.memory_space<vmem_shared>>
      tpu.enqueue_dma source(%arg11 : memref<16x128xf32, #tpu.memory_space<vmem>>) target(%dma_start3A_95 : memref<16x128xf32, #tpu.memory_space<vmem_shared>>) target_semaphore(%run_scoped3A : memref<!tpu.dma_semaphore, #tpu.memory_space<semaphore_mem>>)
      %dma_wait3A = arith.constant 0 : i32
      %dma_wait3A_96 = tpu.memref_slice %arg12[%add3A_57, %dma_wait3A] : memref<10000x128xf32, #tpu.memory_space<vmem_shared>> -> memref<16x128xf32, #tpu.memory_space<vmem_shared>>
      %dma_wait3A_97 = arith.constant 0 : i32
      %dma_wait3A_98 = tpu.memref_slice %arg12[%add3A_57, %dma_wait3A_97] : memref<10000x128xf32, #tpu.memory_space<vmem_shared>> -> memref<16x128xf32, #tpu.memory_space<vmem_shared>>
      tpu.wait_dma2 semaphore(%run_scoped3A : memref<!tpu.dma_semaphore, #tpu.memory_space<semaphore_mem>>) src(%arg11 : memref<16x128xf32, #tpu.memory_space<vmem>>) dst(%dma_wait3A_98 : memref<16x128xf32, #tpu.memory_space<vmem_shared>>)
      tpu.yield
    }) : () -> ()
    %add3A_58 = arith.constant 416 : i32
    %add3A_59 = arith.addi %mul3A_6, %add3A_58 : i32
    "tpu.region"() ({
      %run_scoped3A = tpu.sem_alloc : memref<!tpu.dma_semaphore, #tpu.memory_space<semaphore_mem>>
      %dma_start3A = arith.constant 0 : i32
      %dma_start3A_93 = tpu.memref_slice %arg12[%add3A_59, %dma_start3A] : memref<10000x128xf32, #tpu.memory_space<vmem_shared>> -> memref<16x128xf32, #tpu.memory_space<vmem_shared>>
      %dma_start3A_94 = arith.constant 0 : i32
      %dma_start3A_95 = tpu.memref_slice %arg12[%add3A_59, %dma_start3A_94] : memref<10000x128xf32, #tpu.memory_space<vmem_shared>> -> memref<16x128xf32, #tpu.memory_space<vmem_shared>>
      tpu.enqueue_dma source(%arg11 : memref<16x128xf32, #tpu.memory_space<vmem>>) target(%dma_start3A_95 : memref<16x128xf32, #tpu.memory_space<vmem_shared>>) target_semaphore(%run_scoped3A : memref<!tpu.dma_semaphore, #tpu.memory_space<semaphore_mem>>)
      %dma_wait3A = arith.constant 0 : i32
      %dma_wait3A_96 = tpu.memref_slice %arg12[%add3A_59, %dma_wait3A] : memref<10000x128xf32, #tpu.memory_space<vmem_shared>> -> memref<16x128xf32, #tpu.memory_space<vmem_shared>>
      %dma_wait3A_97 = arith.constant 0 : i32
      %dma_wait3A_98 = tpu.memref_slice %arg12[%add3A_59, %dma_wait3A_97] : memref<10000x128xf32, #tpu.memory_space<vmem_shared>> -> memref<16x128xf32, #tpu.memory_space<vmem_shared>>
      tpu.wait_dma2 semaphore(%run_scoped3A : memref<!tpu.dma_semaphore, #tpu.memory_space<semaphore_mem>>) src(%arg11 : memref<16x128xf32, #tpu.memory_space<vmem>>) dst(%dma_wait3A_98 : memref<16x128xf32, #tpu.memory_space<vmem_shared>>)
      tpu.yield
    }) : () -> ()
    %add3A_60 = arith.constant 432 : i32
    %add3A_61 = arith.addi %mul3A_6, %add3A_60 : i32
    "tpu.region"() ({
      %run_scoped3A = tpu.sem_alloc : memref<!tpu.dma_semaphore, #tpu.memory_space<semaphore_mem>>
      %dma_start3A = arith.constant 0 : i32
      %dma_start3A_93 = tpu.memref_slice %arg12[%add3A_61, %dma_start3A] : memref<10000x128xf32, #tpu.memory_space<vmem_shared>> -> memref<16x128xf32, #tpu.memory_space<vmem_shared>>
      %dma_start3A_94 = arith.constant 0 : i32
      %dma_start3A_95 = tpu.memref_slice %arg12[%add3A_61, %dma_start3A_94] : memref<10000x128xf32, #tpu.memory_space<vmem_shared>> -> memref<16x128xf32, #tpu.memory_space<vmem_shared>>
      tpu.enqueue_dma source(%arg11 : memref<16x128xf32, #tpu.memory_space<vmem>>) target(%dma_start3A_95 : memref<16x128xf32, #tpu.memory_space<vmem_shared>>) target_semaphore(%run_scoped3A : memref<!tpu.dma_semaphore, #tpu.memory_space<semaphore_mem>>)
      %dma_wait3A = arith.constant 0 : i32
      %dma_wait3A_96 = tpu.memref_slice %arg12[%add3A_61, %dma_wait3A] : memref<10000x128xf32, #tpu.memory_space<vmem_shared>> -> memref<16x128xf32, #tpu.memory_space<vmem_shared>>
      %dma_wait3A_97 = arith.constant 0 : i32
      %dma_wait3A_98 = tpu.memref_slice %arg12[%add3A_61, %dma_wait3A_97] : memref<10000x128xf32, #tpu.memory_space<vmem_shared>> -> memref<16x128xf32, #tpu.memory_space<vmem_shared>>
      tpu.wait_dma2 semaphore(%run_scoped3A : memref<!tpu.dma_semaphore, #tpu.memory_space<semaphore_mem>>) src(%arg11 : memref<16x128xf32, #tpu.memory_space<vmem>>) dst(%dma_wait3A_98 : memref<16x128xf32, #tpu.memory_space<vmem_shared>>)
      tpu.yield
    }) : () -> ()
    %add3A_62 = arith.constant 448 : i32
    %add3A_63 = arith.addi %mul3A_6, %add3A_62 : i32
    "tpu.region"() ({
      %run_scoped3A = tpu.sem_alloc : memref<!tpu.dma_semaphore, #tpu.memory_space<semaphore_mem>>
      %dma_start3A = arith.constant 0 : i32
      %dma_start3A_93 = tpu.memref_slice %arg12[%add3A_63, %dma_start3A] : memref<10000x128xf32, #tpu.memory_space<vmem_shared>> -> memref<16x128xf32, #tpu.memory_space<vmem_shared>>
      %dma_start3A_94 = arith.constant 0 : i32
      %dma_start3A_95 = tpu.memref_slice %arg12[%add3A_63, %dma_start3A_94] : memref<10000x128xf32, #tpu.memory_space<vmem_shared>> -> memref<16x128xf32, #tpu.memory_space<vmem_shared>>
      tpu.enqueue_dma source(%arg11 : memref<16x128xf32, #tpu.memory_space<vmem>>) target(%dma_start3A_95 : memref<16x128xf32, #tpu.memory_space<vmem_shared>>) target_semaphore(%run_scoped3A : memref<!tpu.dma_semaphore, #tpu.memory_space<semaphore_mem>>)
      %dma_wait3A = arith.constant 0 : i32
      %dma_wait3A_96 = tpu.memref_slice %arg12[%add3A_63, %dma_wait3A] : memref<10000x128xf32, #tpu.memory_space<vmem_shared>> -> memref<16x128xf32, #tpu.memory_space<vmem_shared>>
      %dma_wait3A_97 = arith.constant 0 : i32
      %dma_wait3A_98 = tpu.memref_slice %arg12[%add3A_63, %dma_wait3A_97] : memref<10000x128xf32, #tpu.memory_space<vmem_shared>> -> memref<16x128xf32, #tpu.memory_space<vmem_shared>>
      tpu.wait_dma2 semaphore(%run_scoped3A : memref<!tpu.dma_semaphore, #tpu.memory_space<semaphore_mem>>) src(%arg11 : memref<16x128xf32, #tpu.memory_space<vmem>>) dst(%dma_wait3A_98 : memref<16x128xf32, #tpu.memory_space<vmem_shared>>)
      tpu.yield
    }) : () -> ()
    %add3A_64 = arith.constant 464 : i32
    %add3A_65 = arith.addi %mul3A_6, %add3A_64 : i32
    "tpu.region"() ({
      %run_scoped3A = tpu.sem_alloc : memref<!tpu.dma_semaphore, #tpu.memory_space<semaphore_mem>>
      %dma_start3A = arith.constant 0 : i32
      %dma_start3A_93 = tpu.memref_slice %arg12[%add3A_65, %dma_start3A] : memref<10000x128xf32, #tpu.memory_space<vmem_shared>> -> memref<16x128xf32, #tpu.memory_space<vmem_shared>>
      %dma_start3A_94 = arith.constant 0 : i32
      %dma_start3A_95 = tpu.memref_slice %arg12[%add3A_65, %dma_start3A_94] : memref<10000x128xf32, #tpu.memory_space<vmem_shared>> -> memref<16x128xf32, #tpu.memory_space<vmem_shared>>
      tpu.enqueue_dma source(%arg11 : memref<16x128xf32, #tpu.memory_space<vmem>>) target(%dma_start3A_95 : memref<16x128xf32, #tpu.memory_space<vmem_shared>>) target_semaphore(%run_scoped3A : memref<!tpu.dma_semaphore, #tpu.memory_space<semaphore_mem>>)
      %dma_wait3A = arith.constant 0 : i32
      %dma_wait3A_96 = tpu.memref_slice %arg12[%add3A_65, %dma_wait3A] : memref<10000x128xf32, #tpu.memory_space<vmem_shared>> -> memref<16x128xf32, #tpu.memory_space<vmem_shared>>
      %dma_wait3A_97 = arith.constant 0 : i32
      %dma_wait3A_98 = tpu.memref_slice %arg12[%add3A_65, %dma_wait3A_97] : memref<10000x128xf32, #tpu.memory_space<vmem_shared>> -> memref<16x128xf32, #tpu.memory_space<vmem_shared>>
      tpu.wait_dma2 semaphore(%run_scoped3A : memref<!tpu.dma_semaphore, #tpu.memory_space<semaphore_mem>>) src(%arg11 : memref<16x128xf32, #tpu.memory_space<vmem>>) dst(%dma_wait3A_98 : memref<16x128xf32, #tpu.memory_space<vmem_shared>>)
      tpu.yield
    }) : () -> ()
    %add3A_66 = arith.constant 480 : i32
    %add3A_67 = arith.addi %mul3A_6, %add3A_66 : i32
    "tpu.region"() ({
      %run_scoped3A = tpu.sem_alloc : memref<!tpu.dma_semaphore, #tpu.memory_space<semaphore_mem>>
      %dma_start3A = arith.constant 0 : i32
      %dma_start3A_93 = tpu.memref_slice %arg12[%add3A_67, %dma_start3A] : memref<10000x128xf32, #tpu.memory_space<vmem_shared>> -> memref<16x128xf32, #tpu.memory_space<vmem_shared>>
      %dma_start3A_94 = arith.constant 0 : i32
      %dma_start3A_95 = tpu.memref_slice %arg12[%add3A_67, %dma_start3A_94] : memref<10000x128xf32, #tpu.memory_space<vmem_shared>> -> memref<16x128xf32, #tpu.memory_space<vmem_shared>>
      tpu.enqueue_dma source(%arg11 : memref<16x128xf32, #tpu.memory_space<vmem>>) target(%dma_start3A_95 : memref<16x128xf32, #tpu.memory_space<vmem_shared>>) target_semaphore(%run_scoped3A : memref<!tpu.dma_semaphore, #tpu.memory_space<semaphore_mem>>)
      %dma_wait3A = arith.constant 0 : i32
      %dma_wait3A_96 = tpu.memref_slice %arg12[%add3A_67, %dma_wait3A] : memref<10000x128xf32, #tpu.memory_space<vmem_shared>> -> memref<16x128xf32, #tpu.memory_space<vmem_shared>>
      %dma_wait3A_97 = arith.constant 0 : i32
      %dma_wait3A_98 = tpu.memref_slice %arg12[%add3A_67, %dma_wait3A_97] : memref<10000x128xf32, #tpu.memory_space<vmem_shared>> -> memref<16x128xf32, #tpu.memory_space<vmem_shared>>
      tpu.wait_dma2 semaphore(%run_scoped3A : memref<!tpu.dma_semaphore, #tpu.memory_space<semaphore_mem>>) src(%arg11 : memref<16x128xf32, #tpu.memory_space<vmem>>) dst(%dma_wait3A_98 : memref<16x128xf32, #tpu.memory_space<vmem_shared>>)
      tpu.yield
    }) : () -> ()
    %add3A_68 = arith.constant 496 : i32
    %add3A_69 = arith.addi %mul3A_6, %add3A_68 : i32
    "tpu.region"() ({
      %run_scoped3A = tpu.sem_alloc : memref<!tpu.dma_semaphore, #tpu.memory_space<semaphore_mem>>
      %dma_start3A = arith.constant 0 : i32
      %dma_start3A_93 = tpu.memref_slice %arg12[%add3A_69, %dma_start3A] : memref<10000x128xf32, #tpu.memory_space<vmem_shared>> -> memref<16x128xf32, #tpu.memory_space<vmem_shared>>
      %dma_start3A_94 = arith.constant 0 : i32
      %dma_start3A_95 = tpu.memref_slice %arg12[%add3A_69, %dma_start3A_94] : memref<10000x128xf32, #tpu.memory_space<vmem_shared>> -> memref<16x128xf32, #tpu.memory_space<vmem_shared>>
      tpu.enqueue_dma source(%arg11 : memref<16x128xf32, #tpu.memory_space<vmem>>) target(%dma_start3A_95 : memref<16x128xf32, #tpu.memory_space<vmem_shared>>) target_semaphore(%run_scoped3A : memref<!tpu.dma_semaphore, #tpu.memory_space<semaphore_mem>>)
      %dma_wait3A = arith.constant 0 : i32
      %dma_wait3A_96 = tpu.memref_slice %arg12[%add3A_69, %dma_wait3A] : memref<10000x128xf32, #tpu.memory_space<vmem_shared>> -> memref<16x128xf32, #tpu.memory_space<vmem_shared>>
      %dma_wait3A_97 = arith.constant 0 : i32
      %dma_wait3A_98 = tpu.memref_slice %arg12[%add3A_69, %dma_wait3A_97] : memref<10000x128xf32, #tpu.memory_space<vmem_shared>> -> memref<16x128xf32, #tpu.memory_space<vmem_shared>>
      tpu.wait_dma2 semaphore(%run_scoped3A : memref<!tpu.dma_semaphore, #tpu.memory_space<semaphore_mem>>) src(%arg11 : memref<16x128xf32, #tpu.memory_space<vmem>>) dst(%dma_wait3A_98 : memref<16x128xf32, #tpu.memory_space<vmem_shared>>)
      tpu.yield
    }) : () -> ()
    %add3A_70 = arith.constant 512 : i32
    %add3A_71 = arith.addi %mul3A_6, %add3A_70 : i32
    "tpu.region"() ({
      %run_scoped3A = tpu.sem_alloc : memref<!tpu.dma_semaphore, #tpu.memory_space<semaphore_mem>>
      %dma_start3A = arith.constant 0 : i32
      %dma_start3A_93 = tpu.memref_slice %arg12[%add3A_71, %dma_start3A] : memref<10000x128xf32, #tpu.memory_space<vmem_shared>> -> memref<16x128xf32, #tpu.memory_space<vmem_shared>>
      %dma_start3A_94 = arith.constant 0 : i32
      %dma_start3A_95 = tpu.memref_slice %arg12[%add3A_71, %dma_start3A_94] : memref<10000x128xf32, #tpu.memory_space<vmem_shared>> -> memref<16x128xf32, #tpu.memory_space<vmem_shared>>
      tpu.enqueue_dma source(%arg11 : memref<16x128xf32, #tpu.memory_space<vmem>>) target(%dma_start3A_95 : memref<16x128xf32, #tpu.memory_space<vmem_shared>>) target_semaphore(%run_scoped3A : memref<!tpu.dma_semaphore, #tpu.memory_space<semaphore_mem>>)
      %dma_wait3A = arith.constant 0 : i32
      %dma_wait3A_96 = tpu.memref_slice %arg12[%add3A_71, %dma_wait3A] : memref<10000x128xf32, #tpu.memory_space<vmem_shared>> -> memref<16x128xf32, #tpu.memory_space<vmem_shared>>
      %dma_wait3A_97 = arith.constant 0 : i32
      %dma_wait3A_98 = tpu.memref_slice %arg12[%add3A_71, %dma_wait3A_97] : memref<10000x128xf32, #tpu.memory_space<vmem_shared>> -> memref<16x128xf32, #tpu.memory_space<vmem_shared>>
      tpu.wait_dma2 semaphore(%run_scoped3A : memref<!tpu.dma_semaphore, #tpu.memory_space<semaphore_mem>>) src(%arg11 : memref<16x128xf32, #tpu.memory_space<vmem>>) dst(%dma_wait3A_98 : memref<16x128xf32, #tpu.memory_space<vmem_shared>>)
      tpu.yield
    }) : () -> ()
    %add3A_72 = arith.constant 528 : i32
    %add3A_73 = arith.addi %mul3A_6, %add3A_72 : i32
    "tpu.region"() ({
      %run_scoped3A = tpu.sem_alloc : memref<!tpu.dma_semaphore, #tpu.memory_space<semaphore_mem>>
      %dma_start3A = arith.constant 0 : i32
      %dma_start3A_93 = tpu.memref_slice %arg12[%add3A_73, %dma_start3A] : memref<10000x128xf32, #tpu.memory_space<vmem_shared>> -> memref<16x128xf32, #tpu.memory_space<vmem_shared>>
      %dma_start3A_94 = arith.constant 0 : i32
      %dma_start3A_95 = tpu.memref_slice %arg12[%add3A_73, %dma_start3A_94] : memref<10000x128xf32, #tpu.memory_space<vmem_shared>> -> memref<16x128xf32, #tpu.memory_space<vmem_shared>>
      tpu.enqueue_dma source(%arg11 : memref<16x128xf32, #tpu.memory_space<vmem>>) target(%dma_start3A_95 : memref<16x128xf32, #tpu.memory_space<vmem_shared>>) target_semaphore(%run_scoped3A : memref<!tpu.dma_semaphore, #tpu.memory_space<semaphore_mem>>)
      %dma_wait3A = arith.constant 0 : i32
      %dma_wait3A_96 = tpu.memref_slice %arg12[%add3A_73, %dma_wait3A] : memref<10000x128xf32, #tpu.memory_space<vmem_shared>> -> memref<16x128xf32, #tpu.memory_space<vmem_shared>>
      %dma_wait3A_97 = arith.constant 0 : i32
      %dma_wait3A_98 = tpu.memref_slice %arg12[%add3A_73, %dma_wait3A_97] : memref<10000x128xf32, #tpu.memory_space<vmem_shared>> -> memref<16x128xf32, #tpu.memory_space<vmem_shared>>
      tpu.wait_dma2 semaphore(%run_scoped3A : memref<!tpu.dma_semaphore, #tpu.memory_space<semaphore_mem>>) src(%arg11 : memref<16x128xf32, #tpu.memory_space<vmem>>) dst(%dma_wait3A_98 : memref<16x128xf32, #tpu.memory_space<vmem_shared>>)
      tpu.yield
    }) : () -> ()
    %add3A_74 = arith.constant 544 : i32
    %add3A_75 = arith.addi %mul3A_6, %add3A_74 : i32
    "tpu.region"() ({
      %run_scoped3A = tpu.sem_alloc : memref<!tpu.dma_semaphore, #tpu.memory_space<semaphore_mem>>
      %dma_start3A = arith.constant 0 : i32
      %dma_start3A_93 = tpu.memref_slice %arg12[%add3A_75, %dma_start3A] : memref<10000x128xf32, #tpu.memory_space<vmem_shared>> -> memref<16x128xf32, #tpu.memory_space<vmem_shared>>
      %dma_start3A_94 = arith.constant 0 : i32
      %dma_start3A_95 = tpu.memref_slice %arg12[%add3A_75, %dma_start3A_94] : memref<10000x128xf32, #tpu.memory_space<vmem_shared>> -> memref<16x128xf32, #tpu.memory_space<vmem_shared>>
      tpu.enqueue_dma source(%arg11 : memref<16x128xf32, #tpu.memory_space<vmem>>) target(%dma_start3A_95 : memref<16x128xf32, #tpu.memory_space<vmem_shared>>) target_semaphore(%run_scoped3A : memref<!tpu.dma_semaphore, #tpu.memory_space<semaphore_mem>>)
      %dma_wait3A = arith.constant 0 : i32
      %dma_wait3A_96 = tpu.memref_slice %arg12[%add3A_75, %dma_wait3A] : memref<10000x128xf32, #tpu.memory_space<vmem_shared>> -> memref<16x128xf32, #tpu.memory_space<vmem_shared>>
      %dma_wait3A_97 = arith.constant 0 : i32
      %dma_wait3A_98 = tpu.memref_slice %arg12[%add3A_75, %dma_wait3A_97] : memref<10000x128xf32, #tpu.memory_space<vmem_shared>> -> memref<16x128xf32, #tpu.memory_space<vmem_shared>>
      tpu.wait_dma2 semaphore(%run_scoped3A : memref<!tpu.dma_semaphore, #tpu.memory_space<semaphore_mem>>) src(%arg11 : memref<16x128xf32, #tpu.memory_space<vmem>>) dst(%dma_wait3A_98 : memref<16x128xf32, #tpu.memory_space<vmem_shared>>)
      tpu.yield
    }) : () -> ()
    %add3A_76 = arith.constant 560 : i32
    %add3A_77 = arith.addi %mul3A_6, %add3A_76 : i32
    "tpu.region"() ({
      %run_scoped3A = tpu.sem_alloc : memref<!tpu.dma_semaphore, #tpu.memory_space<semaphore_mem>>
      %dma_start3A = arith.constant 0 : i32
      %dma_start3A_93 = tpu.memref_slice %arg12[%add3A_77, %dma_start3A] : memref<10000x128xf32, #tpu.memory_space<vmem_shared>> -> memref<16x128xf32, #tpu.memory_space<vmem_shared>>
      %dma_start3A_94 = arith.constant 0 : i32
      %dma_start3A_95 = tpu.memref_slice %arg12[%add3A_77, %dma_start3A_94] : memref<10000x128xf32, #tpu.memory_space<vmem_shared>> -> memref<16x128xf32, #tpu.memory_space<vmem_shared>>
      tpu.enqueue_dma source(%arg11 : memref<16x128xf32, #tpu.memory_space<vmem>>) target(%dma_start3A_95 : memref<16x128xf32, #tpu.memory_space<vmem_shared>>) target_semaphore(%run_scoped3A : memref<!tpu.dma_semaphore, #tpu.memory_space<semaphore_mem>>)
      %dma_wait3A = arith.constant 0 : i32
      %dma_wait3A_96 = tpu.memref_slice %arg12[%add3A_77, %dma_wait3A] : memref<10000x128xf32, #tpu.memory_space<vmem_shared>> -> memref<16x128xf32, #tpu.memory_space<vmem_shared>>
      %dma_wait3A_97 = arith.constant 0 : i32
      %dma_wait3A_98 = tpu.memref_slice %arg12[%add3A_77, %dma_wait3A_97] : memref<10000x128xf32, #tpu.memory_space<vmem_shared>> -> memref<16x128xf32, #tpu.memory_space<vmem_shared>>
      tpu.wait_dma2 semaphore(%run_scoped3A : memref<!tpu.dma_semaphore, #tpu.memory_space<semaphore_mem>>) src(%arg11 : memref<16x128xf32, #tpu.memory_space<vmem>>) dst(%dma_wait3A_98 : memref<16x128xf32, #tpu.memory_space<vmem_shared>>)
      tpu.yield
    }) : () -> ()
    %add3A_78 = arith.constant 576 : i32
    %add3A_79 = arith.addi %mul3A_6, %add3A_78 : i32
    "tpu.region"() ({
      %run_scoped3A = tpu.sem_alloc : memref<!tpu.dma_semaphore, #tpu.memory_space<semaphore_mem>>
      %dma_start3A = arith.constant 0 : i32
      %dma_start3A_93 = tpu.memref_slice %arg12[%add3A_79, %dma_start3A] : memref<10000x128xf32, #tpu.memory_space<vmem_shared>> -> memref<16x128xf32, #tpu.memory_space<vmem_shared>>
      %dma_start3A_94 = arith.constant 0 : i32
      %dma_start3A_95 = tpu.memref_slice %arg12[%add3A_79, %dma_start3A_94] : memref<10000x128xf32, #tpu.memory_space<vmem_shared>> -> memref<16x128xf32, #tpu.memory_space<vmem_shared>>
      tpu.enqueue_dma source(%arg11 : memref<16x128xf32, #tpu.memory_space<vmem>>) target(%dma_start3A_95 : memref<16x128xf32, #tpu.memory_space<vmem_shared>>) target_semaphore(%run_scoped3A : memref<!tpu.dma_semaphore, #tpu.memory_space<semaphore_mem>>)
      %dma_wait3A = arith.constant 0 : i32
      %dma_wait3A_96 = tpu.memref_slice %arg12[%add3A_79, %dma_wait3A] : memref<10000x128xf32, #tpu.memory_space<vmem_shared>> -> memref<16x128xf32, #tpu.memory_space<vmem_shared>>
      %dma_wait3A_97 = arith.constant 0 : i32
      %dma_wait3A_98 = tpu.memref_slice %arg12[%add3A_79, %dma_wait3A_97] : memref<10000x128xf32, #tpu.memory_space<vmem_shared>> -> memref<16x128xf32, #tpu.memory_space<vmem_shared>>
      tpu.wait_dma2 semaphore(%run_scoped3A : memref<!tpu.dma_semaphore, #tpu.memory_space<semaphore_mem>>) src(%arg11 : memref<16x128xf32, #tpu.memory_space<vmem>>) dst(%dma_wait3A_98 : memref<16x128xf32, #tpu.memory_space<vmem_shared>>)
      tpu.yield
    }) : () -> ()
    %add3A_80 = arith.constant 592 : i32
    %add3A_81 = arith.addi %mul3A_6, %add3A_80 : i32
    "tpu.region"() ({
      %run_scoped3A = tpu.sem_alloc : memref<!tpu.dma_semaphore, #tpu.memory_space<semaphore_mem>>
      %dma_start3A = arith.constant 0 : i32
      %dma_start3A_93 = tpu.memref_slice %arg12[%add3A_81, %dma_start3A] : memref<10000x128xf32, #tpu.memory_space<vmem_shared>> -> memref<16x128xf32, #tpu.memory_space<vmem_shared>>
      %dma_start3A_94 = arith.constant 0 : i32
      %dma_start3A_95 = tpu.memref_slice %arg12[%add3A_81, %dma_start3A_94] : memref<10000x128xf32, #tpu.memory_space<vmem_shared>> -> memref<16x128xf32, #tpu.memory_space<vmem_shared>>
      tpu.enqueue_dma source(%arg11 : memref<16x128xf32, #tpu.memory_space<vmem>>) target(%dma_start3A_95 : memref<16x128xf32, #tpu.memory_space<vmem_shared>>) target_semaphore(%run_scoped3A : memref<!tpu.dma_semaphore, #tpu.memory_space<semaphore_mem>>)
      %dma_wait3A = arith.constant 0 : i32
      %dma_wait3A_96 = tpu.memref_slice %arg12[%add3A_81, %dma_wait3A] : memref<10000x128xf32, #tpu.memory_space<vmem_shared>> -> memref<16x128xf32, #tpu.memory_space<vmem_shared>>
      %dma_wait3A_97 = arith.constant 0 : i32
      %dma_wait3A_98 = tpu.memref_slice %arg12[%add3A_81, %dma_wait3A_97] : memref<10000x128xf32, #tpu.memory_space<vmem_shared>> -> memref<16x128xf32, #tpu.memory_space<vmem_shared>>
      tpu.wait_dma2 semaphore(%run_scoped3A : memref<!tpu.dma_semaphore, #tpu.memory_space<semaphore_mem>>) src(%arg11 : memref<16x128xf32, #tpu.memory_space<vmem>>) dst(%dma_wait3A_98 : memref<16x128xf32, #tpu.memory_space<vmem_shared>>)
      tpu.yield
    }) : () -> ()
    %add3A_82 = arith.constant 608 : i32
    %add3A_83 = arith.addi %mul3A_6, %add3A_82 : i32
    "tpu.region"() ({
      %run_scoped3A = tpu.sem_alloc : memref<!tpu.dma_semaphore, #tpu.memory_space<semaphore_mem>>
      %dma_start3A = arith.constant 0 : i32
      %dma_start3A_93 = tpu.memref_slice %arg12[%add3A_83, %dma_start3A] : memref<10000x128xf32, #tpu.memory_space<vmem_shared>> -> memref<16x128xf32, #tpu.memory_space<vmem_shared>>
      %dma_start3A_94 = arith.constant 0 : i32
      %dma_start3A_95 = tpu.memref_slice %arg12[%add3A_83, %dma_start3A_94] : memref<10000x128xf32, #tpu.memory_space<vmem_shared>> -> memref<16x128xf32, #tpu.memory_space<vmem_shared>>
      tpu.enqueue_dma source(%arg11 : memref<16x128xf32, #tpu.memory_space<vmem>>) target(%dma_start3A_95 : memref<16x128xf32, #tpu.memory_space<vmem_shared>>) target_semaphore(%run_scoped3A : memref<!tpu.dma_semaphore, #tpu.memory_space<semaphore_mem>>)
      %dma_wait3A = arith.constant 0 : i32
      %dma_wait3A_96 = tpu.memref_slice %arg12[%add3A_83, %dma_wait3A] : memref<10000x128xf32, #tpu.memory_space<vmem_shared>> -> memref<16x128xf32, #tpu.memory_space<vmem_shared>>
      %dma_wait3A_97 = arith.constant 0 : i32
      %dma_wait3A_98 = tpu.memref_slice %arg12[%add3A_83, %dma_wait3A_97] : memref<10000x128xf32, #tpu.memory_space<vmem_shared>> -> memref<16x128xf32, #tpu.memory_space<vmem_shared>>
      tpu.wait_dma2 semaphore(%run_scoped3A : memref<!tpu.dma_semaphore, #tpu.memory_space<semaphore_mem>>) src(%arg11 : memref<16x128xf32, #tpu.memory_space<vmem>>) dst(%dma_wait3A_98 : memref<16x128xf32, #tpu.memory_space<vmem_shared>>)
      tpu.yield
    }) : () -> ()
    %add3A_84 = arith.constant 624 : i32
    %add3A_85 = arith.addi %mul3A_6, %add3A_84 : i32
    "tpu.region"() ({
      %run_scoped3A = tpu.sem_alloc : memref<!tpu.dma_semaphore, #tpu.memory_space<semaphore_mem>>
      %dma_start3A = arith.constant 0 : i32
      %dma_start3A_93 = tpu.memref_slice %arg12[%add3A_85, %dma_start3A] : memref<10000x128xf32, #tpu.memory_space<vmem_shared>> -> memref<16x128xf32, #tpu.memory_space<vmem_shared>>
      %dma_start3A_94 = arith.constant 0 : i32
      %dma_start3A_95 = tpu.memref_slice %arg12[%add3A_85, %dma_start3A_94] : memref<10000x128xf32, #tpu.memory_space<vmem_shared>> -> memref<16x128xf32, #tpu.memory_space<vmem_shared>>
      tpu.enqueue_dma source(%arg11 : memref<16x128xf32, #tpu.memory_space<vmem>>) target(%dma_start3A_95 : memref<16x128xf32, #tpu.memory_space<vmem_shared>>) target_semaphore(%run_scoped3A : memref<!tpu.dma_semaphore, #tpu.memory_space<semaphore_mem>>)
      %dma_wait3A = arith.constant 0 : i32
      %dma_wait3A_96 = tpu.memref_slice %arg12[%add3A_85, %dma_wait3A] : memref<10000x128xf32, #tpu.memory_space<vmem_shared>> -> memref<16x128xf32, #tpu.memory_space<vmem_shared>>
      %dma_wait3A_97 = arith.constant 0 : i32
      %dma_wait3A_98 = tpu.memref_slice %arg12[%add3A_85, %dma_wait3A_97] : memref<10000x128xf32, #tpu.memory_space<vmem_shared>> -> memref<16x128xf32, #tpu.memory_space<vmem_shared>>
      tpu.wait_dma2 semaphore(%run_scoped3A : memref<!tpu.dma_semaphore, #tpu.memory_space<semaphore_mem>>) src(%arg11 : memref<16x128xf32, #tpu.memory_space<vmem>>) dst(%dma_wait3A_98 : memref<16x128xf32, #tpu.memory_space<vmem_shared>>)
      tpu.yield
    }) : () -> ()
    %barrier3A = arith.constant 0 : index
    tpu.barrier barrier_id(%barrier3A)
    %eq3A = arith.constant 0 : i32
    %eq3A_86 = arith.cmpi eq, %arg0, %eq3A : i32
    %convert_element_type3A = arith.extui %eq3A_86 : i1 to i32
    %cond3A = arith.constant 0 : i32
    %cond3A_87 = arith.cmpi ne, %convert_element_type3A, %cond3A : i32
    scf.if %cond3A_87 {
      %run_scoped3A = arith.constant 0 : i32
      %run_scoped3A_93 = arith.constant 0 : i32
      "tpu.region"() ({
        %run_scoped3A_119 = tpu.sem_alloc : memref<!tpu.dma_semaphore, #tpu.memory_space<semaphore_mem>>
        %dma_start3A_120 = arith.constant 0 : i32
        %dma_start3A_121 = tpu.memref_slice %arg9[%run_scoped3A_93, %dma_start3A_120] : memref<2x100xi32, #tpu.memory_space<vmem>> -> memref<1x100xi32, #tpu.memory_space<vmem>>
        %dma_start3A_122 = tpu.memref_squeeze %dma_start3A_121 : memref<1x100xi32, #tpu.memory_space<vmem>> -> memref<100xi32, #tpu.memory_space<vmem>>
        %dma_start3A_123 = arith.constant 0 : i32
        %dma_start3A_124 = tpu.memref_slice %arg4[%arg1, %run_scoped3A, %dma_start3A_123] : memref<16x100x100xi32, #tpu.memory_space<hbm>> -> memref<1x1x100xi32, #tpu.memory_space<hbm>>
        %dma_start3A_125 = tpu.memref_squeeze %dma_start3A_124 : memref<1x1x100xi32, #tpu.memory_space<hbm>> -> memref<100xi32, #tpu.memory_space<hbm>>
        %dma_start3A_126 = arith.constant 0 : i32
        %dma_start3A_127 = tpu.memref_slice %arg9[%run_scoped3A_93, %dma_start3A_126] : memref<2x100xi32, #tpu.memory_space<vmem>> -> memref<1x100xi32, #tpu.memory_space<vmem>>
        %dma_start3A_128 = tpu.memref_squeeze %dma_start3A_127 : memref<1x100xi32, #tpu.memory_space<vmem>> -> memref<100xi32, #tpu.memory_space<vmem>>
        %dma_start3A_129 = arith.constant 0 : i32
        %dma_start3A_130 = tpu.memref_slice %arg4[%arg1, %run_scoped3A, %dma_start3A_129] : memref<16x100x100xi32, #tpu.memory_space<hbm>> -> memref<1x1x100xi32, #tpu.memory_space<hbm>>
        %dma_start3A_131 = tpu.memref_squeeze %dma_start3A_130 : memref<1x1x100xi32, #tpu.memory_space<hbm>> -> memref<100xi32, #tpu.memory_space<hbm>>
        tpu.enqueue_dma source(%dma_start3A_131 : memref<100xi32, #tpu.memory_space<hbm>>) target(%dma_start3A_128 : memref<100xi32, #tpu.memory_space<vmem>>) target_semaphore(%run_scoped3A_119 : memref<!tpu.dma_semaphore, #tpu.memory_space<semaphore_mem>>)
        %dma_wait3A = arith.constant 0 : i32
        %dma_wait3A_132 = tpu.memref_slice %arg9[%run_scoped3A_93, %dma_wait3A] : memref<2x100xi32, #tpu.memory_space<vmem>> -> memref<1x100xi32, #tpu.memory_space<vmem>>
        %dma_wait3A_133 = tpu.memref_squeeze %dma_wait3A_132 : memref<1x100xi32, #tpu.memory_space<vmem>> -> memref<100xi32, #tpu.memory_space<vmem>>
        %dma_wait3A_134 = arith.constant 0 : i32
        %dma_wait3A_135 = tpu.memref_slice %arg4[%arg1, %run_scoped3A, %dma_wait3A_134] : memref<16x100x100xi32, #tpu.memory_space<hbm>> -> memref<1x1x100xi32, #tpu.memory_space<hbm>>
        %dma_wait3A_136 = tpu.memref_squeeze %dma_wait3A_135 : memref<1x1x100xi32, #tpu.memory_space<hbm>> -> memref<100xi32, #tpu.memory_space<hbm>>
        %dma_wait3A_137 = arith.constant 0 : i32
        %dma_wait3A_138 = tpu.memref_slice %arg9[%run_scoped3A_93, %dma_wait3A_137] : memref<2x100xi32, #tpu.memory_space<vmem>> -> memref<1x100xi32, #tpu.memory_space<vmem>>
        %dma_wait3A_139 = tpu.memref_squeeze %dma_wait3A_138 : memref<1x100xi32, #tpu.memory_space<vmem>> -> memref<100xi32, #tpu.memory_space<vmem>>
        %dma_wait3A_140 = arith.constant 0 : i32
        %dma_wait3A_141 = tpu.memref_slice %arg4[%arg1, %run_scoped3A, %dma_wait3A_140] : memref<16x100x100xi32, #tpu.memory_space<hbm>> -> memref<1x1x100xi32, #tpu.memory_space<hbm>>
        %dma_wait3A_142 = tpu.memref_squeeze %dma_wait3A_141 : memref<1x1x100xi32, #tpu.memory_space<hbm>> -> memref<100xi32, #tpu.memory_space<hbm>>
        tpu.wait_dma2 semaphore(%run_scoped3A_119 : memref<!tpu.dma_semaphore, #tpu.memory_space<semaphore_mem>>) src(%dma_wait3A_142 : memref<100xi32, #tpu.memory_space<hbm>>) dst(%dma_wait3A_139 : memref<100xi32, #tpu.memory_space<vmem>>)
        tpu.yield
      }) : () -> ()
      %run_scoped3A_94 = arith.constant 0 : i32
      %run_scoped3A_95 = arith.constant 0 : i32
      "tpu.region"() ({
        %run_scoped3A_119 = tpu.sem_alloc : memref<!tpu.dma_semaphore, #tpu.memory_space<semaphore_mem>>
        %dma_start3A_120 = arith.constant 0 : i32
        %dma_start3A_121 = tpu.memref_slice %arg10[%run_scoped3A_95, %dma_start3A_120] : memref<2x100xi32, #tpu.memory_space<vmem>> -> memref<1x100xi32, #tpu.memory_space<vmem>>
        %dma_start3A_122 = tpu.memref_squeeze %dma_start3A_121 : memref<1x100xi32, #tpu.memory_space<vmem>> -> memref<100xi32, #tpu.memory_space<vmem>>
        %dma_start3A_123 = arith.constant 0 : i32
        %dma_start3A_124 = tpu.memref_slice %arg5[%arg1, %run_scoped3A_94, %dma_start3A_123] : memref<16x100x100xi32, #tpu.memory_space<hbm>> -> memref<1x1x100xi32, #tpu.memory_space<hbm>>
        %dma_start3A_125 = tpu.memref_squeeze %dma_start3A_124 : memref<1x1x100xi32, #tpu.memory_space<hbm>> -> memref<100xi32, #tpu.memory_space<hbm>>
        %dma_start3A_126 = arith.constant 0 : i32
        %dma_start3A_127 = tpu.memref_slice %arg10[%run_scoped3A_95, %dma_start3A_126] : memref<2x100xi32, #tpu.memory_space<vmem>> -> memref<1x100xi32, #tpu.memory_space<vmem>>
        %dma_start3A_128 = tpu.memref_squeeze %dma_start3A_127 : memref<1x100xi32, #tpu.memory_space<vmem>> -> memref<100xi32, #tpu.memory_space<vmem>>
        %dma_start3A_129 = arith.constant 0 : i32
        %dma_start3A_130 = tpu.memref_slice %arg5[%arg1, %run_scoped3A_94, %dma_start3A_129] : memref<16x100x100xi32, #tpu.memory_space<hbm>> -> memref<1x1x100xi32, #tpu.memory_space<hbm>>
        %dma_start3A_131 = tpu.memref_squeeze %dma_start3A_130 : memref<1x1x100xi32, #tpu.memory_space<hbm>> -> memref<100xi32, #tpu.memory_space<hbm>>
        tpu.enqueue_dma source(%dma_start3A_131 : memref<100xi32, #tpu.memory_space<hbm>>) target(%dma_start3A_128 : memref<100xi32, #tpu.memory_space<vmem>>) target_semaphore(%run_scoped3A_119 : memref<!tpu.dma_semaphore, #tpu.memory_space<semaphore_mem>>)
        %dma_wait3A = arith.constant 0 : i32
        %dma_wait3A_132 = tpu.memref_slice %arg10[%run_scoped3A_95, %dma_wait3A] : memref<2x100xi32, #tpu.memory_space<vmem>> -> memref<1x100xi32, #tpu.memory_space<vmem>>
        %dma_wait3A_133 = tpu.memref_squeeze %dma_wait3A_132 : memref<1x100xi32, #tpu.memory_space<vmem>> -> memref<100xi32, #tpu.memory_space<vmem>>
        %dma_wait3A_134 = arith.constant 0 : i32
        %dma_wait3A_135 = tpu.memref_slice %arg5[%arg1, %run_scoped3A_94, %dma_wait3A_134] : memref<16x100x100xi32, #tpu.memory_space<hbm>> -> memref<1x1x100xi32, #tpu.memory_space<hbm>>
        %dma_wait3A_136 = tpu.memref_squeeze %dma_wait3A_135 : memref<1x1x100xi32, #tpu.memory_space<hbm>> -> memref<100xi32, #tpu.memory_space<hbm>>
        %dma_wait3A_137 = arith.constant 0 : i32
        %dma_wait3A_138 = tpu.memref_slice %arg10[%run_scoped3A_95, %dma_wait3A_137] : memref<2x100xi32, #tpu.memory_space<vmem>> -> memref<1x100xi32, #tpu.memory_space<vmem>>
        %dma_wait3A_139 = tpu.memref_squeeze %dma_wait3A_138 : memref<1x100xi32, #tpu.memory_space<vmem>> -> memref<100xi32, #tpu.memory_space<vmem>>
        %dma_wait3A_140 = arith.constant 0 : i32
        %dma_wait3A_141 = tpu.memref_slice %arg5[%arg1, %run_scoped3A_94, %dma_wait3A_140] : memref<16x100x100xi32, #tpu.memory_space<hbm>> -> memref<1x1x100xi32, #tpu.memory_space<hbm>>
        %dma_wait3A_142 = tpu.memref_squeeze %dma_wait3A_141 : memref<1x1x100xi32, #tpu.memory_space<hbm>> -> memref<100xi32, #tpu.memory_space<hbm>>
        tpu.wait_dma2 semaphore(%run_scoped3A_119 : memref<!tpu.dma_semaphore, #tpu.memory_space<semaphore_mem>>) src(%dma_wait3A_142 : memref<100xi32, #tpu.memory_space<hbm>>) dst(%dma_wait3A_139 : memref<100xi32, #tpu.memory_space<vmem>>)
        tpu.yield
      }) : () -> ()
      %run_scoped3A_96 = arith.constant 1 : i32
      %run_scoped3A_97 = arith.constant 1 : i32
      "tpu.region"() ({
        %run_scoped3A_119 = tpu.sem_alloc : memref<!tpu.dma_semaphore, #tpu.memory_space<semaphore_mem>>
        %dma_start3A_120 = arith.constant 0 : i32
        %dma_start3A_121 = tpu.memref_slice %arg9[%run_scoped3A_97, %dma_start3A_120] : memref<2x100xi32, #tpu.memory_space<vmem>> -> memref<1x100xi32, #tpu.memory_space<vmem>>
        %dma_start3A_122 = tpu.memref_squeeze %dma_start3A_121 : memref<1x100xi32, #tpu.memory_space<vmem>> -> memref<100xi32, #tpu.memory_space<vmem>>
        %dma_start3A_123 = arith.constant 0 : i32
        %dma_start3A_124 = tpu.memref_slice %arg4[%arg1, %run_scoped3A_96, %dma_start3A_123] : memref<16x100x100xi32, #tpu.memory_space<hbm>> -> memref<1x1x100xi32, #tpu.memory_space<hbm>>
        %dma_start3A_125 = tpu.memref_squeeze %dma_start3A_124 : memref<1x1x100xi32, #tpu.memory_space<hbm>> -> memref<100xi32, #tpu.memory_space<hbm>>
        %dma_start3A_126 = arith.constant 0 : i32
        %dma_start3A_127 = tpu.memref_slice %arg9[%run_scoped3A_97, %dma_start3A_126] : memref<2x100xi32, #tpu.memory_space<vmem>> -> memref<1x100xi32, #tpu.memory_space<vmem>>
        %dma_start3A_128 = tpu.memref_squeeze %dma_start3A_127 : memref<1x100xi32, #tpu.memory_space<vmem>> -> memref<100xi32, #tpu.memory_space<vmem>>
        %dma_start3A_129 = arith.constant 0 : i32
        %dma_start3A_130 = tpu.memref_slice %arg4[%arg1, %run_scoped3A_96, %dma_start3A_129] : memref<16x100x100xi32, #tpu.memory_space<hbm>> -> memref<1x1x100xi32, #tpu.memory_space<hbm>>
        %dma_start3A_131 = tpu.memref_squeeze %dma_start3A_130 : memref<1x1x100xi32, #tpu.memory_space<hbm>> -> memref<100xi32, #tpu.memory_space<hbm>>
        tpu.enqueue_dma source(%dma_start3A_131 : memref<100xi32, #tpu.memory_space<hbm>>) target(%dma_start3A_128 : memref<100xi32, #tpu.memory_space<vmem>>) target_semaphore(%run_scoped3A_119 : memref<!tpu.dma_semaphore, #tpu.memory_space<semaphore_mem>>)
        %dma_wait3A = arith.constant 0 : i32
        %dma_wait3A_132 = tpu.memref_slice %arg9[%run_scoped3A_97, %dma_wait3A] : memref<2x100xi32, #tpu.memory_space<vmem>> -> memref<1x100xi32, #tpu.memory_space<vmem>>
        %dma_wait3A_133 = tpu.memref_squeeze %dma_wait3A_132 : memref<1x100xi32, #tpu.memory_space<vmem>> -> memref<100xi32, #tpu.memory_space<vmem>>
        %dma_wait3A_134 = arith.constant 0 : i32
        %dma_wait3A_135 = tpu.memref_slice %arg4[%arg1, %run_scoped3A_96, %dma_wait3A_134] : memref<16x100x100xi32, #tpu.memory_space<hbm>> -> memref<1x1x100xi32, #tpu.memory_space<hbm>>
        %dma_wait3A_136 = tpu.memref_squeeze %dma_wait3A_135 : memref<1x1x100xi32, #tpu.memory_space<hbm>> -> memref<100xi32, #tpu.memory_space<hbm>>
        %dma_wait3A_137 = arith.constant 0 : i32
        %dma_wait3A_138 = tpu.memref_slice %arg9[%run_scoped3A_97, %dma_wait3A_137] : memref<2x100xi32, #tpu.memory_space<vmem>> -> memref<1x100xi32, #tpu.memory_space<vmem>>
        %dma_wait3A_139 = tpu.memref_squeeze %dma_wait3A_138 : memref<1x100xi32, #tpu.memory_space<vmem>> -> memref<100xi32, #tpu.memory_space<vmem>>
        %dma_wait3A_140 = arith.constant 0 : i32
        %dma_wait3A_141 = tpu.memref_slice %arg4[%arg1, %run_scoped3A_96, %dma_wait3A_140] : memref<16x100x100xi32, #tpu.memory_space<hbm>> -> memref<1x1x100xi32, #tpu.memory_space<hbm>>
        %dma_wait3A_142 = tpu.memref_squeeze %dma_wait3A_141 : memref<1x1x100xi32, #tpu.memory_space<hbm>> -> memref<100xi32, #tpu.memory_space<hbm>>
        tpu.wait_dma2 semaphore(%run_scoped3A_119 : memref<!tpu.dma_semaphore, #tpu.memory_space<semaphore_mem>>) src(%dma_wait3A_142 : memref<100xi32, #tpu.memory_space<hbm>>) dst(%dma_wait3A_139 : memref<100xi32, #tpu.memory_space<vmem>>)
        tpu.yield
      }) : () -> ()
      %run_scoped3A_98 = arith.constant 1 : i32
      %run_scoped3A_99 = arith.constant 1 : i32
      "tpu.region"() ({
        %run_scoped3A_119 = tpu.sem_alloc : memref<!tpu.dma_semaphore, #tpu.memory_space<semaphore_mem>>
        %dma_start3A_120 = arith.constant 0 : i32
        %dma_start3A_121 = tpu.memref_slice %arg10[%run_scoped3A_99, %dma_start3A_120] : memref<2x100xi32, #tpu.memory_space<vmem>> -> memref<1x100xi32, #tpu.memory_space<vmem>>
        %dma_start3A_122 = tpu.memref_squeeze %dma_start3A_121 : memref<1x100xi32, #tpu.memory_space<vmem>> -> memref<100xi32, #tpu.memory_space<vmem>>
        %dma_start3A_123 = arith.constant 0 : i32
        %dma_start3A_124 = tpu.memref_slice %arg5[%arg1, %run_scoped3A_98, %dma_start3A_123] : memref<16x100x100xi32, #tpu.memory_space<hbm>> -> memref<1x1x100xi32, #tpu.memory_space<hbm>>
        %dma_start3A_125 = tpu.memref_squeeze %dma_start3A_124 : memref<1x1x100xi32, #tpu.memory_space<hbm>> -> memref<100xi32, #tpu.memory_space<hbm>>
        %dma_start3A_126 = arith.constant 0 : i32
        %dma_start3A_127 = tpu.memref_slice %arg10[%run_scoped3A_99, %dma_start3A_126] : memref<2x100xi32, #tpu.memory_space<vmem>> -> memref<1x100xi32, #tpu.memory_space<vmem>>
        %dma_start3A_128 = tpu.memref_squeeze %dma_start3A_127 : memref<1x100xi32, #tpu.memory_space<vmem>> -> memref<100xi32, #tpu.memory_space<vmem>>
        %dma_start3A_129 = arith.constant 0 : i32
        %dma_start3A_130 = tpu.memref_slice %arg5[%arg1, %run_scoped3A_98, %dma_start3A_129] : memref<16x100x100xi32, #tpu.memory_space<hbm>> -> memref<1x1x100xi32, #tpu.memory_space<hbm>>
        %dma_start3A_131 = tpu.memref_squeeze %dma_start3A_130 : memref<1x1x100xi32, #tpu.memory_space<hbm>> -> memref<100xi32, #tpu.memory_space<hbm>>
        tpu.enqueue_dma source(%dma_start3A_131 : memref<100xi32, #tpu.memory_space<hbm>>) target(%dma_start3A_128 : memref<100xi32, #tpu.memory_space<vmem>>) target_semaphore(%run_scoped3A_119 : memref<!tpu.dma_semaphore, #tpu.memory_space<semaphore_mem>>)
        %dma_wait3A = arith.constant 0 : i32
        %dma_wait3A_132 = tpu.memref_slice %arg10[%run_scoped3A_99, %dma_wait3A] : memref<2x100xi32, #tpu.memory_space<vmem>> -> memref<1x100xi32, #tpu.memory_space<vmem>>
        %dma_wait3A_133 = tpu.memref_squeeze %dma_wait3A_132 : memref<1x100xi32, #tpu.memory_space<vmem>> -> memref<100xi32, #tpu.memory_space<vmem>>
        %dma_wait3A_134 = arith.constant 0 : i32
        %dma_wait3A_135 = tpu.memref_slice %arg5[%arg1, %run_scoped3A_98, %dma_wait3A_134] : memref<16x100x100xi32, #tpu.memory_space<hbm>> -> memref<1x1x100xi32, #tpu.memory_space<hbm>>
        %dma_wait3A_136 = tpu.memref_squeeze %dma_wait3A_135 : memref<1x1x100xi32, #tpu.memory_space<hbm>> -> memref<100xi32, #tpu.memory_space<hbm>>
        %dma_wait3A_137 = arith.constant 0 : i32
        %dma_wait3A_138 = tpu.memref_slice %arg10[%run_scoped3A_99, %dma_wait3A_137] : memref<2x100xi32, #tpu.memory_space<vmem>> -> memref<1x100xi32, #tpu.memory_space<vmem>>
        %dma_wait3A_139 = tpu.memref_squeeze %dma_wait3A_138 : memref<1x100xi32, #tpu.memory_space<vmem>> -> memref<100xi32, #tpu.memory_space<vmem>>
        %dma_wait3A_140 = arith.constant 0 : i32
        %dma_wait3A_141 = tpu.memref_slice %arg5[%arg1, %run_scoped3A_98, %dma_wait3A_140] : memref<16x100x100xi32, #tpu.memory_space<hbm>> -> memref<1x1x100xi32, #tpu.memory_space<hbm>>
        %dma_wait3A_142 = tpu.memref_squeeze %dma_wait3A_141 : memref<1x1x100xi32, #tpu.memory_space<hbm>> -> memref<100xi32, #tpu.memory_space<hbm>>
        tpu.wait_dma2 semaphore(%run_scoped3A_119 : memref<!tpu.dma_semaphore, #tpu.memory_space<semaphore_mem>>) src(%dma_wait3A_142 : memref<100xi32, #tpu.memory_space<hbm>>) dst(%dma_wait3A_139 : memref<100xi32, #tpu.memory_space<vmem>>)
        tpu.yield
      }) : () -> ()
      %dma_start3A = arith.constant 0 : i32
      %dma_start3A_100 = arith.constant 0 : i32
      %dma_start3A_101 = arith.constant 0 : i32
      %dma_start3A_102 = arith.constant 0 : i32
      %dma_start3A_103 = tpu.memref_slice %arg8[%dma_start3A_100, %dma_start3A_101, %dma_start3A_102] : memref<2x100x128xf32, #tpu.memory_space<vmem>> -> memref<1x100x128xf32, #tpu.memory_space<vmem>>
      %dma_start3A_104 = tpu.memref_squeeze %dma_start3A_103 : memref<1x100x128xf32, #tpu.memory_space<vmem>> -> memref<100x128xf32, #tpu.memory_space<vmem>>
      %dma_start3A_105 = arith.constant 0 : i32
      %dma_start3A_106 = tpu.memref_slice %arg9[%dma_start3A, %dma_start3A_105] : memref<2x100xi32, #tpu.memory_space<vmem>> -> memref<1x100xi32, #tpu.memory_space<vmem>>
      %dma_start3A_107 = tpu.memref_squeeze %dma_start3A_106 : memref<1x100xi32, #tpu.memory_space<vmem>> -> memref<100xi32, #tpu.memory_space<vmem>>
      %dma_start3A_108 = arith.constant 0 : i32
      %dma_start3A_109 = arith.constant 0 : i32
      %dma_start3A_110 = tpu.memref_slice %arg2[%dma_start3A_108, %dma_start3A_109] : memref<10000x128xf32, #tpu.memory_space<hbm>> -> memref<10000x128xf32, #tpu.memory_space<hbm>>
      tpu.enqueue_indirect_dma source(%dma_start3A_110 : memref<10000x128xf32, #tpu.memory_space<hbm>>) target(%dma_start3A_104 : memref<100x128xf32, #tpu.memory_space<vmem>>) offsets(%dma_start3A_107 : memref<100xi32, #tpu.memory_space<vmem>>) semaphore(%arg13 : memref<!tpu.dma_semaphore, #tpu.memory_space<semaphore_mem>>)
      %scan3A_111 = arith.constant 0 : i32
      %scan3A_112 = arith.constant 0 : i32
      %scan3A_113 = arith.constant 50 : i32
      %scan3A_114 = arith.addi %scan3A_112, %scan3A_113 : i32
      %scan3A_115 = arith.constant 1 : i32
      %scan3A_116 = scf.for %scan3A_119 = %scan3A_112 to %scan3A_114 step %scan3A_115 iter_args(%scan3A_120 = %scan3A_111) -> (i32)  : i32 {
        %mul3A_121 = arith.constant 2 : i32
        %mul3A_122 = arith.muli %mul3A_121, %scan3A_119 : i32
        %add3A_123 = arith.constant 1 : i32
        %add3A_124 = arith.addi %mul3A_122, %add3A_123 : i32
        %dma_start3A_125 = arith.constant 1 : i32
        %dma_start3A_126 = arith.constant 1 : i32
        %dma_start3A_127 = arith.constant 0 : i32
        %dma_start3A_128 = arith.constant 0 : i32
        %dma_start3A_129 = tpu.memref_slice %arg8[%dma_start3A_126, %dma_start3A_127, %dma_start3A_128] : memref<2x100x128xf32, #tpu.memory_space<vmem>> -> memref<1x100x128xf32, #tpu.memory_space<vmem>>
        %dma_start3A_130 = tpu.memref_squeeze %dma_start3A_129 : memref<1x100x128xf32, #tpu.memory_space<vmem>> -> memref<100x128xf32, #tpu.memory_space<vmem>>
        %dma_start3A_131 = arith.constant 0 : i32
        %dma_start3A_132 = tpu.memref_slice %arg9[%dma_start3A_125, %dma_start3A_131] : memref<2x100xi32, #tpu.memory_space<vmem>> -> memref<1x100xi32, #tpu.memory_space<vmem>>
        %dma_start3A_133 = tpu.memref_squeeze %dma_start3A_132 : memref<1x100xi32, #tpu.memory_space<vmem>> -> memref<100xi32, #tpu.memory_space<vmem>>
        %dma_start3A_134 = arith.constant 0 : i32
        %dma_start3A_135 = arith.constant 0 : i32
        %dma_start3A_136 = tpu.memref_slice %arg2[%dma_start3A_134, %dma_start3A_135] : memref<10000x128xf32, #tpu.memory_space<hbm>> -> memref<10000x128xf32, #tpu.memory_space<hbm>>
        tpu.enqueue_indirect_dma source(%dma_start3A_136 : memref<10000x128xf32, #tpu.memory_space<hbm>>) target(%dma_start3A_130 : memref<100x128xf32, #tpu.memory_space<vmem>>) offsets(%dma_start3A_133 : memref<100xi32, #tpu.memory_space<vmem>>) semaphore(%arg14 : memref<!tpu.dma_semaphore, #tpu.memory_space<semaphore_mem>>)
        %dma_wait3A = arith.constant 0 : i32
        %dma_wait3A_137 = arith.constant 0 : i32
        %dma_wait3A_138 = arith.constant 0 : i32
        %dma_wait3A_139 = arith.constant 0 : i32
        %dma_wait3A_140 = tpu.memref_slice %arg8[%dma_wait3A_137, %dma_wait3A_138, %dma_wait3A_139] : memref<2x100x128xf32, #tpu.memory_space<vmem>> -> memref<1x100x128xf32, #tpu.memory_space<vmem>>
        %dma_wait3A_141 = tpu.memref_squeeze %dma_wait3A_140 : memref<1x100x128xf32, #tpu.memory_space<vmem>> -> memref<100x128xf32, #tpu.memory_space<vmem>>
        %dma_wait3A_142 = arith.constant 0 : i32
        %dma_wait3A_143 = tpu.memref_slice %arg9[%dma_wait3A, %dma_wait3A_142] : memref<2x100xi32, #tpu.memory_space<vmem>> -> memref<1x100xi32, #tpu.memory_space<vmem>>
        %dma_wait3A_144 = tpu.memref_squeeze %dma_wait3A_143 : memref<1x100xi32, #tpu.memory_space<vmem>> -> memref<100xi32, #tpu.memory_space<vmem>>
        %dma_wait3A_145 = arith.constant 0 : i32
        %dma_wait3A_146 = arith.constant 0 : i32
        %dma_wait3A_147 = tpu.memref_slice %arg2[%dma_wait3A_145, %dma_wait3A_146] : memref<10000x128xf32, #tpu.memory_space<hbm>> -> memref<10000x128xf32, #tpu.memory_space<hbm>>
        tpu.wait_indirect_dma semaphore(%arg13 : memref<!tpu.dma_semaphore, #tpu.memory_space<semaphore_mem>>) src(%dma_wait3A_147 : memref<10000x128xf32, #tpu.memory_space<hbm>>) dst(%dma_wait3A_141 : memref<100x128xf32, #tpu.memory_space<vmem>>)
        %run_scoped3A_148 = arith.constant 0 : i32
        %run_scoped3A_149 = arith.constant 0 : i32
        "tpu.region"() ({
          %run_scoped3A_180 = tpu.sem_alloc : memref<!tpu.dma_semaphore, #tpu.memory_space<semaphore_mem>>
          %dma_start3A_181 = arith.constant 0 : i32
          %dma_start3A_182 = arith.constant 0 : i32
          %dma_start3A_183 = tpu.memref_slice %arg8[%run_scoped3A_148, %dma_start3A_181, %dma_start3A_182] : memref<2x100x128xf32, #tpu.memory_space<vmem>> -> memref<1x100x128xf32, #tpu.memory_space<vmem>>
          %dma_start3A_184 = tpu.memref_squeeze %dma_start3A_183 : memref<1x100x128xf32, #tpu.memory_space<vmem>> -> memref<100x128xf32, #tpu.memory_space<vmem>>
          %dma_start3A_185 = arith.constant 0 : i32
          %dma_start3A_186 = tpu.memref_slice %arg10[%run_scoped3A_149, %dma_start3A_185] : memref<2x100xi32, #tpu.memory_space<vmem>> -> memref<1x100xi32, #tpu.memory_space<vmem>>
          %dma_start3A_187 = tpu.memref_squeeze %dma_start3A_186 : memref<1x100xi32, #tpu.memory_space<vmem>> -> memref<100xi32, #tpu.memory_space<vmem>>
          %dma_start3A_188 = arith.constant 0 : i32
          %dma_start3A_189 = arith.constant 0 : i32
          %dma_start3A_190 = tpu.memref_slice %arg12[%dma_start3A_188, %dma_start3A_189] : memref<10000x128xf32, #tpu.memory_space<vmem_shared>> -> memref<10000x128xf32, #tpu.memory_space<vmem_shared>>
          tpu.enqueue_indirect_dma source(%dma_start3A_184 : memref<100x128xf32, #tpu.memory_space<vmem>>) target(%dma_start3A_190 : memref<10000x128xf32, #tpu.memory_space<vmem_shared>>) offsets(%dma_start3A_187 : memref<100xi32, #tpu.memory_space<vmem>>) semaphore(%run_scoped3A_180 : memref<!tpu.dma_semaphore, #tpu.memory_space<semaphore_mem>>) {add = true}
          %dma_wait3A_191 = arith.constant 0 : i32
          %dma_wait3A_192 = arith.constant 0 : i32
          %dma_wait3A_193 = tpu.memref_slice %arg8[%run_scoped3A_148, %dma_wait3A_191, %dma_wait3A_192] : memref<2x100x128xf32, #tpu.memory_space<vmem>> -> memref<1x100x128xf32, #tpu.memory_space<vmem>>
          %dma_wait3A_194 = tpu.memref_squeeze %dma_wait3A_193 : memref<1x100x128xf32, #tpu.memory_space<vmem>> -> memref<100x128xf32, #tpu.memory_space<vmem>>
          %dma_wait3A_195 = arith.constant 0 : i32
          %dma_wait3A_196 = tpu.memref_slice %arg10[%run_scoped3A_149, %dma_wait3A_195] : memref<2x100xi32, #tpu.memory_space<vmem>> -> memref<1x100xi32, #tpu.memory_space<vmem>>
          %dma_wait3A_197 = tpu.memref_squeeze %dma_wait3A_196 : memref<1x100xi32, #tpu.memory_space<vmem>> -> memref<100xi32, #tpu.memory_space<vmem>>
          %dma_wait3A_198 = arith.constant 0 : i32
          %dma_wait3A_199 = arith.constant 0 : i32
          %dma_wait3A_200 = tpu.memref_slice %arg12[%dma_wait3A_198, %dma_wait3A_199] : memref<10000x128xf32, #tpu.memory_space<vmem_shared>> -> memref<10000x128xf32, #tpu.memory_space<vmem_shared>>
          tpu.wait_indirect_dma semaphore(%run_scoped3A_180 : memref<!tpu.dma_semaphore, #tpu.memory_space<semaphore_mem>>) src(%dma_wait3A_194 : memref<100x128xf32, #tpu.memory_space<vmem>>) dst(%dma_wait3A_200 : memref<10000x128xf32, #tpu.memory_space<vmem_shared>>)
          tpu.yield
        }) : () -> ()
        %add3A_150 = arith.constant 2 : i32
        %add3A_151 = arith.addi %mul3A_122, %add3A_150 : i32
        %lt3A = arith.constant 100 : i32
        %lt3A_152 = arith.cmpi slt, %add3A_151, %lt3A : i32
        %convert_element_type3A_153 = arith.extui %lt3A_152 : i1 to i32
        %cond3A_154 = arith.constant 0 : i32
        %cond3A_155 = arith.cmpi ne, %convert_element_type3A_153, %cond3A_154 : i32
        scf.if %cond3A_155 {
          %add3A_180 = arith.constant 2 : i32
          %add3A_181 = arith.addi %mul3A_122, %add3A_180 : i32
          %run_scoped3A_182 = arith.constant 0 : i32
          "tpu.region"() ({
            %run_scoped3A_198 = tpu.sem_alloc : memref<!tpu.dma_semaphore, #tpu.memory_space<semaphore_mem>>
            %dma_start3A_199 = arith.constant 0 : i32
            %dma_start3A_200 = tpu.memref_slice %arg9[%run_scoped3A_182, %dma_start3A_199] : memref<2x100xi32, #tpu.memory_space<vmem>> -> memref<1x100xi32, #tpu.memory_space<vmem>>
            %dma_start3A_201 = tpu.memref_squeeze %dma_start3A_200 : memref<1x100xi32, #tpu.memory_space<vmem>> -> memref<100xi32, #tpu.memory_space<vmem>>
            %dma_start3A_202 = arith.constant 0 : i32
            %dma_start3A_203 = tpu.memref_slice %arg4[%arg1, %add3A_181, %dma_start3A_202] : memref<16x100x100xi32, #tpu.memory_space<hbm>> -> memref<1x1x100xi32, #tpu.memory_space<hbm>>
            %dma_start3A_204 = tpu.memref_squeeze %dma_start3A_203 : memref<1x1x100xi32, #tpu.memory_space<hbm>> -> memref<100xi32, #tpu.memory_space<hbm>>
            %dma_start3A_205 = arith.constant 0 : i32
            %dma_start3A_206 = tpu.memref_slice %arg9[%run_scoped3A_182, %dma_start3A_205] : memref<2x100xi32, #tpu.memory_space<vmem>> -> memref<1x100xi32, #tpu.memory_space<vmem>>
            %dma_start3A_207 = tpu.memref_squeeze %dma_start3A_206 : memref<1x100xi32, #tpu.memory_space<vmem>> -> memref<100xi32, #tpu.memory_space<vmem>>
            %dma_start3A_208 = arith.constant 0 : i32
            %dma_start3A_209 = tpu.memref_slice %arg4[%arg1, %add3A_181, %dma_start3A_208] : memref<16x100x100xi32, #tpu.memory_space<hbm>> -> memref<1x1x100xi32, #tpu.memory_space<hbm>>
            %dma_start3A_210 = tpu.memref_squeeze %dma_start3A_209 : memref<1x1x100xi32, #tpu.memory_space<hbm>> -> memref<100xi32, #tpu.memory_space<hbm>>
            tpu.enqueue_dma source(%dma_start3A_210 : memref<100xi32, #tpu.memory_space<hbm>>) target(%dma_start3A_207 : memref<100xi32, #tpu.memory_space<vmem>>) target_semaphore(%run_scoped3A_198 : memref<!tpu.dma_semaphore, #tpu.memory_space<semaphore_mem>>)
            %dma_wait3A_211 = arith.constant 0 : i32
            %dma_wait3A_212 = tpu.memref_slice %arg9[%run_scoped3A_182, %dma_wait3A_211] : memref<2x100xi32, #tpu.memory_space<vmem>> -> memref<1x100xi32, #tpu.memory_space<vmem>>
            %dma_wait3A_213 = tpu.memref_squeeze %dma_wait3A_212 : memref<1x100xi32, #tpu.memory_space<vmem>> -> memref<100xi32, #tpu.memory_space<vmem>>
            %dma_wait3A_214 = arith.constant 0 : i32
            %dma_wait3A_215 = tpu.memref_slice %arg4[%arg1, %add3A_181, %dma_wait3A_214] : memref<16x100x100xi32, #tpu.memory_space<hbm>> -> memref<1x1x100xi32, #tpu.memory_space<hbm>>
            %dma_wait3A_216 = tpu.memref_squeeze %dma_wait3A_215 : memref<1x1x100xi32, #tpu.memory_space<hbm>> -> memref<100xi32, #tpu.memory_space<hbm>>
            %dma_wait3A_217 = arith.constant 0 : i32
            %dma_wait3A_218 = tpu.memref_slice %arg9[%run_scoped3A_182, %dma_wait3A_217] : memref<2x100xi32, #tpu.memory_space<vmem>> -> memref<1x100xi32, #tpu.memory_space<vmem>>
            %dma_wait3A_219 = tpu.memref_squeeze %dma_wait3A_218 : memref<1x100xi32, #tpu.memory_space<vmem>> -> memref<100xi32, #tpu.memory_space<vmem>>
            %dma_wait3A_220 = arith.constant 0 : i32
            %dma_wait3A_221 = tpu.memref_slice %arg4[%arg1, %add3A_181, %dma_wait3A_220] : memref<16x100x100xi32, #tpu.memory_space<hbm>> -> memref<1x1x100xi32, #tpu.memory_space<hbm>>
            %dma_wait3A_222 = tpu.memref_squeeze %dma_wait3A_221 : memref<1x1x100xi32, #tpu.memory_space<hbm>> -> memref<100xi32, #tpu.memory_space<hbm>>
            tpu.wait_dma2 semaphore(%run_scoped3A_198 : memref<!tpu.dma_semaphore, #tpu.memory_space<semaphore_mem>>) src(%dma_wait3A_222 : memref<100xi32, #tpu.memory_space<hbm>>) dst(%dma_wait3A_219 : memref<100xi32, #tpu.memory_space<vmem>>)
            tpu.yield
          }) : () -> ()
          %run_scoped3A_183 = arith.constant 0 : i32
          "tpu.region"() ({
            %run_scoped3A_198 = tpu.sem_alloc : memref<!tpu.dma_semaphore, #tpu.memory_space<semaphore_mem>>
            %dma_start3A_199 = arith.constant 0 : i32
            %dma_start3A_200 = tpu.memref_slice %arg10[%run_scoped3A_183, %dma_start3A_199] : memref<2x100xi32, #tpu.memory_space<vmem>> -> memref<1x100xi32, #tpu.memory_space<vmem>>
            %dma_start3A_201 = tpu.memref_squeeze %dma_start3A_200 : memref<1x100xi32, #tpu.memory_space<vmem>> -> memref<100xi32, #tpu.memory_space<vmem>>
            %dma_start3A_202 = arith.constant 0 : i32
            %dma_start3A_203 = tpu.memref_slice %arg5[%arg1, %add3A_181, %dma_start3A_202] : memref<16x100x100xi32, #tpu.memory_space<hbm>> -> memref<1x1x100xi32, #tpu.memory_space<hbm>>
            %dma_start3A_204 = tpu.memref_squeeze %dma_start3A_203 : memref<1x1x100xi32, #tpu.memory_space<hbm>> -> memref<100xi32, #tpu.memory_space<hbm>>
            %dma_start3A_205 = arith.constant 0 : i32
            %dma_start3A_206 = tpu.memref_slice %arg10[%run_scoped3A_183, %dma_start3A_205] : memref<2x100xi32, #tpu.memory_space<vmem>> -> memref<1x100xi32, #tpu.memory_space<vmem>>
            %dma_start3A_207 = tpu.memref_squeeze %dma_start3A_206 : memref<1x100xi32, #tpu.memory_space<vmem>> -> memref<100xi32, #tpu.memory_space<vmem>>
            %dma_start3A_208 = arith.constant 0 : i32
            %dma_start3A_209 = tpu.memref_slice %arg5[%arg1, %add3A_181, %dma_start3A_208] : memref<16x100x100xi32, #tpu.memory_space<hbm>> -> memref<1x1x100xi32, #tpu.memory_space<hbm>>
            %dma_start3A_210 = tpu.memref_squeeze %dma_start3A_209 : memref<1x1x100xi32, #tpu.memory_space<hbm>> -> memref<100xi32, #tpu.memory_space<hbm>>
            tpu.enqueue_dma source(%dma_start3A_210 : memref<100xi32, #tpu.memory_space<hbm>>) target(%dma_start3A_207 : memref<100xi32, #tpu.memory_space<vmem>>) target_semaphore(%run_scoped3A_198 : memref<!tpu.dma_semaphore, #tpu.memory_space<semaphore_mem>>)
            %dma_wait3A_211 = arith.constant 0 : i32
            %dma_wait3A_212 = tpu.memref_slice %arg10[%run_scoped3A_183, %dma_wait3A_211] : memref<2x100xi32, #tpu.memory_space<vmem>> -> memref<1x100xi32, #tpu.memory_space<vmem>>
            %dma_wait3A_213 = tpu.memref_squeeze %dma_wait3A_212 : memref<1x100xi32, #tpu.memory_space<vmem>> -> memref<100xi32, #tpu.memory_space<vmem>>
            %dma_wait3A_214 = arith.constant 0 : i32
            %dma_wait3A_215 = tpu.memref_slice %arg5[%arg1, %add3A_181, %dma_wait3A_214] : memref<16x100x100xi32, #tpu.memory_space<hbm>> -> memref<1x1x100xi32, #tpu.memory_space<hbm>>
            %dma_wait3A_216 = tpu.memref_squeeze %dma_wait3A_215 : memref<1x1x100xi32, #tpu.memory_space<hbm>> -> memref<100xi32, #tpu.memory_space<hbm>>
            %dma_wait3A_217 = arith.constant 0 : i32
            %dma_wait3A_218 = tpu.memref_slice %arg10[%run_scoped3A_183, %dma_wait3A_217] : memref<2x100xi32, #tpu.memory_space<vmem>> -> memref<1x100xi32, #tpu.memory_space<vmem>>
            %dma_wait3A_219 = tpu.memref_squeeze %dma_wait3A_218 : memref<1x100xi32, #tpu.memory_space<vmem>> -> memref<100xi32, #tpu.memory_space<vmem>>
            %dma_wait3A_220 = arith.constant 0 : i32
            %dma_wait3A_221 = tpu.memref_slice %arg5[%arg1, %add3A_181, %dma_wait3A_220] : memref<16x100x100xi32, #tpu.memory_space<hbm>> -> memref<1x1x100xi32, #tpu.memory_space<hbm>>
            %dma_wait3A_222 = tpu.memref_squeeze %dma_wait3A_221 : memref<1x1x100xi32, #tpu.memory_space<hbm>> -> memref<100xi32, #tpu.memory_space<hbm>>
            tpu.wait_dma2 semaphore(%run_scoped3A_198 : memref<!tpu.dma_semaphore, #tpu.memory_space<semaphore_mem>>) src(%dma_wait3A_222 : memref<100xi32, #tpu.memory_space<hbm>>) dst(%dma_wait3A_219 : memref<100xi32, #tpu.memory_space<vmem>>)
            tpu.yield
          }) : () -> ()
          %add3A_184 = arith.constant 2 : i32
          %add3A_185 = arith.addi %mul3A_122, %add3A_184 : i32
          %dma_start3A_186 = arith.constant 0 : i32
          %dma_start3A_187 = arith.constant 0 : i32
          %dma_start3A_188 = arith.constant 0 : i32
          %dma_start3A_189 = arith.constant 0 : i32
          %dma_start3A_190 = tpu.memref_slice %arg8[%dma_start3A_187, %dma_start3A_188, %dma_start3A_189] : memref<2x100x128xf32, #tpu.memory_space<vmem>> -> memref<1x100x128xf32, #tpu.memory_space<vmem>>
          %dma_start3A_191 = tpu.memref_squeeze %dma_start3A_190 : memref<1x100x128xf32, #tpu.memory_space<vmem>> -> memref<100x128xf32, #tpu.memory_space<vmem>>
          %dma_start3A_192 = arith.constant 0 : i32
          %dma_start3A_193 = tpu.memref_slice %arg9[%dma_start3A_186, %dma_start3A_192] : memref<2x100xi32, #tpu.memory_space<vmem>> -> memref<1x100xi32, #tpu.memory_space<vmem>>
          %dma_start3A_194 = tpu.memref_squeeze %dma_start3A_193 : memref<1x100xi32, #tpu.memory_space<vmem>> -> memref<100xi32, #tpu.memory_space<vmem>>
          %dma_start3A_195 = arith.constant 0 : i32
          %dma_start3A_196 = arith.constant 0 : i32
          %dma_start3A_197 = tpu.memref_slice %arg2[%dma_start3A_195, %dma_start3A_196] : memref<10000x128xf32, #tpu.memory_space<hbm>> -> memref<10000x128xf32, #tpu.memory_space<hbm>>
          tpu.enqueue_indirect_dma source(%dma_start3A_197 : memref<10000x128xf32, #tpu.memory_space<hbm>>) target(%dma_start3A_191 : memref<100x128xf32, #tpu.memory_space<vmem>>) offsets(%dma_start3A_194 : memref<100xi32, #tpu.memory_space<vmem>>) semaphore(%arg13 : memref<!tpu.dma_semaphore, #tpu.memory_space<semaphore_mem>>)
        } else {
        }
        %add3A_156 = arith.constant 1 : i32
        %add3A_157 = arith.addi %mul3A_122, %add3A_156 : i32
        %dma_wait3A_158 = arith.constant 1 : i32
        %dma_wait3A_159 = arith.constant 1 : i32
        %dma_wait3A_160 = arith.constant 0 : i32
        %dma_wait3A_161 = arith.constant 0 : i32
        %dma_wait3A_162 = tpu.memref_slice %arg8[%dma_wait3A_159, %dma_wait3A_160, %dma_wait3A_161] : memref<2x100x128xf32, #tpu.memory_space<vmem>> -> memref<1x100x128xf32, #tpu.memory_space<vmem>>
        %dma_wait3A_163 = tpu.memref_squeeze %dma_wait3A_162 : memref<1x100x128xf32, #tpu.memory_space<vmem>> -> memref<100x128xf32, #tpu.memory_space<vmem>>
        %dma_wait3A_164 = arith.constant 0 : i32
        %dma_wait3A_165 = tpu.memref_slice %arg9[%dma_wait3A_158, %dma_wait3A_164] : memref<2x100xi32, #tpu.memory_space<vmem>> -> memref<1x100xi32, #tpu.memory_space<vmem>>
        %dma_wait3A_166 = tpu.memref_squeeze %dma_wait3A_165 : memref<1x100xi32, #tpu.memory_space<vmem>> -> memref<100xi32, #tpu.memory_space<vmem>>
        %dma_wait3A_167 = arith.constant 0 : i32
        %dma_wait3A_168 = arith.constant 0 : i32
        %dma_wait3A_169 = tpu.memref_slice %arg2[%dma_wait3A_167, %dma_wait3A_168] : memref<10000x128xf32, #tpu.memory_space<hbm>> -> memref<10000x128xf32, #tpu.memory_space<hbm>>
        tpu.wait_indirect_dma semaphore(%arg14 : memref<!tpu.dma_semaphore, #tpu.memory_space<semaphore_mem>>) src(%dma_wait3A_169 : memref<10000x128xf32, #tpu.memory_space<hbm>>) dst(%dma_wait3A_163 : memref<100x128xf32, #tpu.memory_space<vmem>>)
        %run_scoped3A_170 = arith.constant 1 : i32
        %run_scoped3A_171 = arith.constant 1 : i32
        "tpu.region"() ({
          %run_scoped3A_180 = tpu.sem_alloc : memref<!tpu.dma_semaphore, #tpu.memory_space<semaphore_mem>>
          %dma_start3A_181 = arith.constant 0 : i32
          %dma_start3A_182 = arith.constant 0 : i32
          %dma_start3A_183 = tpu.memref_slice %arg8[%run_scoped3A_170, %dma_start3A_181, %dma_start3A_182] : memref<2x100x128xf32, #tpu.memory_space<vmem>> -> memref<1x100x128xf32, #tpu.memory_space<vmem>>
          %dma_start3A_184 = tpu.memref_squeeze %dma_start3A_183 : memref<1x100x128xf32, #tpu.memory_space<vmem>> -> memref<100x128xf32, #tpu.memory_space<vmem>>
          %dma_start3A_185 = arith.constant 0 : i32
          %dma_start3A_186 = tpu.memref_slice %arg10[%run_scoped3A_171, %dma_start3A_185] : memref<2x100xi32, #tpu.memory_space<vmem>> -> memref<1x100xi32, #tpu.memory_space<vmem>>
          %dma_start3A_187 = tpu.memref_squeeze %dma_start3A_186 : memref<1x100xi32, #tpu.memory_space<vmem>> -> memref<100xi32, #tpu.memory_space<vmem>>
          %dma_start3A_188 = arith.constant 0 : i32
          %dma_start3A_189 = arith.constant 0 : i32
          %dma_start3A_190 = tpu.memref_slice %arg12[%dma_start3A_188, %dma_start3A_189] : memref<10000x128xf32, #tpu.memory_space<vmem_shared>> -> memref<10000x128xf32, #tpu.memory_space<vmem_shared>>
          tpu.enqueue_indirect_dma source(%dma_start3A_184 : memref<100x128xf32, #tpu.memory_space<vmem>>) target(%dma_start3A_190 : memref<10000x128xf32, #tpu.memory_space<vmem_shared>>) offsets(%dma_start3A_187 : memref<100xi32, #tpu.memory_space<vmem>>) semaphore(%run_scoped3A_180 : memref<!tpu.dma_semaphore, #tpu.memory_space<semaphore_mem>>) {add = true}
          %dma_wait3A_191 = arith.constant 0 : i32
          %dma_wait3A_192 = arith.constant 0 : i32
          %dma_wait3A_193 = tpu.memref_slice %arg8[%run_scoped3A_170, %dma_wait3A_191, %dma_wait3A_192] : memref<2x100x128xf32, #tpu.memory_space<vmem>> -> memref<1x100x128xf32, #tpu.memory_space<vmem>>
          %dma_wait3A_194 = tpu.memref_squeeze %dma_wait3A_193 : memref<1x100x128xf32, #tpu.memory_space<vmem>> -> memref<100x128xf32, #tpu.memory_space<vmem>>
          %dma_wait3A_195 = arith.constant 0 : i32
          %dma_wait3A_196 = tpu.memref_slice %arg10[%run_scoped3A_171, %dma_wait3A_195] : memref<2x100xi32, #tpu.memory_space<vmem>> -> memref<1x100xi32, #tpu.memory_space<vmem>>
          %dma_wait3A_197 = tpu.memref_squeeze %dma_wait3A_196 : memref<1x100xi32, #tpu.memory_space<vmem>> -> memref<100xi32, #tpu.memory_space<vmem>>
          %dma_wait3A_198 = arith.constant 0 : i32
          %dma_wait3A_199 = arith.constant 0 : i32
          %dma_wait3A_200 = tpu.memref_slice %arg12[%dma_wait3A_198, %dma_wait3A_199] : memref<10000x128xf32, #tpu.memory_space<vmem_shared>> -> memref<10000x128xf32, #tpu.memory_space<vmem_shared>>
          tpu.wait_indirect_dma semaphore(%run_scoped3A_180 : memref<!tpu.dma_semaphore, #tpu.memory_space<semaphore_mem>>) src(%dma_wait3A_194 : memref<100x128xf32, #tpu.memory_space<vmem>>) dst(%dma_wait3A_200 : memref<10000x128xf32, #tpu.memory_space<vmem_shared>>)
          tpu.yield
        }) : () -> ()
        %add3A_172 = arith.constant 3 : i32
        %add3A_173 = arith.addi %mul3A_122, %add3A_172 : i32
        %lt3A_174 = arith.constant 100 : i32
        %lt3A_175 = arith.cmpi slt, %add3A_173, %lt3A_174 : i32
        %convert_element_type3A_176 = arith.extui %lt3A_175 : i1 to i32
        %cond3A_177 = arith.constant 0 : i32
        %cond3A_178 = arith.cmpi ne, %convert_element_type3A_176, %cond3A_177 : i32
        scf.if %cond3A_178 {
          %add3A_180 = arith.constant 3 : i32
          %add3A_181 = arith.addi %mul3A_122, %add3A_180 : i32
          %run_scoped3A_182 = arith.constant 1 : i32
          "tpu.region"() ({
            %run_scoped3A_184 = tpu.sem_alloc : memref<!tpu.dma_semaphore, #tpu.memory_space<semaphore_mem>>
            %dma_start3A_185 = arith.constant 0 : i32
            %dma_start3A_186 = tpu.memref_slice %arg9[%run_scoped3A_182, %dma_start3A_185] : memref<2x100xi32, #tpu.memory_space<vmem>> -> memref<1x100xi32, #tpu.memory_space<vmem>>
            %dma_start3A_187 = tpu.memref_squeeze %dma_start3A_186 : memref<1x100xi32, #tpu.memory_space<vmem>> -> memref<100xi32, #tpu.memory_space<vmem>>
            %dma_start3A_188 = arith.constant 0 : i32
            %dma_start3A_189 = tpu.memref_slice %arg4[%arg1, %add3A_181, %dma_start3A_188] : memref<16x100x100xi32, #tpu.memory_space<hbm>> -> memref<1x1x100xi32, #tpu.memory_space<hbm>>
            %dma_start3A_190 = tpu.memref_squeeze %dma_start3A_189 : memref<1x1x100xi32, #tpu.memory_space<hbm>> -> memref<100xi32, #tpu.memory_space<hbm>>
            %dma_start3A_191 = arith.constant 0 : i32
            %dma_start3A_192 = tpu.memref_slice %arg9[%run_scoped3A_182, %dma_start3A_191] : memref<2x100xi32, #tpu.memory_space<vmem>> -> memref<1x100xi32, #tpu.memory_space<vmem>>
            %dma_start3A_193 = tpu.memref_squeeze %dma_start3A_192 : memref<1x100xi32, #tpu.memory_space<vmem>> -> memref<100xi32, #tpu.memory_space<vmem>>
            %dma_start3A_194 = arith.constant 0 : i32
            %dma_start3A_195 = tpu.memref_slice %arg4[%arg1, %add3A_181, %dma_start3A_194] : memref<16x100x100xi32, #tpu.memory_space<hbm>> -> memref<1x1x100xi32, #tpu.memory_space<hbm>>
            %dma_start3A_196 = tpu.memref_squeeze %dma_start3A_195 : memref<1x1x100xi32, #tpu.memory_space<hbm>> -> memref<100xi32, #tpu.memory_space<hbm>>
            tpu.enqueue_dma source(%dma_start3A_196 : memref<100xi32, #tpu.memory_space<hbm>>) target(%dma_start3A_193 : memref<100xi32, #tpu.memory_space<vmem>>) target_semaphore(%run_scoped3A_184 : memref<!tpu.dma_semaphore, #tpu.memory_space<semaphore_mem>>)
            %dma_wait3A_197 = arith.constant 0 : i32
            %dma_wait3A_198 = tpu.memref_slice %arg9[%run_scoped3A_182, %dma_wait3A_197] : memref<2x100xi32, #tpu.memory_space<vmem>> -> memref<1x100xi32, #tpu.memory_space<vmem>>
            %dma_wait3A_199 = tpu.memref_squeeze %dma_wait3A_198 : memref<1x100xi32, #tpu.memory_space<vmem>> -> memref<100xi32, #tpu.memory_space<vmem>>
            %dma_wait3A_200 = arith.constant 0 : i32
            %dma_wait3A_201 = tpu.memref_slice %arg4[%arg1, %add3A_181, %dma_wait3A_200] : memref<16x100x100xi32, #tpu.memory_space<hbm>> -> memref<1x1x100xi32, #tpu.memory_space<hbm>>
            %dma_wait3A_202 = tpu.memref_squeeze %dma_wait3A_201 : memref<1x1x100xi32, #tpu.memory_space<hbm>> -> memref<100xi32, #tpu.memory_space<hbm>>
            %dma_wait3A_203 = arith.constant 0 : i32
            %dma_wait3A_204 = tpu.memref_slice %arg9[%run_scoped3A_182, %dma_wait3A_203] : memref<2x100xi32, #tpu.memory_space<vmem>> -> memref<1x100xi32, #tpu.memory_space<vmem>>
            %dma_wait3A_205 = tpu.memref_squeeze %dma_wait3A_204 : memref<1x100xi32, #tpu.memory_space<vmem>> -> memref<100xi32, #tpu.memory_space<vmem>>
            %dma_wait3A_206 = arith.constant 0 : i32
            %dma_wait3A_207 = tpu.memref_slice %arg4[%arg1, %add3A_181, %dma_wait3A_206] : memref<16x100x100xi32, #tpu.memory_space<hbm>> -> memref<1x1x100xi32, #tpu.memory_space<hbm>>
            %dma_wait3A_208 = tpu.memref_squeeze %dma_wait3A_207 : memref<1x1x100xi32, #tpu.memory_space<hbm>> -> memref<100xi32, #tpu.memory_space<hbm>>
            tpu.wait_dma2 semaphore(%run_scoped3A_184 : memref<!tpu.dma_semaphore, #tpu.memory_space<semaphore_mem>>) src(%dma_wait3A_208 : memref<100xi32, #tpu.memory_space<hbm>>) dst(%dma_wait3A_205 : memref<100xi32, #tpu.memory_space<vmem>>)
            tpu.yield
          }) : () -> ()
          %run_scoped3A_183 = arith.constant 1 : i32
          "tpu.region"() ({
            %run_scoped3A_184 = tpu.sem_alloc : memref<!tpu.dma_semaphore, #tpu.memory_space<semaphore_mem>>
            %dma_start3A_185 = arith.constant 0 : i32
            %dma_start3A_186 = tpu.memref_slice %arg10[%run_scoped3A_183, %dma_start3A_185] : memref<2x100xi32, #tpu.memory_space<vmem>> -> memref<1x100xi32, #tpu.memory_space<vmem>>
            %dma_start3A_187 = tpu.memref_squeeze %dma_start3A_186 : memref<1x100xi32, #tpu.memory_space<vmem>> -> memref<100xi32, #tpu.memory_space<vmem>>
            %dma_start3A_188 = arith.constant 0 : i32
            %dma_start3A_189 = tpu.memref_slice %arg5[%arg1, %add3A_181, %dma_start3A_188] : memref<16x100x100xi32, #tpu.memory_space<hbm>> -> memref<1x1x100xi32, #tpu.memory_space<hbm>>
            %dma_start3A_190 = tpu.memref_squeeze %dma_start3A_189 : memref<1x1x100xi32, #tpu.memory_space<hbm>> -> memref<100xi32, #tpu.memory_space<hbm>>
            %dma_start3A_191 = arith.constant 0 : i32
            %dma_start3A_192 = tpu.memref_slice %arg10[%run_scoped3A_183, %dma_start3A_191] : memref<2x100xi32, #tpu.memory_space<vmem>> -> memref<1x100xi32, #tpu.memory_space<vmem>>
            %dma_start3A_193 = tpu.memref_squeeze %dma_start3A_192 : memref<1x100xi32, #tpu.memory_space<vmem>> -> memref<100xi32, #tpu.memory_space<vmem>>
            %dma_start3A_194 = arith.constant 0 : i32
            %dma_start3A_195 = tpu.memref_slice %arg5[%arg1, %add3A_181, %dma_start3A_194] : memref<16x100x100xi32, #tpu.memory_space<hbm>> -> memref<1x1x100xi32, #tpu.memory_space<hbm>>
            %dma_start3A_196 = tpu.memref_squeeze %dma_start3A_195 : memref<1x1x100xi32, #tpu.memory_space<hbm>> -> memref<100xi32, #tpu.memory_space<hbm>>
            tpu.enqueue_dma source(%dma_start3A_196 : memref<100xi32, #tpu.memory_space<hbm>>) target(%dma_start3A_193 : memref<100xi32, #tpu.memory_space<vmem>>) target_semaphore(%run_scoped3A_184 : memref<!tpu.dma_semaphore, #tpu.memory_space<semaphore_mem>>)
            %dma_wait3A_197 = arith.constant 0 : i32
            %dma_wait3A_198 = tpu.memref_slice %arg10[%run_scoped3A_183, %dma_wait3A_197] : memref<2x100xi32, #tpu.memory_space<vmem>> -> memref<1x100xi32, #tpu.memory_space<vmem>>
            %dma_wait3A_199 = tpu.memref_squeeze %dma_wait3A_198 : memref<1x100xi32, #tpu.memory_space<vmem>> -> memref<100xi32, #tpu.memory_space<vmem>>
            %dma_wait3A_200 = arith.constant 0 : i32
            %dma_wait3A_201 = tpu.memref_slice %arg5[%arg1, %add3A_181, %dma_wait3A_200] : memref<16x100x100xi32, #tpu.memory_space<hbm>> -> memref<1x1x100xi32, #tpu.memory_space<hbm>>
            %dma_wait3A_202 = tpu.memref_squeeze %dma_wait3A_201 : memref<1x1x100xi32, #tpu.memory_space<hbm>> -> memref<100xi32, #tpu.memory_space<hbm>>
            %dma_wait3A_203 = arith.constant 0 : i32
            %dma_wait3A_204 = tpu.memref_slice %arg10[%run_scoped3A_183, %dma_wait3A_203] : memref<2x100xi32, #tpu.memory_space<vmem>> -> memref<1x100xi32, #tpu.memory_space<vmem>>
            %dma_wait3A_205 = tpu.memref_squeeze %dma_wait3A_204 : memref<1x100xi32, #tpu.memory_space<vmem>> -> memref<100xi32, #tpu.memory_space<vmem>>
            %dma_wait3A_206 = arith.constant 0 : i32
            %dma_wait3A_207 = tpu.memref_slice %arg5[%arg1, %add3A_181, %dma_wait3A_206] : memref<16x100x100xi32, #tpu.memory_space<hbm>> -> memref<1x1x100xi32, #tpu.memory_space<hbm>>
            %dma_wait3A_208 = tpu.memref_squeeze %dma_wait3A_207 : memref<1x1x100xi32, #tpu.memory_space<hbm>> -> memref<100xi32, #tpu.memory_space<hbm>>
            tpu.wait_dma2 semaphore(%run_scoped3A_184 : memref<!tpu.dma_semaphore, #tpu.memory_space<semaphore_mem>>) src(%dma_wait3A_208 : memref<100xi32, #tpu.memory_space<hbm>>) dst(%dma_wait3A_205 : memref<100xi32, #tpu.memory_space<vmem>>)
            tpu.yield
          }) : () -> ()
        } else {
        }
        %scan3A_179 = arith.constant 0 : i32
        scf.yield %scan3A_179 : i32
      }
      %scan3A_117 = arith.constant 50 : i32
      %barrier3A_118 = arith.constant 0 : index
      tpu.barrier barrier_id(%barrier3A_118)
      "tpu.region"() ({
        %run_scoped3A_119 = tpu.sem_alloc : memref<!tpu.dma_semaphore, #tpu.memory_space<semaphore_mem>>
        %dma_start3A_120 = arith.constant 0 : i32
        %dma_start3A_121 = tpu.memref_slice %arg6[%mul3A_6, %dma_start3A_120] : memref<10000x128xf32, #tpu.memory_space<hbm>> -> memref<640x128xf32, #tpu.memory_space<hbm>>
        %dma_start3A_122 = arith.constant 0 : i32
        %dma_start3A_123 = tpu.memref_slice %arg12[%mul3A_6, %dma_start3A_122] : memref<10000x128xf32, #tpu.memory_space<vmem_shared>> -> memref<640x128xf32, #tpu.memory_space<vmem_shared>>
        tpu.enqueue_dma source(%dma_start3A_123 : memref<640x128xf32, #tpu.memory_space<vmem_shared>>) target(%dma_start3A_121 : memref<640x128xf32, #tpu.memory_space<hbm>>) target_semaphore(%run_scoped3A_119 : memref<!tpu.dma_semaphore, #tpu.memory_space<semaphore_mem>>)
        %dma_wait3A = arith.constant 0 : i32
        %dma_wait3A_124 = tpu.memref_slice %arg6[%mul3A_6, %dma_wait3A] : memref<10000x128xf32, #tpu.memory_space<hbm>> -> memref<640x128xf32, #tpu.memory_space<hbm>>
        %dma_wait3A_125 = arith.constant 0 : i32
        %dma_wait3A_126 = tpu.memref_slice %arg12[%mul3A_6, %dma_wait3A_125] : memref<10000x128xf32, #tpu.memory_space<vmem_shared>> -> memref<640x128xf32, #tpu.memory_space<vmem_shared>>
        tpu.wait_dma2 semaphore(%run_scoped3A_119 : memref<!tpu.dma_semaphore, #tpu.memory_space<semaphore_mem>>) src(%dma_wait3A_126 : memref<640x128xf32, #tpu.memory_space<vmem_shared>>) dst(%dma_wait3A_124 : memref<640x128xf32, #tpu.memory_space<hbm>>)
        tpu.yield
      }) : () -> ()
    } else {
    }
    %eq3A_88 = arith.constant 1 : i32
    %eq3A_89 = arith.cmpi eq, %arg0, %eq3A_88 : i32
    %convert_element_type3A_90 = arith.extui %eq3A_89 : i1 to i32
    %cond3A_91 = arith.constant 0 : i32
    %cond3A_92 = arith.cmpi ne, %convert_element_type3A_90, %cond3A_91 : i32
    scf.if %cond3A_92 {
      %run_scoped3A = arith.constant 0 : i32
      %run_scoped3A_93 = arith.constant 0 : i32
      "tpu.region"() ({
        %run_scoped3A_119 = tpu.sem_alloc : memref<!tpu.dma_semaphore, #tpu.memory_space<semaphore_mem>>
        %dma_start3A_120 = arith.constant 0 : i32
        %dma_start3A_121 = tpu.memref_slice %arg9[%run_scoped3A_93, %dma_start3A_120] : memref<2x100xi32, #tpu.memory_space<vmem>> -> memref<1x100xi32, #tpu.memory_space<vmem>>
        %dma_start3A_122 = tpu.memref_squeeze %dma_start3A_121 : memref<1x100xi32, #tpu.memory_space<vmem>> -> memref<100xi32, #tpu.memory_space<vmem>>
        %dma_start3A_123 = arith.constant 0 : i32
        %dma_start3A_124 = tpu.memref_slice %arg4[%arg1, %run_scoped3A, %dma_start3A_123] : memref<16x100x100xi32, #tpu.memory_space<hbm>> -> memref<1x1x100xi32, #tpu.memory_space<hbm>>
        %dma_start3A_125 = tpu.memref_squeeze %dma_start3A_124 : memref<1x1x100xi32, #tpu.memory_space<hbm>> -> memref<100xi32, #tpu.memory_space<hbm>>
        %dma_start3A_126 = arith.constant 0 : i32
        %dma_start3A_127 = tpu.memref_slice %arg9[%run_scoped3A_93, %dma_start3A_126] : memref<2x100xi32, #tpu.memory_space<vmem>> -> memref<1x100xi32, #tpu.memory_space<vmem>>
        %dma_start3A_128 = tpu.memref_squeeze %dma_start3A_127 : memref<1x100xi32, #tpu.memory_space<vmem>> -> memref<100xi32, #tpu.memory_space<vmem>>
        %dma_start3A_129 = arith.constant 0 : i32
        %dma_start3A_130 = tpu.memref_slice %arg4[%arg1, %run_scoped3A, %dma_start3A_129] : memref<16x100x100xi32, #tpu.memory_space<hbm>> -> memref<1x1x100xi32, #tpu.memory_space<hbm>>
        %dma_start3A_131 = tpu.memref_squeeze %dma_start3A_130 : memref<1x1x100xi32, #tpu.memory_space<hbm>> -> memref<100xi32, #tpu.memory_space<hbm>>
        tpu.enqueue_dma source(%dma_start3A_131 : memref<100xi32, #tpu.memory_space<hbm>>) target(%dma_start3A_128 : memref<100xi32, #tpu.memory_space<vmem>>) target_semaphore(%run_scoped3A_119 : memref<!tpu.dma_semaphore, #tpu.memory_space<semaphore_mem>>)
        %dma_wait3A = arith.constant 0 : i32
        %dma_wait3A_132 = tpu.memref_slice %arg9[%run_scoped3A_93, %dma_wait3A] : memref<2x100xi32, #tpu.memory_space<vmem>> -> memref<1x100xi32, #tpu.memory_space<vmem>>
        %dma_wait3A_133 = tpu.memref_squeeze %dma_wait3A_132 : memref<1x100xi32, #tpu.memory_space<vmem>> -> memref<100xi32, #tpu.memory_space<vmem>>
        %dma_wait3A_134 = arith.constant 0 : i32
        %dma_wait3A_135 = tpu.memref_slice %arg4[%arg1, %run_scoped3A, %dma_wait3A_134] : memref<16x100x100xi32, #tpu.memory_space<hbm>> -> memref<1x1x100xi32, #tpu.memory_space<hbm>>
        %dma_wait3A_136 = tpu.memref_squeeze %dma_wait3A_135 : memref<1x1x100xi32, #tpu.memory_space<hbm>> -> memref<100xi32, #tpu.memory_space<hbm>>
        %dma_wait3A_137 = arith.constant 0 : i32
        %dma_wait3A_138 = tpu.memref_slice %arg9[%run_scoped3A_93, %dma_wait3A_137] : memref<2x100xi32, #tpu.memory_space<vmem>> -> memref<1x100xi32, #tpu.memory_space<vmem>>
        %dma_wait3A_139 = tpu.memref_squeeze %dma_wait3A_138 : memref<1x100xi32, #tpu.memory_space<vmem>> -> memref<100xi32, #tpu.memory_space<vmem>>
        %dma_wait3A_140 = arith.constant 0 : i32
        %dma_wait3A_141 = tpu.memref_slice %arg4[%arg1, %run_scoped3A, %dma_wait3A_140] : memref<16x100x100xi32, #tpu.memory_space<hbm>> -> memref<1x1x100xi32, #tpu.memory_space<hbm>>
        %dma_wait3A_142 = tpu.memref_squeeze %dma_wait3A_141 : memref<1x1x100xi32, #tpu.memory_space<hbm>> -> memref<100xi32, #tpu.memory_space<hbm>>
        tpu.wait_dma2 semaphore(%run_scoped3A_119 : memref<!tpu.dma_semaphore, #tpu.memory_space<semaphore_mem>>) src(%dma_wait3A_142 : memref<100xi32, #tpu.memory_space<hbm>>) dst(%dma_wait3A_139 : memref<100xi32, #tpu.memory_space<vmem>>)
        tpu.yield
      }) : () -> ()
      %run_scoped3A_94 = arith.constant 0 : i32
      %run_scoped3A_95 = arith.constant 0 : i32
      "tpu.region"() ({
        %run_scoped3A_119 = tpu.sem_alloc : memref<!tpu.dma_semaphore, #tpu.memory_space<semaphore_mem>>
        %dma_start3A_120 = arith.constant 0 : i32
        %dma_start3A_121 = tpu.memref_slice %arg10[%run_scoped3A_95, %dma_start3A_120] : memref<2x100xi32, #tpu.memory_space<vmem>> -> memref<1x100xi32, #tpu.memory_space<vmem>>
        %dma_start3A_122 = tpu.memref_squeeze %dma_start3A_121 : memref<1x100xi32, #tpu.memory_space<vmem>> -> memref<100xi32, #tpu.memory_space<vmem>>
        %dma_start3A_123 = arith.constant 0 : i32
        %dma_start3A_124 = tpu.memref_slice %arg5[%arg1, %run_scoped3A_94, %dma_start3A_123] : memref<16x100x100xi32, #tpu.memory_space<hbm>> -> memref<1x1x100xi32, #tpu.memory_space<hbm>>
        %dma_start3A_125 = tpu.memref_squeeze %dma_start3A_124 : memref<1x1x100xi32, #tpu.memory_space<hbm>> -> memref<100xi32, #tpu.memory_space<hbm>>
        %dma_start3A_126 = arith.constant 0 : i32
        %dma_start3A_127 = tpu.memref_slice %arg10[%run_scoped3A_95, %dma_start3A_126] : memref<2x100xi32, #tpu.memory_space<vmem>> -> memref<1x100xi32, #tpu.memory_space<vmem>>
        %dma_start3A_128 = tpu.memref_squeeze %dma_start3A_127 : memref<1x100xi32, #tpu.memory_space<vmem>> -> memref<100xi32, #tpu.memory_space<vmem>>
        %dma_start3A_129 = arith.constant 0 : i32
        %dma_start3A_130 = tpu.memref_slice %arg5[%arg1, %run_scoped3A_94, %dma_start3A_129] : memref<16x100x100xi32, #tpu.memory_space<hbm>> -> memref<1x1x100xi32, #tpu.memory_space<hbm>>
        %dma_start3A_131 = tpu.memref_squeeze %dma_start3A_130 : memref<1x1x100xi32, #tpu.memory_space<hbm>> -> memref<100xi32, #tpu.memory_space<hbm>>
        tpu.enqueue_dma source(%dma_start3A_131 : memref<100xi32, #tpu.memory_space<hbm>>) target(%dma_start3A_128 : memref<100xi32, #tpu.memory_space<vmem>>) target_semaphore(%run_scoped3A_119 : memref<!tpu.dma_semaphore, #tpu.memory_space<semaphore_mem>>)
        %dma_wait3A = arith.constant 0 : i32
        %dma_wait3A_132 = tpu.memref_slice %arg10[%run_scoped3A_95, %dma_wait3A] : memref<2x100xi32, #tpu.memory_space<vmem>> -> memref<1x100xi32, #tpu.memory_space<vmem>>
        %dma_wait3A_133 = tpu.memref_squeeze %dma_wait3A_132 : memref<1x100xi32, #tpu.memory_space<vmem>> -> memref<100xi32, #tpu.memory_space<vmem>>
        %dma_wait3A_134 = arith.constant 0 : i32
        %dma_wait3A_135 = tpu.memref_slice %arg5[%arg1, %run_scoped3A_94, %dma_wait3A_134] : memref<16x100x100xi32, #tpu.memory_space<hbm>> -> memref<1x1x100xi32, #tpu.memory_space<hbm>>
        %dma_wait3A_136 = tpu.memref_squeeze %dma_wait3A_135 : memref<1x1x100xi32, #tpu.memory_space<hbm>> -> memref<100xi32, #tpu.memory_space<hbm>>
        %dma_wait3A_137 = arith.constant 0 : i32
        %dma_wait3A_138 = tpu.memref_slice %arg10[%run_scoped3A_95, %dma_wait3A_137] : memref<2x100xi32, #tpu.memory_space<vmem>> -> memref<1x100xi32, #tpu.memory_space<vmem>>
        %dma_wait3A_139 = tpu.memref_squeeze %dma_wait3A_138 : memref<1x100xi32, #tpu.memory_space<vmem>> -> memref<100xi32, #tpu.memory_space<vmem>>
        %dma_wait3A_140 = arith.constant 0 : i32
        %dma_wait3A_141 = tpu.memref_slice %arg5[%arg1, %run_scoped3A_94, %dma_wait3A_140] : memref<16x100x100xi32, #tpu.memory_space<hbm>> -> memref<1x1x100xi32, #tpu.memory_space<hbm>>
        %dma_wait3A_142 = tpu.memref_squeeze %dma_wait3A_141 : memref<1x1x100xi32, #tpu.memory_space<hbm>> -> memref<100xi32, #tpu.memory_space<hbm>>
        tpu.wait_dma2 semaphore(%run_scoped3A_119 : memref<!tpu.dma_semaphore, #tpu.memory_space<semaphore_mem>>) src(%dma_wait3A_142 : memref<100xi32, #tpu.memory_space<hbm>>) dst(%dma_wait3A_139 : memref<100xi32, #tpu.memory_space<vmem>>)
        tpu.yield
      }) : () -> ()
      %run_scoped3A_96 = arith.constant 1 : i32
      %run_scoped3A_97 = arith.constant 1 : i32
      "tpu.region"() ({
        %run_scoped3A_119 = tpu.sem_alloc : memref<!tpu.dma_semaphore, #tpu.memory_space<semaphore_mem>>
        %dma_start3A_120 = arith.constant 0 : i32
        %dma_start3A_121 = tpu.memref_slice %arg9[%run_scoped3A_97, %dma_start3A_120] : memref<2x100xi32, #tpu.memory_space<vmem>> -> memref<1x100xi32, #tpu.memory_space<vmem>>
        %dma_start3A_122 = tpu.memref_squeeze %dma_start3A_121 : memref<1x100xi32, #tpu.memory_space<vmem>> -> memref<100xi32, #tpu.memory_space<vmem>>
        %dma_start3A_123 = arith.constant 0 : i32
        %dma_start3A_124 = tpu.memref_slice %arg4[%arg1, %run_scoped3A_96, %dma_start3A_123] : memref<16x100x100xi32, #tpu.memory_space<hbm>> -> memref<1x1x100xi32, #tpu.memory_space<hbm>>
        %dma_start3A_125 = tpu.memref_squeeze %dma_start3A_124 : memref<1x1x100xi32, #tpu.memory_space<hbm>> -> memref<100xi32, #tpu.memory_space<hbm>>
        %dma_start3A_126 = arith.constant 0 : i32
        %dma_start3A_127 = tpu.memref_slice %arg9[%run_scoped3A_97, %dma_start3A_126] : memref<2x100xi32, #tpu.memory_space<vmem>> -> memref<1x100xi32, #tpu.memory_space<vmem>>
        %dma_start3A_128 = tpu.memref_squeeze %dma_start3A_127 : memref<1x100xi32, #tpu.memory_space<vmem>> -> memref<100xi32, #tpu.memory_space<vmem>>
        %dma_start3A_129 = arith.constant 0 : i32
        %dma_start3A_130 = tpu.memref_slice %arg4[%arg1, %run_scoped3A_96, %dma_start3A_129] : memref<16x100x100xi32, #tpu.memory_space<hbm>> -> memref<1x1x100xi32, #tpu.memory_space<hbm>>
        %dma_start3A_131 = tpu.memref_squeeze %dma_start3A_130 : memref<1x1x100xi32, #tpu.memory_space<hbm>> -> memref<100xi32, #tpu.memory_space<hbm>>
        tpu.enqueue_dma source(%dma_start3A_131 : memref<100xi32, #tpu.memory_space<hbm>>) target(%dma_start3A_128 : memref<100xi32, #tpu.memory_space<vmem>>) target_semaphore(%run_scoped3A_119 : memref<!tpu.dma_semaphore, #tpu.memory_space<semaphore_mem>>)
        %dma_wait3A = arith.constant 0 : i32
        %dma_wait3A_132 = tpu.memref_slice %arg9[%run_scoped3A_97, %dma_wait3A] : memref<2x100xi32, #tpu.memory_space<vmem>> -> memref<1x100xi32, #tpu.memory_space<vmem>>
        %dma_wait3A_133 = tpu.memref_squeeze %dma_wait3A_132 : memref<1x100xi32, #tpu.memory_space<vmem>> -> memref<100xi32, #tpu.memory_space<vmem>>
        %dma_wait3A_134 = arith.constant 0 : i32
        %dma_wait3A_135 = tpu.memref_slice %arg4[%arg1, %run_scoped3A_96, %dma_wait3A_134] : memref<16x100x100xi32, #tpu.memory_space<hbm>> -> memref<1x1x100xi32, #tpu.memory_space<hbm>>
        %dma_wait3A_136 = tpu.memref_squeeze %dma_wait3A_135 : memref<1x1x100xi32, #tpu.memory_space<hbm>> -> memref<100xi32, #tpu.memory_space<hbm>>
        %dma_wait3A_137 = arith.constant 0 : i32
        %dma_wait3A_138 = tpu.memref_slice %arg9[%run_scoped3A_97, %dma_wait3A_137] : memref<2x100xi32, #tpu.memory_space<vmem>> -> memref<1x100xi32, #tpu.memory_space<vmem>>
        %dma_wait3A_139 = tpu.memref_squeeze %dma_wait3A_138 : memref<1x100xi32, #tpu.memory_space<vmem>> -> memref<100xi32, #tpu.memory_space<vmem>>
        %dma_wait3A_140 = arith.constant 0 : i32
        %dma_wait3A_141 = tpu.memref_slice %arg4[%arg1, %run_scoped3A_96, %dma_wait3A_140] : memref<16x100x100xi32, #tpu.memory_space<hbm>> -> memref<1x1x100xi32, #tpu.memory_space<hbm>>
        %dma_wait3A_142 = tpu.memref_squeeze %dma_wait3A_141 : memref<1x1x100xi32, #tpu.memory_space<hbm>> -> memref<100xi32, #tpu.memory_space<hbm>>
        tpu.wait_dma2 semaphore(%run_scoped3A_119 : memref<!tpu.dma_semaphore, #tpu.memory_space<semaphore_mem>>) src(%dma_wait3A_142 : memref<100xi32, #tpu.memory_space<hbm>>) dst(%dma_wait3A_139 : memref<100xi32, #tpu.memory_space<vmem>>)
        tpu.yield
      }) : () -> ()
      %run_scoped3A_98 = arith.constant 1 : i32
      %run_scoped3A_99 = arith.constant 1 : i32
      "tpu.region"() ({
        %run_scoped3A_119 = tpu.sem_alloc : memref<!tpu.dma_semaphore, #tpu.memory_space<semaphore_mem>>
        %dma_start3A_120 = arith.constant 0 : i32
        %dma_start3A_121 = tpu.memref_slice %arg10[%run_scoped3A_99, %dma_start3A_120] : memref<2x100xi32, #tpu.memory_space<vmem>> -> memref<1x100xi32, #tpu.memory_space<vmem>>
        %dma_start3A_122 = tpu.memref_squeeze %dma_start3A_121 : memref<1x100xi32, #tpu.memory_space<vmem>> -> memref<100xi32, #tpu.memory_space<vmem>>
        %dma_start3A_123 = arith.constant 0 : i32
        %dma_start3A_124 = tpu.memref_slice %arg5[%arg1, %run_scoped3A_98, %dma_start3A_123] : memref<16x100x100xi32, #tpu.memory_space<hbm>> -> memref<1x1x100xi32, #tpu.memory_space<hbm>>
        %dma_start3A_125 = tpu.memref_squeeze %dma_start3A_124 : memref<1x1x100xi32, #tpu.memory_space<hbm>> -> memref<100xi32, #tpu.memory_space<hbm>>
        %dma_start3A_126 = arith.constant 0 : i32
        %dma_start3A_127 = tpu.memref_slice %arg10[%run_scoped3A_99, %dma_start3A_126] : memref<2x100xi32, #tpu.memory_space<vmem>> -> memref<1x100xi32, #tpu.memory_space<vmem>>
        %dma_start3A_128 = tpu.memref_squeeze %dma_start3A_127 : memref<1x100xi32, #tpu.memory_space<vmem>> -> memref<100xi32, #tpu.memory_space<vmem>>
        %dma_start3A_129 = arith.constant 0 : i32
        %dma_start3A_130 = tpu.memref_slice %arg5[%arg1, %run_scoped3A_98, %dma_start3A_129] : memref<16x100x100xi32, #tpu.memory_space<hbm>> -> memref<1x1x100xi32, #tpu.memory_space<hbm>>
        %dma_start3A_131 = tpu.memref_squeeze %dma_start3A_130 : memref<1x1x100xi32, #tpu.memory_space<hbm>> -> memref<100xi32, #tpu.memory_space<hbm>>
        tpu.enqueue_dma source(%dma_start3A_131 : memref<100xi32, #tpu.memory_space<hbm>>) target(%dma_start3A_128 : memref<100xi32, #tpu.memory_space<vmem>>) target_semaphore(%run_scoped3A_119 : memref<!tpu.dma_semaphore, #tpu.memory_space<semaphore_mem>>)
        %dma_wait3A = arith.constant 0 : i32
        %dma_wait3A_132 = tpu.memref_slice %arg10[%run_scoped3A_99, %dma_wait3A] : memref<2x100xi32, #tpu.memory_space<vmem>> -> memref<1x100xi32, #tpu.memory_space<vmem>>
        %dma_wait3A_133 = tpu.memref_squeeze %dma_wait3A_132 : memref<1x100xi32, #tpu.memory_space<vmem>> -> memref<100xi32, #tpu.memory_space<vmem>>
        %dma_wait3A_134 = arith.constant 0 : i32
        %dma_wait3A_135 = tpu.memref_slice %arg5[%arg1, %run_scoped3A_98, %dma_wait3A_134] : memref<16x100x100xi32, #tpu.memory_space<hbm>> -> memref<1x1x100xi32, #tpu.memory_space<hbm>>
        %dma_wait3A_136 = tpu.memref_squeeze %dma_wait3A_135 : memref<1x1x100xi32, #tpu.memory_space<hbm>> -> memref<100xi32, #tpu.memory_space<hbm>>
        %dma_wait3A_137 = arith.constant 0 : i32
        %dma_wait3A_138 = tpu.memref_slice %arg10[%run_scoped3A_99, %dma_wait3A_137] : memref<2x100xi32, #tpu.memory_space<vmem>> -> memref<1x100xi32, #tpu.memory_space<vmem>>
        %dma_wait3A_139 = tpu.memref_squeeze %dma_wait3A_138 : memref<1x100xi32, #tpu.memory_space<vmem>> -> memref<100xi32, #tpu.memory_space<vmem>>
        %dma_wait3A_140 = arith.constant 0 : i32
        %dma_wait3A_141 = tpu.memref_slice %arg5[%arg1, %run_scoped3A_98, %dma_wait3A_140] : memref<16x100x100xi32, #tpu.memory_space<hbm>> -> memref<1x1x100xi32, #tpu.memory_space<hbm>>
        %dma_wait3A_142 = tpu.memref_squeeze %dma_wait3A_141 : memref<1x1x100xi32, #tpu.memory_space<hbm>> -> memref<100xi32, #tpu.memory_space<hbm>>
        tpu.wait_dma2 semaphore(%run_scoped3A_119 : memref<!tpu.dma_semaphore, #tpu.memory_space<semaphore_mem>>) src(%dma_wait3A_142 : memref<100xi32, #tpu.memory_space<hbm>>) dst(%dma_wait3A_139 : memref<100xi32, #tpu.memory_space<vmem>>)
        tpu.yield
      }) : () -> ()
      %dma_start3A = arith.constant 0 : i32
      %dma_start3A_100 = arith.constant 0 : i32
      %dma_start3A_101 = arith.constant 0 : i32
      %dma_start3A_102 = arith.constant 0 : i32
      %dma_start3A_103 = tpu.memref_slice %arg8[%dma_start3A_100, %dma_start3A_101, %dma_start3A_102] : memref<2x100x128xf32, #tpu.memory_space<vmem>> -> memref<1x100x128xf32, #tpu.memory_space<vmem>>
      %dma_start3A_104 = tpu.memref_squeeze %dma_start3A_103 : memref<1x100x128xf32, #tpu.memory_space<vmem>> -> memref<100x128xf32, #tpu.memory_space<vmem>>
      %dma_start3A_105 = arith.constant 0 : i32
      %dma_start3A_106 = tpu.memref_slice %arg9[%dma_start3A, %dma_start3A_105] : memref<2x100xi32, #tpu.memory_space<vmem>> -> memref<1x100xi32, #tpu.memory_space<vmem>>
      %dma_start3A_107 = tpu.memref_squeeze %dma_start3A_106 : memref<1x100xi32, #tpu.memory_space<vmem>> -> memref<100xi32, #tpu.memory_space<vmem>>
      %dma_start3A_108 = arith.constant 0 : i32
      %dma_start3A_109 = arith.constant 0 : i32
      %dma_start3A_110 = tpu.memref_slice %arg3[%dma_start3A_108, %dma_start3A_109] : memref<10000x128xf32, #tpu.memory_space<hbm>> -> memref<10000x128xf32, #tpu.memory_space<hbm>>
      tpu.enqueue_indirect_dma source(%dma_start3A_110 : memref<10000x128xf32, #tpu.memory_space<hbm>>) target(%dma_start3A_104 : memref<100x128xf32, #tpu.memory_space<vmem>>) offsets(%dma_start3A_107 : memref<100xi32, #tpu.memory_space<vmem>>) semaphore(%arg13 : memref<!tpu.dma_semaphore, #tpu.memory_space<semaphore_mem>>)
      %scan3A_111 = arith.constant 0 : i32
      %scan3A_112 = arith.constant 0 : i32
      %scan3A_113 = arith.constant 50 : i32
      %scan3A_114 = arith.addi %scan3A_112, %scan3A_113 : i32
      %scan3A_115 = arith.constant 1 : i32
      %scan3A_116 = scf.for %scan3A_119 = %scan3A_112 to %scan3A_114 step %scan3A_115 iter_args(%scan3A_120 = %scan3A_111) -> (i32)  : i32 {
        %mul3A_121 = arith.constant 2 : i32
        %mul3A_122 = arith.muli %mul3A_121, %scan3A_119 : i32
        %add3A_123 = arith.constant 1 : i32
        %add3A_124 = arith.addi %mul3A_122, %add3A_123 : i32
        %dma_start3A_125 = arith.constant 1 : i32
        %dma_start3A_126 = arith.constant 1 : i32
        %dma_start3A_127 = arith.constant 0 : i32
        %dma_start3A_128 = arith.constant 0 : i32
        %dma_start3A_129 = tpu.memref_slice %arg8[%dma_start3A_126, %dma_start3A_127, %dma_start3A_128] : memref<2x100x128xf32, #tpu.memory_space<vmem>> -> memref<1x100x128xf32, #tpu.memory_space<vmem>>
        %dma_start3A_130 = tpu.memref_squeeze %dma_start3A_129 : memref<1x100x128xf32, #tpu.memory_space<vmem>> -> memref<100x128xf32, #tpu.memory_space<vmem>>
        %dma_start3A_131 = arith.constant 0 : i32
        %dma_start3A_132 = tpu.memref_slice %arg9[%dma_start3A_125, %dma_start3A_131] : memref<2x100xi32, #tpu.memory_space<vmem>> -> memref<1x100xi32, #tpu.memory_space<vmem>>
        %dma_start3A_133 = tpu.memref_squeeze %dma_start3A_132 : memref<1x100xi32, #tpu.memory_space<vmem>> -> memref<100xi32, #tpu.memory_space<vmem>>
        %dma_start3A_134 = arith.constant 0 : i32
        %dma_start3A_135 = arith.constant 0 : i32
        %dma_start3A_136 = tpu.memref_slice %arg3[%dma_start3A_134, %dma_start3A_135] : memref<10000x128xf32, #tpu.memory_space<hbm>> -> memref<10000x128xf32, #tpu.memory_space<hbm>>
        tpu.enqueue_indirect_dma source(%dma_start3A_136 : memref<10000x128xf32, #tpu.memory_space<hbm>>) target(%dma_start3A_130 : memref<100x128xf32, #tpu.memory_space<vmem>>) offsets(%dma_start3A_133 : memref<100xi32, #tpu.memory_space<vmem>>) semaphore(%arg14 : memref<!tpu.dma_semaphore, #tpu.memory_space<semaphore_mem>>)
        %dma_wait3A = arith.constant 0 : i32
        %dma_wait3A_137 = arith.constant 0 : i32
        %dma_wait3A_138 = arith.constant 0 : i32
        %dma_wait3A_139 = arith.constant 0 : i32
        %dma_wait3A_140 = tpu.memref_slice %arg8[%dma_wait3A_137, %dma_wait3A_138, %dma_wait3A_139] : memref<2x100x128xf32, #tpu.memory_space<vmem>> -> memref<1x100x128xf32, #tpu.memory_space<vmem>>
        %dma_wait3A_141 = tpu.memref_squeeze %dma_wait3A_140 : memref<1x100x128xf32, #tpu.memory_space<vmem>> -> memref<100x128xf32, #tpu.memory_space<vmem>>
        %dma_wait3A_142 = arith.constant 0 : i32
        %dma_wait3A_143 = tpu.memref_slice %arg9[%dma_wait3A, %dma_wait3A_142] : memref<2x100xi32, #tpu.memory_space<vmem>> -> memref<1x100xi32, #tpu.memory_space<vmem>>
        %dma_wait3A_144 = tpu.memref_squeeze %dma_wait3A_143 : memref<1x100xi32, #tpu.memory_space<vmem>> -> memref<100xi32, #tpu.memory_space<vmem>>
        %dma_wait3A_145 = arith.constant 0 : i32
        %dma_wait3A_146 = arith.constant 0 : i32
        %dma_wait3A_147 = tpu.memref_slice %arg3[%dma_wait3A_145, %dma_wait3A_146] : memref<10000x128xf32, #tpu.memory_space<hbm>> -> memref<10000x128xf32, #tpu.memory_space<hbm>>
        tpu.wait_indirect_dma semaphore(%arg13 : memref<!tpu.dma_semaphore, #tpu.memory_space<semaphore_mem>>) src(%dma_wait3A_147 : memref<10000x128xf32, #tpu.memory_space<hbm>>) dst(%dma_wait3A_141 : memref<100x128xf32, #tpu.memory_space<vmem>>)
        %run_scoped3A_148 = arith.constant 0 : i32
        %run_scoped3A_149 = arith.constant 0 : i32
        "tpu.region"() ({
          %run_scoped3A_180 = tpu.sem_alloc : memref<!tpu.dma_semaphore, #tpu.memory_space<semaphore_mem>>
          %dma_start3A_181 = arith.constant 0 : i32
          %dma_start3A_182 = arith.constant 0 : i32
          %dma_start3A_183 = tpu.memref_slice %arg8[%run_scoped3A_148, %dma_start3A_181, %dma_start3A_182] : memref<2x100x128xf32, #tpu.memory_space<vmem>> -> memref<1x100x128xf32, #tpu.memory_space<vmem>>
          %dma_start3A_184 = tpu.memref_squeeze %dma_start3A_183 : memref<1x100x128xf32, #tpu.memory_space<vmem>> -> memref<100x128xf32, #tpu.memory_space<vmem>>
          %dma_start3A_185 = arith.constant 0 : i32
          %dma_start3A_186 = tpu.memref_slice %arg10[%run_scoped3A_149, %dma_start3A_185] : memref<2x100xi32, #tpu.memory_space<vmem>> -> memref<1x100xi32, #tpu.memory_space<vmem>>
          %dma_start3A_187 = tpu.memref_squeeze %dma_start3A_186 : memref<1x100xi32, #tpu.memory_space<vmem>> -> memref<100xi32, #tpu.memory_space<vmem>>
          %dma_start3A_188 = arith.constant 0 : i32
          %dma_start3A_189 = arith.constant 0 : i32
          %dma_start3A_190 = tpu.memref_slice %arg12[%dma_start3A_188, %dma_start3A_189] : memref<10000x128xf32, #tpu.memory_space<vmem_shared>> -> memref<10000x128xf32, #tpu.memory_space<vmem_shared>>
          tpu.enqueue_indirect_dma source(%dma_start3A_184 : memref<100x128xf32, #tpu.memory_space<vmem>>) target(%dma_start3A_190 : memref<10000x128xf32, #tpu.memory_space<vmem_shared>>) offsets(%dma_start3A_187 : memref<100xi32, #tpu.memory_space<vmem>>) semaphore(%run_scoped3A_180 : memref<!tpu.dma_semaphore, #tpu.memory_space<semaphore_mem>>) {add = true}
          %dma_wait3A_191 = arith.constant 0 : i32
          %dma_wait3A_192 = arith.constant 0 : i32
          %dma_wait3A_193 = tpu.memref_slice %arg8[%run_scoped3A_148, %dma_wait3A_191, %dma_wait3A_192] : memref<2x100x128xf32, #tpu.memory_space<vmem>> -> memref<1x100x128xf32, #tpu.memory_space<vmem>>
          %dma_wait3A_194 = tpu.memref_squeeze %dma_wait3A_193 : memref<1x100x128xf32, #tpu.memory_space<vmem>> -> memref<100x128xf32, #tpu.memory_space<vmem>>
          %dma_wait3A_195 = arith.constant 0 : i32
          %dma_wait3A_196 = tpu.memref_slice %arg10[%run_scoped3A_149, %dma_wait3A_195] : memref<2x100xi32, #tpu.memory_space<vmem>> -> memref<1x100xi32, #tpu.memory_space<vmem>>
          %dma_wait3A_197 = tpu.memref_squeeze %dma_wait3A_196 : memref<1x100xi32, #tpu.memory_space<vmem>> -> memref<100xi32, #tpu.memory_space<vmem>>
          %dma_wait3A_198 = arith.constant 0 : i32
          %dma_wait3A_199 = arith.constant 0 : i32
          %dma_wait3A_200 = tpu.memref_slice %arg12[%dma_wait3A_198, %dma_wait3A_199] : memref<10000x128xf32, #tpu.memory_space<vmem_shared>> -> memref<10000x128xf32, #tpu.memory_space<vmem_shared>>
          tpu.wait_indirect_dma semaphore(%run_scoped3A_180 : memref<!tpu.dma_semaphore, #tpu.memory_space<semaphore_mem>>) src(%dma_wait3A_194 : memref<100x128xf32, #tpu.memory_space<vmem>>) dst(%dma_wait3A_200 : memref<10000x128xf32, #tpu.memory_space<vmem_shared>>)
          tpu.yield
        }) : () -> ()
        %add3A_150 = arith.constant 2 : i32
        %add3A_151 = arith.addi %mul3A_122, %add3A_150 : i32
        %lt3A = arith.constant 100 : i32
        %lt3A_152 = arith.cmpi slt, %add3A_151, %lt3A : i32
        %convert_element_type3A_153 = arith.extui %lt3A_152 : i1 to i32
        %cond3A_154 = arith.constant 0 : i32
        %cond3A_155 = arith.cmpi ne, %convert_element_type3A_153, %cond3A_154 : i32
        scf.if %cond3A_155 {
          %add3A_180 = arith.constant 2 : i32
          %add3A_181 = arith.addi %mul3A_122, %add3A_180 : i32
          %run_scoped3A_182 = arith.constant 0 : i32
          "tpu.region"() ({
            %run_scoped3A_198 = tpu.sem_alloc : memref<!tpu.dma_semaphore, #tpu.memory_space<semaphore_mem>>
            %dma_start3A_199 = arith.constant 0 : i32
            %dma_start3A_200 = tpu.memref_slice %arg9[%run_scoped3A_182, %dma_start3A_199] : memref<2x100xi32, #tpu.memory_space<vmem>> -> memref<1x100xi32, #tpu.memory_space<vmem>>
            %dma_start3A_201 = tpu.memref_squeeze %dma_start3A_200 : memref<1x100xi32, #tpu.memory_space<vmem>> -> memref<100xi32, #tpu.memory_space<vmem>>
            %dma_start3A_202 = arith.constant 0 : i32
            %dma_start3A_203 = tpu.memref_slice %arg4[%arg1, %add3A_181, %dma_start3A_202] : memref<16x100x100xi32, #tpu.memory_space<hbm>> -> memref<1x1x100xi32, #tpu.memory_space<hbm>>
            %dma_start3A_204 = tpu.memref_squeeze %dma_start3A_203 : memref<1x1x100xi32, #tpu.memory_space<hbm>> -> memref<100xi32, #tpu.memory_space<hbm>>
            %dma_start3A_205 = arith.constant 0 : i32
            %dma_start3A_206 = tpu.memref_slice %arg9[%run_scoped3A_182, %dma_start3A_205] : memref<2x100xi32, #tpu.memory_space<vmem>> -> memref<1x100xi32, #tpu.memory_space<vmem>>
            %dma_start3A_207 = tpu.memref_squeeze %dma_start3A_206 : memref<1x100xi32, #tpu.memory_space<vmem>> -> memref<100xi32, #tpu.memory_space<vmem>>
            %dma_start3A_208 = arith.constant 0 : i32
            %dma_start3A_209 = tpu.memref_slice %arg4[%arg1, %add3A_181, %dma_start3A_208] : memref<16x100x100xi32, #tpu.memory_space<hbm>> -> memref<1x1x100xi32, #tpu.memory_space<hbm>>
            %dma_start3A_210 = tpu.memref_squeeze %dma_start3A_209 : memref<1x1x100xi32, #tpu.memory_space<hbm>> -> memref<100xi32, #tpu.memory_space<hbm>>
            tpu.enqueue_dma source(%dma_start3A_210 : memref<100xi32, #tpu.memory_space<hbm>>) target(%dma_start3A_207 : memref<100xi32, #tpu.memory_space<vmem>>) target_semaphore(%run_scoped3A_198 : memref<!tpu.dma_semaphore, #tpu.memory_space<semaphore_mem>>)
            %dma_wait3A_211 = arith.constant 0 : i32
            %dma_wait3A_212 = tpu.memref_slice %arg9[%run_scoped3A_182, %dma_wait3A_211] : memref<2x100xi32, #tpu.memory_space<vmem>> -> memref<1x100xi32, #tpu.memory_space<vmem>>
            %dma_wait3A_213 = tpu.memref_squeeze %dma_wait3A_212 : memref<1x100xi32, #tpu.memory_space<vmem>> -> memref<100xi32, #tpu.memory_space<vmem>>
            %dma_wait3A_214 = arith.constant 0 : i32
            %dma_wait3A_215 = tpu.memref_slice %arg4[%arg1, %add3A_181, %dma_wait3A_214] : memref<16x100x100xi32, #tpu.memory_space<hbm>> -> memref<1x1x100xi32, #tpu.memory_space<hbm>>
            %dma_wait3A_216 = tpu.memref_squeeze %dma_wait3A_215 : memref<1x1x100xi32, #tpu.memory_space<hbm>> -> memref<100xi32, #tpu.memory_space<hbm>>
            %dma_wait3A_217 = arith.constant 0 : i32
            %dma_wait3A_218 = tpu.memref_slice %arg9[%run_scoped3A_182, %dma_wait3A_217] : memref<2x100xi32, #tpu.memory_space<vmem>> -> memref<1x100xi32, #tpu.memory_space<vmem>>
            %dma_wait3A_219 = tpu.memref_squeeze %dma_wait3A_218 : memref<1x100xi32, #tpu.memory_space<vmem>> -> memref<100xi32, #tpu.memory_space<vmem>>
            %dma_wait3A_220 = arith.constant 0 : i32
            %dma_wait3A_221 = tpu.memref_slice %arg4[%arg1, %add3A_181, %dma_wait3A_220] : memref<16x100x100xi32, #tpu.memory_space<hbm>> -> memref<1x1x100xi32, #tpu.memory_space<hbm>>
            %dma_wait3A_222 = tpu.memref_squeeze %dma_wait3A_221 : memref<1x1x100xi32, #tpu.memory_space<hbm>> -> memref<100xi32, #tpu.memory_space<hbm>>
            tpu.wait_dma2 semaphore(%run_scoped3A_198 : memref<!tpu.dma_semaphore, #tpu.memory_space<semaphore_mem>>) src(%dma_wait3A_222 : memref<100xi32, #tpu.memory_space<hbm>>) dst(%dma_wait3A_219 : memref<100xi32, #tpu.memory_space<vmem>>)
            tpu.yield
          }) : () -> ()
          %run_scoped3A_183 = arith.constant 0 : i32
          "tpu.region"() ({
            %run_scoped3A_198 = tpu.sem_alloc : memref<!tpu.dma_semaphore, #tpu.memory_space<semaphore_mem>>
            %dma_start3A_199 = arith.constant 0 : i32
            %dma_start3A_200 = tpu.memref_slice %arg10[%run_scoped3A_183, %dma_start3A_199] : memref<2x100xi32, #tpu.memory_space<vmem>> -> memref<1x100xi32, #tpu.memory_space<vmem>>
            %dma_start3A_201 = tpu.memref_squeeze %dma_start3A_200 : memref<1x100xi32, #tpu.memory_space<vmem>> -> memref<100xi32, #tpu.memory_space<vmem>>
            %dma_start3A_202 = arith.constant 0 : i32
            %dma_start3A_203 = tpu.memref_slice %arg5[%arg1, %add3A_181, %dma_start3A_202] : memref<16x100x100xi32, #tpu.memory_space<hbm>> -> memref<1x1x100xi32, #tpu.memory_space<hbm>>
            %dma_start3A_204 = tpu.memref_squeeze %dma_start3A_203 : memref<1x1x100xi32, #tpu.memory_space<hbm>> -> memref<100xi32, #tpu.memory_space<hbm>>
            %dma_start3A_205 = arith.constant 0 : i32
            %dma_start3A_206 = tpu.memref_slice %arg10[%run_scoped3A_183, %dma_start3A_205] : memref<2x100xi32, #tpu.memory_space<vmem>> -> memref<1x100xi32, #tpu.memory_space<vmem>>
            %dma_start3A_207 = tpu.memref_squeeze %dma_start3A_206 : memref<1x100xi32, #tpu.memory_space<vmem>> -> memref<100xi32, #tpu.memory_space<vmem>>
            %dma_start3A_208 = arith.constant 0 : i32
            %dma_start3A_209 = tpu.memref_slice %arg5[%arg1, %add3A_181, %dma_start3A_208] : memref<16x100x100xi32, #tpu.memory_space<hbm>> -> memref<1x1x100xi32, #tpu.memory_space<hbm>>
            %dma_start3A_210 = tpu.memref_squeeze %dma_start3A_209 : memref<1x1x100xi32, #tpu.memory_space<hbm>> -> memref<100xi32, #tpu.memory_space<hbm>>
            tpu.enqueue_dma source(%dma_start3A_210 : memref<100xi32, #tpu.memory_space<hbm>>) target(%dma_start3A_207 : memref<100xi32, #tpu.memory_space<vmem>>) target_semaphore(%run_scoped3A_198 : memref<!tpu.dma_semaphore, #tpu.memory_space<semaphore_mem>>)
            %dma_wait3A_211 = arith.constant 0 : i32
            %dma_wait3A_212 = tpu.memref_slice %arg10[%run_scoped3A_183, %dma_wait3A_211] : memref<2x100xi32, #tpu.memory_space<vmem>> -> memref<1x100xi32, #tpu.memory_space<vmem>>
            %dma_wait3A_213 = tpu.memref_squeeze %dma_wait3A_212 : memref<1x100xi32, #tpu.memory_space<vmem>> -> memref<100xi32, #tpu.memory_space<vmem>>
            %dma_wait3A_214 = arith.constant 0 : i32
            %dma_wait3A_215 = tpu.memref_slice %arg5[%arg1, %add3A_181, %dma_wait3A_214] : memref<16x100x100xi32, #tpu.memory_space<hbm>> -> memref<1x1x100xi32, #tpu.memory_space<hbm>>
            %dma_wait3A_216 = tpu.memref_squeeze %dma_wait3A_215 : memref<1x1x100xi32, #tpu.memory_space<hbm>> -> memref<100xi32, #tpu.memory_space<hbm>>
            %dma_wait3A_217 = arith.constant 0 : i32
            %dma_wait3A_218 = tpu.memref_slice %arg10[%run_scoped3A_183, %dma_wait3A_217] : memref<2x100xi32, #tpu.memory_space<vmem>> -> memref<1x100xi32, #tpu.memory_space<vmem>>
            %dma_wait3A_219 = tpu.memref_squeeze %dma_wait3A_218 : memref<1x100xi32, #tpu.memory_space<vmem>> -> memref<100xi32, #tpu.memory_space<vmem>>
            %dma_wait3A_220 = arith.constant 0 : i32
            %dma_wait3A_221 = tpu.memref_slice %arg5[%arg1, %add3A_181, %dma_wait3A_220] : memref<16x100x100xi32, #tpu.memory_space<hbm>> -> memref<1x1x100xi32, #tpu.memory_space<hbm>>
            %dma_wait3A_222 = tpu.memref_squeeze %dma_wait3A_221 : memref<1x1x100xi32, #tpu.memory_space<hbm>> -> memref<100xi32, #tpu.memory_space<hbm>>
            tpu.wait_dma2 semaphore(%run_scoped3A_198 : memref<!tpu.dma_semaphore, #tpu.memory_space<semaphore_mem>>) src(%dma_wait3A_222 : memref<100xi32, #tpu.memory_space<hbm>>) dst(%dma_wait3A_219 : memref<100xi32, #tpu.memory_space<vmem>>)
            tpu.yield
          }) : () -> ()
          %add3A_184 = arith.constant 2 : i32
          %add3A_185 = arith.addi %mul3A_122, %add3A_184 : i32
          %dma_start3A_186 = arith.constant 0 : i32
          %dma_start3A_187 = arith.constant 0 : i32
          %dma_start3A_188 = arith.constant 0 : i32
          %dma_start3A_189 = arith.constant 0 : i32
          %dma_start3A_190 = tpu.memref_slice %arg8[%dma_start3A_187, %dma_start3A_188, %dma_start3A_189] : memref<2x100x128xf32, #tpu.memory_space<vmem>> -> memref<1x100x128xf32, #tpu.memory_space<vmem>>
          %dma_start3A_191 = tpu.memref_squeeze %dma_start3A_190 : memref<1x100x128xf32, #tpu.memory_space<vmem>> -> memref<100x128xf32, #tpu.memory_space<vmem>>
          %dma_start3A_192 = arith.constant 0 : i32
          %dma_start3A_193 = tpu.memref_slice %arg9[%dma_start3A_186, %dma_start3A_192] : memref<2x100xi32, #tpu.memory_space<vmem>> -> memref<1x100xi32, #tpu.memory_space<vmem>>
          %dma_start3A_194 = tpu.memref_squeeze %dma_start3A_193 : memref<1x100xi32, #tpu.memory_space<vmem>> -> memref<100xi32, #tpu.memory_space<vmem>>
          %dma_start3A_195 = arith.constant 0 : i32
          %dma_start3A_196 = arith.constant 0 : i32
          %dma_start3A_197 = tpu.memref_slice %arg3[%dma_start3A_195, %dma_start3A_196] : memref<10000x128xf32, #tpu.memory_space<hbm>> -> memref<10000x128xf32, #tpu.memory_space<hbm>>
          tpu.enqueue_indirect_dma source(%dma_start3A_197 : memref<10000x128xf32, #tpu.memory_space<hbm>>) target(%dma_start3A_191 : memref<100x128xf32, #tpu.memory_space<vmem>>) offsets(%dma_start3A_194 : memref<100xi32, #tpu.memory_space<vmem>>) semaphore(%arg13 : memref<!tpu.dma_semaphore, #tpu.memory_space<semaphore_mem>>)
        } else {
        }
        %add3A_156 = arith.constant 1 : i32
        %add3A_157 = arith.addi %mul3A_122, %add3A_156 : i32
        %dma_wait3A_158 = arith.constant 1 : i32
        %dma_wait3A_159 = arith.constant 1 : i32
        %dma_wait3A_160 = arith.constant 0 : i32
        %dma_wait3A_161 = arith.constant 0 : i32
        %dma_wait3A_162 = tpu.memref_slice %arg8[%dma_wait3A_159, %dma_wait3A_160, %dma_wait3A_161] : memref<2x100x128xf32, #tpu.memory_space<vmem>> -> memref<1x100x128xf32, #tpu.memory_space<vmem>>
        %dma_wait3A_163 = tpu.memref_squeeze %dma_wait3A_162 : memref<1x100x128xf32, #tpu.memory_space<vmem>> -> memref<100x128xf32, #tpu.memory_space<vmem>>
        %dma_wait3A_164 = arith.constant 0 : i32
        %dma_wait3A_165 = tpu.memref_slice %arg9[%dma_wait3A_158, %dma_wait3A_164] : memref<2x100xi32, #tpu.memory_space<vmem>> -> memref<1x100xi32, #tpu.memory_space<vmem>>
        %dma_wait3A_166 = tpu.memref_squeeze %dma_wait3A_165 : memref<1x100xi32, #tpu.memory_space<vmem>> -> memref<100xi32, #tpu.memory_space<vmem>>
        %dma_wait3A_167 = arith.constant 0 : i32
        %dma_wait3A_168 = arith.constant 0 : i32
        %dma_wait3A_169 = tpu.memref_slice %arg3[%dma_wait3A_167, %dma_wait3A_168] : memref<10000x128xf32, #tpu.memory_space<hbm>> -> memref<10000x128xf32, #tpu.memory_space<hbm>>
        tpu.wait_indirect_dma semaphore(%arg14 : memref<!tpu.dma_semaphore, #tpu.memory_space<semaphore_mem>>) src(%dma_wait3A_169 : memref<10000x128xf32, #tpu.memory_space<hbm>>) dst(%dma_wait3A_163 : memref<100x128xf32, #tpu.memory_space<vmem>>)
        %run_scoped3A_170 = arith.constant 1 : i32
        %run_scoped3A_171 = arith.constant 1 : i32
        "tpu.region"() ({
          %run_scoped3A_180 = tpu.sem_alloc : memref<!tpu.dma_semaphore, #tpu.memory_space<semaphore_mem>>
          %dma_start3A_181 = arith.constant 0 : i32
          %dma_start3A_182 = arith.constant 0 : i32
          %dma_start3A_183 = tpu.memref_slice %arg8[%run_scoped3A_170, %dma_start3A_181, %dma_start3A_182] : memref<2x100x128xf32, #tpu.memory_space<vmem>> -> memref<1x100x128xf32, #tpu.memory_space<vmem>>
          %dma_start3A_184 = tpu.memref_squeeze %dma_start3A_183 : memref<1x100x128xf32, #tpu.memory_space<vmem>> -> memref<100x128xf32, #tpu.memory_space<vmem>>
          %dma_start3A_185 = arith.constant 0 : i32
          %dma_start3A_186 = tpu.memref_slice %arg10[%run_scoped3A_171, %dma_start3A_185] : memref<2x100xi32, #tpu.memory_space<vmem>> -> memref<1x100xi32, #tpu.memory_space<vmem>>
          %dma_start3A_187 = tpu.memref_squeeze %dma_start3A_186 : memref<1x100xi32, #tpu.memory_space<vmem>> -> memref<100xi32, #tpu.memory_space<vmem>>
          %dma_start3A_188 = arith.constant 0 : i32
          %dma_start3A_189 = arith.constant 0 : i32
          %dma_start3A_190 = tpu.memref_slice %arg12[%dma_start3A_188, %dma_start3A_189] : memref<10000x128xf32, #tpu.memory_space<vmem_shared>> -> memref<10000x128xf32, #tpu.memory_space<vmem_shared>>
          tpu.enqueue_indirect_dma source(%dma_start3A_184 : memref<100x128xf32, #tpu.memory_space<vmem>>) target(%dma_start3A_190 : memref<10000x128xf32, #tpu.memory_space<vmem_shared>>) offsets(%dma_start3A_187 : memref<100xi32, #tpu.memory_space<vmem>>) semaphore(%run_scoped3A_180 : memref<!tpu.dma_semaphore, #tpu.memory_space<semaphore_mem>>) {add = true}
          %dma_wait3A_191 = arith.constant 0 : i32
          %dma_wait3A_192 = arith.constant 0 : i32
          %dma_wait3A_193 = tpu.memref_slice %arg8[%run_scoped3A_170, %dma_wait3A_191, %dma_wait3A_192] : memref<2x100x128xf32, #tpu.memory_space<vmem>> -> memref<1x100x128xf32, #tpu.memory_space<vmem>>
          %dma_wait3A_194 = tpu.memref_squeeze %dma_wait3A_193 : memref<1x100x128xf32, #tpu.memory_space<vmem>> -> memref<100x128xf32, #tpu.memory_space<vmem>>
          %dma_wait3A_195 = arith.constant 0 : i32
          %dma_wait3A_196 = tpu.memref_slice %arg10[%run_scoped3A_171, %dma_wait3A_195] : memref<2x100xi32, #tpu.memory_space<vmem>> -> memref<1x100xi32, #tpu.memory_space<vmem>>
          %dma_wait3A_197 = tpu.memref_squeeze %dma_wait3A_196 : memref<1x100xi32, #tpu.memory_space<vmem>> -> memref<100xi32, #tpu.memory_space<vmem>>
          %dma_wait3A_198 = arith.constant 0 : i32
          %dma_wait3A_199 = arith.constant 0 : i32
          %dma_wait3A_200 = tpu.memref_slice %arg12[%dma_wait3A_198, %dma_wait3A_199] : memref<10000x128xf32, #tpu.memory_space<vmem_shared>> -> memref<10000x128xf32, #tpu.memory_space<vmem_shared>>
          tpu.wait_indirect_dma semaphore(%run_scoped3A_180 : memref<!tpu.dma_semaphore, #tpu.memory_space<semaphore_mem>>) src(%dma_wait3A_194 : memref<100x128xf32, #tpu.memory_space<vmem>>) dst(%dma_wait3A_200 : memref<10000x128xf32, #tpu.memory_space<vmem_shared>>)
          tpu.yield
        }) : () -> ()
        %add3A_172 = arith.constant 3 : i32
        %add3A_173 = arith.addi %mul3A_122, %add3A_172 : i32
        %lt3A_174 = arith.constant 100 : i32
        %lt3A_175 = arith.cmpi slt, %add3A_173, %lt3A_174 : i32
        %convert_element_type3A_176 = arith.extui %lt3A_175 : i1 to i32
        %cond3A_177 = arith.constant 0 : i32
        %cond3A_178 = arith.cmpi ne, %convert_element_type3A_176, %cond3A_177 : i32
        scf.if %cond3A_178 {
          %add3A_180 = arith.constant 3 : i32
          %add3A_181 = arith.addi %mul3A_122, %add3A_180 : i32
          %run_scoped3A_182 = arith.constant 1 : i32
          "tpu.region"() ({
            %run_scoped3A_184 = tpu.sem_alloc : memref<!tpu.dma_semaphore, #tpu.memory_space<semaphore_mem>>
            %dma_start3A_185 = arith.constant 0 : i32
            %dma_start3A_186 = tpu.memref_slice %arg9[%run_scoped3A_182, %dma_start3A_185] : memref<2x100xi32, #tpu.memory_space<vmem>> -> memref<1x100xi32, #tpu.memory_space<vmem>>
            %dma_start3A_187 = tpu.memref_squeeze %dma_start3A_186 : memref<1x100xi32, #tpu.memory_space<vmem>> -> memref<100xi32, #tpu.memory_space<vmem>>
            %dma_start3A_188 = arith.constant 0 : i32
            %dma_start3A_189 = tpu.memref_slice %arg4[%arg1, %add3A_181, %dma_start3A_188] : memref<16x100x100xi32, #tpu.memory_space<hbm>> -> memref<1x1x100xi32, #tpu.memory_space<hbm>>
            %dma_start3A_190 = tpu.memref_squeeze %dma_start3A_189 : memref<1x1x100xi32, #tpu.memory_space<hbm>> -> memref<100xi32, #tpu.memory_space<hbm>>
            %dma_start3A_191 = arith.constant 0 : i32
            %dma_start3A_192 = tpu.memref_slice %arg9[%run_scoped3A_182, %dma_start3A_191] : memref<2x100xi32, #tpu.memory_space<vmem>> -> memref<1x100xi32, #tpu.memory_space<vmem>>
            %dma_start3A_193 = tpu.memref_squeeze %dma_start3A_192 : memref<1x100xi32, #tpu.memory_space<vmem>> -> memref<100xi32, #tpu.memory_space<vmem>>
            %dma_start3A_194 = arith.constant 0 : i32
            %dma_start3A_195 = tpu.memref_slice %arg4[%arg1, %add3A_181, %dma_start3A_194] : memref<16x100x100xi32, #tpu.memory_space<hbm>> -> memref<1x1x100xi32, #tpu.memory_space<hbm>>
            %dma_start3A_196 = tpu.memref_squeeze %dma_start3A_195 : memref<1x1x100xi32, #tpu.memory_space<hbm>> -> memref<100xi32, #tpu.memory_space<hbm>>
            tpu.enqueue_dma source(%dma_start3A_196 : memref<100xi32, #tpu.memory_space<hbm>>) target(%dma_start3A_193 : memref<100xi32, #tpu.memory_space<vmem>>) target_semaphore(%run_scoped3A_184 : memref<!tpu.dma_semaphore, #tpu.memory_space<semaphore_mem>>)
            %dma_wait3A_197 = arith.constant 0 : i32
            %dma_wait3A_198 = tpu.memref_slice %arg9[%run_scoped3A_182, %dma_wait3A_197] : memref<2x100xi32, #tpu.memory_space<vmem>> -> memref<1x100xi32, #tpu.memory_space<vmem>>
            %dma_wait3A_199 = tpu.memref_squeeze %dma_wait3A_198 : memref<1x100xi32, #tpu.memory_space<vmem>> -> memref<100xi32, #tpu.memory_space<vmem>>
            %dma_wait3A_200 = arith.constant 0 : i32
            %dma_wait3A_201 = tpu.memref_slice %arg4[%arg1, %add3A_181, %dma_wait3A_200] : memref<16x100x100xi32, #tpu.memory_space<hbm>> -> memref<1x1x100xi32, #tpu.memory_space<hbm>>
            %dma_wait3A_202 = tpu.memref_squeeze %dma_wait3A_201 : memref<1x1x100xi32, #tpu.memory_space<hbm>> -> memref<100xi32, #tpu.memory_space<hbm>>
            %dma_wait3A_203 = arith.constant 0 : i32
            %dma_wait3A_204 = tpu.memref_slice %arg9[%run_scoped3A_182, %dma_wait3A_203] : memref<2x100xi32, #tpu.memory_space<vmem>> -> memref<1x100xi32, #tpu.memory_space<vmem>>
            %dma_wait3A_205 = tpu.memref_squeeze %dma_wait3A_204 : memref<1x100xi32, #tpu.memory_space<vmem>> -> memref<100xi32, #tpu.memory_space<vmem>>
            %dma_wait3A_206 = arith.constant 0 : i32
            %dma_wait3A_207 = tpu.memref_slice %arg4[%arg1, %add3A_181, %dma_wait3A_206] : memref<16x100x100xi32, #tpu.memory_space<hbm>> -> memref<1x1x100xi32, #tpu.memory_space<hbm>>
            %dma_wait3A_208 = tpu.memref_squeeze %dma_wait3A_207 : memref<1x1x100xi32, #tpu.memory_space<hbm>> -> memref<100xi32, #tpu.memory_space<hbm>>
            tpu.wait_dma2 semaphore(%run_scoped3A_184 : memref<!tpu.dma_semaphore, #tpu.memory_space<semaphore_mem>>) src(%dma_wait3A_208 : memref<100xi32, #tpu.memory_space<hbm>>) dst(%dma_wait3A_205 : memref<100xi32, #tpu.memory_space<vmem>>)
            tpu.yield
          }) : () -> ()
          %run_scoped3A_183 = arith.constant 1 : i32
          "tpu.region"() ({
            %run_scoped3A_184 = tpu.sem_alloc : memref<!tpu.dma_semaphore, #tpu.memory_space<semaphore_mem>>
            %dma_start3A_185 = arith.constant 0 : i32
            %dma_start3A_186 = tpu.memref_slice %arg10[%run_scoped3A_183, %dma_start3A_185] : memref<2x100xi32, #tpu.memory_space<vmem>> -> memref<1x100xi32, #tpu.memory_space<vmem>>
            %dma_start3A_187 = tpu.memref_squeeze %dma_start3A_186 : memref<1x100xi32, #tpu.memory_space<vmem>> -> memref<100xi32, #tpu.memory_space<vmem>>
            %dma_start3A_188 = arith.constant 0 : i32
            %dma_start3A_189 = tpu.memref_slice %arg5[%arg1, %add3A_181, %dma_start3A_188] : memref<16x100x100xi32, #tpu.memory_space<hbm>> -> memref<1x1x100xi32, #tpu.memory_space<hbm>>
            %dma_start3A_190 = tpu.memref_squeeze %dma_start3A_189 : memref<1x1x100xi32, #tpu.memory_space<hbm>> -> memref<100xi32, #tpu.memory_space<hbm>>
            %dma_start3A_191 = arith.constant 0 : i32
            %dma_start3A_192 = tpu.memref_slice %arg10[%run_scoped3A_183, %dma_start3A_191] : memref<2x100xi32, #tpu.memory_space<vmem>> -> memref<1x100xi32, #tpu.memory_space<vmem>>
            %dma_start3A_193 = tpu.memref_squeeze %dma_start3A_192 : memref<1x100xi32, #tpu.memory_space<vmem>> -> memref<100xi32, #tpu.memory_space<vmem>>
            %dma_start3A_194 = arith.constant 0 : i32
            %dma_start3A_195 = tpu.memref_slice %arg5[%arg1, %add3A_181, %dma_start3A_194] : memref<16x100x100xi32, #tpu.memory_space<hbm>> -> memref<1x1x100xi32, #tpu.memory_space<hbm>>
            %dma_start3A_196 = tpu.memref_squeeze %dma_start3A_195 : memref<1x1x100xi32, #tpu.memory_space<hbm>> -> memref<100xi32, #tpu.memory_space<hbm>>
            tpu.enqueue_dma source(%dma_start3A_196 : memref<100xi32, #tpu.memory_space<hbm>>) target(%dma_start3A_193 : memref<100xi32, #tpu.memory_space<vmem>>) target_semaphore(%run_scoped3A_184 : memref<!tpu.dma_semaphore, #tpu.memory_space<semaphore_mem>>)
            %dma_wait3A_197 = arith.constant 0 : i32
            %dma_wait3A_198 = tpu.memref_slice %arg10[%run_scoped3A_183, %dma_wait3A_197] : memref<2x100xi32, #tpu.memory_space<vmem>> -> memref<1x100xi32, #tpu.memory_space<vmem>>
            %dma_wait3A_199 = tpu.memref_squeeze %dma_wait3A_198 : memref<1x100xi32, #tpu.memory_space<vmem>> -> memref<100xi32, #tpu.memory_space<vmem>>
            %dma_wait3A_200 = arith.constant 0 : i32
            %dma_wait3A_201 = tpu.memref_slice %arg5[%arg1, %add3A_181, %dma_wait3A_200] : memref<16x100x100xi32, #tpu.memory_space<hbm>> -> memref<1x1x100xi32, #tpu.memory_space<hbm>>
            %dma_wait3A_202 = tpu.memref_squeeze %dma_wait3A_201 : memref<1x1x100xi32, #tpu.memory_space<hbm>> -> memref<100xi32, #tpu.memory_space<hbm>>
            %dma_wait3A_203 = arith.constant 0 : i32
            %dma_wait3A_204 = tpu.memref_slice %arg10[%run_scoped3A_183, %dma_wait3A_203] : memref<2x100xi32, #tpu.memory_space<vmem>> -> memref<1x100xi32, #tpu.memory_space<vmem>>
            %dma_wait3A_205 = tpu.memref_squeeze %dma_wait3A_204 : memref<1x100xi32, #tpu.memory_space<vmem>> -> memref<100xi32, #tpu.memory_space<vmem>>
            %dma_wait3A_206 = arith.constant 0 : i32
            %dma_wait3A_207 = tpu.memref_slice %arg5[%arg1, %add3A_181, %dma_wait3A_206] : memref<16x100x100xi32, #tpu.memory_space<hbm>> -> memref<1x1x100xi32, #tpu.memory_space<hbm>>
            %dma_wait3A_208 = tpu.memref_squeeze %dma_wait3A_207 : memref<1x1x100xi32, #tpu.memory_space<hbm>> -> memref<100xi32, #tpu.memory_space<hbm>>
            tpu.wait_dma2 semaphore(%run_scoped3A_184 : memref<!tpu.dma_semaphore, #tpu.memory_space<semaphore_mem>>) src(%dma_wait3A_208 : memref<100xi32, #tpu.memory_space<hbm>>) dst(%dma_wait3A_205 : memref<100xi32, #tpu.memory_space<vmem>>)
            tpu.yield
          }) : () -> ()
        } else {
        }
        %scan3A_179 = arith.constant 0 : i32
        scf.yield %scan3A_179 : i32
      }
      %scan3A_117 = arith.constant 50 : i32
      %barrier3A_118 = arith.constant 0 : index
      tpu.barrier barrier_id(%barrier3A_118)
      "tpu.region"() ({
        %run_scoped3A_119 = tpu.sem_alloc : memref<!tpu.dma_semaphore, #tpu.memory_space<semaphore_mem>>
        %dma_start3A_120 = arith.constant 0 : i32
        %dma_start3A_121 = tpu.memref_slice %arg7[%mul3A_6, %dma_start3A_120] : memref<10000x128xf32, #tpu.memory_space<hbm>> -> memref<640x128xf32, #tpu.memory_space<hbm>>
        %dma_start3A_122 = arith.constant 0 : i32
        %dma_start3A_123 = tpu.memref_slice %arg12[%mul3A_6, %dma_start3A_122] : memref<10000x128xf32, #tpu.memory_space<vmem_shared>> -> memref<640x128xf32, #tpu.memory_space<vmem_shared>>
        tpu.enqueue_dma source(%dma_start3A_123 : memref<640x128xf32, #tpu.memory_space<vmem_shared>>) target(%dma_start3A_121 : memref<640x128xf32, #tpu.memory_space<hbm>>) target_semaphore(%run_scoped3A_119 : memref<!tpu.dma_semaphore, #tpu.memory_space<semaphore_mem>>)
        %dma_wait3A = arith.constant 0 : i32
        %dma_wait3A_124 = tpu.memref_slice %arg7[%mul3A_6, %dma_wait3A] : memref<10000x128xf32, #tpu.memory_space<hbm>> -> memref<640x128xf32, #tpu.memory_space<hbm>>
        %dma_wait3A_125 = arith.constant 0 : i32
        %dma_wait3A_126 = tpu.memref_slice %arg12[%mul3A_6, %dma_wait3A_125] : memref<10000x128xf32, #tpu.memory_space<vmem_shared>> -> memref<640x128xf32, #tpu.memory_space<vmem_shared>>
        tpu.wait_dma2 semaphore(%run_scoped3A_119 : memref<!tpu.dma_semaphore, #tpu.memory_space<semaphore_mem>>) src(%dma_wait3A_126 : memref<640x128xf32, #tpu.memory_space<vmem_shared>>) dst(%dma_wait3A_124 : memref<640x128xf32, #tpu.memory_space<hbm>>)
        tpu.yield
      }) : () -> ()
    } else {
    }
    return
  }
}

#map = affine_map<(d0, d1) -> (0, 0, 0)>
#map1 = affine_map<(d0, d1) -> (0, 0)>
module attributes {stable_mosaic.version = 14 : i64} {
  func.func @_sc_degree(%arg0: i32, %arg1: i32, %arg2: memref<32x125x40xi32, #tpu.memory_space<hbm>>, %arg3: memref<10000x16xf32, #tpu.memory_space<hbm>>, %arg4: memref<10000x16xf32, #tpu.memory_space<hbm>>, %arg5: memref<40x16xf32, #tpu.memory_space<vmem>>, %arg6: memref<125x40xi32, #tpu.memory_space<vmem>>, %arg7: memref<128x16xf32, #tpu.memory_space<vmem>>, %arg8: memref<10000x16xf32, #tpu.memory_space<vmem_shared>>) attributes {dimension_semantics = [#tpu.dimension_semantics<core_parallel>, #tpu.dimension_semantics<subcore_parallel>], iteration_bounds = array<i64: 2, 16>, scalar_prefetch = 0 : i64, scratch_operands = 4 : i64, tpu.core_type = #tpu.core_type<sc_vector_subcore>, window_params = [{transform_indices = #map}, {transform_indices = #map1}, {transform_indices = #map1}]} {
    %scan3A = arith.constant 0 : i32
    %scan3A_0 = arith.constant 0 : i32
    %scan3A_1 = arith.constant 40 : i32
    %scan3A_2 = arith.addi %scan3A_0, %scan3A_1 : i32
    %scan3A_3 = arith.constant 1 : i32
    %scan3A_4 = scf.for %scan3A_41 = %scan3A_0 to %scan3A_2 step %scan3A_3 iter_args(%scan3A_42 = %scan3A) -> (i32)  : i32 {
      %broadcast_in_dim3A = arith.constant 1.000000e+00 : f32
      %broadcast_in_dim3A_43 = vector.broadcast %broadcast_in_dim3A : f32 to vector<16xf32>
      %swap3A = arith.index_cast %scan3A_41 : i32 to index
      %swap3A_44 = arith.constant 0 : index
      %swap3A_45 = tpu.vector_load %arg5[%swap3A, %swap3A_44] {strides = array<i32>} : memref<40x16xf32, #tpu.memory_space<vmem>>, vector<1x16xf32>,
      %swap3A_46 = vector.shape_cast %swap3A_45 : vector<1x16xf32> to vector<16xf32>
      %swap3A_47 = vector.shape_cast %broadcast_in_dim3A_43 : vector<16xf32> to vector<1x16xf32>
      tpu.vector_store %arg5[%swap3A, %swap3A_44], %swap3A_47 {strides = array<i32>} : memref<40x16xf32, #tpu.memory_space<vmem>>, vector<1x16xf32>,
      %scan3A_48 = arith.constant 0 : i32
      scf.yield %scan3A_48 : i32
    }
    %scan3A_5 = arith.constant 40 : i32
    %scan3A_6 = arith.constant 0 : i32
    %scan3A_7 = arith.constant 0 : i32
    %scan3A_8 = arith.constant 128 : i32
    %scan3A_9 = arith.addi %scan3A_7, %scan3A_8 : i32
    %scan3A_10 = arith.constant 1 : i32
    %scan3A_11 = scf.for %scan3A_41 = %scan3A_7 to %scan3A_9 step %scan3A_10 iter_args(%scan3A_42 = %scan3A_6) -> (i32)  : i32 {
      %broadcast_in_dim3A = arith.constant 0.000000e+00 : f32
      %broadcast_in_dim3A_43 = vector.broadcast %broadcast_in_dim3A : f32 to vector<16xf32>
      %swap3A = arith.index_cast %scan3A_41 : i32 to index
      %swap3A_44 = arith.constant 0 : index
      %swap3A_45 = tpu.vector_load %arg7[%swap3A, %swap3A_44] {strides = array<i32>} : memref<128x16xf32, #tpu.memory_space<vmem>>, vector<1x16xf32>,
      %swap3A_46 = vector.shape_cast %swap3A_45 : vector<1x16xf32> to vector<16xf32>
      %swap3A_47 = vector.shape_cast %broadcast_in_dim3A_43 : vector<16xf32> to vector<1x16xf32>
      tpu.vector_store %arg7[%swap3A, %swap3A_44], %swap3A_47 {strides = array<i32>} : memref<128x16xf32, #tpu.memory_space<vmem>>, vector<1x16xf32>,
      %scan3A_48 = arith.constant 0 : i32
      scf.yield %scan3A_48 : i32
    }
    %scan3A_12 = arith.constant 128 : i32
    %mul3A = arith.constant 16 : i32
    %mul3A_13 = arith.muli %arg0, %mul3A : i32
    %add3A = arith.addi %mul3A_13, %arg1 : i32
    "tpu.region"() ({
      %run_scoped3A = tpu.sem_alloc : memref<!tpu.dma_semaphore, #tpu.memory_space<semaphore_mem>>
      %dma_start3A = arith.constant 0 : i32
      %dma_start3A_41 = arith.constant 0 : i32
      %dma_start3A_42 = tpu.memref_slice %arg2[%add3A, %dma_start3A, %dma_start3A_41] : memref<32x125x40xi32, #tpu.memory_space<hbm>> -> memref<1x125x40xi32, #tpu.memory_space<hbm>>
      %dma_start3A_43 = tpu.memref_squeeze %dma_start3A_42 : memref<1x125x40xi32, #tpu.memory_space<hbm>> -> memref<125x40xi32, #tpu.memory_space<hbm>>
      %dma_start3A_44 = arith.constant 0 : i32
      %dma_start3A_45 = arith.constant 0 : i32
      %dma_start3A_46 = tpu.memref_slice %arg2[%add3A, %dma_start3A_44, %dma_start3A_45] : memref<32x125x40xi32, #tpu.memory_space<hbm>> -> memref<1x125x40xi32, #tpu.memory_space<hbm>>
      %dma_start3A_47 = tpu.memref_squeeze %dma_start3A_46 : memref<1x125x40xi32, #tpu.memory_space<hbm>> -> memref<125x40xi32, #tpu.memory_space<hbm>>
      tpu.enqueue_dma source(%dma_start3A_47 : memref<125x40xi32, #tpu.memory_space<hbm>>) target(%arg6 : memref<125x40xi32, #tpu.memory_space<vmem>>) target_semaphore(%run_scoped3A : memref<!tpu.dma_semaphore, #tpu.memory_space<semaphore_mem>>)
      %dma_wait3A = arith.constant 0 : i32
      %dma_wait3A_48 = arith.constant 0 : i32
      %dma_wait3A_49 = tpu.memref_slice %arg2[%add3A, %dma_wait3A, %dma_wait3A_48] : memref<32x125x40xi32, #tpu.memory_space<hbm>> -> memref<1x125x40xi32, #tpu.memory_space<hbm>>
      %dma_wait3A_50 = tpu.memref_squeeze %dma_wait3A_49 : memref<1x125x40xi32, #tpu.memory_space<hbm>> -> memref<125x40xi32, #tpu.memory_space<hbm>>
      %dma_wait3A_51 = arith.constant 0 : i32
      %dma_wait3A_52 = arith.constant 0 : i32
      %dma_wait3A_53 = tpu.memref_slice %arg2[%add3A, %dma_wait3A_51, %dma_wait3A_52] : memref<32x125x40xi32, #tpu.memory_space<hbm>> -> memref<1x125x40xi32, #tpu.memory_space<hbm>>
      %dma_wait3A_54 = tpu.memref_squeeze %dma_wait3A_53 : memref<1x125x40xi32, #tpu.memory_space<hbm>> -> memref<125x40xi32, #tpu.memory_space<hbm>>
      tpu.wait_dma2 semaphore(%run_scoped3A : memref<!tpu.dma_semaphore, #tpu.memory_space<semaphore_mem>>) src(%dma_wait3A_54 : memref<125x40xi32, #tpu.memory_space<hbm>>) dst(%arg6 : memref<125x40xi32, #tpu.memory_space<vmem>>)
      tpu.yield
    }) : () -> ()
    %mul3A_14 = arith.constant 624 : i32
    %mul3A_15 = arith.muli %arg1, %mul3A_14 : i32
    %add3A_16 = arith.constant 0 : i32
    %add3A_17 = arith.addi %mul3A_15, %add3A_16 : i32
    "tpu.region"() ({
      %run_scoped3A = tpu.sem_alloc : memref<!tpu.dma_semaphore, #tpu.memory_space<semaphore_mem>>
      %dma_start3A = arith.constant 0 : i32
      %dma_start3A_41 = tpu.memref_slice %arg8[%add3A_17, %dma_start3A] : memref<10000x16xf32, #tpu.memory_space<vmem_shared>> -> memref<128x16xf32, #tpu.memory_space<vmem_shared>>
      %dma_start3A_42 = arith.constant 0 : i32
      %dma_start3A_43 = tpu.memref_slice %arg8[%add3A_17, %dma_start3A_42] : memref<10000x16xf32, #tpu.memory_space<vmem_shared>> -> memref<128x16xf32, #tpu.memory_space<vmem_shared>>
      tpu.enqueue_dma source(%arg7 : memref<128x16xf32, #tpu.memory_space<vmem>>) target(%dma_start3A_43 : memref<128x16xf32, #tpu.memory_space<vmem_shared>>) target_semaphore(%run_scoped3A : memref<!tpu.dma_semaphore, #tpu.memory_space<semaphore_mem>>)
      %dma_wait3A = arith.constant 0 : i32
      %dma_wait3A_44 = tpu.memref_slice %arg8[%add3A_17, %dma_wait3A] : memref<10000x16xf32, #tpu.memory_space<vmem_shared>> -> memref<128x16xf32, #tpu.memory_space<vmem_shared>>
      %dma_wait3A_45 = arith.constant 0 : i32
      %dma_wait3A_46 = tpu.memref_slice %arg8[%add3A_17, %dma_wait3A_45] : memref<10000x16xf32, #tpu.memory_space<vmem_shared>> -> memref<128x16xf32, #tpu.memory_space<vmem_shared>>
      tpu.wait_dma2 semaphore(%run_scoped3A : memref<!tpu.dma_semaphore, #tpu.memory_space<semaphore_mem>>) src(%arg7 : memref<128x16xf32, #tpu.memory_space<vmem>>) dst(%dma_wait3A_46 : memref<128x16xf32, #tpu.memory_space<vmem_shared>>)
      tpu.yield
    }) : () -> ()
    %add3A_18 = arith.constant 128 : i32
    %add3A_19 = arith.addi %mul3A_15, %add3A_18 : i32
    "tpu.region"() ({
      %run_scoped3A = tpu.sem_alloc : memref<!tpu.dma_semaphore, #tpu.memory_space<semaphore_mem>>
      %dma_start3A = arith.constant 0 : i32
      %dma_start3A_41 = tpu.memref_slice %arg8[%add3A_19, %dma_start3A] : memref<10000x16xf32, #tpu.memory_space<vmem_shared>> -> memref<128x16xf32, #tpu.memory_space<vmem_shared>>
      %dma_start3A_42 = arith.constant 0 : i32
      %dma_start3A_43 = tpu.memref_slice %arg8[%add3A_19, %dma_start3A_42] : memref<10000x16xf32, #tpu.memory_space<vmem_shared>> -> memref<128x16xf32, #tpu.memory_space<vmem_shared>>
      tpu.enqueue_dma source(%arg7 : memref<128x16xf32, #tpu.memory_space<vmem>>) target(%dma_start3A_43 : memref<128x16xf32, #tpu.memory_space<vmem_shared>>) target_semaphore(%run_scoped3A : memref<!tpu.dma_semaphore, #tpu.memory_space<semaphore_mem>>)
      %dma_wait3A = arith.constant 0 : i32
      %dma_wait3A_44 = tpu.memref_slice %arg8[%add3A_19, %dma_wait3A] : memref<10000x16xf32, #tpu.memory_space<vmem_shared>> -> memref<128x16xf32, #tpu.memory_space<vmem_shared>>
      %dma_wait3A_45 = arith.constant 0 : i32
      %dma_wait3A_46 = tpu.memref_slice %arg8[%add3A_19, %dma_wait3A_45] : memref<10000x16xf32, #tpu.memory_space<vmem_shared>> -> memref<128x16xf32, #tpu.memory_space<vmem_shared>>
      tpu.wait_dma2 semaphore(%run_scoped3A : memref<!tpu.dma_semaphore, #tpu.memory_space<semaphore_mem>>) src(%arg7 : memref<128x16xf32, #tpu.memory_space<vmem>>) dst(%dma_wait3A_46 : memref<128x16xf32, #tpu.memory_space<vmem_shared>>)
      tpu.yield
    }) : () -> ()
    %add3A_20 = arith.constant 256 : i32
    %add3A_21 = arith.addi %mul3A_15, %add3A_20 : i32
    "tpu.region"() ({
      %run_scoped3A = tpu.sem_alloc : memref<!tpu.dma_semaphore, #tpu.memory_space<semaphore_mem>>
      %dma_start3A = arith.constant 0 : i32
      %dma_start3A_41 = tpu.memref_slice %arg8[%add3A_21, %dma_start3A] : memref<10000x16xf32, #tpu.memory_space<vmem_shared>> -> memref<128x16xf32, #tpu.memory_space<vmem_shared>>
      %dma_start3A_42 = arith.constant 0 : i32
      %dma_start3A_43 = tpu.memref_slice %arg8[%add3A_21, %dma_start3A_42] : memref<10000x16xf32, #tpu.memory_space<vmem_shared>> -> memref<128x16xf32, #tpu.memory_space<vmem_shared>>
      tpu.enqueue_dma source(%arg7 : memref<128x16xf32, #tpu.memory_space<vmem>>) target(%dma_start3A_43 : memref<128x16xf32, #tpu.memory_space<vmem_shared>>) target_semaphore(%run_scoped3A : memref<!tpu.dma_semaphore, #tpu.memory_space<semaphore_mem>>)
      %dma_wait3A = arith.constant 0 : i32
      %dma_wait3A_44 = tpu.memref_slice %arg8[%add3A_21, %dma_wait3A] : memref<10000x16xf32, #tpu.memory_space<vmem_shared>> -> memref<128x16xf32, #tpu.memory_space<vmem_shared>>
      %dma_wait3A_45 = arith.constant 0 : i32
      %dma_wait3A_46 = tpu.memref_slice %arg8[%add3A_21, %dma_wait3A_45] : memref<10000x16xf32, #tpu.memory_space<vmem_shared>> -> memref<128x16xf32, #tpu.memory_space<vmem_shared>>
      tpu.wait_dma2 semaphore(%run_scoped3A : memref<!tpu.dma_semaphore, #tpu.memory_space<semaphore_mem>>) src(%arg7 : memref<128x16xf32, #tpu.memory_space<vmem>>) dst(%dma_wait3A_46 : memref<128x16xf32, #tpu.memory_space<vmem_shared>>)
      tpu.yield
    }) : () -> ()
    %add3A_22 = arith.constant 384 : i32
    %add3A_23 = arith.addi %mul3A_15, %add3A_22 : i32
    "tpu.region"() ({
      %run_scoped3A = tpu.sem_alloc : memref<!tpu.dma_semaphore, #tpu.memory_space<semaphore_mem>>
      %dma_start3A = arith.constant 0 : i32
      %dma_start3A_41 = tpu.memref_slice %arg8[%add3A_23, %dma_start3A] : memref<10000x16xf32, #tpu.memory_space<vmem_shared>> -> memref<128x16xf32, #tpu.memory_space<vmem_shared>>
      %dma_start3A_42 = arith.constant 0 : i32
      %dma_start3A_43 = tpu.memref_slice %arg8[%add3A_23, %dma_start3A_42] : memref<10000x16xf32, #tpu.memory_space<vmem_shared>> -> memref<128x16xf32, #tpu.memory_space<vmem_shared>>
      tpu.enqueue_dma source(%arg7 : memref<128x16xf32, #tpu.memory_space<vmem>>) target(%dma_start3A_43 : memref<128x16xf32, #tpu.memory_space<vmem_shared>>) target_semaphore(%run_scoped3A : memref<!tpu.dma_semaphore, #tpu.memory_space<semaphore_mem>>)
      %dma_wait3A = arith.constant 0 : i32
      %dma_wait3A_44 = tpu.memref_slice %arg8[%add3A_23, %dma_wait3A] : memref<10000x16xf32, #tpu.memory_space<vmem_shared>> -> memref<128x16xf32, #tpu.memory_space<vmem_shared>>
      %dma_wait3A_45 = arith.constant 0 : i32
      %dma_wait3A_46 = tpu.memref_slice %arg8[%add3A_23, %dma_wait3A_45] : memref<10000x16xf32, #tpu.memory_space<vmem_shared>> -> memref<128x16xf32, #tpu.memory_space<vmem_shared>>
      tpu.wait_dma2 semaphore(%run_scoped3A : memref<!tpu.dma_semaphore, #tpu.memory_space<semaphore_mem>>) src(%arg7 : memref<128x16xf32, #tpu.memory_space<vmem>>) dst(%dma_wait3A_46 : memref<128x16xf32, #tpu.memory_space<vmem_shared>>)
      tpu.yield
    }) : () -> ()
    %add3A_24 = arith.constant 512 : i32
    %add3A_25 = arith.addi %mul3A_15, %add3A_24 : i32
    "tpu.region"() ({
      %run_scoped3A = tpu.sem_alloc : memref<!tpu.dma_semaphore, #tpu.memory_space<semaphore_mem>>
      %dma_start3A = arith.constant 0 : i32
      %dma_start3A_41 = tpu.memref_slice %arg8[%add3A_25, %dma_start3A] : memref<10000x16xf32, #tpu.memory_space<vmem_shared>> -> memref<128x16xf32, #tpu.memory_space<vmem_shared>>
      %dma_start3A_42 = arith.constant 0 : i32
      %dma_start3A_43 = tpu.memref_slice %arg8[%add3A_25, %dma_start3A_42] : memref<10000x16xf32, #tpu.memory_space<vmem_shared>> -> memref<128x16xf32, #tpu.memory_space<vmem_shared>>
      tpu.enqueue_dma source(%arg7 : memref<128x16xf32, #tpu.memory_space<vmem>>) target(%dma_start3A_43 : memref<128x16xf32, #tpu.memory_space<vmem_shared>>) target_semaphore(%run_scoped3A : memref<!tpu.dma_semaphore, #tpu.memory_space<semaphore_mem>>)
      %dma_wait3A = arith.constant 0 : i32
      %dma_wait3A_44 = tpu.memref_slice %arg8[%add3A_25, %dma_wait3A] : memref<10000x16xf32, #tpu.memory_space<vmem_shared>> -> memref<128x16xf32, #tpu.memory_space<vmem_shared>>
      %dma_wait3A_45 = arith.constant 0 : i32
      %dma_wait3A_46 = tpu.memref_slice %arg8[%add3A_25, %dma_wait3A_45] : memref<10000x16xf32, #tpu.memory_space<vmem_shared>> -> memref<128x16xf32, #tpu.memory_space<vmem_shared>>
      tpu.wait_dma2 semaphore(%run_scoped3A : memref<!tpu.dma_semaphore, #tpu.memory_space<semaphore_mem>>) src(%arg7 : memref<128x16xf32, #tpu.memory_space<vmem>>) dst(%dma_wait3A_46 : memref<128x16xf32, #tpu.memory_space<vmem_shared>>)
      tpu.yield
    }) : () -> ()
    %barrier3A = arith.constant 0 : index
    tpu.barrier barrier_id(%barrier3A)
    %scan3A_26 = arith.constant 0 : i32
    %scan3A_27 = arith.constant 0 : i32
    %scan3A_28 = arith.constant 125 : i32
    %scan3A_29 = arith.addi %scan3A_27, %scan3A_28 : i32
    %scan3A_30 = arith.constant 1 : i32
    %scan3A_31 = scf.for %scan3A_41 = %scan3A_27 to %scan3A_29 step %scan3A_30 iter_args(%scan3A_42 = %scan3A_26) -> (i32)  : i32 {
      "tpu.region"() ({
        %run_scoped3A = tpu.sem_alloc : memref<!tpu.dma_semaphore, #tpu.memory_space<semaphore_mem>>
        %dma_start3A = arith.constant 0 : i32
        %dma_start3A_44 = tpu.memref_slice %arg6[%scan3A_41, %dma_start3A] : memref<125x40xi32, #tpu.memory_space<vmem>> -> memref<1x40xi32, #tpu.memory_space<vmem>>
        %dma_start3A_45 = tpu.memref_squeeze %dma_start3A_44 : memref<1x40xi32, #tpu.memory_space<vmem>> -> memref<40xi32, #tpu.memory_space<vmem>>
        %dma_start3A_46 = arith.constant 0 : i32
        %dma_start3A_47 = arith.constant 0 : i32
        %dma_start3A_48 = tpu.memref_slice %arg8[%dma_start3A_46, %dma_start3A_47] : memref<10000x16xf32, #tpu.memory_space<vmem_shared>> -> memref<10000x16xf32, #tpu.memory_space<vmem_shared>>
        tpu.enqueue_indirect_dma source(%arg5 : memref<40x16xf32, #tpu.memory_space<vmem>>) target(%dma_start3A_48 : memref<10000x16xf32, #tpu.memory_space<vmem_shared>>) offsets(%dma_start3A_45 : memref<40xi32, #tpu.memory_space<vmem>>) semaphore(%run_scoped3A : memref<!tpu.dma_semaphore, #tpu.memory_space<semaphore_mem>>) {add = true}
        %dma_wait3A = arith.constant 0 : i32
        %dma_wait3A_49 = tpu.memref_slice %arg6[%scan3A_41, %dma_wait3A] : memref<125x40xi32, #tpu.memory_space<vmem>> -> memref<1x40xi32, #tpu.memory_space<vmem>>
        %dma_wait3A_50 = tpu.memref_squeeze %dma_wait3A_49 : memref<1x40xi32, #tpu.memory_space<vmem>> -> memref<40xi32, #tpu.memory_space<vmem>>
        %dma_wait3A_51 = arith.constant 0 : i32
        %dma_wait3A_52 = arith.constant 0 : i32
        %dma_wait3A_53 = tpu.memref_slice %arg8[%dma_wait3A_51, %dma_wait3A_52] : memref<10000x16xf32, #tpu.memory_space<vmem_shared>> -> memref<10000x16xf32, #tpu.memory_space<vmem_shared>>
        tpu.wait_indirect_dma semaphore(%run_scoped3A : memref<!tpu.dma_semaphore, #tpu.memory_space<semaphore_mem>>) src(%arg5 : memref<40x16xf32, #tpu.memory_space<vmem>>) dst(%dma_wait3A_53 : memref<10000x16xf32, #tpu.memory_space<vmem_shared>>)
        tpu.yield
      }) : () -> ()
      %scan3A_43 = arith.constant 0 : i32
      scf.yield %scan3A_43 : i32
    }
    %scan3A_32 = arith.constant 125 : i32
    %barrier3A_33 = arith.constant 0 : index
    tpu.barrier barrier_id(%barrier3A_33)
    %eq3A = arith.constant 0 : i32
    %eq3A_34 = arith.cmpi eq, %arg0, %eq3A : i32
    %convert_element_type3A = arith.extui %eq3A_34 : i1 to i32
    %cond3A = arith.constant 0 : i32
    %cond3A_35 = arith.cmpi ne, %convert_element_type3A, %cond3A : i32
    scf.if %cond3A_35 {
      "tpu.region"() ({
        %run_scoped3A = tpu.sem_alloc : memref<!tpu.dma_semaphore, #tpu.memory_space<semaphore_mem>>
        %dma_start3A = arith.constant 0 : i32
        %dma_start3A_41 = tpu.memref_slice %arg3[%mul3A_15, %dma_start3A] : memref<10000x16xf32, #tpu.memory_space<hbm>> -> memref<640x16xf32, #tpu.memory_space<hbm>>
        %dma_start3A_42 = arith.constant 0 : i32
        %dma_start3A_43 = tpu.memref_slice %arg8[%mul3A_15, %dma_start3A_42] : memref<10000x16xf32, #tpu.memory_space<vmem_shared>> -> memref<640x16xf32, #tpu.memory_space<vmem_shared>>
        tpu.enqueue_dma source(%dma_start3A_43 : memref<640x16xf32, #tpu.memory_space<vmem_shared>>) target(%dma_start3A_41 : memref<640x16xf32, #tpu.memory_space<hbm>>) target_semaphore(%run_scoped3A : memref<!tpu.dma_semaphore, #tpu.memory_space<semaphore_mem>>)
        %dma_wait3A = arith.constant 0 : i32
        %dma_wait3A_44 = tpu.memref_slice %arg3[%mul3A_15, %dma_wait3A] : memref<10000x16xf32, #tpu.memory_space<hbm>> -> memref<640x16xf32, #tpu.memory_space<hbm>>
        %dma_wait3A_45 = arith.constant 0 : i32
        %dma_wait3A_46 = tpu.memref_slice %arg8[%mul3A_15, %dma_wait3A_45] : memref<10000x16xf32, #tpu.memory_space<vmem_shared>> -> memref<640x16xf32, #tpu.memory_space<vmem_shared>>
        tpu.wait_dma2 semaphore(%run_scoped3A : memref<!tpu.dma_semaphore, #tpu.memory_space<semaphore_mem>>) src(%dma_wait3A_46 : memref<640x16xf32, #tpu.memory_space<vmem_shared>>) dst(%dma_wait3A_44 : memref<640x16xf32, #tpu.memory_space<hbm>>)
        tpu.yield
      }) : () -> ()
    } else {
    }
    %eq3A_36 = arith.constant 1 : i32
    %eq3A_37 = arith.cmpi eq, %arg0, %eq3A_36 : i32
    %convert_element_type3A_38 = arith.extui %eq3A_37 : i1 to i32
    %cond3A_39 = arith.constant 0 : i32
    %cond3A_40 = arith.cmpi ne, %convert_element_type3A_38, %cond3A_39 : i32
    scf.if %cond3A_40 {
      "tpu.region"() ({
        %run_scoped3A = tpu.sem_alloc : memref<!tpu.dma_semaphore, #tpu.memory_space<semaphore_mem>>
        %dma_start3A = arith.constant 0 : i32
        %dma_start3A_41 = tpu.memref_slice %arg4[%mul3A_15, %dma_start3A] : memref<10000x16xf32, #tpu.memory_space<hbm>> -> memref<640x16xf32, #tpu.memory_space<hbm>>
        %dma_start3A_42 = arith.constant 0 : i32
        %dma_start3A_43 = tpu.memref_slice %arg8[%mul3A_15, %dma_start3A_42] : memref<10000x16xf32, #tpu.memory_space<vmem_shared>> -> memref<640x16xf32, #tpu.memory_space<vmem_shared>>
        tpu.enqueue_dma source(%dma_start3A_43 : memref<640x16xf32, #tpu.memory_space<vmem_shared>>) target(%dma_start3A_41 : memref<640x16xf32, #tpu.memory_space<hbm>>) target_semaphore(%run_scoped3A : memref<!tpu.dma_semaphore, #tpu.memory_space<semaphore_mem>>)
        %dma_wait3A = arith.constant 0 : i32
        %dma_wait3A_44 = tpu.memref_slice %arg4[%mul3A_15, %dma_wait3A] : memref<10000x16xf32, #tpu.memory_space<hbm>> -> memref<640x16xf32, #tpu.memory_space<hbm>>
        %dma_wait3A_45 = arith.constant 0 : i32
        %dma_wait3A_46 = tpu.memref_slice %arg8[%mul3A_15, %dma_wait3A_45] : memref<10000x16xf32, #tpu.memory_space<vmem_shared>> -> memref<640x16xf32, #tpu.memory_space<vmem_shared>>
        tpu.wait_dma2 semaphore(%run_scoped3A : memref<!tpu.dma_semaphore, #tpu.memory_space<semaphore_mem>>) src(%dma_wait3A_46 : memref<640x16xf32, #tpu.memory_space<vmem_shared>>) dst(%dma_wait3A_44 : memref<640x16xf32, #tpu.memory_space<hbm>>)
        tpu.yield
      }) : () -> ()
    } else {
    }
    return
  }
}

#map = affine_map<(d0, d1) -> (0, 0)>
#map1 = affine_map<(d0, d1) -> (0, 0, 0)>
module attributes {stable_mosaic.version = 14 : i64} {
  func.func @_sc_aggregate(%arg0: i32, %arg1: i32, %arg2: memref<10000x128xf32, #tpu.memory_space<hbm>>, %arg3: memref<10000x128xf32, #tpu.memory_space<hbm>>, %arg4: memref<16x100x100xi32, #tpu.memory_space<hbm>>, %arg5: memref<16x100x100xi32, #tpu.memory_space<hbm>>, %arg6: memref<10000x128xf32, #tpu.memory_space<hbm>>, %arg7: memref<10000x128xf32, #tpu.memory_space<hbm>>, %arg8: memref<2x100x128xf32, #tpu.memory_space<vmem>>, %arg9: memref<2x100xi32, #tpu.memory_space<vmem>>, %arg10: memref<2x100xi32, #tpu.memory_space<vmem>>, %arg11: memref<16x128xf32, #tpu.memory_space<vmem>>, %arg12: memref<10000x128xf32, #tpu.memory_space<vmem_shared>>, %arg13: memref<!tpu.dma_semaphore, #tpu.memory_space<semaphore_mem>>, %arg14: memref<!tpu.dma_semaphore, #tpu.memory_space<semaphore_mem>>, %arg15: memref<!tpu.dma_semaphore, #tpu.memory_space<semaphore_mem>>, %arg16: memref<!tpu.dma_semaphore, #tpu.memory_space<semaphore_mem>>) attributes {dimension_semantics = [#tpu.dimension_semantics<core_parallel>, #tpu.dimension_semantics<subcore_parallel>], iteration_bounds = array<i64: 2, 16>, scalar_prefetch = 0 : i64, scratch_operands = 9 : i64, tpu.core_type = #tpu.core_type<sc_vector_subcore>, window_params = [{transform_indices = #map}, {transform_indices = #map}, {transform_indices = #map1}, {transform_indices = #map1}, {transform_indices = #map}, {transform_indices = #map}]} {
    %scan3A = arith.constant 0 : i32
    %scan3A_0 = arith.constant 0 : i32
    %scan3A_1 = arith.constant 16 : i32
    %scan3A_2 = arith.addi %scan3A_0, %scan3A_1 : i32
    %scan3A_3 = arith.constant 1 : i32
    %scan3A_4 = scf.for %scan3A_93 = %scan3A_0 to %scan3A_2 step %scan3A_3 iter_args(%scan3A_94 = %scan3A) -> (i32)  : i32 {
      %broadcast_in_dim3A = arith.constant 0.000000e+00 : f32
      %broadcast_in_dim3A_95 = vector.broadcast %broadcast_in_dim3A : f32 to vector<16xf32>
      %swap3A = arith.index_cast %scan3A_93 : i32 to index
      %swap3A_96 = arith.constant 0 : index
      %swap3A_97 = tpu.vector_load %arg11[%swap3A, %swap3A_96] {strides = array<i32>} : memref<16x128xf32, #tpu.memory_space<vmem>>, vector<1x16xf32>,
      %swap3A_98 = vector.shape_cast %swap3A_97 : vector<1x16xf32> to vector<16xf32>
      %swap3A_99 = vector.shape_cast %broadcast_in_dim3A_95 : vector<16xf32> to vector<1x16xf32>
      tpu.vector_store %arg11[%swap3A, %swap3A_96], %swap3A_99 {strides = array<i32>} : memref<16x128xf32, #tpu.memory_space<vmem>>, vector<1x16xf32>,
      %broadcast_in_dim3A_100 = arith.constant 0.000000e+00 : f32
      %broadcast_in_dim3A_101 = vector.broadcast %broadcast_in_dim3A_100 : f32 to vector<16xf32>
      %swap3A_102 = arith.index_cast %scan3A_93 : i32 to index
      %swap3A_103 = arith.constant 16 : index
      %swap3A_104 = tpu.vector_load %arg11[%swap3A_102, %swap3A_103] {strides = array<i32>} : memref<16x128xf32, #tpu.memory_space<vmem>>, vector<1x16xf32>,
      %swap3A_105 = vector.shape_cast %swap3A_104 : vector<1x16xf32> to vector<16xf32>
      %swap3A_106 = vector.shape_cast %broadcast_in_dim3A_101 : vector<16xf32> to vector<1x16xf32>
      tpu.vector_store %arg11[%swap3A_102, %swap3A_103], %swap3A_106 {strides = array<i32>} : memref<16x128xf32, #tpu.memory_space<vmem>>, vector<1x16xf32>,
      %broadcast_in_dim3A_107 = arith.constant 0.000000e+00 : f32
      %broadcast_in_dim3A_108 = vector.broadcast %broadcast_in_dim3A_107 : f32 to vector<16xf32>
      %swap3A_109 = arith.index_cast %scan3A_93 : i32 to index
      %swap3A_110 = arith.constant 32 : index
      %swap3A_111 = tpu.vector_load %arg11[%swap3A_109, %swap3A_110] {strides = array<i32>} : memref<16x128xf32, #tpu.memory_space<vmem>>, vector<1x16xf32>,
      %swap3A_112 = vector.shape_cast %swap3A_111 : vector<1x16xf32> to vector<16xf32>
      %swap3A_113 = vector.shape_cast %broadcast_in_dim3A_108 : vector<16xf32> to vector<1x16xf32>
      tpu.vector_store %arg11[%swap3A_109, %swap3A_110], %swap3A_113 {strides = array<i32>} : memref<16x128xf32, #tpu.memory_space<vmem>>, vector<1x16xf32>,
      %broadcast_in_dim3A_114 = arith.constant 0.000000e+00 : f32
      %broadcast_in_dim3A_115 = vector.broadcast %broadcast_in_dim3A_114 : f32 to vector<16xf32>
      %swap3A_116 = arith.index_cast %scan3A_93 : i32 to index
      %swap3A_117 = arith.constant 48 : index
      %swap3A_118 = tpu.vector_load %arg11[%swap3A_116, %swap3A_117] {strides = array<i32>} : memref<16x128xf32, #tpu.memory_space<vmem>>, vector<1x16xf32>,
      %swap3A_119 = vector.shape_cast %swap3A_118 : vector<1x16xf32> to vector<16xf32>
      %swap3A_120 = vector.shape_cast %broadcast_in_dim3A_115 : vector<16xf32> to vector<1x16xf32>
      tpu.vector_store %arg11[%swap3A_116, %swap3A_117], %swap3A_120 {strides = array<i32>} : memref<16x128xf32, #tpu.memory_space<vmem>>, vector<1x16xf32>,
      %broadcast_in_dim3A_121 = arith.constant 0.000000e+00 : f32
      %broadcast_in_dim3A_122 = vector.broadcast %broadcast_in_dim3A_121 : f32 to vector<16xf32>
      %swap3A_123 = arith.index_cast %scan3A_93 : i32 to index
      %swap3A_124 = arith.constant 64 : index
      %swap3A_125 = tpu.vector_load %arg11[%swap3A_123, %swap3A_124] {strides = array<i32>} : memref<16x128xf32, #tpu.memory_space<vmem>>, vector<1x16xf32>,
      %swap3A_126 = vector.shape_cast %swap3A_125 : vector<1x16xf32> to vector<16xf32>
      %swap3A_127 = vector.shape_cast %broadcast_in_dim3A_122 : vector<16xf32> to vector<1x16xf32>
      tpu.vector_store %arg11[%swap3A_123, %swap3A_124], %swap3A_127 {strides = array<i32>} : memref<16x128xf32, #tpu.memory_space<vmem>>, vector<1x16xf32>,
      %broadcast_in_dim3A_128 = arith.constant 0.000000e+00 : f32
      %broadcast_in_dim3A_129 = vector.broadcast %broadcast_in_dim3A_128 : f32 to vector<16xf32>
      %swap3A_130 = arith.index_cast %scan3A_93 : i32 to index
      %swap3A_131 = arith.constant 80 : index
      %swap3A_132 = tpu.vector_load %arg11[%swap3A_130, %swap3A_131] {strides = array<i32>} : memref<16x128xf32, #tpu.memory_space<vmem>>, vector<1x16xf32>,
      %swap3A_133 = vector.shape_cast %swap3A_132 : vector<1x16xf32> to vector<16xf32>
      %swap3A_134 = vector.shape_cast %broadcast_in_dim3A_129 : vector<16xf32> to vector<1x16xf32>
      tpu.vector_store %arg11[%swap3A_130, %swap3A_131], %swap3A_134 {strides = array<i32>} : memref<16x128xf32, #tpu.memory_space<vmem>>, vector<1x16xf32>,
      %broadcast_in_dim3A_135 = arith.constant 0.000000e+00 : f32
      %broadcast_in_dim3A_136 = vector.broadcast %broadcast_in_dim3A_135 : f32 to vector<16xf32>
      %swap3A_137 = arith.index_cast %scan3A_93 : i32 to index
      %swap3A_138 = arith.constant 96 : index
      %swap3A_139 = tpu.vector_load %arg11[%swap3A_137, %swap3A_138] {strides = array<i32>} : memref<16x128xf32, #tpu.memory_space<vmem>>, vector<1x16xf32>,
      %swap3A_140 = vector.shape_cast %swap3A_139 : vector<1x16xf32> to vector<16xf32>
      %swap3A_141 = vector.shape_cast %broadcast_in_dim3A_136 : vector<16xf32> to vector<1x16xf32>
      tpu.vector_store %arg11[%swap3A_137, %swap3A_138], %swap3A_141 {strides = array<i32>} : memref<16x128xf32, #tpu.memory_space<vmem>>, vector<1x16xf32>,
      %broadcast_in_dim3A_142 = arith.constant 0.000000e+00 : f32
      %broadcast_in_dim3A_143 = vector.broadcast %broadcast_in_dim3A_142 : f32 to vector<16xf32>
      %swap3A_144 = arith.index_cast %scan3A_93 : i32 to index
      %swap3A_145 = arith.constant 112 : index
      %swap3A_146 = tpu.vector_load %arg11[%swap3A_144, %swap3A_145] {strides = array<i32>} : memref<16x128xf32, #tpu.memory_space<vmem>>, vector<1x16xf32>,
      %swap3A_147 = vector.shape_cast %swap3A_146 : vector<1x16xf32> to vector<16xf32>
      %swap3A_148 = vector.shape_cast %broadcast_in_dim3A_143 : vector<16xf32> to vector<1x16xf32>
      tpu.vector_store %arg11[%swap3A_144, %swap3A_145], %swap3A_148 {strides = array<i32>} : memref<16x128xf32, #tpu.memory_space<vmem>>, vector<1x16xf32>,
      %scan3A_149 = arith.constant 0 : i32
      scf.yield %scan3A_149 : i32
    }
    %scan3A_5 = arith.constant 16 : i32
    %mul3A = arith.constant 624 : i32
    %mul3A_6 = arith.muli %arg1, %mul3A : i32
    %add3A = arith.constant 0 : i32
    %add3A_7 = arith.addi %mul3A_6, %add3A : i32
    "tpu.region"() ({
      %run_scoped3A = tpu.sem_alloc : memref<!tpu.dma_semaphore, #tpu.memory_space<semaphore_mem>>
      %dma_start3A = arith.constant 0 : i32
      %dma_start3A_93 = tpu.memref_slice %arg12[%add3A_7, %dma_start3A] : memref<10000x128xf32, #tpu.memory_space<vmem_shared>> -> memref<16x128xf32, #tpu.memory_space<vmem_shared>>
      %dma_start3A_94 = arith.constant 0 : i32
      %dma_start3A_95 = tpu.memref_slice %arg12[%add3A_7, %dma_start3A_94] : memref<10000x128xf32, #tpu.memory_space<vmem_shared>> -> memref<16x128xf32, #tpu.memory_space<vmem_shared>>
      tpu.enqueue_dma source(%arg11 : memref<16x128xf32, #tpu.memory_space<vmem>>) target(%dma_start3A_95 : memref<16x128xf32, #tpu.memory_space<vmem_shared>>) target_semaphore(%run_scoped3A : memref<!tpu.dma_semaphore, #tpu.memory_space<semaphore_mem>>)
      %dma_wait3A = arith.constant 0 : i32
      %dma_wait3A_96 = tpu.memref_slice %arg12[%add3A_7, %dma_wait3A] : memref<10000x128xf32, #tpu.memory_space<vmem_shared>> -> memref<16x128xf32, #tpu.memory_space<vmem_shared>>
      %dma_wait3A_97 = arith.constant 0 : i32
      %dma_wait3A_98 = tpu.memref_slice %arg12[%add3A_7, %dma_wait3A_97] : memref<10000x128xf32, #tpu.memory_space<vmem_shared>> -> memref<16x128xf32, #tpu.memory_space<vmem_shared>>
      tpu.wait_dma2 semaphore(%run_scoped3A : memref<!tpu.dma_semaphore, #tpu.memory_space<semaphore_mem>>) src(%arg11 : memref<16x128xf32, #tpu.memory_space<vmem>>) dst(%dma_wait3A_98 : memref<16x128xf32, #tpu.memory_space<vmem_shared>>)
      tpu.yield
    }) : () -> ()
    %add3A_8 = arith.constant 16 : i32
    %add3A_9 = arith.addi %mul3A_6, %add3A_8 : i32
    "tpu.region"() ({
      %run_scoped3A = tpu.sem_alloc : memref<!tpu.dma_semaphore, #tpu.memory_space<semaphore_mem>>
      %dma_start3A = arith.constant 0 : i32
      %dma_start3A_93 = tpu.memref_slice %arg12[%add3A_9, %dma_start3A] : memref<10000x128xf32, #tpu.memory_space<vmem_shared>> -> memref<16x128xf32, #tpu.memory_space<vmem_shared>>
      %dma_start3A_94 = arith.constant 0 : i32
      %dma_start3A_95 = tpu.memref_slice %arg12[%add3A_9, %dma_start3A_94] : memref<10000x128xf32, #tpu.memory_space<vmem_shared>> -> memref<16x128xf32, #tpu.memory_space<vmem_shared>>
      tpu.enqueue_dma source(%arg11 : memref<16x128xf32, #tpu.memory_space<vmem>>) target(%dma_start3A_95 : memref<16x128xf32, #tpu.memory_space<vmem_shared>>) target_semaphore(%run_scoped3A : memref<!tpu.dma_semaphore, #tpu.memory_space<semaphore_mem>>)
      %dma_wait3A = arith.constant 0 : i32
      %dma_wait3A_96 = tpu.memref_slice %arg12[%add3A_9, %dma_wait3A] : memref<10000x128xf32, #tpu.memory_space<vmem_shared>> -> memref<16x128xf32, #tpu.memory_space<vmem_shared>>
      %dma_wait3A_97 = arith.constant 0 : i32
      %dma_wait3A_98 = tpu.memref_slice %arg12[%add3A_9, %dma_wait3A_97] : memref<10000x128xf32, #tpu.memory_space<vmem_shared>> -> memref<16x128xf32, #tpu.memory_space<vmem_shared>>
      tpu.wait_dma2 semaphore(%run_scoped3A : memref<!tpu.dma_semaphore, #tpu.memory_space<semaphore_mem>>) src(%arg11 : memref<16x128xf32, #tpu.memory_space<vmem>>) dst(%dma_wait3A_98 : memref<16x128xf32, #tpu.memory_space<vmem_shared>>)
      tpu.yield
    }) : () -> ()
    %add3A_10 = arith.constant 32 : i32
    %add3A_11 = arith.addi %mul3A_6, %add3A_10 : i32
    "tpu.region"() ({
      %run_scoped3A = tpu.sem_alloc : memref<!tpu.dma_semaphore, #tpu.memory_space<semaphore_mem>>
      %dma_start3A = arith.constant 0 : i32
      %dma_start3A_93 = tpu.memref_slice %arg12[%add3A_11, %dma_start3A] : memref<10000x128xf32, #tpu.memory_space<vmem_shared>> -> memref<16x128xf32, #tpu.memory_space<vmem_shared>>
      %dma_start3A_94 = arith.constant 0 : i32
      %dma_start3A_95 = tpu.memref_slice %arg12[%add3A_11, %dma_start3A_94] : memref<10000x128xf32, #tpu.memory_space<vmem_shared>> -> memref<16x128xf32, #tpu.memory_space<vmem_shared>>
      tpu.enqueue_dma source(%arg11 : memref<16x128xf32, #tpu.memory_space<vmem>>) target(%dma_start3A_95 : memref<16x128xf32, #tpu.memory_space<vmem_shared>>) target_semaphore(%run_scoped3A : memref<!tpu.dma_semaphore, #tpu.memory_space<semaphore_mem>>)
      %dma_wait3A = arith.constant 0 : i32
      %dma_wait3A_96 = tpu.memref_slice %arg12[%add3A_11, %dma_wait3A] : memref<10000x128xf32, #tpu.memory_space<vmem_shared>> -> memref<16x128xf32, #tpu.memory_space<vmem_shared>>
      %dma_wait3A_97 = arith.constant 0 : i32
      %dma_wait3A_98 = tpu.memref_slice %arg12[%add3A_11, %dma_wait3A_97] : memref<10000x128xf32, #tpu.memory_space<vmem_shared>> -> memref<16x128xf32, #tpu.memory_space<vmem_shared>>
      tpu.wait_dma2 semaphore(%run_scoped3A : memref<!tpu.dma_semaphore, #tpu.memory_space<semaphore_mem>>) src(%arg11 : memref<16x128xf32, #tpu.memory_space<vmem>>) dst(%dma_wait3A_98 : memref<16x128xf32, #tpu.memory_space<vmem_shared>>)
      tpu.yield
    }) : () -> ()
    %add3A_12 = arith.constant 48 : i32
    %add3A_13 = arith.addi %mul3A_6, %add3A_12 : i32
    "tpu.region"() ({
      %run_scoped3A = tpu.sem_alloc : memref<!tpu.dma_semaphore, #tpu.memory_space<semaphore_mem>>
      %dma_start3A = arith.constant 0 : i32
      %dma_start3A_93 = tpu.memref_slice %arg12[%add3A_13, %dma_start3A] : memref<10000x128xf32, #tpu.memory_space<vmem_shared>> -> memref<16x128xf32, #tpu.memory_space<vmem_shared>>
      %dma_start3A_94 = arith.constant 0 : i32
      %dma_start3A_95 = tpu.memref_slice %arg12[%add3A_13, %dma_start3A_94] : memref<10000x128xf32, #tpu.memory_space<vmem_shared>> -> memref<16x128xf32, #tpu.memory_space<vmem_shared>>
      tpu.enqueue_dma source(%arg11 : memref<16x128xf32, #tpu.memory_space<vmem>>) target(%dma_start3A_95 : memref<16x128xf32, #tpu.memory_space<vmem_shared>>) target_semaphore(%run_scoped3A : memref<!tpu.dma_semaphore, #tpu.memory_space<semaphore_mem>>)
      %dma_wait3A = arith.constant 0 : i32
      %dma_wait3A_96 = tpu.memref_slice %arg12[%add3A_13, %dma_wait3A] : memref<10000x128xf32, #tpu.memory_space<vmem_shared>> -> memref<16x128xf32, #tpu.memory_space<vmem_shared>>
      %dma_wait3A_97 = arith.constant 0 : i32
      %dma_wait3A_98 = tpu.memref_slice %arg12[%add3A_13, %dma_wait3A_97] : memref<10000x128xf32, #tpu.memory_space<vmem_shared>> -> memref<16x128xf32, #tpu.memory_space<vmem_shared>>
      tpu.wait_dma2 semaphore(%run_scoped3A : memref<!tpu.dma_semaphore, #tpu.memory_space<semaphore_mem>>) src(%arg11 : memref<16x128xf32, #tpu.memory_space<vmem>>) dst(%dma_wait3A_98 : memref<16x128xf32, #tpu.memory_space<vmem_shared>>)
      tpu.yield
    }) : () -> ()
    %add3A_14 = arith.constant 64 : i32
    %add3A_15 = arith.addi %mul3A_6, %add3A_14 : i32
    "tpu.region"() ({
      %run_scoped3A = tpu.sem_alloc : memref<!tpu.dma_semaphore, #tpu.memory_space<semaphore_mem>>
      %dma_start3A = arith.constant 0 : i32
      %dma_start3A_93 = tpu.memref_slice %arg12[%add3A_15, %dma_start3A] : memref<10000x128xf32, #tpu.memory_space<vmem_shared>> -> memref<16x128xf32, #tpu.memory_space<vmem_shared>>
      %dma_start3A_94 = arith.constant 0 : i32
      %dma_start3A_95 = tpu.memref_slice %arg12[%add3A_15, %dma_start3A_94] : memref<10000x128xf32, #tpu.memory_space<vmem_shared>> -> memref<16x128xf32, #tpu.memory_space<vmem_shared>>
      tpu.enqueue_dma source(%arg11 : memref<16x128xf32, #tpu.memory_space<vmem>>) target(%dma_start3A_95 : memref<16x128xf32, #tpu.memory_space<vmem_shared>>) target_semaphore(%run_scoped3A : memref<!tpu.dma_semaphore, #tpu.memory_space<semaphore_mem>>)
      %dma_wait3A = arith.constant 0 : i32
      %dma_wait3A_96 = tpu.memref_slice %arg12[%add3A_15, %dma_wait3A] : memref<10000x128xf32, #tpu.memory_space<vmem_shared>> -> memref<16x128xf32, #tpu.memory_space<vmem_shared>>
      %dma_wait3A_97 = arith.constant 0 : i32
      %dma_wait3A_98 = tpu.memref_slice %arg12[%add3A_15, %dma_wait3A_97] : memref<10000x128xf32, #tpu.memory_space<vmem_shared>> -> memref<16x128xf32, #tpu.memory_space<vmem_shared>>
      tpu.wait_dma2 semaphore(%run_scoped3A : memref<!tpu.dma_semaphore, #tpu.memory_space<semaphore_mem>>) src(%arg11 : memref<16x128xf32, #tpu.memory_space<vmem>>) dst(%dma_wait3A_98 : memref<16x128xf32, #tpu.memory_space<vmem_shared>>)
      tpu.yield
    }) : () -> ()
    %add3A_16 = arith.constant 80 : i32
    %add3A_17 = arith.addi %mul3A_6, %add3A_16 : i32
    "tpu.region"() ({
      %run_scoped3A = tpu.sem_alloc : memref<!tpu.dma_semaphore, #tpu.memory_space<semaphore_mem>>
      %dma_start3A = arith.constant 0 : i32
      %dma_start3A_93 = tpu.memref_slice %arg12[%add3A_17, %dma_start3A] : memref<10000x128xf32, #tpu.memory_space<vmem_shared>> -> memref<16x128xf32, #tpu.memory_space<vmem_shared>>
      %dma_start3A_94 = arith.constant 0 : i32
      %dma_start3A_95 = tpu.memref_slice %arg12[%add3A_17, %dma_start3A_94] : memref<10000x128xf32, #tpu.memory_space<vmem_shared>> -> memref<16x128xf32, #tpu.memory_space<vmem_shared>>
      tpu.enqueue_dma source(%arg11 : memref<16x128xf32, #tpu.memory_space<vmem>>) target(%dma_start3A_95 : memref<16x128xf32, #tpu.memory_space<vmem_shared>>) target_semaphore(%run_scoped3A : memref<!tpu.dma_semaphore, #tpu.memory_space<semaphore_mem>>)
      %dma_wait3A = arith.constant 0 : i32
      %dma_wait3A_96 = tpu.memref_slice %arg12[%add3A_17, %dma_wait3A] : memref<10000x128xf32, #tpu.memory_space<vmem_shared>> -> memref<16x128xf32, #tpu.memory_space<vmem_shared>>
      %dma_wait3A_97 = arith.constant 0 : i32
      %dma_wait3A_98 = tpu.memref_slice %arg12[%add3A_17, %dma_wait3A_97] : memref<10000x128xf32, #tpu.memory_space<vmem_shared>> -> memref<16x128xf32, #tpu.memory_space<vmem_shared>>
      tpu.wait_dma2 semaphore(%run_scoped3A : memref<!tpu.dma_semaphore, #tpu.memory_space<semaphore_mem>>) src(%arg11 : memref<16x128xf32, #tpu.memory_space<vmem>>) dst(%dma_wait3A_98 : memref<16x128xf32, #tpu.memory_space<vmem_shared>>)
      tpu.yield
    }) : () -> ()
    %add3A_18 = arith.constant 96 : i32
    %add3A_19 = arith.addi %mul3A_6, %add3A_18 : i32
    "tpu.region"() ({
      %run_scoped3A = tpu.sem_alloc : memref<!tpu.dma_semaphore, #tpu.memory_space<semaphore_mem>>
      %dma_start3A = arith.constant 0 : i32
      %dma_start3A_93 = tpu.memref_slice %arg12[%add3A_19, %dma_start3A] : memref<10000x128xf32, #tpu.memory_space<vmem_shared>> -> memref<16x128xf32, #tpu.memory_space<vmem_shared>>
      %dma_start3A_94 = arith.constant 0 : i32
      %dma_start3A_95 = tpu.memref_slice %arg12[%add3A_19, %dma_start3A_94] : memref<10000x128xf32, #tpu.memory_space<vmem_shared>> -> memref<16x128xf32, #tpu.memory_space<vmem_shared>>
      tpu.enqueue_dma source(%arg11 : memref<16x128xf32, #tpu.memory_space<vmem>>) target(%dma_start3A_95 : memref<16x128xf32, #tpu.memory_space<vmem_shared>>) target_semaphore(%run_scoped3A : memref<!tpu.dma_semaphore, #tpu.memory_space<semaphore_mem>>)
      %dma_wait3A = arith.constant 0 : i32
      %dma_wait3A_96 = tpu.memref_slice %arg12[%add3A_19, %dma_wait3A] : memref<10000x128xf32, #tpu.memory_space<vmem_shared>> -> memref<16x128xf32, #tpu.memory_space<vmem_shared>>
      %dma_wait3A_97 = arith.constant 0 : i32
      %dma_wait3A_98 = tpu.memref_slice %arg12[%add3A_19, %dma_wait3A_97] : memref<10000x128xf32, #tpu.memory_space<vmem_shared>> -> memref<16x128xf32, #tpu.memory_space<vmem_shared>>
      tpu.wait_dma2 semaphore(%run_scoped3A : memref<!tpu.dma_semaphore, #tpu.memory_space<semaphore_mem>>) src(%arg11 : memref<16x128xf32, #tpu.memory_space<vmem>>) dst(%dma_wait3A_98 : memref<16x128xf32, #tpu.memory_space<vmem_shared>>)
      tpu.yield
    }) : () -> ()
    %add3A_20 = arith.constant 112 : i32
    %add3A_21 = arith.addi %mul3A_6, %add3A_20 : i32
    "tpu.region"() ({
      %run_scoped3A = tpu.sem_alloc : memref<!tpu.dma_semaphore, #tpu.memory_space<semaphore_mem>>
      %dma_start3A = arith.constant 0 : i32
      %dma_start3A_93 = tpu.memref_slice %arg12[%add3A_21, %dma_start3A] : memref<10000x128xf32, #tpu.memory_space<vmem_shared>> -> memref<16x128xf32, #tpu.memory_space<vmem_shared>>
      %dma_start3A_94 = arith.constant 0 : i32
      %dma_start3A_95 = tpu.memref_slice %arg12[%add3A_21, %dma_start3A_94] : memref<10000x128xf32, #tpu.memory_space<vmem_shared>> -> memref<16x128xf32, #tpu.memory_space<vmem_shared>>
      tpu.enqueue_dma source(%arg11 : memref<16x128xf32, #tpu.memory_space<vmem>>) target(%dma_start3A_95 : memref<16x128xf32, #tpu.memory_space<vmem_shared>>) target_semaphore(%run_scoped3A : memref<!tpu.dma_semaphore, #tpu.memory_space<semaphore_mem>>)
      %dma_wait3A = arith.constant 0 : i32
      %dma_wait3A_96 = tpu.memref_slice %arg12[%add3A_21, %dma_wait3A] : memref<10000x128xf32, #tpu.memory_space<vmem_shared>> -> memref<16x128xf32, #tpu.memory_space<vmem_shared>>
      %dma_wait3A_97 = arith.constant 0 : i32
      %dma_wait3A_98 = tpu.memref_slice %arg12[%add3A_21, %dma_wait3A_97] : memref<10000x128xf32, #tpu.memory_space<vmem_shared>> -> memref<16x128xf32, #tpu.memory_space<vmem_shared>>
      tpu.wait_dma2 semaphore(%run_scoped3A : memref<!tpu.dma_semaphore, #tpu.memory_space<semaphore_mem>>) src(%arg11 : memref<16x128xf32, #tpu.memory_space<vmem>>) dst(%dma_wait3A_98 : memref<16x128xf32, #tpu.memory_space<vmem_shared>>)
      tpu.yield
    }) : () -> ()
    %add3A_22 = arith.constant 128 : i32
    %add3A_23 = arith.addi %mul3A_6, %add3A_22 : i32
    "tpu.region"() ({
      %run_scoped3A = tpu.sem_alloc : memref<!tpu.dma_semaphore, #tpu.memory_space<semaphore_mem>>
      %dma_start3A = arith.constant 0 : i32
      %dma_start3A_93 = tpu.memref_slice %arg12[%add3A_23, %dma_start3A] : memref<10000x128xf32, #tpu.memory_space<vmem_shared>> -> memref<16x128xf32, #tpu.memory_space<vmem_shared>>
      %dma_start3A_94 = arith.constant 0 : i32
      %dma_start3A_95 = tpu.memref_slice %arg12[%add3A_23, %dma_start3A_94] : memref<10000x128xf32, #tpu.memory_space<vmem_shared>> -> memref<16x128xf32, #tpu.memory_space<vmem_shared>>
      tpu.enqueue_dma source(%arg11 : memref<16x128xf32, #tpu.memory_space<vmem>>) target(%dma_start3A_95 : memref<16x128xf32, #tpu.memory_space<vmem_shared>>) target_semaphore(%run_scoped3A : memref<!tpu.dma_semaphore, #tpu.memory_space<semaphore_mem>>)
      %dma_wait3A = arith.constant 0 : i32
      %dma_wait3A_96 = tpu.memref_slice %arg12[%add3A_23, %dma_wait3A] : memref<10000x128xf32, #tpu.memory_space<vmem_shared>> -> memref<16x128xf32, #tpu.memory_space<vmem_shared>>
      %dma_wait3A_97 = arith.constant 0 : i32
      %dma_wait3A_98 = tpu.memref_slice %arg12[%add3A_23, %dma_wait3A_97] : memref<10000x128xf32, #tpu.memory_space<vmem_shared>> -> memref<16x128xf32, #tpu.memory_space<vmem_shared>>
      tpu.wait_dma2 semaphore(%run_scoped3A : memref<!tpu.dma_semaphore, #tpu.memory_space<semaphore_mem>>) src(%arg11 : memref<16x128xf32, #tpu.memory_space<vmem>>) dst(%dma_wait3A_98 : memref<16x128xf32, #tpu.memory_space<vmem_shared>>)
      tpu.yield
    }) : () -> ()
    %add3A_24 = arith.constant 144 : i32
    %add3A_25 = arith.addi %mul3A_6, %add3A_24 : i32
    "tpu.region"() ({
      %run_scoped3A = tpu.sem_alloc : memref<!tpu.dma_semaphore, #tpu.memory_space<semaphore_mem>>
      %dma_start3A = arith.constant 0 : i32
      %dma_start3A_93 = tpu.memref_slice %arg12[%add3A_25, %dma_start3A] : memref<10000x128xf32, #tpu.memory_space<vmem_shared>> -> memref<16x128xf32, #tpu.memory_space<vmem_shared>>
      %dma_start3A_94 = arith.constant 0 : i32
      %dma_start3A_95 = tpu.memref_slice %arg12[%add3A_25, %dma_start3A_94] : memref<10000x128xf32, #tpu.memory_space<vmem_shared>> -> memref<16x128xf32, #tpu.memory_space<vmem_shared>>
      tpu.enqueue_dma source(%arg11 : memref<16x128xf32, #tpu.memory_space<vmem>>) target(%dma_start3A_95 : memref<16x128xf32, #tpu.memory_space<vmem_shared>>) target_semaphore(%run_scoped3A : memref<!tpu.dma_semaphore, #tpu.memory_space<semaphore_mem>>)
      %dma_wait3A = arith.constant 0 : i32
      %dma_wait3A_96 = tpu.memref_slice %arg12[%add3A_25, %dma_wait3A] : memref<10000x128xf32, #tpu.memory_space<vmem_shared>> -> memref<16x128xf32, #tpu.memory_space<vmem_shared>>
      %dma_wait3A_97 = arith.constant 0 : i32
      %dma_wait3A_98 = tpu.memref_slice %arg12[%add3A_25, %dma_wait3A_97] : memref<10000x128xf32, #tpu.memory_space<vmem_shared>> -> memref<16x128xf32, #tpu.memory_space<vmem_shared>>
      tpu.wait_dma2 semaphore(%run_scoped3A : memref<!tpu.dma_semaphore, #tpu.memory_space<semaphore_mem>>) src(%arg11 : memref<16x128xf32, #tpu.memory_space<vmem>>) dst(%dma_wait3A_98 : memref<16x128xf32, #tpu.memory_space<vmem_shared>>)
      tpu.yield
    }) : () -> ()
    %add3A_26 = arith.constant 160 : i32
    %add3A_27 = arith.addi %mul3A_6, %add3A_26 : i32
    "tpu.region"() ({
      %run_scoped3A = tpu.sem_alloc : memref<!tpu.dma_semaphore, #tpu.memory_space<semaphore_mem>>
      %dma_start3A = arith.constant 0 : i32
      %dma_start3A_93 = tpu.memref_slice %arg12[%add3A_27, %dma_start3A] : memref<10000x128xf32, #tpu.memory_space<vmem_shared>> -> memref<16x128xf32, #tpu.memory_space<vmem_shared>>
      %dma_start3A_94 = arith.constant 0 : i32
      %dma_start3A_95 = tpu.memref_slice %arg12[%add3A_27, %dma_start3A_94] : memref<10000x128xf32, #tpu.memory_space<vmem_shared>> -> memref<16x128xf32, #tpu.memory_space<vmem_shared>>
      tpu.enqueue_dma source(%arg11 : memref<16x128xf32, #tpu.memory_space<vmem>>) target(%dma_start3A_95 : memref<16x128xf32, #tpu.memory_space<vmem_shared>>) target_semaphore(%run_scoped3A : memref<!tpu.dma_semaphore, #tpu.memory_space<semaphore_mem>>)
      %dma_wait3A = arith.constant 0 : i32
      %dma_wait3A_96 = tpu.memref_slice %arg12[%add3A_27, %dma_wait3A] : memref<10000x128xf32, #tpu.memory_space<vmem_shared>> -> memref<16x128xf32, #tpu.memory_space<vmem_shared>>
      %dma_wait3A_97 = arith.constant 0 : i32
      %dma_wait3A_98 = tpu.memref_slice %arg12[%add3A_27, %dma_wait3A_97] : memref<10000x128xf32, #tpu.memory_space<vmem_shared>> -> memref<16x128xf32, #tpu.memory_space<vmem_shared>>
      tpu.wait_dma2 semaphore(%run_scoped3A : memref<!tpu.dma_semaphore, #tpu.memory_space<semaphore_mem>>) src(%arg11 : memref<16x128xf32, #tpu.memory_space<vmem>>) dst(%dma_wait3A_98 : memref<16x128xf32, #tpu.memory_space<vmem_shared>>)
      tpu.yield
    }) : () -> ()
    %add3A_28 = arith.constant 176 : i32
    %add3A_29 = arith.addi %mul3A_6, %add3A_28 : i32
    "tpu.region"() ({
      %run_scoped3A = tpu.sem_alloc : memref<!tpu.dma_semaphore, #tpu.memory_space<semaphore_mem>>
      %dma_start3A = arith.constant 0 : i32
      %dma_start3A_93 = tpu.memref_slice %arg12[%add3A_29, %dma_start3A] : memref<10000x128xf32, #tpu.memory_space<vmem_shared>> -> memref<16x128xf32, #tpu.memory_space<vmem_shared>>
      %dma_start3A_94 = arith.constant 0 : i32
      %dma_start3A_95 = tpu.memref_slice %arg12[%add3A_29, %dma_start3A_94] : memref<10000x128xf32, #tpu.memory_space<vmem_shared>> -> memref<16x128xf32, #tpu.memory_space<vmem_shared>>
      tpu.enqueue_dma source(%arg11 : memref<16x128xf32, #tpu.memory_space<vmem>>) target(%dma_start3A_95 : memref<16x128xf32, #tpu.memory_space<vmem_shared>>) target_semaphore(%run_scoped3A : memref<!tpu.dma_semaphore, #tpu.memory_space<semaphore_mem>>)
      %dma_wait3A = arith.constant 0 : i32
      %dma_wait3A_96 = tpu.memref_slice %arg12[%add3A_29, %dma_wait3A] : memref<10000x128xf32, #tpu.memory_space<vmem_shared>> -> memref<16x128xf32, #tpu.memory_space<vmem_shared>>
      %dma_wait3A_97 = arith.constant 0 : i32
      %dma_wait3A_98 = tpu.memref_slice %arg12[%add3A_29, %dma_wait3A_97] : memref<10000x128xf32, #tpu.memory_space<vmem_shared>> -> memref<16x128xf32, #tpu.memory_space<vmem_shared>>
      tpu.wait_dma2 semaphore(%run_scoped3A : memref<!tpu.dma_semaphore, #tpu.memory_space<semaphore_mem>>) src(%arg11 : memref<16x128xf32, #tpu.memory_space<vmem>>) dst(%dma_wait3A_98 : memref<16x128xf32, #tpu.memory_space<vmem_shared>>)
      tpu.yield
    }) : () -> ()
    %add3A_30 = arith.constant 192 : i32
    %add3A_31 = arith.addi %mul3A_6, %add3A_30 : i32
    "tpu.region"() ({
      %run_scoped3A = tpu.sem_alloc : memref<!tpu.dma_semaphore, #tpu.memory_space<semaphore_mem>>
      %dma_start3A = arith.constant 0 : i32
      %dma_start3A_93 = tpu.memref_slice %arg12[%add3A_31, %dma_start3A] : memref<10000x128xf32, #tpu.memory_space<vmem_shared>> -> memref<16x128xf32, #tpu.memory_space<vmem_shared>>
      %dma_start3A_94 = arith.constant 0 : i32
      %dma_start3A_95 = tpu.memref_slice %arg12[%add3A_31, %dma_start3A_94] : memref<10000x128xf32, #tpu.memory_space<vmem_shared>> -> memref<16x128xf32, #tpu.memory_space<vmem_shared>>
      tpu.enqueue_dma source(%arg11 : memref<16x128xf32, #tpu.memory_space<vmem>>) target(%dma_start3A_95 : memref<16x128xf32, #tpu.memory_space<vmem_shared>>) target_semaphore(%run_scoped3A : memref<!tpu.dma_semaphore, #tpu.memory_space<semaphore_mem>>)
      %dma_wait3A = arith.constant 0 : i32
      %dma_wait3A_96 = tpu.memref_slice %arg12[%add3A_31, %dma_wait3A] : memref<10000x128xf32, #tpu.memory_space<vmem_shared>> -> memref<16x128xf32, #tpu.memory_space<vmem_shared>>
      %dma_wait3A_97 = arith.constant 0 : i32
      %dma_wait3A_98 = tpu.memref_slice %arg12[%add3A_31, %dma_wait3A_97] : memref<10000x128xf32, #tpu.memory_space<vmem_shared>> -> memref<16x128xf32, #tpu.memory_space<vmem_shared>>
      tpu.wait_dma2 semaphore(%run_scoped3A : memref<!tpu.dma_semaphore, #tpu.memory_space<semaphore_mem>>) src(%arg11 : memref<16x128xf32, #tpu.memory_space<vmem>>) dst(%dma_wait3A_98 : memref<16x128xf32, #tpu.memory_space<vmem_shared>>)
      tpu.yield
    }) : () -> ()
    %add3A_32 = arith.constant 208 : i32
    %add3A_33 = arith.addi %mul3A_6, %add3A_32 : i32
    "tpu.region"() ({
      %run_scoped3A = tpu.sem_alloc : memref<!tpu.dma_semaphore, #tpu.memory_space<semaphore_mem>>
      %dma_start3A = arith.constant 0 : i32
      %dma_start3A_93 = tpu.memref_slice %arg12[%add3A_33, %dma_start3A] : memref<10000x128xf32, #tpu.memory_space<vmem_shared>> -> memref<16x128xf32, #tpu.memory_space<vmem_shared>>
      %dma_start3A_94 = arith.constant 0 : i32
      %dma_start3A_95 = tpu.memref_slice %arg12[%add3A_33, %dma_start3A_94] : memref<10000x128xf32, #tpu.memory_space<vmem_shared>> -> memref<16x128xf32, #tpu.memory_space<vmem_shared>>
      tpu.enqueue_dma source(%arg11 : memref<16x128xf32, #tpu.memory_space<vmem>>) target(%dma_start3A_95 : memref<16x128xf32, #tpu.memory_space<vmem_shared>>) target_semaphore(%run_scoped3A : memref<!tpu.dma_semaphore, #tpu.memory_space<semaphore_mem>>)
      %dma_wait3A = arith.constant 0 : i32
      %dma_wait3A_96 = tpu.memref_slice %arg12[%add3A_33, %dma_wait3A] : memref<10000x128xf32, #tpu.memory_space<vmem_shared>> -> memref<16x128xf32, #tpu.memory_space<vmem_shared>>
      %dma_wait3A_97 = arith.constant 0 : i32
      %dma_wait3A_98 = tpu.memref_slice %arg12[%add3A_33, %dma_wait3A_97] : memref<10000x128xf32, #tpu.memory_space<vmem_shared>> -> memref<16x128xf32, #tpu.memory_space<vmem_shared>>
      tpu.wait_dma2 semaphore(%run_scoped3A : memref<!tpu.dma_semaphore, #tpu.memory_space<semaphore_mem>>) src(%arg11 : memref<16x128xf32, #tpu.memory_space<vmem>>) dst(%dma_wait3A_98 : memref<16x128xf32, #tpu.memory_space<vmem_shared>>)
      tpu.yield
    }) : () -> ()
    %add3A_34 = arith.constant 224 : i32
    %add3A_35 = arith.addi %mul3A_6, %add3A_34 : i32
    "tpu.region"() ({
      %run_scoped3A = tpu.sem_alloc : memref<!tpu.dma_semaphore, #tpu.memory_space<semaphore_mem>>
      %dma_start3A = arith.constant 0 : i32
      %dma_start3A_93 = tpu.memref_slice %arg12[%add3A_35, %dma_start3A] : memref<10000x128xf32, #tpu.memory_space<vmem_shared>> -> memref<16x128xf32, #tpu.memory_space<vmem_shared>>
      %dma_start3A_94 = arith.constant 0 : i32
      %dma_start3A_95 = tpu.memref_slice %arg12[%add3A_35, %dma_start3A_94] : memref<10000x128xf32, #tpu.memory_space<vmem_shared>> -> memref<16x128xf32, #tpu.memory_space<vmem_shared>>
      tpu.enqueue_dma source(%arg11 : memref<16x128xf32, #tpu.memory_space<vmem>>) target(%dma_start3A_95 : memref<16x128xf32, #tpu.memory_space<vmem_shared>>) target_semaphore(%run_scoped3A : memref<!tpu.dma_semaphore, #tpu.memory_space<semaphore_mem>>)
      %dma_wait3A = arith.constant 0 : i32
      %dma_wait3A_96 = tpu.memref_slice %arg12[%add3A_35, %dma_wait3A] : memref<10000x128xf32, #tpu.memory_space<vmem_shared>> -> memref<16x128xf32, #tpu.memory_space<vmem_shared>>
      %dma_wait3A_97 = arith.constant 0 : i32
      %dma_wait3A_98 = tpu.memref_slice %arg12[%add3A_35, %dma_wait3A_97] : memref<10000x128xf32, #tpu.memory_space<vmem_shared>> -> memref<16x128xf32, #tpu.memory_space<vmem_shared>>
      tpu.wait_dma2 semaphore(%run_scoped3A : memref<!tpu.dma_semaphore, #tpu.memory_space<semaphore_mem>>) src(%arg11 : memref<16x128xf32, #tpu.memory_space<vmem>>) dst(%dma_wait3A_98 : memref<16x128xf32, #tpu.memory_space<vmem_shared>>)
      tpu.yield
    }) : () -> ()
    %add3A_36 = arith.constant 240 : i32
    %add3A_37 = arith.addi %mul3A_6, %add3A_36 : i32
    "tpu.region"() ({
      %run_scoped3A = tpu.sem_alloc : memref<!tpu.dma_semaphore, #tpu.memory_space<semaphore_mem>>
      %dma_start3A = arith.constant 0 : i32
      %dma_start3A_93 = tpu.memref_slice %arg12[%add3A_37, %dma_start3A] : memref<10000x128xf32, #tpu.memory_space<vmem_shared>> -> memref<16x128xf32, #tpu.memory_space<vmem_shared>>
      %dma_start3A_94 = arith.constant 0 : i32
      %dma_start3A_95 = tpu.memref_slice %arg12[%add3A_37, %dma_start3A_94] : memref<10000x128xf32, #tpu.memory_space<vmem_shared>> -> memref<16x128xf32, #tpu.memory_space<vmem_shared>>
      tpu.enqueue_dma source(%arg11 : memref<16x128xf32, #tpu.memory_space<vmem>>) target(%dma_start3A_95 : memref<16x128xf32, #tpu.memory_space<vmem_shared>>) target_semaphore(%run_scoped3A : memref<!tpu.dma_semaphore, #tpu.memory_space<semaphore_mem>>)
      %dma_wait3A = arith.constant 0 : i32
      %dma_wait3A_96 = tpu.memref_slice %arg12[%add3A_37, %dma_wait3A] : memref<10000x128xf32, #tpu.memory_space<vmem_shared>> -> memref<16x128xf32, #tpu.memory_space<vmem_shared>>
      %dma_wait3A_97 = arith.constant 0 : i32
      %dma_wait3A_98 = tpu.memref_slice %arg12[%add3A_37, %dma_wait3A_97] : memref<10000x128xf32, #tpu.memory_space<vmem_shared>> -> memref<16x128xf32, #tpu.memory_space<vmem_shared>>
      tpu.wait_dma2 semaphore(%run_scoped3A : memref<!tpu.dma_semaphore, #tpu.memory_space<semaphore_mem>>) src(%arg11 : memref<16x128xf32, #tpu.memory_space<vmem>>) dst(%dma_wait3A_98 : memref<16x128xf32, #tpu.memory_space<vmem_shared>>)
      tpu.yield
    }) : () -> ()
    %add3A_38 = arith.constant 256 : i32
    %add3A_39 = arith.addi %mul3A_6, %add3A_38 : i32
    "tpu.region"() ({
      %run_scoped3A = tpu.sem_alloc : memref<!tpu.dma_semaphore, #tpu.memory_space<semaphore_mem>>
      %dma_start3A = arith.constant 0 : i32
      %dma_start3A_93 = tpu.memref_slice %arg12[%add3A_39, %dma_start3A] : memref<10000x128xf32, #tpu.memory_space<vmem_shared>> -> memref<16x128xf32, #tpu.memory_space<vmem_shared>>
      %dma_start3A_94 = arith.constant 0 : i32
      %dma_start3A_95 = tpu.memref_slice %arg12[%add3A_39, %dma_start3A_94] : memref<10000x128xf32, #tpu.memory_space<vmem_shared>> -> memref<16x128xf32, #tpu.memory_space<vmem_shared>>
      tpu.enqueue_dma source(%arg11 : memref<16x128xf32, #tpu.memory_space<vmem>>) target(%dma_start3A_95 : memref<16x128xf32, #tpu.memory_space<vmem_shared>>) target_semaphore(%run_scoped3A : memref<!tpu.dma_semaphore, #tpu.memory_space<semaphore_mem>>)
      %dma_wait3A = arith.constant 0 : i32
      %dma_wait3A_96 = tpu.memref_slice %arg12[%add3A_39, %dma_wait3A] : memref<10000x128xf32, #tpu.memory_space<vmem_shared>> -> memref<16x128xf32, #tpu.memory_space<vmem_shared>>
      %dma_wait3A_97 = arith.constant 0 : i32
      %dma_wait3A_98 = tpu.memref_slice %arg12[%add3A_39, %dma_wait3A_97] : memref<10000x128xf32, #tpu.memory_space<vmem_shared>> -> memref<16x128xf32, #tpu.memory_space<vmem_shared>>
      tpu.wait_dma2 semaphore(%run_scoped3A : memref<!tpu.dma_semaphore, #tpu.memory_space<semaphore_mem>>) src(%arg11 : memref<16x128xf32, #tpu.memory_space<vmem>>) dst(%dma_wait3A_98 : memref<16x128xf32, #tpu.memory_space<vmem_shared>>)
      tpu.yield
    }) : () -> ()
    %add3A_40 = arith.constant 272 : i32
    %add3A_41 = arith.addi %mul3A_6, %add3A_40 : i32
    "tpu.region"() ({
      %run_scoped3A = tpu.sem_alloc : memref<!tpu.dma_semaphore, #tpu.memory_space<semaphore_mem>>
      %dma_start3A = arith.constant 0 : i32
      %dma_start3A_93 = tpu.memref_slice %arg12[%add3A_41, %dma_start3A] : memref<10000x128xf32, #tpu.memory_space<vmem_shared>> -> memref<16x128xf32, #tpu.memory_space<vmem_shared>>
      %dma_start3A_94 = arith.constant 0 : i32
      %dma_start3A_95 = tpu.memref_slice %arg12[%add3A_41, %dma_start3A_94] : memref<10000x128xf32, #tpu.memory_space<vmem_shared>> -> memref<16x128xf32, #tpu.memory_space<vmem_shared>>
      tpu.enqueue_dma source(%arg11 : memref<16x128xf32, #tpu.memory_space<vmem>>) target(%dma_start3A_95 : memref<16x128xf32, #tpu.memory_space<vmem_shared>>) target_semaphore(%run_scoped3A : memref<!tpu.dma_semaphore, #tpu.memory_space<semaphore_mem>>)
      %dma_wait3A = arith.constant 0 : i32
      %dma_wait3A_96 = tpu.memref_slice %arg12[%add3A_41, %dma_wait3A] : memref<10000x128xf32, #tpu.memory_space<vmem_shared>> -> memref<16x128xf32, #tpu.memory_space<vmem_shared>>
      %dma_wait3A_97 = arith.constant 0 : i32
      %dma_wait3A_98 = tpu.memref_slice %arg12[%add3A_41, %dma_wait3A_97] : memref<10000x128xf32, #tpu.memory_space<vmem_shared>> -> memref<16x128xf32, #tpu.memory_space<vmem_shared>>
      tpu.wait_dma2 semaphore(%run_scoped3A : memref<!tpu.dma_semaphore, #tpu.memory_space<semaphore_mem>>) src(%arg11 : memref<16x128xf32, #tpu.memory_space<vmem>>) dst(%dma_wait3A_98 : memref<16x128xf32, #tpu.memory_space<vmem_shared>>)
      tpu.yield
    }) : () -> ()
    %add3A_42 = arith.constant 288 : i32
    %add3A_43 = arith.addi %mul3A_6, %add3A_42 : i32
    "tpu.region"() ({
      %run_scoped3A = tpu.sem_alloc : memref<!tpu.dma_semaphore, #tpu.memory_space<semaphore_mem>>
      %dma_start3A = arith.constant 0 : i32
      %dma_start3A_93 = tpu.memref_slice %arg12[%add3A_43, %dma_start3A] : memref<10000x128xf32, #tpu.memory_space<vmem_shared>> -> memref<16x128xf32, #tpu.memory_space<vmem_shared>>
      %dma_start3A_94 = arith.constant 0 : i32
      %dma_start3A_95 = tpu.memref_slice %arg12[%add3A_43, %dma_start3A_94] : memref<10000x128xf32, #tpu.memory_space<vmem_shared>> -> memref<16x128xf32, #tpu.memory_space<vmem_shared>>
      tpu.enqueue_dma source(%arg11 : memref<16x128xf32, #tpu.memory_space<vmem>>) target(%dma_start3A_95 : memref<16x128xf32, #tpu.memory_space<vmem_shared>>) target_semaphore(%run_scoped3A : memref<!tpu.dma_semaphore, #tpu.memory_space<semaphore_mem>>)
      %dma_wait3A = arith.constant 0 : i32
      %dma_wait3A_96 = tpu.memref_slice %arg12[%add3A_43, %dma_wait3A] : memref<10000x128xf32, #tpu.memory_space<vmem_shared>> -> memref<16x128xf32, #tpu.memory_space<vmem_shared>>
      %dma_wait3A_97 = arith.constant 0 : i32
      %dma_wait3A_98 = tpu.memref_slice %arg12[%add3A_43, %dma_wait3A_97] : memref<10000x128xf32, #tpu.memory_space<vmem_shared>> -> memref<16x128xf32, #tpu.memory_space<vmem_shared>>
      tpu.wait_dma2 semaphore(%run_scoped3A : memref<!tpu.dma_semaphore, #tpu.memory_space<semaphore_mem>>) src(%arg11 : memref<16x128xf32, #tpu.memory_space<vmem>>) dst(%dma_wait3A_98 : memref<16x128xf32, #tpu.memory_space<vmem_shared>>)
      tpu.yield
    }) : () -> ()
    %add3A_44 = arith.constant 304 : i32
    %add3A_45 = arith.addi %mul3A_6, %add3A_44 : i32
    "tpu.region"() ({
      %run_scoped3A = tpu.sem_alloc : memref<!tpu.dma_semaphore, #tpu.memory_space<semaphore_mem>>
      %dma_start3A = arith.constant 0 : i32
      %dma_start3A_93 = tpu.memref_slice %arg12[%add3A_45, %dma_start3A] : memref<10000x128xf32, #tpu.memory_space<vmem_shared>> -> memref<16x128xf32, #tpu.memory_space<vmem_shared>>
      %dma_start3A_94 = arith.constant 0 : i32
      %dma_start3A_95 = tpu.memref_slice %arg12[%add3A_45, %dma_start3A_94] : memref<10000x128xf32, #tpu.memory_space<vmem_shared>> -> memref<16x128xf32, #tpu.memory_space<vmem_shared>>
      tpu.enqueue_dma source(%arg11 : memref<16x128xf32, #tpu.memory_space<vmem>>) target(%dma_start3A_95 : memref<16x128xf32, #tpu.memory_space<vmem_shared>>) target_semaphore(%run_scoped3A : memref<!tpu.dma_semaphore, #tpu.memory_space<semaphore_mem>>)
      %dma_wait3A = arith.constant 0 : i32
      %dma_wait3A_96 = tpu.memref_slice %arg12[%add3A_45, %dma_wait3A] : memref<10000x128xf32, #tpu.memory_space<vmem_shared>> -> memref<16x128xf32, #tpu.memory_space<vmem_shared>>
      %dma_wait3A_97 = arith.constant 0 : i32
      %dma_wait3A_98 = tpu.memref_slice %arg12[%add3A_45, %dma_wait3A_97] : memref<10000x128xf32, #tpu.memory_space<vmem_shared>> -> memref<16x128xf32, #tpu.memory_space<vmem_shared>>
      tpu.wait_dma2 semaphore(%run_scoped3A : memref<!tpu.dma_semaphore, #tpu.memory_space<semaphore_mem>>) src(%arg11 : memref<16x128xf32, #tpu.memory_space<vmem>>) dst(%dma_wait3A_98 : memref<16x128xf32, #tpu.memory_space<vmem_shared>>)
      tpu.yield
    }) : () -> ()
    %add3A_46 = arith.constant 320 : i32
    %add3A_47 = arith.addi %mul3A_6, %add3A_46 : i32
    "tpu.region"() ({
      %run_scoped3A = tpu.sem_alloc : memref<!tpu.dma_semaphore, #tpu.memory_space<semaphore_mem>>
      %dma_start3A = arith.constant 0 : i32
      %dma_start3A_93 = tpu.memref_slice %arg12[%add3A_47, %dma_start3A] : memref<10000x128xf32, #tpu.memory_space<vmem_shared>> -> memref<16x128xf32, #tpu.memory_space<vmem_shared>>
      %dma_start3A_94 = arith.constant 0 : i32
      %dma_start3A_95 = tpu.memref_slice %arg12[%add3A_47, %dma_start3A_94] : memref<10000x128xf32, #tpu.memory_space<vmem_shared>> -> memref<16x128xf32, #tpu.memory_space<vmem_shared>>
      tpu.enqueue_dma source(%arg11 : memref<16x128xf32, #tpu.memory_space<vmem>>) target(%dma_start3A_95 : memref<16x128xf32, #tpu.memory_space<vmem_shared>>) target_semaphore(%run_scoped3A : memref<!tpu.dma_semaphore, #tpu.memory_space<semaphore_mem>>)
      %dma_wait3A = arith.constant 0 : i32
      %dma_wait3A_96 = tpu.memref_slice %arg12[%add3A_47, %dma_wait3A] : memref<10000x128xf32, #tpu.memory_space<vmem_shared>> -> memref<16x128xf32, #tpu.memory_space<vmem_shared>>
      %dma_wait3A_97 = arith.constant 0 : i32
      %dma_wait3A_98 = tpu.memref_slice %arg12[%add3A_47, %dma_wait3A_97] : memref<10000x128xf32, #tpu.memory_space<vmem_shared>> -> memref<16x128xf32, #tpu.memory_space<vmem_shared>>
      tpu.wait_dma2 semaphore(%run_scoped3A : memref<!tpu.dma_semaphore, #tpu.memory_space<semaphore_mem>>) src(%arg11 : memref<16x128xf32, #tpu.memory_space<vmem>>) dst(%dma_wait3A_98 : memref<16x128xf32, #tpu.memory_space<vmem_shared>>)
      tpu.yield
    }) : () -> ()
    %add3A_48 = arith.constant 336 : i32
    %add3A_49 = arith.addi %mul3A_6, %add3A_48 : i32
    "tpu.region"() ({
      %run_scoped3A = tpu.sem_alloc : memref<!tpu.dma_semaphore, #tpu.memory_space<semaphore_mem>>
      %dma_start3A = arith.constant 0 : i32
      %dma_start3A_93 = tpu.memref_slice %arg12[%add3A_49, %dma_start3A] : memref<10000x128xf32, #tpu.memory_space<vmem_shared>> -> memref<16x128xf32, #tpu.memory_space<vmem_shared>>
      %dma_start3A_94 = arith.constant 0 : i32
      %dma_start3A_95 = tpu.memref_slice %arg12[%add3A_49, %dma_start3A_94] : memref<10000x128xf32, #tpu.memory_space<vmem_shared>> -> memref<16x128xf32, #tpu.memory_space<vmem_shared>>
      tpu.enqueue_dma source(%arg11 : memref<16x128xf32, #tpu.memory_space<vmem>>) target(%dma_start3A_95 : memref<16x128xf32, #tpu.memory_space<vmem_shared>>) target_semaphore(%run_scoped3A : memref<!tpu.dma_semaphore, #tpu.memory_space<semaphore_mem>>)
      %dma_wait3A = arith.constant 0 : i32
      %dma_wait3A_96 = tpu.memref_slice %arg12[%add3A_49, %dma_wait3A] : memref<10000x128xf32, #tpu.memory_space<vmem_shared>> -> memref<16x128xf32, #tpu.memory_space<vmem_shared>>
      %dma_wait3A_97 = arith.constant 0 : i32
      %dma_wait3A_98 = tpu.memref_slice %arg12[%add3A_49, %dma_wait3A_97] : memref<10000x128xf32, #tpu.memory_space<vmem_shared>> -> memref<16x128xf32, #tpu.memory_space<vmem_shared>>
      tpu.wait_dma2 semaphore(%run_scoped3A : memref<!tpu.dma_semaphore, #tpu.memory_space<semaphore_mem>>) src(%arg11 : memref<16x128xf32, #tpu.memory_space<vmem>>) dst(%dma_wait3A_98 : memref<16x128xf32, #tpu.memory_space<vmem_shared>>)
      tpu.yield
    }) : () -> ()
    %add3A_50 = arith.constant 352 : i32
    %add3A_51 = arith.addi %mul3A_6, %add3A_50 : i32
    "tpu.region"() ({
      %run_scoped3A = tpu.sem_alloc : memref<!tpu.dma_semaphore, #tpu.memory_space<semaphore_mem>>
      %dma_start3A = arith.constant 0 : i32
      %dma_start3A_93 = tpu.memref_slice %arg12[%add3A_51, %dma_start3A] : memref<10000x128xf32, #tpu.memory_space<vmem_shared>> -> memref<16x128xf32, #tpu.memory_space<vmem_shared>>
      %dma_start3A_94 = arith.constant 0 : i32
      %dma_start3A_95 = tpu.memref_slice %arg12[%add3A_51, %dma_start3A_94] : memref<10000x128xf32, #tpu.memory_space<vmem_shared>> -> memref<16x128xf32, #tpu.memory_space<vmem_shared>>
      tpu.enqueue_dma source(%arg11 : memref<16x128xf32, #tpu.memory_space<vmem>>) target(%dma_start3A_95 : memref<16x128xf32, #tpu.memory_space<vmem_shared>>) target_semaphore(%run_scoped3A : memref<!tpu.dma_semaphore, #tpu.memory_space<semaphore_mem>>)
      %dma_wait3A = arith.constant 0 : i32
      %dma_wait3A_96 = tpu.memref_slice %arg12[%add3A_51, %dma_wait3A] : memref<10000x128xf32, #tpu.memory_space<vmem_shared>> -> memref<16x128xf32, #tpu.memory_space<vmem_shared>>
      %dma_wait3A_97 = arith.constant 0 : i32
      %dma_wait3A_98 = tpu.memref_slice %arg12[%add3A_51, %dma_wait3A_97] : memref<10000x128xf32, #tpu.memory_space<vmem_shared>> -> memref<16x128xf32, #tpu.memory_space<vmem_shared>>
      tpu.wait_dma2 semaphore(%run_scoped3A : memref<!tpu.dma_semaphore, #tpu.memory_space<semaphore_mem>>) src(%arg11 : memref<16x128xf32, #tpu.memory_space<vmem>>) dst(%dma_wait3A_98 : memref<16x128xf32, #tpu.memory_space<vmem_shared>>)
      tpu.yield
    }) : () -> ()
    %add3A_52 = arith.constant 368 : i32
    %add3A_53 = arith.addi %mul3A_6, %add3A_52 : i32
    "tpu.region"() ({
      %run_scoped3A = tpu.sem_alloc : memref<!tpu.dma_semaphore, #tpu.memory_space<semaphore_mem>>
      %dma_start3A = arith.constant 0 : i32
      %dma_start3A_93 = tpu.memref_slice %arg12[%add3A_53, %dma_start3A] : memref<10000x128xf32, #tpu.memory_space<vmem_shared>> -> memref<16x128xf32, #tpu.memory_space<vmem_shared>>
      %dma_start3A_94 = arith.constant 0 : i32
      %dma_start3A_95 = tpu.memref_slice %arg12[%add3A_53, %dma_start3A_94] : memref<10000x128xf32, #tpu.memory_space<vmem_shared>> -> memref<16x128xf32, #tpu.memory_space<vmem_shared>>
      tpu.enqueue_dma source(%arg11 : memref<16x128xf32, #tpu.memory_space<vmem>>) target(%dma_start3A_95 : memref<16x128xf32, #tpu.memory_space<vmem_shared>>) target_semaphore(%run_scoped3A : memref<!tpu.dma_semaphore, #tpu.memory_space<semaphore_mem>>)
      %dma_wait3A = arith.constant 0 : i32
      %dma_wait3A_96 = tpu.memref_slice %arg12[%add3A_53, %dma_wait3A] : memref<10000x128xf32, #tpu.memory_space<vmem_shared>> -> memref<16x128xf32, #tpu.memory_space<vmem_shared>>
      %dma_wait3A_97 = arith.constant 0 : i32
      %dma_wait3A_98 = tpu.memref_slice %arg12[%add3A_53, %dma_wait3A_97] : memref<10000x128xf32, #tpu.memory_space<vmem_shared>> -> memref<16x128xf32, #tpu.memory_space<vmem_shared>>
      tpu.wait_dma2 semaphore(%run_scoped3A : memref<!tpu.dma_semaphore, #tpu.memory_space<semaphore_mem>>) src(%arg11 : memref<16x128xf32, #tpu.memory_space<vmem>>) dst(%dma_wait3A_98 : memref<16x128xf32, #tpu.memory_space<vmem_shared>>)
      tpu.yield
    }) : () -> ()
    %add3A_54 = arith.constant 384 : i32
    %add3A_55 = arith.addi %mul3A_6, %add3A_54 : i32
    "tpu.region"() ({
      %run_scoped3A = tpu.sem_alloc : memref<!tpu.dma_semaphore, #tpu.memory_space<semaphore_mem>>
      %dma_start3A = arith.constant 0 : i32
      %dma_start3A_93 = tpu.memref_slice %arg12[%add3A_55, %dma_start3A] : memref<10000x128xf32, #tpu.memory_space<vmem_shared>> -> memref<16x128xf32, #tpu.memory_space<vmem_shared>>
      %dma_start3A_94 = arith.constant 0 : i32
      %dma_start3A_95 = tpu.memref_slice %arg12[%add3A_55, %dma_start3A_94] : memref<10000x128xf32, #tpu.memory_space<vmem_shared>> -> memref<16x128xf32, #tpu.memory_space<vmem_shared>>
      tpu.enqueue_dma source(%arg11 : memref<16x128xf32, #tpu.memory_space<vmem>>) target(%dma_start3A_95 : memref<16x128xf32, #tpu.memory_space<vmem_shared>>) target_semaphore(%run_scoped3A : memref<!tpu.dma_semaphore, #tpu.memory_space<semaphore_mem>>)
      %dma_wait3A = arith.constant 0 : i32
      %dma_wait3A_96 = tpu.memref_slice %arg12[%add3A_55, %dma_wait3A] : memref<10000x128xf32, #tpu.memory_space<vmem_shared>> -> memref<16x128xf32, #tpu.memory_space<vmem_shared>>
      %dma_wait3A_97 = arith.constant 0 : i32
      %dma_wait3A_98 = tpu.memref_slice %arg12[%add3A_55, %dma_wait3A_97] : memref<10000x128xf32, #tpu.memory_space<vmem_shared>> -> memref<16x128xf32, #tpu.memory_space<vmem_shared>>
      tpu.wait_dma2 semaphore(%run_scoped3A : memref<!tpu.dma_semaphore, #tpu.memory_space<semaphore_mem>>) src(%arg11 : memref<16x128xf32, #tpu.memory_space<vmem>>) dst(%dma_wait3A_98 : memref<16x128xf32, #tpu.memory_space<vmem_shared>>)
      tpu.yield
    }) : () -> ()
    %add3A_56 = arith.constant 400 : i32
    %add3A_57 = arith.addi %mul3A_6, %add3A_56 : i32
    "tpu.region"() ({
      %run_scoped3A = tpu.sem_alloc : memref<!tpu.dma_semaphore, #tpu.memory_space<semaphore_mem>>
      %dma_start3A = arith.constant 0 : i32
      %dma_start3A_93 = tpu.memref_slice %arg12[%add3A_57, %dma_start3A] : memref<10000x128xf32, #tpu.memory_space<vmem_shared>> -> memref<16x128xf32, #tpu.memory_space<vmem_shared>>
      %dma_start3A_94 = arith.constant 0 : i32
      %dma_start3A_95 = tpu.memref_slice %arg12[%add3A_57, %dma_start3A_94] : memref<10000x128xf32, #tpu.memory_space<vmem_shared>> -> memref<16x128xf32, #tpu.memory_space<vmem_shared>>
      tpu.enqueue_dma source(%arg11 : memref<16x128xf32, #tpu.memory_space<vmem>>) target(%dma_start3A_95 : memref<16x128xf32, #tpu.memory_space<vmem_shared>>) target_semaphore(%run_scoped3A : memref<!tpu.dma_semaphore, #tpu.memory_space<semaphore_mem>>)
      %dma_wait3A = arith.constant 0 : i32
      %dma_wait3A_96 = tpu.memref_slice %arg12[%add3A_57, %dma_wait3A] : memref<10000x128xf32, #tpu.memory_space<vmem_shared>> -> memref<16x128xf32, #tpu.memory_space<vmem_shared>>
      %dma_wait3A_97 = arith.constant 0 : i32
      %dma_wait3A_98 = tpu.memref_slice %arg12[%add3A_57, %dma_wait3A_97] : memref<10000x128xf32, #tpu.memory_space<vmem_shared>> -> memref<16x128xf32, #tpu.memory_space<vmem_shared>>
      tpu.wait_dma2 semaphore(%run_scoped3A : memref<!tpu.dma_semaphore, #tpu.memory_space<semaphore_mem>>) src(%arg11 : memref<16x128xf32, #tpu.memory_space<vmem>>) dst(%dma_wait3A_98 : memref<16x128xf32, #tpu.memory_space<vmem_shared>>)
      tpu.yield
    }) : () -> ()
    %add3A_58 = arith.constant 416 : i32
    %add3A_59 = arith.addi %mul3A_6, %add3A_58 : i32
    "tpu.region"() ({
      %run_scoped3A = tpu.sem_alloc : memref<!tpu.dma_semaphore, #tpu.memory_space<semaphore_mem>>
      %dma_start3A = arith.constant 0 : i32
      %dma_start3A_93 = tpu.memref_slice %arg12[%add3A_59, %dma_start3A] : memref<10000x128xf32, #tpu.memory_space<vmem_shared>> -> memref<16x128xf32, #tpu.memory_space<vmem_shared>>
      %dma_start3A_94 = arith.constant 0 : i32
      %dma_start3A_95 = tpu.memref_slice %arg12[%add3A_59, %dma_start3A_94] : memref<10000x128xf32, #tpu.memory_space<vmem_shared>> -> memref<16x128xf32, #tpu.memory_space<vmem_shared>>
      tpu.enqueue_dma source(%arg11 : memref<16x128xf32, #tpu.memory_space<vmem>>) target(%dma_start3A_95 : memref<16x128xf32, #tpu.memory_space<vmem_shared>>) target_semaphore(%run_scoped3A : memref<!tpu.dma_semaphore, #tpu.memory_space<semaphore_mem>>)
      %dma_wait3A = arith.constant 0 : i32
      %dma_wait3A_96 = tpu.memref_slice %arg12[%add3A_59, %dma_wait3A] : memref<10000x128xf32, #tpu.memory_space<vmem_shared>> -> memref<16x128xf32, #tpu.memory_space<vmem_shared>>
      %dma_wait3A_97 = arith.constant 0 : i32
      %dma_wait3A_98 = tpu.memref_slice %arg12[%add3A_59, %dma_wait3A_97] : memref<10000x128xf32, #tpu.memory_space<vmem_shared>> -> memref<16x128xf32, #tpu.memory_space<vmem_shared>>
      tpu.wait_dma2 semaphore(%run_scoped3A : memref<!tpu.dma_semaphore, #tpu.memory_space<semaphore_mem>>) src(%arg11 : memref<16x128xf32, #tpu.memory_space<vmem>>) dst(%dma_wait3A_98 : memref<16x128xf32, #tpu.memory_space<vmem_shared>>)
      tpu.yield
    }) : () -> ()
    %add3A_60 = arith.constant 432 : i32
    %add3A_61 = arith.addi %mul3A_6, %add3A_60 : i32
    "tpu.region"() ({
      %run_scoped3A = tpu.sem_alloc : memref<!tpu.dma_semaphore, #tpu.memory_space<semaphore_mem>>
      %dma_start3A = arith.constant 0 : i32
      %dma_start3A_93 = tpu.memref_slice %arg12[%add3A_61, %dma_start3A] : memref<10000x128xf32, #tpu.memory_space<vmem_shared>> -> memref<16x128xf32, #tpu.memory_space<vmem_shared>>
      %dma_start3A_94 = arith.constant 0 : i32
      %dma_start3A_95 = tpu.memref_slice %arg12[%add3A_61, %dma_start3A_94] : memref<10000x128xf32, #tpu.memory_space<vmem_shared>> -> memref<16x128xf32, #tpu.memory_space<vmem_shared>>
      tpu.enqueue_dma source(%arg11 : memref<16x128xf32, #tpu.memory_space<vmem>>) target(%dma_start3A_95 : memref<16x128xf32, #tpu.memory_space<vmem_shared>>) target_semaphore(%run_scoped3A : memref<!tpu.dma_semaphore, #tpu.memory_space<semaphore_mem>>)
      %dma_wait3A = arith.constant 0 : i32
      %dma_wait3A_96 = tpu.memref_slice %arg12[%add3A_61, %dma_wait3A] : memref<10000x128xf32, #tpu.memory_space<vmem_shared>> -> memref<16x128xf32, #tpu.memory_space<vmem_shared>>
      %dma_wait3A_97 = arith.constant 0 : i32
      %dma_wait3A_98 = tpu.memref_slice %arg12[%add3A_61, %dma_wait3A_97] : memref<10000x128xf32, #tpu.memory_space<vmem_shared>> -> memref<16x128xf32, #tpu.memory_space<vmem_shared>>
      tpu.wait_dma2 semaphore(%run_scoped3A : memref<!tpu.dma_semaphore, #tpu.memory_space<semaphore_mem>>) src(%arg11 : memref<16x128xf32, #tpu.memory_space<vmem>>) dst(%dma_wait3A_98 : memref<16x128xf32, #tpu.memory_space<vmem_shared>>)
      tpu.yield
    }) : () -> ()
    %add3A_62 = arith.constant 448 : i32
    %add3A_63 = arith.addi %mul3A_6, %add3A_62 : i32
    "tpu.region"() ({
      %run_scoped3A = tpu.sem_alloc : memref<!tpu.dma_semaphore, #tpu.memory_space<semaphore_mem>>
      %dma_start3A = arith.constant 0 : i32
      %dma_start3A_93 = tpu.memref_slice %arg12[%add3A_63, %dma_start3A] : memref<10000x128xf32, #tpu.memory_space<vmem_shared>> -> memref<16x128xf32, #tpu.memory_space<vmem_shared>>
      %dma_start3A_94 = arith.constant 0 : i32
      %dma_start3A_95 = tpu.memref_slice %arg12[%add3A_63, %dma_start3A_94] : memref<10000x128xf32, #tpu.memory_space<vmem_shared>> -> memref<16x128xf32, #tpu.memory_space<vmem_shared>>
      tpu.enqueue_dma source(%arg11 : memref<16x128xf32, #tpu.memory_space<vmem>>) target(%dma_start3A_95 : memref<16x128xf32, #tpu.memory_space<vmem_shared>>) target_semaphore(%run_scoped3A : memref<!tpu.dma_semaphore, #tpu.memory_space<semaphore_mem>>)
      %dma_wait3A = arith.constant 0 : i32
      %dma_wait3A_96 = tpu.memref_slice %arg12[%add3A_63, %dma_wait3A] : memref<10000x128xf32, #tpu.memory_space<vmem_shared>> -> memref<16x128xf32, #tpu.memory_space<vmem_shared>>
      %dma_wait3A_97 = arith.constant 0 : i32
      %dma_wait3A_98 = tpu.memref_slice %arg12[%add3A_63, %dma_wait3A_97] : memref<10000x128xf32, #tpu.memory_space<vmem_shared>> -> memref<16x128xf32, #tpu.memory_space<vmem_shared>>
      tpu.wait_dma2 semaphore(%run_scoped3A : memref<!tpu.dma_semaphore, #tpu.memory_space<semaphore_mem>>) src(%arg11 : memref<16x128xf32, #tpu.memory_space<vmem>>) dst(%dma_wait3A_98 : memref<16x128xf32, #tpu.memory_space<vmem_shared>>)
      tpu.yield
    }) : () -> ()
    %add3A_64 = arith.constant 464 : i32
    %add3A_65 = arith.addi %mul3A_6, %add3A_64 : i32
    "tpu.region"() ({
      %run_scoped3A = tpu.sem_alloc : memref<!tpu.dma_semaphore, #tpu.memory_space<semaphore_mem>>
      %dma_start3A = arith.constant 0 : i32
      %dma_start3A_93 = tpu.memref_slice %arg12[%add3A_65, %dma_start3A] : memref<10000x128xf32, #tpu.memory_space<vmem_shared>> -> memref<16x128xf32, #tpu.memory_space<vmem_shared>>
      %dma_start3A_94 = arith.constant 0 : i32
      %dma_start3A_95 = tpu.memref_slice %arg12[%add3A_65, %dma_start3A_94] : memref<10000x128xf32, #tpu.memory_space<vmem_shared>> -> memref<16x128xf32, #tpu.memory_space<vmem_shared>>
      tpu.enqueue_dma source(%arg11 : memref<16x128xf32, #tpu.memory_space<vmem>>) target(%dma_start3A_95 : memref<16x128xf32, #tpu.memory_space<vmem_shared>>) target_semaphore(%run_scoped3A : memref<!tpu.dma_semaphore, #tpu.memory_space<semaphore_mem>>)
      %dma_wait3A = arith.constant 0 : i32
      %dma_wait3A_96 = tpu.memref_slice %arg12[%add3A_65, %dma_wait3A] : memref<10000x128xf32, #tpu.memory_space<vmem_shared>> -> memref<16x128xf32, #tpu.memory_space<vmem_shared>>
      %dma_wait3A_97 = arith.constant 0 : i32
      %dma_wait3A_98 = tpu.memref_slice %arg12[%add3A_65, %dma_wait3A_97] : memref<10000x128xf32, #tpu.memory_space<vmem_shared>> -> memref<16x128xf32, #tpu.memory_space<vmem_shared>>
      tpu.wait_dma2 semaphore(%run_scoped3A : memref<!tpu.dma_semaphore, #tpu.memory_space<semaphore_mem>>) src(%arg11 : memref<16x128xf32, #tpu.memory_space<vmem>>) dst(%dma_wait3A_98 : memref<16x128xf32, #tpu.memory_space<vmem_shared>>)
      tpu.yield
    }) : () -> ()
    %add3A_66 = arith.constant 480 : i32
    %add3A_67 = arith.addi %mul3A_6, %add3A_66 : i32
    "tpu.region"() ({
      %run_scoped3A = tpu.sem_alloc : memref<!tpu.dma_semaphore, #tpu.memory_space<semaphore_mem>>
      %dma_start3A = arith.constant 0 : i32
      %dma_start3A_93 = tpu.memref_slice %arg12[%add3A_67, %dma_start3A] : memref<10000x128xf32, #tpu.memory_space<vmem_shared>> -> memref<16x128xf32, #tpu.memory_space<vmem_shared>>
      %dma_start3A_94 = arith.constant 0 : i32
      %dma_start3A_95 = tpu.memref_slice %arg12[%add3A_67, %dma_start3A_94] : memref<10000x128xf32, #tpu.memory_space<vmem_shared>> -> memref<16x128xf32, #tpu.memory_space<vmem_shared>>
      tpu.enqueue_dma source(%arg11 : memref<16x128xf32, #tpu.memory_space<vmem>>) target(%dma_start3A_95 : memref<16x128xf32, #tpu.memory_space<vmem_shared>>) target_semaphore(%run_scoped3A : memref<!tpu.dma_semaphore, #tpu.memory_space<semaphore_mem>>)
      %dma_wait3A = arith.constant 0 : i32
      %dma_wait3A_96 = tpu.memref_slice %arg12[%add3A_67, %dma_wait3A] : memref<10000x128xf32, #tpu.memory_space<vmem_shared>> -> memref<16x128xf32, #tpu.memory_space<vmem_shared>>
      %dma_wait3A_97 = arith.constant 0 : i32
      %dma_wait3A_98 = tpu.memref_slice %arg12[%add3A_67, %dma_wait3A_97] : memref<10000x128xf32, #tpu.memory_space<vmem_shared>> -> memref<16x128xf32, #tpu.memory_space<vmem_shared>>
      tpu.wait_dma2 semaphore(%run_scoped3A : memref<!tpu.dma_semaphore, #tpu.memory_space<semaphore_mem>>) src(%arg11 : memref<16x128xf32, #tpu.memory_space<vmem>>) dst(%dma_wait3A_98 : memref<16x128xf32, #tpu.memory_space<vmem_shared>>)
      tpu.yield
    }) : () -> ()
    %add3A_68 = arith.constant 496 : i32
    %add3A_69 = arith.addi %mul3A_6, %add3A_68 : i32
    "tpu.region"() ({
      %run_scoped3A = tpu.sem_alloc : memref<!tpu.dma_semaphore, #tpu.memory_space<semaphore_mem>>
      %dma_start3A = arith.constant 0 : i32
      %dma_start3A_93 = tpu.memref_slice %arg12[%add3A_69, %dma_start3A] : memref<10000x128xf32, #tpu.memory_space<vmem_shared>> -> memref<16x128xf32, #tpu.memory_space<vmem_shared>>
      %dma_start3A_94 = arith.constant 0 : i32
      %dma_start3A_95 = tpu.memref_slice %arg12[%add3A_69, %dma_start3A_94] : memref<10000x128xf32, #tpu.memory_space<vmem_shared>> -> memref<16x128xf32, #tpu.memory_space<vmem_shared>>
      tpu.enqueue_dma source(%arg11 : memref<16x128xf32, #tpu.memory_space<vmem>>) target(%dma_start3A_95 : memref<16x128xf32, #tpu.memory_space<vmem_shared>>) target_semaphore(%run_scoped3A : memref<!tpu.dma_semaphore, #tpu.memory_space<semaphore_mem>>)
      %dma_wait3A = arith.constant 0 : i32
      %dma_wait3A_96 = tpu.memref_slice %arg12[%add3A_69, %dma_wait3A] : memref<10000x128xf32, #tpu.memory_space<vmem_shared>> -> memref<16x128xf32, #tpu.memory_space<vmem_shared>>
      %dma_wait3A_97 = arith.constant 0 : i32
      %dma_wait3A_98 = tpu.memref_slice %arg12[%add3A_69, %dma_wait3A_97] : memref<10000x128xf32, #tpu.memory_space<vmem_shared>> -> memref<16x128xf32, #tpu.memory_space<vmem_shared>>
      tpu.wait_dma2 semaphore(%run_scoped3A : memref<!tpu.dma_semaphore, #tpu.memory_space<semaphore_mem>>) src(%arg11 : memref<16x128xf32, #tpu.memory_space<vmem>>) dst(%dma_wait3A_98 : memref<16x128xf32, #tpu.memory_space<vmem_shared>>)
      tpu.yield
    }) : () -> ()
    %add3A_70 = arith.constant 512 : i32
    %add3A_71 = arith.addi %mul3A_6, %add3A_70 : i32
    "tpu.region"() ({
      %run_scoped3A = tpu.sem_alloc : memref<!tpu.dma_semaphore, #tpu.memory_space<semaphore_mem>>
      %dma_start3A = arith.constant 0 : i32
      %dma_start3A_93 = tpu.memref_slice %arg12[%add3A_71, %dma_start3A] : memref<10000x128xf32, #tpu.memory_space<vmem_shared>> -> memref<16x128xf32, #tpu.memory_space<vmem_shared>>
      %dma_start3A_94 = arith.constant 0 : i32
      %dma_start3A_95 = tpu.memref_slice %arg12[%add3A_71, %dma_start3A_94] : memref<10000x128xf32, #tpu.memory_space<vmem_shared>> -> memref<16x128xf32, #tpu.memory_space<vmem_shared>>
      tpu.enqueue_dma source(%arg11 : memref<16x128xf32, #tpu.memory_space<vmem>>) target(%dma_start3A_95 : memref<16x128xf32, #tpu.memory_space<vmem_shared>>) target_semaphore(%run_scoped3A : memref<!tpu.dma_semaphore, #tpu.memory_space<semaphore_mem>>)
      %dma_wait3A = arith.constant 0 : i32
      %dma_wait3A_96 = tpu.memref_slice %arg12[%add3A_71, %dma_wait3A] : memref<10000x128xf32, #tpu.memory_space<vmem_shared>> -> memref<16x128xf32, #tpu.memory_space<vmem_shared>>
      %dma_wait3A_97 = arith.constant 0 : i32
      %dma_wait3A_98 = tpu.memref_slice %arg12[%add3A_71, %dma_wait3A_97] : memref<10000x128xf32, #tpu.memory_space<vmem_shared>> -> memref<16x128xf32, #tpu.memory_space<vmem_shared>>
      tpu.wait_dma2 semaphore(%run_scoped3A : memref<!tpu.dma_semaphore, #tpu.memory_space<semaphore_mem>>) src(%arg11 : memref<16x128xf32, #tpu.memory_space<vmem>>) dst(%dma_wait3A_98 : memref<16x128xf32, #tpu.memory_space<vmem_shared>>)
      tpu.yield
    }) : () -> ()
    %add3A_72 = arith.constant 528 : i32
    %add3A_73 = arith.addi %mul3A_6, %add3A_72 : i32
    "tpu.region"() ({
      %run_scoped3A = tpu.sem_alloc : memref<!tpu.dma_semaphore, #tpu.memory_space<semaphore_mem>>
      %dma_start3A = arith.constant 0 : i32
      %dma_start3A_93 = tpu.memref_slice %arg12[%add3A_73, %dma_start3A] : memref<10000x128xf32, #tpu.memory_space<vmem_shared>> -> memref<16x128xf32, #tpu.memory_space<vmem_shared>>
      %dma_start3A_94 = arith.constant 0 : i32
      %dma_start3A_95 = tpu.memref_slice %arg12[%add3A_73, %dma_start3A_94] : memref<10000x128xf32, #tpu.memory_space<vmem_shared>> -> memref<16x128xf32, #tpu.memory_space<vmem_shared>>
      tpu.enqueue_dma source(%arg11 : memref<16x128xf32, #tpu.memory_space<vmem>>) target(%dma_start3A_95 : memref<16x128xf32, #tpu.memory_space<vmem_shared>>) target_semaphore(%run_scoped3A : memref<!tpu.dma_semaphore, #tpu.memory_space<semaphore_mem>>)
      %dma_wait3A = arith.constant 0 : i32
      %dma_wait3A_96 = tpu.memref_slice %arg12[%add3A_73, %dma_wait3A] : memref<10000x128xf32, #tpu.memory_space<vmem_shared>> -> memref<16x128xf32, #tpu.memory_space<vmem_shared>>
      %dma_wait3A_97 = arith.constant 0 : i32
      %dma_wait3A_98 = tpu.memref_slice %arg12[%add3A_73, %dma_wait3A_97] : memref<10000x128xf32, #tpu.memory_space<vmem_shared>> -> memref<16x128xf32, #tpu.memory_space<vmem_shared>>
      tpu.wait_dma2 semaphore(%run_scoped3A : memref<!tpu.dma_semaphore, #tpu.memory_space<semaphore_mem>>) src(%arg11 : memref<16x128xf32, #tpu.memory_space<vmem>>) dst(%dma_wait3A_98 : memref<16x128xf32, #tpu.memory_space<vmem_shared>>)
      tpu.yield
    }) : () -> ()
    %add3A_74 = arith.constant 544 : i32
    %add3A_75 = arith.addi %mul3A_6, %add3A_74 : i32
    "tpu.region"() ({
      %run_scoped3A = tpu.sem_alloc : memref<!tpu.dma_semaphore, #tpu.memory_space<semaphore_mem>>
      %dma_start3A = arith.constant 0 : i32
      %dma_start3A_93 = tpu.memref_slice %arg12[%add3A_75, %dma_start3A] : memref<10000x128xf32, #tpu.memory_space<vmem_shared>> -> memref<16x128xf32, #tpu.memory_space<vmem_shared>>
      %dma_start3A_94 = arith.constant 0 : i32
      %dma_start3A_95 = tpu.memref_slice %arg12[%add3A_75, %dma_start3A_94] : memref<10000x128xf32, #tpu.memory_space<vmem_shared>> -> memref<16x128xf32, #tpu.memory_space<vmem_shared>>
      tpu.enqueue_dma source(%arg11 : memref<16x128xf32, #tpu.memory_space<vmem>>) target(%dma_start3A_95 : memref<16x128xf32, #tpu.memory_space<vmem_shared>>) target_semaphore(%run_scoped3A : memref<!tpu.dma_semaphore, #tpu.memory_space<semaphore_mem>>)
      %dma_wait3A = arith.constant 0 : i32
      %dma_wait3A_96 = tpu.memref_slice %arg12[%add3A_75, %dma_wait3A] : memref<10000x128xf32, #tpu.memory_space<vmem_shared>> -> memref<16x128xf32, #tpu.memory_space<vmem_shared>>
      %dma_wait3A_97 = arith.constant 0 : i32
      %dma_wait3A_98 = tpu.memref_slice %arg12[%add3A_75, %dma_wait3A_97] : memref<10000x128xf32, #tpu.memory_space<vmem_shared>> -> memref<16x128xf32, #tpu.memory_space<vmem_shared>>
      tpu.wait_dma2 semaphore(%run_scoped3A : memref<!tpu.dma_semaphore, #tpu.memory_space<semaphore_mem>>) src(%arg11 : memref<16x128xf32, #tpu.memory_space<vmem>>) dst(%dma_wait3A_98 : memref<16x128xf32, #tpu.memory_space<vmem_shared>>)
      tpu.yield
    }) : () -> ()
    %add3A_76 = arith.constant 560 : i32
    %add3A_77 = arith.addi %mul3A_6, %add3A_76 : i32
    "tpu.region"() ({
      %run_scoped3A = tpu.sem_alloc : memref<!tpu.dma_semaphore, #tpu.memory_space<semaphore_mem>>
      %dma_start3A = arith.constant 0 : i32
      %dma_start3A_93 = tpu.memref_slice %arg12[%add3A_77, %dma_start3A] : memref<10000x128xf32, #tpu.memory_space<vmem_shared>> -> memref<16x128xf32, #tpu.memory_space<vmem_shared>>
      %dma_start3A_94 = arith.constant 0 : i32
      %dma_start3A_95 = tpu.memref_slice %arg12[%add3A_77, %dma_start3A_94] : memref<10000x128xf32, #tpu.memory_space<vmem_shared>> -> memref<16x128xf32, #tpu.memory_space<vmem_shared>>
      tpu.enqueue_dma source(%arg11 : memref<16x128xf32, #tpu.memory_space<vmem>>) target(%dma_start3A_95 : memref<16x128xf32, #tpu.memory_space<vmem_shared>>) target_semaphore(%run_scoped3A : memref<!tpu.dma_semaphore, #tpu.memory_space<semaphore_mem>>)
      %dma_wait3A = arith.constant 0 : i32
      %dma_wait3A_96 = tpu.memref_slice %arg12[%add3A_77, %dma_wait3A] : memref<10000x128xf32, #tpu.memory_space<vmem_shared>> -> memref<16x128xf32, #tpu.memory_space<vmem_shared>>
      %dma_wait3A_97 = arith.constant 0 : i32
      %dma_wait3A_98 = tpu.memref_slice %arg12[%add3A_77, %dma_wait3A_97] : memref<10000x128xf32, #tpu.memory_space<vmem_shared>> -> memref<16x128xf32, #tpu.memory_space<vmem_shared>>
      tpu.wait_dma2 semaphore(%run_scoped3A : memref<!tpu.dma_semaphore, #tpu.memory_space<semaphore_mem>>) src(%arg11 : memref<16x128xf32, #tpu.memory_space<vmem>>) dst(%dma_wait3A_98 : memref<16x128xf32, #tpu.memory_space<vmem_shared>>)
      tpu.yield
    }) : () -> ()
    %add3A_78 = arith.constant 576 : i32
    %add3A_79 = arith.addi %mul3A_6, %add3A_78 : i32
    "tpu.region"() ({
      %run_scoped3A = tpu.sem_alloc : memref<!tpu.dma_semaphore, #tpu.memory_space<semaphore_mem>>
      %dma_start3A = arith.constant 0 : i32
      %dma_start3A_93 = tpu.memref_slice %arg12[%add3A_79, %dma_start3A] : memref<10000x128xf32, #tpu.memory_space<vmem_shared>> -> memref<16x128xf32, #tpu.memory_space<vmem_shared>>
      %dma_start3A_94 = arith.constant 0 : i32
      %dma_start3A_95 = tpu.memref_slice %arg12[%add3A_79, %dma_start3A_94] : memref<10000x128xf32, #tpu.memory_space<vmem_shared>> -> memref<16x128xf32, #tpu.memory_space<vmem_shared>>
      tpu.enqueue_dma source(%arg11 : memref<16x128xf32, #tpu.memory_space<vmem>>) target(%dma_start3A_95 : memref<16x128xf32, #tpu.memory_space<vmem_shared>>) target_semaphore(%run_scoped3A : memref<!tpu.dma_semaphore, #tpu.memory_space<semaphore_mem>>)
      %dma_wait3A = arith.constant 0 : i32
      %dma_wait3A_96 = tpu.memref_slice %arg12[%add3A_79, %dma_wait3A] : memref<10000x128xf32, #tpu.memory_space<vmem_shared>> -> memref<16x128xf32, #tpu.memory_space<vmem_shared>>
      %dma_wait3A_97 = arith.constant 0 : i32
      %dma_wait3A_98 = tpu.memref_slice %arg12[%add3A_79, %dma_wait3A_97] : memref<10000x128xf32, #tpu.memory_space<vmem_shared>> -> memref<16x128xf32, #tpu.memory_space<vmem_shared>>
      tpu.wait_dma2 semaphore(%run_scoped3A : memref<!tpu.dma_semaphore, #tpu.memory_space<semaphore_mem>>) src(%arg11 : memref<16x128xf32, #tpu.memory_space<vmem>>) dst(%dma_wait3A_98 : memref<16x128xf32, #tpu.memory_space<vmem_shared>>)
      tpu.yield
    }) : () -> ()
    %add3A_80 = arith.constant 592 : i32
    %add3A_81 = arith.addi %mul3A_6, %add3A_80 : i32
    "tpu.region"() ({
      %run_scoped3A = tpu.sem_alloc : memref<!tpu.dma_semaphore, #tpu.memory_space<semaphore_mem>>
      %dma_start3A = arith.constant 0 : i32
      %dma_start3A_93 = tpu.memref_slice %arg12[%add3A_81, %dma_start3A] : memref<10000x128xf32, #tpu.memory_space<vmem_shared>> -> memref<16x128xf32, #tpu.memory_space<vmem_shared>>
      %dma_start3A_94 = arith.constant 0 : i32
      %dma_start3A_95 = tpu.memref_slice %arg12[%add3A_81, %dma_start3A_94] : memref<10000x128xf32, #tpu.memory_space<vmem_shared>> -> memref<16x128xf32, #tpu.memory_space<vmem_shared>>
      tpu.enqueue_dma source(%arg11 : memref<16x128xf32, #tpu.memory_space<vmem>>) target(%dma_start3A_95 : memref<16x128xf32, #tpu.memory_space<vmem_shared>>) target_semaphore(%run_scoped3A : memref<!tpu.dma_semaphore, #tpu.memory_space<semaphore_mem>>)
      %dma_wait3A = arith.constant 0 : i32
      %dma_wait3A_96 = tpu.memref_slice %arg12[%add3A_81, %dma_wait3A] : memref<10000x128xf32, #tpu.memory_space<vmem_shared>> -> memref<16x128xf32, #tpu.memory_space<vmem_shared>>
      %dma_wait3A_97 = arith.constant 0 : i32
      %dma_wait3A_98 = tpu.memref_slice %arg12[%add3A_81, %dma_wait3A_97] : memref<10000x128xf32, #tpu.memory_space<vmem_shared>> -> memref<16x128xf32, #tpu.memory_space<vmem_shared>>
      tpu.wait_dma2 semaphore(%run_scoped3A : memref<!tpu.dma_semaphore, #tpu.memory_space<semaphore_mem>>) src(%arg11 : memref<16x128xf32, #tpu.memory_space<vmem>>) dst(%dma_wait3A_98 : memref<16x128xf32, #tpu.memory_space<vmem_shared>>)
      tpu.yield
    }) : () -> ()
    %add3A_82 = arith.constant 608 : i32
    %add3A_83 = arith.addi %mul3A_6, %add3A_82 : i32
    "tpu.region"() ({
      %run_scoped3A = tpu.sem_alloc : memref<!tpu.dma_semaphore, #tpu.memory_space<semaphore_mem>>
      %dma_start3A = arith.constant 0 : i32
      %dma_start3A_93 = tpu.memref_slice %arg12[%add3A_83, %dma_start3A] : memref<10000x128xf32, #tpu.memory_space<vmem_shared>> -> memref<16x128xf32, #tpu.memory_space<vmem_shared>>
      %dma_start3A_94 = arith.constant 0 : i32
      %dma_start3A_95 = tpu.memref_slice %arg12[%add3A_83, %dma_start3A_94] : memref<10000x128xf32, #tpu.memory_space<vmem_shared>> -> memref<16x128xf32, #tpu.memory_space<vmem_shared>>
      tpu.enqueue_dma source(%arg11 : memref<16x128xf32, #tpu.memory_space<vmem>>) target(%dma_start3A_95 : memref<16x128xf32, #tpu.memory_space<vmem_shared>>) target_semaphore(%run_scoped3A : memref<!tpu.dma_semaphore, #tpu.memory_space<semaphore_mem>>)
      %dma_wait3A = arith.constant 0 : i32
      %dma_wait3A_96 = tpu.memref_slice %arg12[%add3A_83, %dma_wait3A] : memref<10000x128xf32, #tpu.memory_space<vmem_shared>> -> memref<16x128xf32, #tpu.memory_space<vmem_shared>>
      %dma_wait3A_97 = arith.constant 0 : i32
      %dma_wait3A_98 = tpu.memref_slice %arg12[%add3A_83, %dma_wait3A_97] : memref<10000x128xf32, #tpu.memory_space<vmem_shared>> -> memref<16x128xf32, #tpu.memory_space<vmem_shared>>
      tpu.wait_dma2 semaphore(%run_scoped3A : memref<!tpu.dma_semaphore, #tpu.memory_space<semaphore_mem>>) src(%arg11 : memref<16x128xf32, #tpu.memory_space<vmem>>) dst(%dma_wait3A_98 : memref<16x128xf32, #tpu.memory_space<vmem_shared>>)
      tpu.yield
    }) : () -> ()
    %add3A_84 = arith.constant 624 : i32
    %add3A_85 = arith.addi %mul3A_6, %add3A_84 : i32
    "tpu.region"() ({
      %run_scoped3A = tpu.sem_alloc : memref<!tpu.dma_semaphore, #tpu.memory_space<semaphore_mem>>
      %dma_start3A = arith.constant 0 : i32
      %dma_start3A_93 = tpu.memref_slice %arg12[%add3A_85, %dma_start3A] : memref<10000x128xf32, #tpu.memory_space<vmem_shared>> -> memref<16x128xf32, #tpu.memory_space<vmem_shared>>
      %dma_start3A_94 = arith.constant 0 : i32
      %dma_start3A_95 = tpu.memref_slice %arg12[%add3A_85, %dma_start3A_94] : memref<10000x128xf32, #tpu.memory_space<vmem_shared>> -> memref<16x128xf32, #tpu.memory_space<vmem_shared>>
      tpu.enqueue_dma source(%arg11 : memref<16x128xf32, #tpu.memory_space<vmem>>) target(%dma_start3A_95 : memref<16x128xf32, #tpu.memory_space<vmem_shared>>) target_semaphore(%run_scoped3A : memref<!tpu.dma_semaphore, #tpu.memory_space<semaphore_mem>>)
      %dma_wait3A = arith.constant 0 : i32
      %dma_wait3A_96 = tpu.memref_slice %arg12[%add3A_85, %dma_wait3A] : memref<10000x128xf32, #tpu.memory_space<vmem_shared>> -> memref<16x128xf32, #tpu.memory_space<vmem_shared>>
      %dma_wait3A_97 = arith.constant 0 : i32
      %dma_wait3A_98 = tpu.memref_slice %arg12[%add3A_85, %dma_wait3A_97] : memref<10000x128xf32, #tpu.memory_space<vmem_shared>> -> memref<16x128xf32, #tpu.memory_space<vmem_shared>>
      tpu.wait_dma2 semaphore(%run_scoped3A : memref<!tpu.dma_semaphore, #tpu.memory_space<semaphore_mem>>) src(%arg11 : memref<16x128xf32, #tpu.memory_space<vmem>>) dst(%dma_wait3A_98 : memref<16x128xf32, #tpu.memory_space<vmem_shared>>)
      tpu.yield
    }) : () -> ()
    %barrier3A = arith.constant 0 : index
    tpu.barrier barrier_id(%barrier3A)
    %eq3A = arith.constant 0 : i32
    %eq3A_86 = arith.cmpi eq, %arg0, %eq3A : i32
    %convert_element_type3A = arith.extui %eq3A_86 : i1 to i32
    %cond3A = arith.constant 0 : i32
    %cond3A_87 = arith.cmpi ne, %convert_element_type3A, %cond3A : i32
    scf.if %cond3A_87 {
      %run_scoped3A = arith.constant 0 : i32
      %run_scoped3A_93 = arith.constant 0 : i32
      "tpu.region"() ({
        %run_scoped3A_119 = tpu.sem_alloc : memref<!tpu.dma_semaphore, #tpu.memory_space<semaphore_mem>>
        %dma_start3A_120 = arith.constant 0 : i32
        %dma_start3A_121 = tpu.memref_slice %arg9[%run_scoped3A_93, %dma_start3A_120] : memref<2x100xi32, #tpu.memory_space<vmem>> -> memref<1x100xi32, #tpu.memory_space<vmem>>
        %dma_start3A_122 = tpu.memref_squeeze %dma_start3A_121 : memref<1x100xi32, #tpu.memory_space<vmem>> -> memref<100xi32, #tpu.memory_space<vmem>>
        %dma_start3A_123 = arith.constant 0 : i32
        %dma_start3A_124 = tpu.memref_slice %arg4[%arg1, %run_scoped3A, %dma_start3A_123] : memref<16x100x100xi32, #tpu.memory_space<hbm>> -> memref<1x1x100xi32, #tpu.memory_space<hbm>>
        %dma_start3A_125 = tpu.memref_squeeze %dma_start3A_124 : memref<1x1x100xi32, #tpu.memory_space<hbm>> -> memref<100xi32, #tpu.memory_space<hbm>>
        %dma_start3A_126 = arith.constant 0 : i32
        %dma_start3A_127 = tpu.memref_slice %arg9[%run_scoped3A_93, %dma_start3A_126] : memref<2x100xi32, #tpu.memory_space<vmem>> -> memref<1x100xi32, #tpu.memory_space<vmem>>
        %dma_start3A_128 = tpu.memref_squeeze %dma_start3A_127 : memref<1x100xi32, #tpu.memory_space<vmem>> -> memref<100xi32, #tpu.memory_space<vmem>>
        %dma_start3A_129 = arith.constant 0 : i32
        %dma_start3A_130 = tpu.memref_slice %arg4[%arg1, %run_scoped3A, %dma_start3A_129] : memref<16x100x100xi32, #tpu.memory_space<hbm>> -> memref<1x1x100xi32, #tpu.memory_space<hbm>>
        %dma_start3A_131 = tpu.memref_squeeze %dma_start3A_130 : memref<1x1x100xi32, #tpu.memory_space<hbm>> -> memref<100xi32, #tpu.memory_space<hbm>>
        tpu.enqueue_dma source(%dma_start3A_131 : memref<100xi32, #tpu.memory_space<hbm>>) target(%dma_start3A_128 : memref<100xi32, #tpu.memory_space<vmem>>) target_semaphore(%run_scoped3A_119 : memref<!tpu.dma_semaphore, #tpu.memory_space<semaphore_mem>>)
        %dma_wait3A = arith.constant 0 : i32
        %dma_wait3A_132 = tpu.memref_slice %arg9[%run_scoped3A_93, %dma_wait3A] : memref<2x100xi32, #tpu.memory_space<vmem>> -> memref<1x100xi32, #tpu.memory_space<vmem>>
        %dma_wait3A_133 = tpu.memref_squeeze %dma_wait3A_132 : memref<1x100xi32, #tpu.memory_space<vmem>> -> memref<100xi32, #tpu.memory_space<vmem>>
        %dma_wait3A_134 = arith.constant 0 : i32
        %dma_wait3A_135 = tpu.memref_slice %arg4[%arg1, %run_scoped3A, %dma_wait3A_134] : memref<16x100x100xi32, #tpu.memory_space<hbm>> -> memref<1x1x100xi32, #tpu.memory_space<hbm>>
        %dma_wait3A_136 = tpu.memref_squeeze %dma_wait3A_135 : memref<1x1x100xi32, #tpu.memory_space<hbm>> -> memref<100xi32, #tpu.memory_space<hbm>>
        %dma_wait3A_137 = arith.constant 0 : i32
        %dma_wait3A_138 = tpu.memref_slice %arg9[%run_scoped3A_93, %dma_wait3A_137] : memref<2x100xi32, #tpu.memory_space<vmem>> -> memref<1x100xi32, #tpu.memory_space<vmem>>
        %dma_wait3A_139 = tpu.memref_squeeze %dma_wait3A_138 : memref<1x100xi32, #tpu.memory_space<vmem>> -> memref<100xi32, #tpu.memory_space<vmem>>
        %dma_wait3A_140 = arith.constant 0 : i32
        %dma_wait3A_141 = tpu.memref_slice %arg4[%arg1, %run_scoped3A, %dma_wait3A_140] : memref<16x100x100xi32, #tpu.memory_space<hbm>> -> memref<1x1x100xi32, #tpu.memory_space<hbm>>
        %dma_wait3A_142 = tpu.memref_squeeze %dma_wait3A_141 : memref<1x1x100xi32, #tpu.memory_space<hbm>> -> memref<100xi32, #tpu.memory_space<hbm>>
        tpu.wait_dma2 semaphore(%run_scoped3A_119 : memref<!tpu.dma_semaphore, #tpu.memory_space<semaphore_mem>>) src(%dma_wait3A_142 : memref<100xi32, #tpu.memory_space<hbm>>) dst(%dma_wait3A_139 : memref<100xi32, #tpu.memory_space<vmem>>)
        tpu.yield
      }) : () -> ()
      %run_scoped3A_94 = arith.constant 0 : i32
      %run_scoped3A_95 = arith.constant 0 : i32
      "tpu.region"() ({
        %run_scoped3A_119 = tpu.sem_alloc : memref<!tpu.dma_semaphore, #tpu.memory_space<semaphore_mem>>
        %dma_start3A_120 = arith.constant 0 : i32
        %dma_start3A_121 = tpu.memref_slice %arg10[%run_scoped3A_95, %dma_start3A_120] : memref<2x100xi32, #tpu.memory_space<vmem>> -> memref<1x100xi32, #tpu.memory_space<vmem>>
        %dma_start3A_122 = tpu.memref_squeeze %dma_start3A_121 : memref<1x100xi32, #tpu.memory_space<vmem>> -> memref<100xi32, #tpu.memory_space<vmem>>
        %dma_start3A_123 = arith.constant 0 : i32
        %dma_start3A_124 = tpu.memref_slice %arg5[%arg1, %run_scoped3A_94, %dma_start3A_123] : memref<16x100x100xi32, #tpu.memory_space<hbm>> -> memref<1x1x100xi32, #tpu.memory_space<hbm>>
        %dma_start3A_125 = tpu.memref_squeeze %dma_start3A_124 : memref<1x1x100xi32, #tpu.memory_space<hbm>> -> memref<100xi32, #tpu.memory_space<hbm>>
        %dma_start3A_126 = arith.constant 0 : i32
        %dma_start3A_127 = tpu.memref_slice %arg10[%run_scoped3A_95, %dma_start3A_126] : memref<2x100xi32, #tpu.memory_space<vmem>> -> memref<1x100xi32, #tpu.memory_space<vmem>>
        %dma_start3A_128 = tpu.memref_squeeze %dma_start3A_127 : memref<1x100xi32, #tpu.memory_space<vmem>> -> memref<100xi32, #tpu.memory_space<vmem>>
        %dma_start3A_129 = arith.constant 0 : i32
        %dma_start3A_130 = tpu.memref_slice %arg5[%arg1, %run_scoped3A_94, %dma_start3A_129] : memref<16x100x100xi32, #tpu.memory_space<hbm>> -> memref<1x1x100xi32, #tpu.memory_space<hbm>>
        %dma_start3A_131 = tpu.memref_squeeze %dma_start3A_130 : memref<1x1x100xi32, #tpu.memory_space<hbm>> -> memref<100xi32, #tpu.memory_space<hbm>>
        tpu.enqueue_dma source(%dma_start3A_131 : memref<100xi32, #tpu.memory_space<hbm>>) target(%dma_start3A_128 : memref<100xi32, #tpu.memory_space<vmem>>) target_semaphore(%run_scoped3A_119 : memref<!tpu.dma_semaphore, #tpu.memory_space<semaphore_mem>>)
        %dma_wait3A = arith.constant 0 : i32
        %dma_wait3A_132 = tpu.memref_slice %arg10[%run_scoped3A_95, %dma_wait3A] : memref<2x100xi32, #tpu.memory_space<vmem>> -> memref<1x100xi32, #tpu.memory_space<vmem>>
        %dma_wait3A_133 = tpu.memref_squeeze %dma_wait3A_132 : memref<1x100xi32, #tpu.memory_space<vmem>> -> memref<100xi32, #tpu.memory_space<vmem>>
        %dma_wait3A_134 = arith.constant 0 : i32
        %dma_wait3A_135 = tpu.memref_slice %arg5[%arg1, %run_scoped3A_94, %dma_wait3A_134] : memref<16x100x100xi32, #tpu.memory_space<hbm>> -> memref<1x1x100xi32, #tpu.memory_space<hbm>>
        %dma_wait3A_136 = tpu.memref_squeeze %dma_wait3A_135 : memref<1x1x100xi32, #tpu.memory_space<hbm>> -> memref<100xi32, #tpu.memory_space<hbm>>
        %dma_wait3A_137 = arith.constant 0 : i32
        %dma_wait3A_138 = tpu.memref_slice %arg10[%run_scoped3A_95, %dma_wait3A_137] : memref<2x100xi32, #tpu.memory_space<vmem>> -> memref<1x100xi32, #tpu.memory_space<vmem>>
        %dma_wait3A_139 = tpu.memref_squeeze %dma_wait3A_138 : memref<1x100xi32, #tpu.memory_space<vmem>> -> memref<100xi32, #tpu.memory_space<vmem>>
        %dma_wait3A_140 = arith.constant 0 : i32
        %dma_wait3A_141 = tpu.memref_slice %arg5[%arg1, %run_scoped3A_94, %dma_wait3A_140] : memref<16x100x100xi32, #tpu.memory_space<hbm>> -> memref<1x1x100xi32, #tpu.memory_space<hbm>>
        %dma_wait3A_142 = tpu.memref_squeeze %dma_wait3A_141 : memref<1x1x100xi32, #tpu.memory_space<hbm>> -> memref<100xi32, #tpu.memory_space<hbm>>
        tpu.wait_dma2 semaphore(%run_scoped3A_119 : memref<!tpu.dma_semaphore, #tpu.memory_space<semaphore_mem>>) src(%dma_wait3A_142 : memref<100xi32, #tpu.memory_space<hbm>>) dst(%dma_wait3A_139 : memref<100xi32, #tpu.memory_space<vmem>>)
        tpu.yield
      }) : () -> ()
      %run_scoped3A_96 = arith.constant 1 : i32
      %run_scoped3A_97 = arith.constant 1 : i32
      "tpu.region"() ({
        %run_scoped3A_119 = tpu.sem_alloc : memref<!tpu.dma_semaphore, #tpu.memory_space<semaphore_mem>>
        %dma_start3A_120 = arith.constant 0 : i32
        %dma_start3A_121 = tpu.memref_slice %arg9[%run_scoped3A_97, %dma_start3A_120] : memref<2x100xi32, #tpu.memory_space<vmem>> -> memref<1x100xi32, #tpu.memory_space<vmem>>
        %dma_start3A_122 = tpu.memref_squeeze %dma_start3A_121 : memref<1x100xi32, #tpu.memory_space<vmem>> -> memref<100xi32, #tpu.memory_space<vmem>>
        %dma_start3A_123 = arith.constant 0 : i32
        %dma_start3A_124 = tpu.memref_slice %arg4[%arg1, %run_scoped3A_96, %dma_start3A_123] : memref<16x100x100xi32, #tpu.memory_space<hbm>> -> memref<1x1x100xi32, #tpu.memory_space<hbm>>
        %dma_start3A_125 = tpu.memref_squeeze %dma_start3A_124 : memref<1x1x100xi32, #tpu.memory_space<hbm>> -> memref<100xi32, #tpu.memory_space<hbm>>
        %dma_start3A_126 = arith.constant 0 : i32
        %dma_start3A_127 = tpu.memref_slice %arg9[%run_scoped3A_97, %dma_start3A_126] : memref<2x100xi32, #tpu.memory_space<vmem>> -> memref<1x100xi32, #tpu.memory_space<vmem>>
        %dma_start3A_128 = tpu.memref_squeeze %dma_start3A_127 : memref<1x100xi32, #tpu.memory_space<vmem>> -> memref<100xi32, #tpu.memory_space<vmem>>
        %dma_start3A_129 = arith.constant 0 : i32
        %dma_start3A_130 = tpu.memref_slice %arg4[%arg1, %run_scoped3A_96, %dma_start3A_129] : memref<16x100x100xi32, #tpu.memory_space<hbm>> -> memref<1x1x100xi32, #tpu.memory_space<hbm>>
        %dma_start3A_131 = tpu.memref_squeeze %dma_start3A_130 : memref<1x1x100xi32, #tpu.memory_space<hbm>> -> memref<100xi32, #tpu.memory_space<hbm>>
        tpu.enqueue_dma source(%dma_start3A_131 : memref<100xi32, #tpu.memory_space<hbm>>) target(%dma_start3A_128 : memref<100xi32, #tpu.memory_space<vmem>>) target_semaphore(%run_scoped3A_119 : memref<!tpu.dma_semaphore, #tpu.memory_space<semaphore_mem>>)
        %dma_wait3A = arith.constant 0 : i32
        %dma_wait3A_132 = tpu.memref_slice %arg9[%run_scoped3A_97, %dma_wait3A] : memref<2x100xi32, #tpu.memory_space<vmem>> -> memref<1x100xi32, #tpu.memory_space<vmem>>
        %dma_wait3A_133 = tpu.memref_squeeze %dma_wait3A_132 : memref<1x100xi32, #tpu.memory_space<vmem>> -> memref<100xi32, #tpu.memory_space<vmem>>
        %dma_wait3A_134 = arith.constant 0 : i32
        %dma_wait3A_135 = tpu.memref_slice %arg4[%arg1, %run_scoped3A_96, %dma_wait3A_134] : memref<16x100x100xi32, #tpu.memory_space<hbm>> -> memref<1x1x100xi32, #tpu.memory_space<hbm>>
        %dma_wait3A_136 = tpu.memref_squeeze %dma_wait3A_135 : memref<1x1x100xi32, #tpu.memory_space<hbm>> -> memref<100xi32, #tpu.memory_space<hbm>>
        %dma_wait3A_137 = arith.constant 0 : i32
        %dma_wait3A_138 = tpu.memref_slice %arg9[%run_scoped3A_97, %dma_wait3A_137] : memref<2x100xi32, #tpu.memory_space<vmem>> -> memref<1x100xi32, #tpu.memory_space<vmem>>
        %dma_wait3A_139 = tpu.memref_squeeze %dma_wait3A_138 : memref<1x100xi32, #tpu.memory_space<vmem>> -> memref<100xi32, #tpu.memory_space<vmem>>
        %dma_wait3A_140 = arith.constant 0 : i32
        %dma_wait3A_141 = tpu.memref_slice %arg4[%arg1, %run_scoped3A_96, %dma_wait3A_140] : memref<16x100x100xi32, #tpu.memory_space<hbm>> -> memref<1x1x100xi32, #tpu.memory_space<hbm>>
        %dma_wait3A_142 = tpu.memref_squeeze %dma_wait3A_141 : memref<1x1x100xi32, #tpu.memory_space<hbm>> -> memref<100xi32, #tpu.memory_space<hbm>>
        tpu.wait_dma2 semaphore(%run_scoped3A_119 : memref<!tpu.dma_semaphore, #tpu.memory_space<semaphore_mem>>) src(%dma_wait3A_142 : memref<100xi32, #tpu.memory_space<hbm>>) dst(%dma_wait3A_139 : memref<100xi32, #tpu.memory_space<vmem>>)
        tpu.yield
      }) : () -> ()
      %run_scoped3A_98 = arith.constant 1 : i32
      %run_scoped3A_99 = arith.constant 1 : i32
      "tpu.region"() ({
        %run_scoped3A_119 = tpu.sem_alloc : memref<!tpu.dma_semaphore, #tpu.memory_space<semaphore_mem>>
        %dma_start3A_120 = arith.constant 0 : i32
        %dma_start3A_121 = tpu.memref_slice %arg10[%run_scoped3A_99, %dma_start3A_120] : memref<2x100xi32, #tpu.memory_space<vmem>> -> memref<1x100xi32, #tpu.memory_space<vmem>>
        %dma_start3A_122 = tpu.memref_squeeze %dma_start3A_121 : memref<1x100xi32, #tpu.memory_space<vmem>> -> memref<100xi32, #tpu.memory_space<vmem>>
        %dma_start3A_123 = arith.constant 0 : i32
        %dma_start3A_124 = tpu.memref_slice %arg5[%arg1, %run_scoped3A_98, %dma_start3A_123] : memref<16x100x100xi32, #tpu.memory_space<hbm>> -> memref<1x1x100xi32, #tpu.memory_space<hbm>>
        %dma_start3A_125 = tpu.memref_squeeze %dma_start3A_124 : memref<1x1x100xi32, #tpu.memory_space<hbm>> -> memref<100xi32, #tpu.memory_space<hbm>>
        %dma_start3A_126 = arith.constant 0 : i32
        %dma_start3A_127 = tpu.memref_slice %arg10[%run_scoped3A_99, %dma_start3A_126] : memref<2x100xi32, #tpu.memory_space<vmem>> -> memref<1x100xi32, #tpu.memory_space<vmem>>
        %dma_start3A_128 = tpu.memref_squeeze %dma_start3A_127 : memref<1x100xi32, #tpu.memory_space<vmem>> -> memref<100xi32, #tpu.memory_space<vmem>>
        %dma_start3A_129 = arith.constant 0 : i32
        %dma_start3A_130 = tpu.memref_slice %arg5[%arg1, %run_scoped3A_98, %dma_start3A_129] : memref<16x100x100xi32, #tpu.memory_space<hbm>> -> memref<1x1x100xi32, #tpu.memory_space<hbm>>
        %dma_start3A_131 = tpu.memref_squeeze %dma_start3A_130 : memref<1x1x100xi32, #tpu.memory_space<hbm>> -> memref<100xi32, #tpu.memory_space<hbm>>
        tpu.enqueue_dma source(%dma_start3A_131 : memref<100xi32, #tpu.memory_space<hbm>>) target(%dma_start3A_128 : memref<100xi32, #tpu.memory_space<vmem>>) target_semaphore(%run_scoped3A_119 : memref<!tpu.dma_semaphore, #tpu.memory_space<semaphore_mem>>)
        %dma_wait3A = arith.constant 0 : i32
        %dma_wait3A_132 = tpu.memref_slice %arg10[%run_scoped3A_99, %dma_wait3A] : memref<2x100xi32, #tpu.memory_space<vmem>> -> memref<1x100xi32, #tpu.memory_space<vmem>>
        %dma_wait3A_133 = tpu.memref_squeeze %dma_wait3A_132 : memref<1x100xi32, #tpu.memory_space<vmem>> -> memref<100xi32, #tpu.memory_space<vmem>>
        %dma_wait3A_134 = arith.constant 0 : i32
        %dma_wait3A_135 = tpu.memref_slice %arg5[%arg1, %run_scoped3A_98, %dma_wait3A_134] : memref<16x100x100xi32, #tpu.memory_space<hbm>> -> memref<1x1x100xi32, #tpu.memory_space<hbm>>
        %dma_wait3A_136 = tpu.memref_squeeze %dma_wait3A_135 : memref<1x1x100xi32, #tpu.memory_space<hbm>> -> memref<100xi32, #tpu.memory_space<hbm>>
        %dma_wait3A_137 = arith.constant 0 : i32
        %dma_wait3A_138 = tpu.memref_slice %arg10[%run_scoped3A_99, %dma_wait3A_137] : memref<2x100xi32, #tpu.memory_space<vmem>> -> memref<1x100xi32, #tpu.memory_space<vmem>>
        %dma_wait3A_139 = tpu.memref_squeeze %dma_wait3A_138 : memref<1x100xi32, #tpu.memory_space<vmem>> -> memref<100xi32, #tpu.memory_space<vmem>>
        %dma_wait3A_140 = arith.constant 0 : i32
        %dma_wait3A_141 = tpu.memref_slice %arg5[%arg1, %run_scoped3A_98, %dma_wait3A_140] : memref<16x100x100xi32, #tpu.memory_space<hbm>> -> memref<1x1x100xi32, #tpu.memory_space<hbm>>
        %dma_wait3A_142 = tpu.memref_squeeze %dma_wait3A_141 : memref<1x1x100xi32, #tpu.memory_space<hbm>> -> memref<100xi32, #tpu.memory_space<hbm>>
        tpu.wait_dma2 semaphore(%run_scoped3A_119 : memref<!tpu.dma_semaphore, #tpu.memory_space<semaphore_mem>>) src(%dma_wait3A_142 : memref<100xi32, #tpu.memory_space<hbm>>) dst(%dma_wait3A_139 : memref<100xi32, #tpu.memory_space<vmem>>)
        tpu.yield
      }) : () -> ()
      %dma_start3A = arith.constant 0 : i32
      %dma_start3A_100 = arith.constant 0 : i32
      %dma_start3A_101 = arith.constant 0 : i32
      %dma_start3A_102 = arith.constant 0 : i32
      %dma_start3A_103 = tpu.memref_slice %arg8[%dma_start3A_100, %dma_start3A_101, %dma_start3A_102] : memref<2x100x128xf32, #tpu.memory_space<vmem>> -> memref<1x100x128xf32, #tpu.memory_space<vmem>>
      %dma_start3A_104 = tpu.memref_squeeze %dma_start3A_103 : memref<1x100x128xf32, #tpu.memory_space<vmem>> -> memref<100x128xf32, #tpu.memory_space<vmem>>
      %dma_start3A_105 = arith.constant 0 : i32
      %dma_start3A_106 = tpu.memref_slice %arg9[%dma_start3A, %dma_start3A_105] : memref<2x100xi32, #tpu.memory_space<vmem>> -> memref<1x100xi32, #tpu.memory_space<vmem>>
      %dma_start3A_107 = tpu.memref_squeeze %dma_start3A_106 : memref<1x100xi32, #tpu.memory_space<vmem>> -> memref<100xi32, #tpu.memory_space<vmem>>
      %dma_start3A_108 = arith.constant 0 : i32
      %dma_start3A_109 = arith.constant 0 : i32
      %dma_start3A_110 = tpu.memref_slice %arg2[%dma_start3A_108, %dma_start3A_109] : memref<10000x128xf32, #tpu.memory_space<hbm>> -> memref<10000x128xf32, #tpu.memory_space<hbm>>
      tpu.enqueue_indirect_dma source(%dma_start3A_110 : memref<10000x128xf32, #tpu.memory_space<hbm>>) target(%dma_start3A_104 : memref<100x128xf32, #tpu.memory_space<vmem>>) offsets(%dma_start3A_107 : memref<100xi32, #tpu.memory_space<vmem>>) semaphore(%arg13 : memref<!tpu.dma_semaphore, #tpu.memory_space<semaphore_mem>>)
      %scan3A_111 = arith.constant 0 : i32
      %scan3A_112 = arith.constant 0 : i32
      %scan3A_113 = arith.constant 50 : i32
      %scan3A_114 = arith.addi %scan3A_112, %scan3A_113 : i32
      %scan3A_115 = arith.constant 1 : i32
      %scan3A_116 = scf.for %scan3A_119 = %scan3A_112 to %scan3A_114 step %scan3A_115 iter_args(%scan3A_120 = %scan3A_111) -> (i32)  : i32 {
        %mul3A_121 = arith.constant 2 : i32
        %mul3A_122 = arith.muli %mul3A_121, %scan3A_119 : i32
        %add3A_123 = arith.constant 1 : i32
        %add3A_124 = arith.addi %mul3A_122, %add3A_123 : i32
        %dma_start3A_125 = arith.constant 1 : i32
        %dma_start3A_126 = arith.constant 1 : i32
        %dma_start3A_127 = arith.constant 0 : i32
        %dma_start3A_128 = arith.constant 0 : i32
        %dma_start3A_129 = tpu.memref_slice %arg8[%dma_start3A_126, %dma_start3A_127, %dma_start3A_128] : memref<2x100x128xf32, #tpu.memory_space<vmem>> -> memref<1x100x128xf32, #tpu.memory_space<vmem>>
        %dma_start3A_130 = tpu.memref_squeeze %dma_start3A_129 : memref<1x100x128xf32, #tpu.memory_space<vmem>> -> memref<100x128xf32, #tpu.memory_space<vmem>>
        %dma_start3A_131 = arith.constant 0 : i32
        %dma_start3A_132 = tpu.memref_slice %arg9[%dma_start3A_125, %dma_start3A_131] : memref<2x100xi32, #tpu.memory_space<vmem>> -> memref<1x100xi32, #tpu.memory_space<vmem>>
        %dma_start3A_133 = tpu.memref_squeeze %dma_start3A_132 : memref<1x100xi32, #tpu.memory_space<vmem>> -> memref<100xi32, #tpu.memory_space<vmem>>
        %dma_start3A_134 = arith.constant 0 : i32
        %dma_start3A_135 = arith.constant 0 : i32
        %dma_start3A_136 = tpu.memref_slice %arg2[%dma_start3A_134, %dma_start3A_135] : memref<10000x128xf32, #tpu.memory_space<hbm>> -> memref<10000x128xf32, #tpu.memory_space<hbm>>
        tpu.enqueue_indirect_dma source(%dma_start3A_136 : memref<10000x128xf32, #tpu.memory_space<hbm>>) target(%dma_start3A_130 : memref<100x128xf32, #tpu.memory_space<vmem>>) offsets(%dma_start3A_133 : memref<100xi32, #tpu.memory_space<vmem>>) semaphore(%arg14 : memref<!tpu.dma_semaphore, #tpu.memory_space<semaphore_mem>>)
        %dma_wait3A = arith.constant 0 : i32
        %dma_wait3A_137 = arith.constant 0 : i32
        %dma_wait3A_138 = arith.constant 0 : i32
        %dma_wait3A_139 = arith.constant 0 : i32
        %dma_wait3A_140 = tpu.memref_slice %arg8[%dma_wait3A_137, %dma_wait3A_138, %dma_wait3A_139] : memref<2x100x128xf32, #tpu.memory_space<vmem>> -> memref<1x100x128xf32, #tpu.memory_space<vmem>>
        %dma_wait3A_141 = tpu.memref_squeeze %dma_wait3A_140 : memref<1x100x128xf32, #tpu.memory_space<vmem>> -> memref<100x128xf32, #tpu.memory_space<vmem>>
        %dma_wait3A_142 = arith.constant 0 : i32
        %dma_wait3A_143 = tpu.memref_slice %arg9[%dma_wait3A, %dma_wait3A_142] : memref<2x100xi32, #tpu.memory_space<vmem>> -> memref<1x100xi32, #tpu.memory_space<vmem>>
        %dma_wait3A_144 = tpu.memref_squeeze %dma_wait3A_143 : memref<1x100xi32, #tpu.memory_space<vmem>> -> memref<100xi32, #tpu.memory_space<vmem>>
        %dma_wait3A_145 = arith.constant 0 : i32
        %dma_wait3A_146 = arith.constant 0 : i32
        %dma_wait3A_147 = tpu.memref_slice %arg2[%dma_wait3A_145, %dma_wait3A_146] : memref<10000x128xf32, #tpu.memory_space<hbm>> -> memref<10000x128xf32, #tpu.memory_space<hbm>>
        tpu.wait_indirect_dma semaphore(%arg13 : memref<!tpu.dma_semaphore, #tpu.memory_space<semaphore_mem>>) src(%dma_wait3A_147 : memref<10000x128xf32, #tpu.memory_space<hbm>>) dst(%dma_wait3A_141 : memref<100x128xf32, #tpu.memory_space<vmem>>)
        %run_scoped3A_148 = arith.constant 0 : i32
        %run_scoped3A_149 = arith.constant 0 : i32
        "tpu.region"() ({
          %run_scoped3A_180 = tpu.sem_alloc : memref<!tpu.dma_semaphore, #tpu.memory_space<semaphore_mem>>
          %dma_start3A_181 = arith.constant 0 : i32
          %dma_start3A_182 = arith.constant 0 : i32
          %dma_start3A_183 = tpu.memref_slice %arg8[%run_scoped3A_148, %dma_start3A_181, %dma_start3A_182] : memref<2x100x128xf32, #tpu.memory_space<vmem>> -> memref<1x100x128xf32, #tpu.memory_space<vmem>>
          %dma_start3A_184 = tpu.memref_squeeze %dma_start3A_183 : memref<1x100x128xf32, #tpu.memory_space<vmem>> -> memref<100x128xf32, #tpu.memory_space<vmem>>
          %dma_start3A_185 = arith.constant 0 : i32
          %dma_start3A_186 = tpu.memref_slice %arg10[%run_scoped3A_149, %dma_start3A_185] : memref<2x100xi32, #tpu.memory_space<vmem>> -> memref<1x100xi32, #tpu.memory_space<vmem>>
          %dma_start3A_187 = tpu.memref_squeeze %dma_start3A_186 : memref<1x100xi32, #tpu.memory_space<vmem>> -> memref<100xi32, #tpu.memory_space<vmem>>
          %dma_start3A_188 = arith.constant 0 : i32
          %dma_start3A_189 = arith.constant 0 : i32
          %dma_start3A_190 = tpu.memref_slice %arg12[%dma_start3A_188, %dma_start3A_189] : memref<10000x128xf32, #tpu.memory_space<vmem_shared>> -> memref<10000x128xf32, #tpu.memory_space<vmem_shared>>
          tpu.enqueue_indirect_dma source(%dma_start3A_184 : memref<100x128xf32, #tpu.memory_space<vmem>>) target(%dma_start3A_190 : memref<10000x128xf32, #tpu.memory_space<vmem_shared>>) offsets(%dma_start3A_187 : memref<100xi32, #tpu.memory_space<vmem>>) semaphore(%run_scoped3A_180 : memref<!tpu.dma_semaphore, #tpu.memory_space<semaphore_mem>>) {add = true}
          %dma_wait3A_191 = arith.constant 0 : i32
          %dma_wait3A_192 = arith.constant 0 : i32
          %dma_wait3A_193 = tpu.memref_slice %arg8[%run_scoped3A_148, %dma_wait3A_191, %dma_wait3A_192] : memref<2x100x128xf32, #tpu.memory_space<vmem>> -> memref<1x100x128xf32, #tpu.memory_space<vmem>>
          %dma_wait3A_194 = tpu.memref_squeeze %dma_wait3A_193 : memref<1x100x128xf32, #tpu.memory_space<vmem>> -> memref<100x128xf32, #tpu.memory_space<vmem>>
          %dma_wait3A_195 = arith.constant 0 : i32
          %dma_wait3A_196 = tpu.memref_slice %arg10[%run_scoped3A_149, %dma_wait3A_195] : memref<2x100xi32, #tpu.memory_space<vmem>> -> memref<1x100xi32, #tpu.memory_space<vmem>>
          %dma_wait3A_197 = tpu.memref_squeeze %dma_wait3A_196 : memref<1x100xi32, #tpu.memory_space<vmem>> -> memref<100xi32, #tpu.memory_space<vmem>>
          %dma_wait3A_198 = arith.constant 0 : i32
          %dma_wait3A_199 = arith.constant 0 : i32
          %dma_wait3A_200 = tpu.memref_slice %arg12[%dma_wait3A_198, %dma_wait3A_199] : memref<10000x128xf32, #tpu.memory_space<vmem_shared>> -> memref<10000x128xf32, #tpu.memory_space<vmem_shared>>
          tpu.wait_indirect_dma semaphore(%run_scoped3A_180 : memref<!tpu.dma_semaphore, #tpu.memory_space<semaphore_mem>>) src(%dma_wait3A_194 : memref<100x128xf32, #tpu.memory_space<vmem>>) dst(%dma_wait3A_200 : memref<10000x128xf32, #tpu.memory_space<vmem_shared>>)
          tpu.yield
        }) : () -> ()
        %add3A_150 = arith.constant 2 : i32
        %add3A_151 = arith.addi %mul3A_122, %add3A_150 : i32
        %lt3A = arith.constant 100 : i32
        %lt3A_152 = arith.cmpi slt, %add3A_151, %lt3A : i32
        %convert_element_type3A_153 = arith.extui %lt3A_152 : i1 to i32
        %cond3A_154 = arith.constant 0 : i32
        %cond3A_155 = arith.cmpi ne, %convert_element_type3A_153, %cond3A_154 : i32
        scf.if %cond3A_155 {
          %add3A_180 = arith.constant 2 : i32
          %add3A_181 = arith.addi %mul3A_122, %add3A_180 : i32
          %run_scoped3A_182 = arith.constant 0 : i32
          "tpu.region"() ({
            %run_scoped3A_198 = tpu.sem_alloc : memref<!tpu.dma_semaphore, #tpu.memory_space<semaphore_mem>>
            %dma_start3A_199 = arith.constant 0 : i32
            %dma_start3A_200 = tpu.memref_slice %arg9[%run_scoped3A_182, %dma_start3A_199] : memref<2x100xi32, #tpu.memory_space<vmem>> -> memref<1x100xi32, #tpu.memory_space<vmem>>
            %dma_start3A_201 = tpu.memref_squeeze %dma_start3A_200 : memref<1x100xi32, #tpu.memory_space<vmem>> -> memref<100xi32, #tpu.memory_space<vmem>>
            %dma_start3A_202 = arith.constant 0 : i32
            %dma_start3A_203 = tpu.memref_slice %arg4[%arg1, %add3A_181, %dma_start3A_202] : memref<16x100x100xi32, #tpu.memory_space<hbm>> -> memref<1x1x100xi32, #tpu.memory_space<hbm>>
            %dma_start3A_204 = tpu.memref_squeeze %dma_start3A_203 : memref<1x1x100xi32, #tpu.memory_space<hbm>> -> memref<100xi32, #tpu.memory_space<hbm>>
            %dma_start3A_205 = arith.constant 0 : i32
            %dma_start3A_206 = tpu.memref_slice %arg9[%run_scoped3A_182, %dma_start3A_205] : memref<2x100xi32, #tpu.memory_space<vmem>> -> memref<1x100xi32, #tpu.memory_space<vmem>>
            %dma_start3A_207 = tpu.memref_squeeze %dma_start3A_206 : memref<1x100xi32, #tpu.memory_space<vmem>> -> memref<100xi32, #tpu.memory_space<vmem>>
            %dma_start3A_208 = arith.constant 0 : i32
            %dma_start3A_209 = tpu.memref_slice %arg4[%arg1, %add3A_181, %dma_start3A_208] : memref<16x100x100xi32, #tpu.memory_space<hbm>> -> memref<1x1x100xi32, #tpu.memory_space<hbm>>
            %dma_start3A_210 = tpu.memref_squeeze %dma_start3A_209 : memref<1x1x100xi32, #tpu.memory_space<hbm>> -> memref<100xi32, #tpu.memory_space<hbm>>
            tpu.enqueue_dma source(%dma_start3A_210 : memref<100xi32, #tpu.memory_space<hbm>>) target(%dma_start3A_207 : memref<100xi32, #tpu.memory_space<vmem>>) target_semaphore(%run_scoped3A_198 : memref<!tpu.dma_semaphore, #tpu.memory_space<semaphore_mem>>)
            %dma_wait3A_211 = arith.constant 0 : i32
            %dma_wait3A_212 = tpu.memref_slice %arg9[%run_scoped3A_182, %dma_wait3A_211] : memref<2x100xi32, #tpu.memory_space<vmem>> -> memref<1x100xi32, #tpu.memory_space<vmem>>
            %dma_wait3A_213 = tpu.memref_squeeze %dma_wait3A_212 : memref<1x100xi32, #tpu.memory_space<vmem>> -> memref<100xi32, #tpu.memory_space<vmem>>
            %dma_wait3A_214 = arith.constant 0 : i32
            %dma_wait3A_215 = tpu.memref_slice %arg4[%arg1, %add3A_181, %dma_wait3A_214] : memref<16x100x100xi32, #tpu.memory_space<hbm>> -> memref<1x1x100xi32, #tpu.memory_space<hbm>>
            %dma_wait3A_216 = tpu.memref_squeeze %dma_wait3A_215 : memref<1x1x100xi32, #tpu.memory_space<hbm>> -> memref<100xi32, #tpu.memory_space<hbm>>
            %dma_wait3A_217 = arith.constant 0 : i32
            %dma_wait3A_218 = tpu.memref_slice %arg9[%run_scoped3A_182, %dma_wait3A_217] : memref<2x100xi32, #tpu.memory_space<vmem>> -> memref<1x100xi32, #tpu.memory_space<vmem>>
            %dma_wait3A_219 = tpu.memref_squeeze %dma_wait3A_218 : memref<1x100xi32, #tpu.memory_space<vmem>> -> memref<100xi32, #tpu.memory_space<vmem>>
            %dma_wait3A_220 = arith.constant 0 : i32
            %dma_wait3A_221 = tpu.memref_slice %arg4[%arg1, %add3A_181, %dma_wait3A_220] : memref<16x100x100xi32, #tpu.memory_space<hbm>> -> memref<1x1x100xi32, #tpu.memory_space<hbm>>
            %dma_wait3A_222 = tpu.memref_squeeze %dma_wait3A_221 : memref<1x1x100xi32, #tpu.memory_space<hbm>> -> memref<100xi32, #tpu.memory_space<hbm>>
            tpu.wait_dma2 semaphore(%run_scoped3A_198 : memref<!tpu.dma_semaphore, #tpu.memory_space<semaphore_mem>>) src(%dma_wait3A_222 : memref<100xi32, #tpu.memory_space<hbm>>) dst(%dma_wait3A_219 : memref<100xi32, #tpu.memory_space<vmem>>)
            tpu.yield
          }) : () -> ()
          %run_scoped3A_183 = arith.constant 0 : i32
          "tpu.region"() ({
            %run_scoped3A_198 = tpu.sem_alloc : memref<!tpu.dma_semaphore, #tpu.memory_space<semaphore_mem>>
            %dma_start3A_199 = arith.constant 0 : i32
            %dma_start3A_200 = tpu.memref_slice %arg10[%run_scoped3A_183, %dma_start3A_199] : memref<2x100xi32, #tpu.memory_space<vmem>> -> memref<1x100xi32, #tpu.memory_space<vmem>>
            %dma_start3A_201 = tpu.memref_squeeze %dma_start3A_200 : memref<1x100xi32, #tpu.memory_space<vmem>> -> memref<100xi32, #tpu.memory_space<vmem>>
            %dma_start3A_202 = arith.constant 0 : i32
            %dma_start3A_203 = tpu.memref_slice %arg5[%arg1, %add3A_181, %dma_start3A_202] : memref<16x100x100xi32, #tpu.memory_space<hbm>> -> memref<1x1x100xi32, #tpu.memory_space<hbm>>
            %dma_start3A_204 = tpu.memref_squeeze %dma_start3A_203 : memref<1x1x100xi32, #tpu.memory_space<hbm>> -> memref<100xi32, #tpu.memory_space<hbm>>
            %dma_start3A_205 = arith.constant 0 : i32
            %dma_start3A_206 = tpu.memref_slice %arg10[%run_scoped3A_183, %dma_start3A_205] : memref<2x100xi32, #tpu.memory_space<vmem>> -> memref<1x100xi32, #tpu.memory_space<vmem>>
            %dma_start3A_207 = tpu.memref_squeeze %dma_start3A_206 : memref<1x100xi32, #tpu.memory_space<vmem>> -> memref<100xi32, #tpu.memory_space<vmem>>
            %dma_start3A_208 = arith.constant 0 : i32
            %dma_start3A_209 = tpu.memref_slice %arg5[%arg1, %add3A_181, %dma_start3A_208] : memref<16x100x100xi32, #tpu.memory_space<hbm>> -> memref<1x1x100xi32, #tpu.memory_space<hbm>>
            %dma_start3A_210 = tpu.memref_squeeze %dma_start3A_209 : memref<1x1x100xi32, #tpu.memory_space<hbm>> -> memref<100xi32, #tpu.memory_space<hbm>>
            tpu.enqueue_dma source(%dma_start3A_210 : memref<100xi32, #tpu.memory_space<hbm>>) target(%dma_start3A_207 : memref<100xi32, #tpu.memory_space<vmem>>) target_semaphore(%run_scoped3A_198 : memref<!tpu.dma_semaphore, #tpu.memory_space<semaphore_mem>>)
            %dma_wait3A_211 = arith.constant 0 : i32
            %dma_wait3A_212 = tpu.memref_slice %arg10[%run_scoped3A_183, %dma_wait3A_211] : memref<2x100xi32, #tpu.memory_space<vmem>> -> memref<1x100xi32, #tpu.memory_space<vmem>>
            %dma_wait3A_213 = tpu.memref_squeeze %dma_wait3A_212 : memref<1x100xi32, #tpu.memory_space<vmem>> -> memref<100xi32, #tpu.memory_space<vmem>>
            %dma_wait3A_214 = arith.constant 0 : i32
            %dma_wait3A_215 = tpu.memref_slice %arg5[%arg1, %add3A_181, %dma_wait3A_214] : memref<16x100x100xi32, #tpu.memory_space<hbm>> -> memref<1x1x100xi32, #tpu.memory_space<hbm>>
            %dma_wait3A_216 = tpu.memref_squeeze %dma_wait3A_215 : memref<1x1x100xi32, #tpu.memory_space<hbm>> -> memref<100xi32, #tpu.memory_space<hbm>>
            %dma_wait3A_217 = arith.constant 0 : i32
            %dma_wait3A_218 = tpu.memref_slice %arg10[%run_scoped3A_183, %dma_wait3A_217] : memref<2x100xi32, #tpu.memory_space<vmem>> -> memref<1x100xi32, #tpu.memory_space<vmem>>
            %dma_wait3A_219 = tpu.memref_squeeze %dma_wait3A_218 : memref<1x100xi32, #tpu.memory_space<vmem>> -> memref<100xi32, #tpu.memory_space<vmem>>
            %dma_wait3A_220 = arith.constant 0 : i32
            %dma_wait3A_221 = tpu.memref_slice %arg5[%arg1, %add3A_181, %dma_wait3A_220] : memref<16x100x100xi32, #tpu.memory_space<hbm>> -> memref<1x1x100xi32, #tpu.memory_space<hbm>>
            %dma_wait3A_222 = tpu.memref_squeeze %dma_wait3A_221 : memref<1x1x100xi32, #tpu.memory_space<hbm>> -> memref<100xi32, #tpu.memory_space<hbm>>
            tpu.wait_dma2 semaphore(%run_scoped3A_198 : memref<!tpu.dma_semaphore, #tpu.memory_space<semaphore_mem>>) src(%dma_wait3A_222 : memref<100xi32, #tpu.memory_space<hbm>>) dst(%dma_wait3A_219 : memref<100xi32, #tpu.memory_space<vmem>>)
            tpu.yield
          }) : () -> ()
          %add3A_184 = arith.constant 2 : i32
          %add3A_185 = arith.addi %mul3A_122, %add3A_184 : i32
          %dma_start3A_186 = arith.constant 0 : i32
          %dma_start3A_187 = arith.constant 0 : i32
          %dma_start3A_188 = arith.constant 0 : i32
          %dma_start3A_189 = arith.constant 0 : i32
          %dma_start3A_190 = tpu.memref_slice %arg8[%dma_start3A_187, %dma_start3A_188, %dma_start3A_189] : memref<2x100x128xf32, #tpu.memory_space<vmem>> -> memref<1x100x128xf32, #tpu.memory_space<vmem>>
          %dma_start3A_191 = tpu.memref_squeeze %dma_start3A_190 : memref<1x100x128xf32, #tpu.memory_space<vmem>> -> memref<100x128xf32, #tpu.memory_space<vmem>>
          %dma_start3A_192 = arith.constant 0 : i32
          %dma_start3A_193 = tpu.memref_slice %arg9[%dma_start3A_186, %dma_start3A_192] : memref<2x100xi32, #tpu.memory_space<vmem>> -> memref<1x100xi32, #tpu.memory_space<vmem>>
          %dma_start3A_194 = tpu.memref_squeeze %dma_start3A_193 : memref<1x100xi32, #tpu.memory_space<vmem>> -> memref<100xi32, #tpu.memory_space<vmem>>
          %dma_start3A_195 = arith.constant 0 : i32
          %dma_start3A_196 = arith.constant 0 : i32
          %dma_start3A_197 = tpu.memref_slice %arg2[%dma_start3A_195, %dma_start3A_196] : memref<10000x128xf32, #tpu.memory_space<hbm>> -> memref<10000x128xf32, #tpu.memory_space<hbm>>
          tpu.enqueue_indirect_dma source(%dma_start3A_197 : memref<10000x128xf32, #tpu.memory_space<hbm>>) target(%dma_start3A_191 : memref<100x128xf32, #tpu.memory_space<vmem>>) offsets(%dma_start3A_194 : memref<100xi32, #tpu.memory_space<vmem>>) semaphore(%arg13 : memref<!tpu.dma_semaphore, #tpu.memory_space<semaphore_mem>>)
        } else {
        }
        %add3A_156 = arith.constant 1 : i32
        %add3A_157 = arith.addi %mul3A_122, %add3A_156 : i32
        %dma_wait3A_158 = arith.constant 1 : i32
        %dma_wait3A_159 = arith.constant 1 : i32
        %dma_wait3A_160 = arith.constant 0 : i32
        %dma_wait3A_161 = arith.constant 0 : i32
        %dma_wait3A_162 = tpu.memref_slice %arg8[%dma_wait3A_159, %dma_wait3A_160, %dma_wait3A_161] : memref<2x100x128xf32, #tpu.memory_space<vmem>> -> memref<1x100x128xf32, #tpu.memory_space<vmem>>
        %dma_wait3A_163 = tpu.memref_squeeze %dma_wait3A_162 : memref<1x100x128xf32, #tpu.memory_space<vmem>> -> memref<100x128xf32, #tpu.memory_space<vmem>>
        %dma_wait3A_164 = arith.constant 0 : i32
        %dma_wait3A_165 = tpu.memref_slice %arg9[%dma_wait3A_158, %dma_wait3A_164] : memref<2x100xi32, #tpu.memory_space<vmem>> -> memref<1x100xi32, #tpu.memory_space<vmem>>
        %dma_wait3A_166 = tpu.memref_squeeze %dma_wait3A_165 : memref<1x100xi32, #tpu.memory_space<vmem>> -> memref<100xi32, #tpu.memory_space<vmem>>
        %dma_wait3A_167 = arith.constant 0 : i32
        %dma_wait3A_168 = arith.constant 0 : i32
        %dma_wait3A_169 = tpu.memref_slice %arg2[%dma_wait3A_167, %dma_wait3A_168] : memref<10000x128xf32, #tpu.memory_space<hbm>> -> memref<10000x128xf32, #tpu.memory_space<hbm>>
        tpu.wait_indirect_dma semaphore(%arg14 : memref<!tpu.dma_semaphore, #tpu.memory_space<semaphore_mem>>) src(%dma_wait3A_169 : memref<10000x128xf32, #tpu.memory_space<hbm>>) dst(%dma_wait3A_163 : memref<100x128xf32, #tpu.memory_space<vmem>>)
        %run_scoped3A_170 = arith.constant 1 : i32
        %run_scoped3A_171 = arith.constant 1 : i32
        "tpu.region"() ({
          %run_scoped3A_180 = tpu.sem_alloc : memref<!tpu.dma_semaphore, #tpu.memory_space<semaphore_mem>>
          %dma_start3A_181 = arith.constant 0 : i32
          %dma_start3A_182 = arith.constant 0 : i32
          %dma_start3A_183 = tpu.memref_slice %arg8[%run_scoped3A_170, %dma_start3A_181, %dma_start3A_182] : memref<2x100x128xf32, #tpu.memory_space<vmem>> -> memref<1x100x128xf32, #tpu.memory_space<vmem>>
          %dma_start3A_184 = tpu.memref_squeeze %dma_start3A_183 : memref<1x100x128xf32, #tpu.memory_space<vmem>> -> memref<100x128xf32, #tpu.memory_space<vmem>>
          %dma_start3A_185 = arith.constant 0 : i32
          %dma_start3A_186 = tpu.memref_slice %arg10[%run_scoped3A_171, %dma_start3A_185] : memref<2x100xi32, #tpu.memory_space<vmem>> -> memref<1x100xi32, #tpu.memory_space<vmem>>
          %dma_start3A_187 = tpu.memref_squeeze %dma_start3A_186 : memref<1x100xi32, #tpu.memory_space<vmem>> -> memref<100xi32, #tpu.memory_space<vmem>>
          %dma_start3A_188 = arith.constant 0 : i32
          %dma_start3A_189 = arith.constant 0 : i32
          %dma_start3A_190 = tpu.memref_slice %arg12[%dma_start3A_188, %dma_start3A_189] : memref<10000x128xf32, #tpu.memory_space<vmem_shared>> -> memref<10000x128xf32, #tpu.memory_space<vmem_shared>>
          tpu.enqueue_indirect_dma source(%dma_start3A_184 : memref<100x128xf32, #tpu.memory_space<vmem>>) target(%dma_start3A_190 : memref<10000x128xf32, #tpu.memory_space<vmem_shared>>) offsets(%dma_start3A_187 : memref<100xi32, #tpu.memory_space<vmem>>) semaphore(%run_scoped3A_180 : memref<!tpu.dma_semaphore, #tpu.memory_space<semaphore_mem>>) {add = true}
          %dma_wait3A_191 = arith.constant 0 : i32
          %dma_wait3A_192 = arith.constant 0 : i32
          %dma_wait3A_193 = tpu.memref_slice %arg8[%run_scoped3A_170, %dma_wait3A_191, %dma_wait3A_192] : memref<2x100x128xf32, #tpu.memory_space<vmem>> -> memref<1x100x128xf32, #tpu.memory_space<vmem>>
          %dma_wait3A_194 = tpu.memref_squeeze %dma_wait3A_193 : memref<1x100x128xf32, #tpu.memory_space<vmem>> -> memref<100x128xf32, #tpu.memory_space<vmem>>
          %dma_wait3A_195 = arith.constant 0 : i32
          %dma_wait3A_196 = tpu.memref_slice %arg10[%run_scoped3A_171, %dma_wait3A_195] : memref<2x100xi32, #tpu.memory_space<vmem>> -> memref<1x100xi32, #tpu.memory_space<vmem>>
          %dma_wait3A_197 = tpu.memref_squeeze %dma_wait3A_196 : memref<1x100xi32, #tpu.memory_space<vmem>> -> memref<100xi32, #tpu.memory_space<vmem>>
          %dma_wait3A_198 = arith.constant 0 : i32
          %dma_wait3A_199 = arith.constant 0 : i32
          %dma_wait3A_200 = tpu.memref_slice %arg12[%dma_wait3A_198, %dma_wait3A_199] : memref<10000x128xf32, #tpu.memory_space<vmem_shared>> -> memref<10000x128xf32, #tpu.memory_space<vmem_shared>>
          tpu.wait_indirect_dma semaphore(%run_scoped3A_180 : memref<!tpu.dma_semaphore, #tpu.memory_space<semaphore_mem>>) src(%dma_wait3A_194 : memref<100x128xf32, #tpu.memory_space<vmem>>) dst(%dma_wait3A_200 : memref<10000x128xf32, #tpu.memory_space<vmem_shared>>)
          tpu.yield
        }) : () -> ()
        %add3A_172 = arith.constant 3 : i32
        %add3A_173 = arith.addi %mul3A_122, %add3A_172 : i32
        %lt3A_174 = arith.constant 100 : i32
        %lt3A_175 = arith.cmpi slt, %add3A_173, %lt3A_174 : i32
        %convert_element_type3A_176 = arith.extui %lt3A_175 : i1 to i32
        %cond3A_177 = arith.constant 0 : i32
        %cond3A_178 = arith.cmpi ne, %convert_element_type3A_176, %cond3A_177 : i32
        scf.if %cond3A_178 {
          %add3A_180 = arith.constant 3 : i32
          %add3A_181 = arith.addi %mul3A_122, %add3A_180 : i32
          %run_scoped3A_182 = arith.constant 1 : i32
          "tpu.region"() ({
            %run_scoped3A_184 = tpu.sem_alloc : memref<!tpu.dma_semaphore, #tpu.memory_space<semaphore_mem>>
            %dma_start3A_185 = arith.constant 0 : i32
            %dma_start3A_186 = tpu.memref_slice %arg9[%run_scoped3A_182, %dma_start3A_185] : memref<2x100xi32, #tpu.memory_space<vmem>> -> memref<1x100xi32, #tpu.memory_space<vmem>>
            %dma_start3A_187 = tpu.memref_squeeze %dma_start3A_186 : memref<1x100xi32, #tpu.memory_space<vmem>> -> memref<100xi32, #tpu.memory_space<vmem>>
            %dma_start3A_188 = arith.constant 0 : i32
            %dma_start3A_189 = tpu.memref_slice %arg4[%arg1, %add3A_181, %dma_start3A_188] : memref<16x100x100xi32, #tpu.memory_space<hbm>> -> memref<1x1x100xi32, #tpu.memory_space<hbm>>
            %dma_start3A_190 = tpu.memref_squeeze %dma_start3A_189 : memref<1x1x100xi32, #tpu.memory_space<hbm>> -> memref<100xi32, #tpu.memory_space<hbm>>
            %dma_start3A_191 = arith.constant 0 : i32
            %dma_start3A_192 = tpu.memref_slice %arg9[%run_scoped3A_182, %dma_start3A_191] : memref<2x100xi32, #tpu.memory_space<vmem>> -> memref<1x100xi32, #tpu.memory_space<vmem>>
            %dma_start3A_193 = tpu.memref_squeeze %dma_start3A_192 : memref<1x100xi32, #tpu.memory_space<vmem>> -> memref<100xi32, #tpu.memory_space<vmem>>
            %dma_start3A_194 = arith.constant 0 : i32
            %dma_start3A_195 = tpu.memref_slice %arg4[%arg1, %add3A_181, %dma_start3A_194] : memref<16x100x100xi32, #tpu.memory_space<hbm>> -> memref<1x1x100xi32, #tpu.memory_space<hbm>>
            %dma_start3A_196 = tpu.memref_squeeze %dma_start3A_195 : memref<1x1x100xi32, #tpu.memory_space<hbm>> -> memref<100xi32, #tpu.memory_space<hbm>>
            tpu.enqueue_dma source(%dma_start3A_196 : memref<100xi32, #tpu.memory_space<hbm>>) target(%dma_start3A_193 : memref<100xi32, #tpu.memory_space<vmem>>) target_semaphore(%run_scoped3A_184 : memref<!tpu.dma_semaphore, #tpu.memory_space<semaphore_mem>>)
            %dma_wait3A_197 = arith.constant 0 : i32
            %dma_wait3A_198 = tpu.memref_slice %arg9[%run_scoped3A_182, %dma_wait3A_197] : memref<2x100xi32, #tpu.memory_space<vmem>> -> memref<1x100xi32, #tpu.memory_space<vmem>>
            %dma_wait3A_199 = tpu.memref_squeeze %dma_wait3A_198 : memref<1x100xi32, #tpu.memory_space<vmem>> -> memref<100xi32, #tpu.memory_space<vmem>>
            %dma_wait3A_200 = arith.constant 0 : i32
            %dma_wait3A_201 = tpu.memref_slice %arg4[%arg1, %add3A_181, %dma_wait3A_200] : memref<16x100x100xi32, #tpu.memory_space<hbm>> -> memref<1x1x100xi32, #tpu.memory_space<hbm>>
            %dma_wait3A_202 = tpu.memref_squeeze %dma_wait3A_201 : memref<1x1x100xi32, #tpu.memory_space<hbm>> -> memref<100xi32, #tpu.memory_space<hbm>>
            %dma_wait3A_203 = arith.constant 0 : i32
            %dma_wait3A_204 = tpu.memref_slice %arg9[%run_scoped3A_182, %dma_wait3A_203] : memref<2x100xi32, #tpu.memory_space<vmem>> -> memref<1x100xi32, #tpu.memory_space<vmem>>
            %dma_wait3A_205 = tpu.memref_squeeze %dma_wait3A_204 : memref<1x100xi32, #tpu.memory_space<vmem>> -> memref<100xi32, #tpu.memory_space<vmem>>
            %dma_wait3A_206 = arith.constant 0 : i32
            %dma_wait3A_207 = tpu.memref_slice %arg4[%arg1, %add3A_181, %dma_wait3A_206] : memref<16x100x100xi32, #tpu.memory_space<hbm>> -> memref<1x1x100xi32, #tpu.memory_space<hbm>>
            %dma_wait3A_208 = tpu.memref_squeeze %dma_wait3A_207 : memref<1x1x100xi32, #tpu.memory_space<hbm>> -> memref<100xi32, #tpu.memory_space<hbm>>
            tpu.wait_dma2 semaphore(%run_scoped3A_184 : memref<!tpu.dma_semaphore, #tpu.memory_space<semaphore_mem>>) src(%dma_wait3A_208 : memref<100xi32, #tpu.memory_space<hbm>>) dst(%dma_wait3A_205 : memref<100xi32, #tpu.memory_space<vmem>>)
            tpu.yield
          }) : () -> ()
          %run_scoped3A_183 = arith.constant 1 : i32
          "tpu.region"() ({
            %run_scoped3A_184 = tpu.sem_alloc : memref<!tpu.dma_semaphore, #tpu.memory_space<semaphore_mem>>
            %dma_start3A_185 = arith.constant 0 : i32
            %dma_start3A_186 = tpu.memref_slice %arg10[%run_scoped3A_183, %dma_start3A_185] : memref<2x100xi32, #tpu.memory_space<vmem>> -> memref<1x100xi32, #tpu.memory_space<vmem>>
            %dma_start3A_187 = tpu.memref_squeeze %dma_start3A_186 : memref<1x100xi32, #tpu.memory_space<vmem>> -> memref<100xi32, #tpu.memory_space<vmem>>
            %dma_start3A_188 = arith.constant 0 : i32
            %dma_start3A_189 = tpu.memref_slice %arg5[%arg1, %add3A_181, %dma_start3A_188] : memref<16x100x100xi32, #tpu.memory_space<hbm>> -> memref<1x1x100xi32, #tpu.memory_space<hbm>>
            %dma_start3A_190 = tpu.memref_squeeze %dma_start3A_189 : memref<1x1x100xi32, #tpu.memory_space<hbm>> -> memref<100xi32, #tpu.memory_space<hbm>>
            %dma_start3A_191 = arith.constant 0 : i32
            %dma_start3A_192 = tpu.memref_slice %arg10[%run_scoped3A_183, %dma_start3A_191] : memref<2x100xi32, #tpu.memory_space<vmem>> -> memref<1x100xi32, #tpu.memory_space<vmem>>
            %dma_start3A_193 = tpu.memref_squeeze %dma_start3A_192 : memref<1x100xi32, #tpu.memory_space<vmem>> -> memref<100xi32, #tpu.memory_space<vmem>>
            %dma_start3A_194 = arith.constant 0 : i32
            %dma_start3A_195 = tpu.memref_slice %arg5[%arg1, %add3A_181, %dma_start3A_194] : memref<16x100x100xi32, #tpu.memory_space<hbm>> -> memref<1x1x100xi32, #tpu.memory_space<hbm>>
            %dma_start3A_196 = tpu.memref_squeeze %dma_start3A_195 : memref<1x1x100xi32, #tpu.memory_space<hbm>> -> memref<100xi32, #tpu.memory_space<hbm>>
            tpu.enqueue_dma source(%dma_start3A_196 : memref<100xi32, #tpu.memory_space<hbm>>) target(%dma_start3A_193 : memref<100xi32, #tpu.memory_space<vmem>>) target_semaphore(%run_scoped3A_184 : memref<!tpu.dma_semaphore, #tpu.memory_space<semaphore_mem>>)
            %dma_wait3A_197 = arith.constant 0 : i32
            %dma_wait3A_198 = tpu.memref_slice %arg10[%run_scoped3A_183, %dma_wait3A_197] : memref<2x100xi32, #tpu.memory_space<vmem>> -> memref<1x100xi32, #tpu.memory_space<vmem>>
            %dma_wait3A_199 = tpu.memref_squeeze %dma_wait3A_198 : memref<1x100xi32, #tpu.memory_space<vmem>> -> memref<100xi32, #tpu.memory_space<vmem>>
            %dma_wait3A_200 = arith.constant 0 : i32
            %dma_wait3A_201 = tpu.memref_slice %arg5[%arg1, %add3A_181, %dma_wait3A_200] : memref<16x100x100xi32, #tpu.memory_space<hbm>> -> memref<1x1x100xi32, #tpu.memory_space<hbm>>
            %dma_wait3A_202 = tpu.memref_squeeze %dma_wait3A_201 : memref<1x1x100xi32, #tpu.memory_space<hbm>> -> memref<100xi32, #tpu.memory_space<hbm>>
            %dma_wait3A_203 = arith.constant 0 : i32
            %dma_wait3A_204 = tpu.memref_slice %arg10[%run_scoped3A_183, %dma_wait3A_203] : memref<2x100xi32, #tpu.memory_space<vmem>> -> memref<1x100xi32, #tpu.memory_space<vmem>>
            %dma_wait3A_205 = tpu.memref_squeeze %dma_wait3A_204 : memref<1x100xi32, #tpu.memory_space<vmem>> -> memref<100xi32, #tpu.memory_space<vmem>>
            %dma_wait3A_206 = arith.constant 0 : i32
            %dma_wait3A_207 = tpu.memref_slice %arg5[%arg1, %add3A_181, %dma_wait3A_206] : memref<16x100x100xi32, #tpu.memory_space<hbm>> -> memref<1x1x100xi32, #tpu.memory_space<hbm>>
            %dma_wait3A_208 = tpu.memref_squeeze %dma_wait3A_207 : memref<1x1x100xi32, #tpu.memory_space<hbm>> -> memref<100xi32, #tpu.memory_space<hbm>>
            tpu.wait_dma2 semaphore(%run_scoped3A_184 : memref<!tpu.dma_semaphore, #tpu.memory_space<semaphore_mem>>) src(%dma_wait3A_208 : memref<100xi32, #tpu.memory_space<hbm>>) dst(%dma_wait3A_205 : memref<100xi32, #tpu.memory_space<vmem>>)
            tpu.yield
          }) : () -> ()
        } else {
        }
        %scan3A_179 = arith.constant 0 : i32
        scf.yield %scan3A_179 : i32
      }
      %scan3A_117 = arith.constant 50 : i32
      %barrier3A_118 = arith.constant 0 : index
      tpu.barrier barrier_id(%barrier3A_118)
      "tpu.region"() ({
        %run_scoped3A_119 = tpu.sem_alloc : memref<!tpu.dma_semaphore, #tpu.memory_space<semaphore_mem>>
        %dma_start3A_120 = arith.constant 0 : i32
        %dma_start3A_121 = tpu.memref_slice %arg6[%mul3A_6, %dma_start3A_120] : memref<10000x128xf32, #tpu.memory_space<hbm>> -> memref<640x128xf32, #tpu.memory_space<hbm>>
        %dma_start3A_122 = arith.constant 0 : i32
        %dma_start3A_123 = tpu.memref_slice %arg12[%mul3A_6, %dma_start3A_122] : memref<10000x128xf32, #tpu.memory_space<vmem_shared>> -> memref<640x128xf32, #tpu.memory_space<vmem_shared>>
        tpu.enqueue_dma source(%dma_start3A_123 : memref<640x128xf32, #tpu.memory_space<vmem_shared>>) target(%dma_start3A_121 : memref<640x128xf32, #tpu.memory_space<hbm>>) target_semaphore(%run_scoped3A_119 : memref<!tpu.dma_semaphore, #tpu.memory_space<semaphore_mem>>)
        %dma_wait3A = arith.constant 0 : i32
        %dma_wait3A_124 = tpu.memref_slice %arg6[%mul3A_6, %dma_wait3A] : memref<10000x128xf32, #tpu.memory_space<hbm>> -> memref<640x128xf32, #tpu.memory_space<hbm>>
        %dma_wait3A_125 = arith.constant 0 : i32
        %dma_wait3A_126 = tpu.memref_slice %arg12[%mul3A_6, %dma_wait3A_125] : memref<10000x128xf32, #tpu.memory_space<vmem_shared>> -> memref<640x128xf32, #tpu.memory_space<vmem_shared>>
        tpu.wait_dma2 semaphore(%run_scoped3A_119 : memref<!tpu.dma_semaphore, #tpu.memory_space<semaphore_mem>>) src(%dma_wait3A_126 : memref<640x128xf32, #tpu.memory_space<vmem_shared>>) dst(%dma_wait3A_124 : memref<640x128xf32, #tpu.memory_space<hbm>>)
        tpu.yield
      }) : () -> ()
    } else {
    }
    %eq3A_88 = arith.constant 1 : i32
    %eq3A_89 = arith.cmpi eq, %arg0, %eq3A_88 : i32
    %convert_element_type3A_90 = arith.extui %eq3A_89 : i1 to i32
    %cond3A_91 = arith.constant 0 : i32
    %cond3A_92 = arith.cmpi ne, %convert_element_type3A_90, %cond3A_91 : i32
    scf.if %cond3A_92 {
      %run_scoped3A = arith.constant 0 : i32
      %run_scoped3A_93 = arith.constant 0 : i32
      "tpu.region"() ({
        %run_scoped3A_119 = tpu.sem_alloc : memref<!tpu.dma_semaphore, #tpu.memory_space<semaphore_mem>>
        %dma_start3A_120 = arith.constant 0 : i32
        %dma_start3A_121 = tpu.memref_slice %arg9[%run_scoped3A_93, %dma_start3A_120] : memref<2x100xi32, #tpu.memory_space<vmem>> -> memref<1x100xi32, #tpu.memory_space<vmem>>
        %dma_start3A_122 = tpu.memref_squeeze %dma_start3A_121 : memref<1x100xi32, #tpu.memory_space<vmem>> -> memref<100xi32, #tpu.memory_space<vmem>>
        %dma_start3A_123 = arith.constant 0 : i32
        %dma_start3A_124 = tpu.memref_slice %arg4[%arg1, %run_scoped3A, %dma_start3A_123] : memref<16x100x100xi32, #tpu.memory_space<hbm>> -> memref<1x1x100xi32, #tpu.memory_space<hbm>>
        %dma_start3A_125 = tpu.memref_squeeze %dma_start3A_124 : memref<1x1x100xi32, #tpu.memory_space<hbm>> -> memref<100xi32, #tpu.memory_space<hbm>>
        %dma_start3A_126 = arith.constant 0 : i32
        %dma_start3A_127 = tpu.memref_slice %arg9[%run_scoped3A_93, %dma_start3A_126] : memref<2x100xi32, #tpu.memory_space<vmem>> -> memref<1x100xi32, #tpu.memory_space<vmem>>
        %dma_start3A_128 = tpu.memref_squeeze %dma_start3A_127 : memref<1x100xi32, #tpu.memory_space<vmem>> -> memref<100xi32, #tpu.memory_space<vmem>>
        %dma_start3A_129 = arith.constant 0 : i32
        %dma_start3A_130 = tpu.memref_slice %arg4[%arg1, %run_scoped3A, %dma_start3A_129] : memref<16x100x100xi32, #tpu.memory_space<hbm>> -> memref<1x1x100xi32, #tpu.memory_space<hbm>>
        %dma_start3A_131 = tpu.memref_squeeze %dma_start3A_130 : memref<1x1x100xi32, #tpu.memory_space<hbm>> -> memref<100xi32, #tpu.memory_space<hbm>>
        tpu.enqueue_dma source(%dma_start3A_131 : memref<100xi32, #tpu.memory_space<hbm>>) target(%dma_start3A_128 : memref<100xi32, #tpu.memory_space<vmem>>) target_semaphore(%run_scoped3A_119 : memref<!tpu.dma_semaphore, #tpu.memory_space<semaphore_mem>>)
        %dma_wait3A = arith.constant 0 : i32
        %dma_wait3A_132 = tpu.memref_slice %arg9[%run_scoped3A_93, %dma_wait3A] : memref<2x100xi32, #tpu.memory_space<vmem>> -> memref<1x100xi32, #tpu.memory_space<vmem>>
        %dma_wait3A_133 = tpu.memref_squeeze %dma_wait3A_132 : memref<1x100xi32, #tpu.memory_space<vmem>> -> memref<100xi32, #tpu.memory_space<vmem>>
        %dma_wait3A_134 = arith.constant 0 : i32
        %dma_wait3A_135 = tpu.memref_slice %arg4[%arg1, %run_scoped3A, %dma_wait3A_134] : memref<16x100x100xi32, #tpu.memory_space<hbm>> -> memref<1x1x100xi32, #tpu.memory_space<hbm>>
        %dma_wait3A_136 = tpu.memref_squeeze %dma_wait3A_135 : memref<1x1x100xi32, #tpu.memory_space<hbm>> -> memref<100xi32, #tpu.memory_space<hbm>>
        %dma_wait3A_137 = arith.constant 0 : i32
        %dma_wait3A_138 = tpu.memref_slice %arg9[%run_scoped3A_93, %dma_wait3A_137] : memref<2x100xi32, #tpu.memory_space<vmem>> -> memref<1x100xi32, #tpu.memory_space<vmem>>
        %dma_wait3A_139 = tpu.memref_squeeze %dma_wait3A_138 : memref<1x100xi32, #tpu.memory_space<vmem>> -> memref<100xi32, #tpu.memory_space<vmem>>
        %dma_wait3A_140 = arith.constant 0 : i32
        %dma_wait3A_141 = tpu.memref_slice %arg4[%arg1, %run_scoped3A, %dma_wait3A_140] : memref<16x100x100xi32, #tpu.memory_space<hbm>> -> memref<1x1x100xi32, #tpu.memory_space<hbm>>
        %dma_wait3A_142 = tpu.memref_squeeze %dma_wait3A_141 : memref<1x1x100xi32, #tpu.memory_space<hbm>> -> memref<100xi32, #tpu.memory_space<hbm>>
        tpu.wait_dma2 semaphore(%run_scoped3A_119 : memref<!tpu.dma_semaphore, #tpu.memory_space<semaphore_mem>>) src(%dma_wait3A_142 : memref<100xi32, #tpu.memory_space<hbm>>) dst(%dma_wait3A_139 : memref<100xi32, #tpu.memory_space<vmem>>)
        tpu.yield
      }) : () -> ()
      %run_scoped3A_94 = arith.constant 0 : i32
      %run_scoped3A_95 = arith.constant 0 : i32
      "tpu.region"() ({
        %run_scoped3A_119 = tpu.sem_alloc : memref<!tpu.dma_semaphore, #tpu.memory_space<semaphore_mem>>
        %dma_start3A_120 = arith.constant 0 : i32
        %dma_start3A_121 = tpu.memref_slice %arg10[%run_scoped3A_95, %dma_start3A_120] : memref<2x100xi32, #tpu.memory_space<vmem>> -> memref<1x100xi32, #tpu.memory_space<vmem>>
        %dma_start3A_122 = tpu.memref_squeeze %dma_start3A_121 : memref<1x100xi32, #tpu.memory_space<vmem>> -> memref<100xi32, #tpu.memory_space<vmem>>
        %dma_start3A_123 = arith.constant 0 : i32
        %dma_start3A_124 = tpu.memref_slice %arg5[%arg1, %run_scoped3A_94, %dma_start3A_123] : memref<16x100x100xi32, #tpu.memory_space<hbm>> -> memref<1x1x100xi32, #tpu.memory_space<hbm>>
        %dma_start3A_125 = tpu.memref_squeeze %dma_start3A_124 : memref<1x1x100xi32, #tpu.memory_space<hbm>> -> memref<100xi32, #tpu.memory_space<hbm>>
        %dma_start3A_126 = arith.constant 0 : i32
        %dma_start3A_127 = tpu.memref_slice %arg10[%run_scoped3A_95, %dma_start3A_126] : memref<2x100xi32, #tpu.memory_space<vmem>> -> memref<1x100xi32, #tpu.memory_space<vmem>>
        %dma_start3A_128 = tpu.memref_squeeze %dma_start3A_127 : memref<1x100xi32, #tpu.memory_space<vmem>> -> memref<100xi32, #tpu.memory_space<vmem>>
        %dma_start3A_129 = arith.constant 0 : i32
        %dma_start3A_130 = tpu.memref_slice %arg5[%arg1, %run_scoped3A_94, %dma_start3A_129] : memref<16x100x100xi32, #tpu.memory_space<hbm>> -> memref<1x1x100xi32, #tpu.memory_space<hbm>>
        %dma_start3A_131 = tpu.memref_squeeze %dma_start3A_130 : memref<1x1x100xi32, #tpu.memory_space<hbm>> -> memref<100xi32, #tpu.memory_space<hbm>>
        tpu.enqueue_dma source(%dma_start3A_131 : memref<100xi32, #tpu.memory_space<hbm>>) target(%dma_start3A_128 : memref<100xi32, #tpu.memory_space<vmem>>) target_semaphore(%run_scoped3A_119 : memref<!tpu.dma_semaphore, #tpu.memory_space<semaphore_mem>>)
        %dma_wait3A = arith.constant 0 : i32
        %dma_wait3A_132 = tpu.memref_slice %arg10[%run_scoped3A_95, %dma_wait3A] : memref<2x100xi32, #tpu.memory_space<vmem>> -> memref<1x100xi32, #tpu.memory_space<vmem>>
        %dma_wait3A_133 = tpu.memref_squeeze %dma_wait3A_132 : memref<1x100xi32, #tpu.memory_space<vmem>> -> memref<100xi32, #tpu.memory_space<vmem>>
        %dma_wait3A_134 = arith.constant 0 : i32
        %dma_wait3A_135 = tpu.memref_slice %arg5[%arg1, %run_scoped3A_94, %dma_wait3A_134] : memref<16x100x100xi32, #tpu.memory_space<hbm>> -> memref<1x1x100xi32, #tpu.memory_space<hbm>>
        %dma_wait3A_136 = tpu.memref_squeeze %dma_wait3A_135 : memref<1x1x100xi32, #tpu.memory_space<hbm>> -> memref<100xi32, #tpu.memory_space<hbm>>
        %dma_wait3A_137 = arith.constant 0 : i32
        %dma_wait3A_138 = tpu.memref_slice %arg10[%run_scoped3A_95, %dma_wait3A_137] : memref<2x100xi32, #tpu.memory_space<vmem>> -> memref<1x100xi32, #tpu.memory_space<vmem>>
        %dma_wait3A_139 = tpu.memref_squeeze %dma_wait3A_138 : memref<1x100xi32, #tpu.memory_space<vmem>> -> memref<100xi32, #tpu.memory_space<vmem>>
        %dma_wait3A_140 = arith.constant 0 : i32
        %dma_wait3A_141 = tpu.memref_slice %arg5[%arg1, %run_scoped3A_94, %dma_wait3A_140] : memref<16x100x100xi32, #tpu.memory_space<hbm>> -> memref<1x1x100xi32, #tpu.memory_space<hbm>>
        %dma_wait3A_142 = tpu.memref_squeeze %dma_wait3A_141 : memref<1x1x100xi32, #tpu.memory_space<hbm>> -> memref<100xi32, #tpu.memory_space<hbm>>
        tpu.wait_dma2 semaphore(%run_scoped3A_119 : memref<!tpu.dma_semaphore, #tpu.memory_space<semaphore_mem>>) src(%dma_wait3A_142 : memref<100xi32, #tpu.memory_space<hbm>>) dst(%dma_wait3A_139 : memref<100xi32, #tpu.memory_space<vmem>>)
        tpu.yield
      }) : () -> ()
      %run_scoped3A_96 = arith.constant 1 : i32
      %run_scoped3A_97 = arith.constant 1 : i32
      "tpu.region"() ({
        %run_scoped3A_119 = tpu.sem_alloc : memref<!tpu.dma_semaphore, #tpu.memory_space<semaphore_mem>>
        %dma_start3A_120 = arith.constant 0 : i32
        %dma_start3A_121 = tpu.memref_slice %arg9[%run_scoped3A_97, %dma_start3A_120] : memref<2x100xi32, #tpu.memory_space<vmem>> -> memref<1x100xi32, #tpu.memory_space<vmem>>
        %dma_start3A_122 = tpu.memref_squeeze %dma_start3A_121 : memref<1x100xi32, #tpu.memory_space<vmem>> -> memref<100xi32, #tpu.memory_space<vmem>>
        %dma_start3A_123 = arith.constant 0 : i32
        %dma_start3A_124 = tpu.memref_slice %arg4[%arg1, %run_scoped3A_96, %dma_start3A_123] : memref<16x100x100xi32, #tpu.memory_space<hbm>> -> memref<1x1x100xi32, #tpu.memory_space<hbm>>
        %dma_start3A_125 = tpu.memref_squeeze %dma_start3A_124 : memref<1x1x100xi32, #tpu.memory_space<hbm>> -> memref<100xi32, #tpu.memory_space<hbm>>
        %dma_start3A_126 = arith.constant 0 : i32
        %dma_start3A_127 = tpu.memref_slice %arg9[%run_scoped3A_97, %dma_start3A_126] : memref<2x100xi32, #tpu.memory_space<vmem>> -> memref<1x100xi32, #tpu.memory_space<vmem>>
        %dma_start3A_128 = tpu.memref_squeeze %dma_start3A_127 : memref<1x100xi32, #tpu.memory_space<vmem>> -> memref<100xi32, #tpu.memory_space<vmem>>
        %dma_start3A_129 = arith.constant 0 : i32
        %dma_start3A_130 = tpu.memref_slice %arg4[%arg1, %run_scoped3A_96, %dma_start3A_129] : memref<16x100x100xi32, #tpu.memory_space<hbm>> -> memref<1x1x100xi32, #tpu.memory_space<hbm>>
        %dma_start3A_131 = tpu.memref_squeeze %dma_start3A_130 : memref<1x1x100xi32, #tpu.memory_space<hbm>> -> memref<100xi32, #tpu.memory_space<hbm>>
        tpu.enqueue_dma source(%dma_start3A_131 : memref<100xi32, #tpu.memory_space<hbm>>) target(%dma_start3A_128 : memref<100xi32, #tpu.memory_space<vmem>>) target_semaphore(%run_scoped3A_119 : memref<!tpu.dma_semaphore, #tpu.memory_space<semaphore_mem>>)
        %dma_wait3A = arith.constant 0 : i32
        %dma_wait3A_132 = tpu.memref_slice %arg9[%run_scoped3A_97, %dma_wait3A] : memref<2x100xi32, #tpu.memory_space<vmem>> -> memref<1x100xi32, #tpu.memory_space<vmem>>
        %dma_wait3A_133 = tpu.memref_squeeze %dma_wait3A_132 : memref<1x100xi32, #tpu.memory_space<vmem>> -> memref<100xi32, #tpu.memory_space<vmem>>
        %dma_wait3A_134 = arith.constant 0 : i32
        %dma_wait3A_135 = tpu.memref_slice %arg4[%arg1, %run_scoped3A_96, %dma_wait3A_134] : memref<16x100x100xi32, #tpu.memory_space<hbm>> -> memref<1x1x100xi32, #tpu.memory_space<hbm>>
        %dma_wait3A_136 = tpu.memref_squeeze %dma_wait3A_135 : memref<1x1x100xi32, #tpu.memory_space<hbm>> -> memref<100xi32, #tpu.memory_space<hbm>>
        %dma_wait3A_137 = arith.constant 0 : i32
        %dma_wait3A_138 = tpu.memref_slice %arg9[%run_scoped3A_97, %dma_wait3A_137] : memref<2x100xi32, #tpu.memory_space<vmem>> -> memref<1x100xi32, #tpu.memory_space<vmem>>
        %dma_wait3A_139 = tpu.memref_squeeze %dma_wait3A_138 : memref<1x100xi32, #tpu.memory_space<vmem>> -> memref<100xi32, #tpu.memory_space<vmem>>
        %dma_wait3A_140 = arith.constant 0 : i32
        %dma_wait3A_141 = tpu.memref_slice %arg4[%arg1, %run_scoped3A_96, %dma_wait3A_140] : memref<16x100x100xi32, #tpu.memory_space<hbm>> -> memref<1x1x100xi32, #tpu.memory_space<hbm>>
        %dma_wait3A_142 = tpu.memref_squeeze %dma_wait3A_141 : memref<1x1x100xi32, #tpu.memory_space<hbm>> -> memref<100xi32, #tpu.memory_space<hbm>>
        tpu.wait_dma2 semaphore(%run_scoped3A_119 : memref<!tpu.dma_semaphore, #tpu.memory_space<semaphore_mem>>) src(%dma_wait3A_142 : memref<100xi32, #tpu.memory_space<hbm>>) dst(%dma_wait3A_139 : memref<100xi32, #tpu.memory_space<vmem>>)
        tpu.yield
      }) : () -> ()
      %run_scoped3A_98 = arith.constant 1 : i32
      %run_scoped3A_99 = arith.constant 1 : i32
      "tpu.region"() ({
        %run_scoped3A_119 = tpu.sem_alloc : memref<!tpu.dma_semaphore, #tpu.memory_space<semaphore_mem>>
        %dma_start3A_120 = arith.constant 0 : i32
        %dma_start3A_121 = tpu.memref_slice %arg10[%run_scoped3A_99, %dma_start3A_120] : memref<2x100xi32, #tpu.memory_space<vmem>> -> memref<1x100xi32, #tpu.memory_space<vmem>>
        %dma_start3A_122 = tpu.memref_squeeze %dma_start3A_121 : memref<1x100xi32, #tpu.memory_space<vmem>> -> memref<100xi32, #tpu.memory_space<vmem>>
        %dma_start3A_123 = arith.constant 0 : i32
        %dma_start3A_124 = tpu.memref_slice %arg5[%arg1, %run_scoped3A_98, %dma_start3A_123] : memref<16x100x100xi32, #tpu.memory_space<hbm>> -> memref<1x1x100xi32, #tpu.memory_space<hbm>>
        %dma_start3A_125 = tpu.memref_squeeze %dma_start3A_124 : memref<1x1x100xi32, #tpu.memory_space<hbm>> -> memref<100xi32, #tpu.memory_space<hbm>>
        %dma_start3A_126 = arith.constant 0 : i32
        %dma_start3A_127 = tpu.memref_slice %arg10[%run_scoped3A_99, %dma_start3A_126] : memref<2x100xi32, #tpu.memory_space<vmem>> -> memref<1x100xi32, #tpu.memory_space<vmem>>
        %dma_start3A_128 = tpu.memref_squeeze %dma_start3A_127 : memref<1x100xi32, #tpu.memory_space<vmem>> -> memref<100xi32, #tpu.memory_space<vmem>>
        %dma_start3A_129 = arith.constant 0 : i32
        %dma_start3A_130 = tpu.memref_slice %arg5[%arg1, %run_scoped3A_98, %dma_start3A_129] : memref<16x100x100xi32, #tpu.memory_space<hbm>> -> memref<1x1x100xi32, #tpu.memory_space<hbm>>
        %dma_start3A_131 = tpu.memref_squeeze %dma_start3A_130 : memref<1x1x100xi32, #tpu.memory_space<hbm>> -> memref<100xi32, #tpu.memory_space<hbm>>
        tpu.enqueue_dma source(%dma_start3A_131 : memref<100xi32, #tpu.memory_space<hbm>>) target(%dma_start3A_128 : memref<100xi32, #tpu.memory_space<vmem>>) target_semaphore(%run_scoped3A_119 : memref<!tpu.dma_semaphore, #tpu.memory_space<semaphore_mem>>)
        %dma_wait3A = arith.constant 0 : i32
        %dma_wait3A_132 = tpu.memref_slice %arg10[%run_scoped3A_99, %dma_wait3A] : memref<2x100xi32, #tpu.memory_space<vmem>> -> memref<1x100xi32, #tpu.memory_space<vmem>>
        %dma_wait3A_133 = tpu.memref_squeeze %dma_wait3A_132 : memref<1x100xi32, #tpu.memory_space<vmem>> -> memref<100xi32, #tpu.memory_space<vmem>>
        %dma_wait3A_134 = arith.constant 0 : i32
        %dma_wait3A_135 = tpu.memref_slice %arg5[%arg1, %run_scoped3A_98, %dma_wait3A_134] : memref<16x100x100xi32, #tpu.memory_space<hbm>> -> memref<1x1x100xi32, #tpu.memory_space<hbm>>
        %dma_wait3A_136 = tpu.memref_squeeze %dma_wait3A_135 : memref<1x1x100xi32, #tpu.memory_space<hbm>> -> memref<100xi32, #tpu.memory_space<hbm>>
        %dma_wait3A_137 = arith.constant 0 : i32
        %dma_wait3A_138 = tpu.memref_slice %arg10[%run_scoped3A_99, %dma_wait3A_137] : memref<2x100xi32, #tpu.memory_space<vmem>> -> memref<1x100xi32, #tpu.memory_space<vmem>>
        %dma_wait3A_139 = tpu.memref_squeeze %dma_wait3A_138 : memref<1x100xi32, #tpu.memory_space<vmem>> -> memref<100xi32, #tpu.memory_space<vmem>>
        %dma_wait3A_140 = arith.constant 0 : i32
        %dma_wait3A_141 = tpu.memref_slice %arg5[%arg1, %run_scoped3A_98, %dma_wait3A_140] : memref<16x100x100xi32, #tpu.memory_space<hbm>> -> memref<1x1x100xi32, #tpu.memory_space<hbm>>
        %dma_wait3A_142 = tpu.memref_squeeze %dma_wait3A_141 : memref<1x1x100xi32, #tpu.memory_space<hbm>> -> memref<100xi32, #tpu.memory_space<hbm>>
        tpu.wait_dma2 semaphore(%run_scoped3A_119 : memref<!tpu.dma_semaphore, #tpu.memory_space<semaphore_mem>>) src(%dma_wait3A_142 : memref<100xi32, #tpu.memory_space<hbm>>) dst(%dma_wait3A_139 : memref<100xi32, #tpu.memory_space<vmem>>)
        tpu.yield
      }) : () -> ()
      %dma_start3A = arith.constant 0 : i32
      %dma_start3A_100 = arith.constant 0 : i32
      %dma_start3A_101 = arith.constant 0 : i32
      %dma_start3A_102 = arith.constant 0 : i32
      %dma_start3A_103 = tpu.memref_slice %arg8[%dma_start3A_100, %dma_start3A_101, %dma_start3A_102] : memref<2x100x128xf32, #tpu.memory_space<vmem>> -> memref<1x100x128xf32, #tpu.memory_space<vmem>>
      %dma_start3A_104 = tpu.memref_squeeze %dma_start3A_103 : memref<1x100x128xf32, #tpu.memory_space<vmem>> -> memref<100x128xf32, #tpu.memory_space<vmem>>
      %dma_start3A_105 = arith.constant 0 : i32
      %dma_start3A_106 = tpu.memref_slice %arg9[%dma_start3A, %dma_start3A_105] : memref<2x100xi32, #tpu.memory_space<vmem>> -> memref<1x100xi32, #tpu.memory_space<vmem>>
      %dma_start3A_107 = tpu.memref_squeeze %dma_start3A_106 : memref<1x100xi32, #tpu.memory_space<vmem>> -> memref<100xi32, #tpu.memory_space<vmem>>
      %dma_start3A_108 = arith.constant 0 : i32
      %dma_start3A_109 = arith.constant 0 : i32
      %dma_start3A_110 = tpu.memref_slice %arg3[%dma_start3A_108, %dma_start3A_109] : memref<10000x128xf32, #tpu.memory_space<hbm>> -> memref<10000x128xf32, #tpu.memory_space<hbm>>
      tpu.enqueue_indirect_dma source(%dma_start3A_110 : memref<10000x128xf32, #tpu.memory_space<hbm>>) target(%dma_start3A_104 : memref<100x128xf32, #tpu.memory_space<vmem>>) offsets(%dma_start3A_107 : memref<100xi32, #tpu.memory_space<vmem>>) semaphore(%arg13 : memref<!tpu.dma_semaphore, #tpu.memory_space<semaphore_mem>>)
      %scan3A_111 = arith.constant 0 : i32
      %scan3A_112 = arith.constant 0 : i32
      %scan3A_113 = arith.constant 50 : i32
      %scan3A_114 = arith.addi %scan3A_112, %scan3A_113 : i32
      %scan3A_115 = arith.constant 1 : i32
      %scan3A_116 = scf.for %scan3A_119 = %scan3A_112 to %scan3A_114 step %scan3A_115 iter_args(%scan3A_120 = %scan3A_111) -> (i32)  : i32 {
        %mul3A_121 = arith.constant 2 : i32
        %mul3A_122 = arith.muli %mul3A_121, %scan3A_119 : i32
        %add3A_123 = arith.constant 1 : i32
        %add3A_124 = arith.addi %mul3A_122, %add3A_123 : i32
        %dma_start3A_125 = arith.constant 1 : i32
        %dma_start3A_126 = arith.constant 1 : i32
        %dma_start3A_127 = arith.constant 0 : i32
        %dma_start3A_128 = arith.constant 0 : i32
        %dma_start3A_129 = tpu.memref_slice %arg8[%dma_start3A_126, %dma_start3A_127, %dma_start3A_128] : memref<2x100x128xf32, #tpu.memory_space<vmem>> -> memref<1x100x128xf32, #tpu.memory_space<vmem>>
        %dma_start3A_130 = tpu.memref_squeeze %dma_start3A_129 : memref<1x100x128xf32, #tpu.memory_space<vmem>> -> memref<100x128xf32, #tpu.memory_space<vmem>>
        %dma_start3A_131 = arith.constant 0 : i32
        %dma_start3A_132 = tpu.memref_slice %arg9[%dma_start3A_125, %dma_start3A_131] : memref<2x100xi32, #tpu.memory_space<vmem>> -> memref<1x100xi32, #tpu.memory_space<vmem>>
        %dma_start3A_133 = tpu.memref_squeeze %dma_start3A_132 : memref<1x100xi32, #tpu.memory_space<vmem>> -> memref<100xi32, #tpu.memory_space<vmem>>
        %dma_start3A_134 = arith.constant 0 : i32
        %dma_start3A_135 = arith.constant 0 : i32
        %dma_start3A_136 = tpu.memref_slice %arg3[%dma_start3A_134, %dma_start3A_135] : memref<10000x128xf32, #tpu.memory_space<hbm>> -> memref<10000x128xf32, #tpu.memory_space<hbm>>
        tpu.enqueue_indirect_dma source(%dma_start3A_136 : memref<10000x128xf32, #tpu.memory_space<hbm>>) target(%dma_start3A_130 : memref<100x128xf32, #tpu.memory_space<vmem>>) offsets(%dma_start3A_133 : memref<100xi32, #tpu.memory_space<vmem>>) semaphore(%arg14 : memref<!tpu.dma_semaphore, #tpu.memory_space<semaphore_mem>>)
        %dma_wait3A = arith.constant 0 : i32
        %dma_wait3A_137 = arith.constant 0 : i32
        %dma_wait3A_138 = arith.constant 0 : i32
        %dma_wait3A_139 = arith.constant 0 : i32
        %dma_wait3A_140 = tpu.memref_slice %arg8[%dma_wait3A_137, %dma_wait3A_138, %dma_wait3A_139] : memref<2x100x128xf32, #tpu.memory_space<vmem>> -> memref<1x100x128xf32, #tpu.memory_space<vmem>>
        %dma_wait3A_141 = tpu.memref_squeeze %dma_wait3A_140 : memref<1x100x128xf32, #tpu.memory_space<vmem>> -> memref<100x128xf32, #tpu.memory_space<vmem>>
        %dma_wait3A_142 = arith.constant 0 : i32
        %dma_wait3A_143 = tpu.memref_slice %arg9[%dma_wait3A, %dma_wait3A_142] : memref<2x100xi32, #tpu.memory_space<vmem>> -> memref<1x100xi32, #tpu.memory_space<vmem>>
        %dma_wait3A_144 = tpu.memref_squeeze %dma_wait3A_143 : memref<1x100xi32, #tpu.memory_space<vmem>> -> memref<100xi32, #tpu.memory_space<vmem>>
        %dma_wait3A_145 = arith.constant 0 : i32
        %dma_wait3A_146 = arith.constant 0 : i32
        %dma_wait3A_147 = tpu.memref_slice %arg3[%dma_wait3A_145, %dma_wait3A_146] : memref<10000x128xf32, #tpu.memory_space<hbm>> -> memref<10000x128xf32, #tpu.memory_space<hbm>>
        tpu.wait_indirect_dma semaphore(%arg13 : memref<!tpu.dma_semaphore, #tpu.memory_space<semaphore_mem>>) src(%dma_wait3A_147 : memref<10000x128xf32, #tpu.memory_space<hbm>>) dst(%dma_wait3A_141 : memref<100x128xf32, #tpu.memory_space<vmem>>)
        %run_scoped3A_148 = arith.constant 0 : i32
        %run_scoped3A_149 = arith.constant 0 : i32
        "tpu.region"() ({
          %run_scoped3A_180 = tpu.sem_alloc : memref<!tpu.dma_semaphore, #tpu.memory_space<semaphore_mem>>
          %dma_start3A_181 = arith.constant 0 : i32
          %dma_start3A_182 = arith.constant 0 : i32
          %dma_start3A_183 = tpu.memref_slice %arg8[%run_scoped3A_148, %dma_start3A_181, %dma_start3A_182] : memref<2x100x128xf32, #tpu.memory_space<vmem>> -> memref<1x100x128xf32, #tpu.memory_space<vmem>>
          %dma_start3A_184 = tpu.memref_squeeze %dma_start3A_183 : memref<1x100x128xf32, #tpu.memory_space<vmem>> -> memref<100x128xf32, #tpu.memory_space<vmem>>
          %dma_start3A_185 = arith.constant 0 : i32
          %dma_start3A_186 = tpu.memref_slice %arg10[%run_scoped3A_149, %dma_start3A_185] : memref<2x100xi32, #tpu.memory_space<vmem>> -> memref<1x100xi32, #tpu.memory_space<vmem>>
          %dma_start3A_187 = tpu.memref_squeeze %dma_start3A_186 : memref<1x100xi32, #tpu.memory_space<vmem>> -> memref<100xi32, #tpu.memory_space<vmem>>
          %dma_start3A_188 = arith.constant 0 : i32
          %dma_start3A_189 = arith.constant 0 : i32
          %dma_start3A_190 = tpu.memref_slice %arg12[%dma_start3A_188, %dma_start3A_189] : memref<10000x128xf32, #tpu.memory_space<vmem_shared>> -> memref<10000x128xf32, #tpu.memory_space<vmem_shared>>
          tpu.enqueue_indirect_dma source(%dma_start3A_184 : memref<100x128xf32, #tpu.memory_space<vmem>>) target(%dma_start3A_190 : memref<10000x128xf32, #tpu.memory_space<vmem_shared>>) offsets(%dma_start3A_187 : memref<100xi32, #tpu.memory_space<vmem>>) semaphore(%run_scoped3A_180 : memref<!tpu.dma_semaphore, #tpu.memory_space<semaphore_mem>>) {add = true}
          %dma_wait3A_191 = arith.constant 0 : i32
          %dma_wait3A_192 = arith.constant 0 : i32
          %dma_wait3A_193 = tpu.memref_slice %arg8[%run_scoped3A_148, %dma_wait3A_191, %dma_wait3A_192] : memref<2x100x128xf32, #tpu.memory_space<vmem>> -> memref<1x100x128xf32, #tpu.memory_space<vmem>>
          %dma_wait3A_194 = tpu.memref_squeeze %dma_wait3A_193 : memref<1x100x128xf32, #tpu.memory_space<vmem>> -> memref<100x128xf32, #tpu.memory_space<vmem>>
          %dma_wait3A_195 = arith.constant 0 : i32
          %dma_wait3A_196 = tpu.memref_slice %arg10[%run_scoped3A_149, %dma_wait3A_195] : memref<2x100xi32, #tpu.memory_space<vmem>> -> memref<1x100xi32, #tpu.memory_space<vmem>>
          %dma_wait3A_197 = tpu.memref_squeeze %dma_wait3A_196 : memref<1x100xi32, #tpu.memory_space<vmem>> -> memref<100xi32, #tpu.memory_space<vmem>>
          %dma_wait3A_198 = arith.constant 0 : i32
          %dma_wait3A_199 = arith.constant 0 : i32
          %dma_wait3A_200 = tpu.memref_slice %arg12[%dma_wait3A_198, %dma_wait3A_199] : memref<10000x128xf32, #tpu.memory_space<vmem_shared>> -> memref<10000x128xf32, #tpu.memory_space<vmem_shared>>
          tpu.wait_indirect_dma semaphore(%run_scoped3A_180 : memref<!tpu.dma_semaphore, #tpu.memory_space<semaphore_mem>>) src(%dma_wait3A_194 : memref<100x128xf32, #tpu.memory_space<vmem>>) dst(%dma_wait3A_200 : memref<10000x128xf32, #tpu.memory_space<vmem_shared>>)
          tpu.yield
        }) : () -> ()
        %add3A_150 = arith.constant 2 : i32
        %add3A_151 = arith.addi %mul3A_122, %add3A_150 : i32
        %lt3A = arith.constant 100 : i32
        %lt3A_152 = arith.cmpi slt, %add3A_151, %lt3A : i32
        %convert_element_type3A_153 = arith.extui %lt3A_152 : i1 to i32
        %cond3A_154 = arith.constant 0 : i32
        %cond3A_155 = arith.cmpi ne, %convert_element_type3A_153, %cond3A_154 : i32
        scf.if %cond3A_155 {
          %add3A_180 = arith.constant 2 : i32
          %add3A_181 = arith.addi %mul3A_122, %add3A_180 : i32
          %run_scoped3A_182 = arith.constant 0 : i32
          "tpu.region"() ({
            %run_scoped3A_198 = tpu.sem_alloc : memref<!tpu.dma_semaphore, #tpu.memory_space<semaphore_mem>>
            %dma_start3A_199 = arith.constant 0 : i32
            %dma_start3A_200 = tpu.memref_slice %arg9[%run_scoped3A_182, %dma_start3A_199] : memref<2x100xi32, #tpu.memory_space<vmem>> -> memref<1x100xi32, #tpu.memory_space<vmem>>
            %dma_start3A_201 = tpu.memref_squeeze %dma_start3A_200 : memref<1x100xi32, #tpu.memory_space<vmem>> -> memref<100xi32, #tpu.memory_space<vmem>>
            %dma_start3A_202 = arith.constant 0 : i32
            %dma_start3A_203 = tpu.memref_slice %arg4[%arg1, %add3A_181, %dma_start3A_202] : memref<16x100x100xi32, #tpu.memory_space<hbm>> -> memref<1x1x100xi32, #tpu.memory_space<hbm>>
            %dma_start3A_204 = tpu.memref_squeeze %dma_start3A_203 : memref<1x1x100xi32, #tpu.memory_space<hbm>> -> memref<100xi32, #tpu.memory_space<hbm>>
            %dma_start3A_205 = arith.constant 0 : i32
            %dma_start3A_206 = tpu.memref_slice %arg9[%run_scoped3A_182, %dma_start3A_205] : memref<2x100xi32, #tpu.memory_space<vmem>> -> memref<1x100xi32, #tpu.memory_space<vmem>>
            %dma_start3A_207 = tpu.memref_squeeze %dma_start3A_206 : memref<1x100xi32, #tpu.memory_space<vmem>> -> memref<100xi32, #tpu.memory_space<vmem>>
            %dma_start3A_208 = arith.constant 0 : i32
            %dma_start3A_209 = tpu.memref_slice %arg4[%arg1, %add3A_181, %dma_start3A_208] : memref<16x100x100xi32, #tpu.memory_space<hbm>> -> memref<1x1x100xi32, #tpu.memory_space<hbm>>
            %dma_start3A_210 = tpu.memref_squeeze %dma_start3A_209 : memref<1x1x100xi32, #tpu.memory_space<hbm>> -> memref<100xi32, #tpu.memory_space<hbm>>
            tpu.enqueue_dma source(%dma_start3A_210 : memref<100xi32, #tpu.memory_space<hbm>>) target(%dma_start3A_207 : memref<100xi32, #tpu.memory_space<vmem>>) target_semaphore(%run_scoped3A_198 : memref<!tpu.dma_semaphore, #tpu.memory_space<semaphore_mem>>)
            %dma_wait3A_211 = arith.constant 0 : i32
            %dma_wait3A_212 = tpu.memref_slice %arg9[%run_scoped3A_182, %dma_wait3A_211] : memref<2x100xi32, #tpu.memory_space<vmem>> -> memref<1x100xi32, #tpu.memory_space<vmem>>
            %dma_wait3A_213 = tpu.memref_squeeze %dma_wait3A_212 : memref<1x100xi32, #tpu.memory_space<vmem>> -> memref<100xi32, #tpu.memory_space<vmem>>
            %dma_wait3A_214 = arith.constant 0 : i32
            %dma_wait3A_215 = tpu.memref_slice %arg4[%arg1, %add3A_181, %dma_wait3A_214] : memref<16x100x100xi32, #tpu.memory_space<hbm>> -> memref<1x1x100xi32, #tpu.memory_space<hbm>>
            %dma_wait3A_216 = tpu.memref_squeeze %dma_wait3A_215 : memref<1x1x100xi32, #tpu.memory_space<hbm>> -> memref<100xi32, #tpu.memory_space<hbm>>
            %dma_wait3A_217 = arith.constant 0 : i32
            %dma_wait3A_218 = tpu.memref_slice %arg9[%run_scoped3A_182, %dma_wait3A_217] : memref<2x100xi32, #tpu.memory_space<vmem>> -> memref<1x100xi32, #tpu.memory_space<vmem>>
            %dma_wait3A_219 = tpu.memref_squeeze %dma_wait3A_218 : memref<1x100xi32, #tpu.memory_space<vmem>> -> memref<100xi32, #tpu.memory_space<vmem>>
            %dma_wait3A_220 = arith.constant 0 : i32
            %dma_wait3A_221 = tpu.memref_slice %arg4[%arg1, %add3A_181, %dma_wait3A_220] : memref<16x100x100xi32, #tpu.memory_space<hbm>> -> memref<1x1x100xi32, #tpu.memory_space<hbm>>
            %dma_wait3A_222 = tpu.memref_squeeze %dma_wait3A_221 : memref<1x1x100xi32, #tpu.memory_space<hbm>> -> memref<100xi32, #tpu.memory_space<hbm>>
            tpu.wait_dma2 semaphore(%run_scoped3A_198 : memref<!tpu.dma_semaphore, #tpu.memory_space<semaphore_mem>>) src(%dma_wait3A_222 : memref<100xi32, #tpu.memory_space<hbm>>) dst(%dma_wait3A_219 : memref<100xi32, #tpu.memory_space<vmem>>)
            tpu.yield
          }) : () -> ()
          %run_scoped3A_183 = arith.constant 0 : i32
          "tpu.region"() ({
            %run_scoped3A_198 = tpu.sem_alloc : memref<!tpu.dma_semaphore, #tpu.memory_space<semaphore_mem>>
            %dma_start3A_199 = arith.constant 0 : i32
            %dma_start3A_200 = tpu.memref_slice %arg10[%run_scoped3A_183, %dma_start3A_199] : memref<2x100xi32, #tpu.memory_space<vmem>> -> memref<1x100xi32, #tpu.memory_space<vmem>>
            %dma_start3A_201 = tpu.memref_squeeze %dma_start3A_200 : memref<1x100xi32, #tpu.memory_space<vmem>> -> memref<100xi32, #tpu.memory_space<vmem>>
            %dma_start3A_202 = arith.constant 0 : i32
            %dma_start3A_203 = tpu.memref_slice %arg5[%arg1, %add3A_181, %dma_start3A_202] : memref<16x100x100xi32, #tpu.memory_space<hbm>> -> memref<1x1x100xi32, #tpu.memory_space<hbm>>
            %dma_start3A_204 = tpu.memref_squeeze %dma_start3A_203 : memref<1x1x100xi32, #tpu.memory_space<hbm>> -> memref<100xi32, #tpu.memory_space<hbm>>
            %dma_start3A_205 = arith.constant 0 : i32
            %dma_start3A_206 = tpu.memref_slice %arg10[%run_scoped3A_183, %dma_start3A_205] : memref<2x100xi32, #tpu.memory_space<vmem>> -> memref<1x100xi32, #tpu.memory_space<vmem>>
            %dma_start3A_207 = tpu.memref_squeeze %dma_start3A_206 : memref<1x100xi32, #tpu.memory_space<vmem>> -> memref<100xi32, #tpu.memory_space<vmem>>
            %dma_start3A_208 = arith.constant 0 : i32
            %dma_start3A_209 = tpu.memref_slice %arg5[%arg1, %add3A_181, %dma_start3A_208] : memref<16x100x100xi32, #tpu.memory_space<hbm>> -> memref<1x1x100xi32, #tpu.memory_space<hbm>>
            %dma_start3A_210 = tpu.memref_squeeze %dma_start3A_209 : memref<1x1x100xi32, #tpu.memory_space<hbm>> -> memref<100xi32, #tpu.memory_space<hbm>>
            tpu.enqueue_dma source(%dma_start3A_210 : memref<100xi32, #tpu.memory_space<hbm>>) target(%dma_start3A_207 : memref<100xi32, #tpu.memory_space<vmem>>) target_semaphore(%run_scoped3A_198 : memref<!tpu.dma_semaphore, #tpu.memory_space<semaphore_mem>>)
            %dma_wait3A_211 = arith.constant 0 : i32
            %dma_wait3A_212 = tpu.memref_slice %arg10[%run_scoped3A_183, %dma_wait3A_211] : memref<2x100xi32, #tpu.memory_space<vmem>> -> memref<1x100xi32, #tpu.memory_space<vmem>>
            %dma_wait3A_213 = tpu.memref_squeeze %dma_wait3A_212 : memref<1x100xi32, #tpu.memory_space<vmem>> -> memref<100xi32, #tpu.memory_space<vmem>>
            %dma_wait3A_214 = arith.constant 0 : i32
            %dma_wait3A_215 = tpu.memref_slice %arg5[%arg1, %add3A_181, %dma_wait3A_214] : memref<16x100x100xi32, #tpu.memory_space<hbm>> -> memref<1x1x100xi32, #tpu.memory_space<hbm>>
            %dma_wait3A_216 = tpu.memref_squeeze %dma_wait3A_215 : memref<1x1x100xi32, #tpu.memory_space<hbm>> -> memref<100xi32, #tpu.memory_space<hbm>>
            %dma_wait3A_217 = arith.constant 0 : i32
            %dma_wait3A_218 = tpu.memref_slice %arg10[%run_scoped3A_183, %dma_wait3A_217] : memref<2x100xi32, #tpu.memory_space<vmem>> -> memref<1x100xi32, #tpu.memory_space<vmem>>
            %dma_wait3A_219 = tpu.memref_squeeze %dma_wait3A_218 : memref<1x100xi32, #tpu.memory_space<vmem>> -> memref<100xi32, #tpu.memory_space<vmem>>
            %dma_wait3A_220 = arith.constant 0 : i32
            %dma_wait3A_221 = tpu.memref_slice %arg5[%arg1, %add3A_181, %dma_wait3A_220] : memref<16x100x100xi32, #tpu.memory_space<hbm>> -> memref<1x1x100xi32, #tpu.memory_space<hbm>>
            %dma_wait3A_222 = tpu.memref_squeeze %dma_wait3A_221 : memref<1x1x100xi32, #tpu.memory_space<hbm>> -> memref<100xi32, #tpu.memory_space<hbm>>
            tpu.wait_dma2 semaphore(%run_scoped3A_198 : memref<!tpu.dma_semaphore, #tpu.memory_space<semaphore_mem>>) src(%dma_wait3A_222 : memref<100xi32, #tpu.memory_space<hbm>>) dst(%dma_wait3A_219 : memref<100xi32, #tpu.memory_space<vmem>>)
            tpu.yield
          }) : () -> ()
          %add3A_184 = arith.constant 2 : i32
          %add3A_185 = arith.addi %mul3A_122, %add3A_184 : i32
          %dma_start3A_186 = arith.constant 0 : i32
          %dma_start3A_187 = arith.constant 0 : i32
          %dma_start3A_188 = arith.constant 0 : i32
          %dma_start3A_189 = arith.constant 0 : i32
          %dma_start3A_190 = tpu.memref_slice %arg8[%dma_start3A_187, %dma_start3A_188, %dma_start3A_189] : memref<2x100x128xf32, #tpu.memory_space<vmem>> -> memref<1x100x128xf32, #tpu.memory_space<vmem>>
          %dma_start3A_191 = tpu.memref_squeeze %dma_start3A_190 : memref<1x100x128xf32, #tpu.memory_space<vmem>> -> memref<100x128xf32, #tpu.memory_space<vmem>>
          %dma_start3A_192 = arith.constant 0 : i32
          %dma_start3A_193 = tpu.memref_slice %arg9[%dma_start3A_186, %dma_start3A_192] : memref<2x100xi32, #tpu.memory_space<vmem>> -> memref<1x100xi32, #tpu.memory_space<vmem>>
          %dma_start3A_194 = tpu.memref_squeeze %dma_start3A_193 : memref<1x100xi32, #tpu.memory_space<vmem>> -> memref<100xi32, #tpu.memory_space<vmem>>
          %dma_start3A_195 = arith.constant 0 : i32
          %dma_start3A_196 = arith.constant 0 : i32
          %dma_start3A_197 = tpu.memref_slice %arg3[%dma_start3A_195, %dma_start3A_196] : memref<10000x128xf32, #tpu.memory_space<hbm>> -> memref<10000x128xf32, #tpu.memory_space<hbm>>
          tpu.enqueue_indirect_dma source(%dma_start3A_197 : memref<10000x128xf32, #tpu.memory_space<hbm>>) target(%dma_start3A_191 : memref<100x128xf32, #tpu.memory_space<vmem>>) offsets(%dma_start3A_194 : memref<100xi32, #tpu.memory_space<vmem>>) semaphore(%arg13 : memref<!tpu.dma_semaphore, #tpu.memory_space<semaphore_mem>>)
        } else {
        }
        %add3A_156 = arith.constant 1 : i32
        %add3A_157 = arith.addi %mul3A_122, %add3A_156 : i32
        %dma_wait3A_158 = arith.constant 1 : i32
        %dma_wait3A_159 = arith.constant 1 : i32
        %dma_wait3A_160 = arith.constant 0 : i32
        %dma_wait3A_161 = arith.constant 0 : i32
        %dma_wait3A_162 = tpu.memref_slice %arg8[%dma_wait3A_159, %dma_wait3A_160, %dma_wait3A_161] : memref<2x100x128xf32, #tpu.memory_space<vmem>> -> memref<1x100x128xf32, #tpu.memory_space<vmem>>
        %dma_wait3A_163 = tpu.memref_squeeze %dma_wait3A_162 : memref<1x100x128xf32, #tpu.memory_space<vmem>> -> memref<100x128xf32, #tpu.memory_space<vmem>>
        %dma_wait3A_164 = arith.constant 0 : i32
        %dma_wait3A_165 = tpu.memref_slice %arg9[%dma_wait3A_158, %dma_wait3A_164] : memref<2x100xi32, #tpu.memory_space<vmem>> -> memref<1x100xi32, #tpu.memory_space<vmem>>
        %dma_wait3A_166 = tpu.memref_squeeze %dma_wait3A_165 : memref<1x100xi32, #tpu.memory_space<vmem>> -> memref<100xi32, #tpu.memory_space<vmem>>
        %dma_wait3A_167 = arith.constant 0 : i32
        %dma_wait3A_168 = arith.constant 0 : i32
        %dma_wait3A_169 = tpu.memref_slice %arg3[%dma_wait3A_167, %dma_wait3A_168] : memref<10000x128xf32, #tpu.memory_space<hbm>> -> memref<10000x128xf32, #tpu.memory_space<hbm>>
        tpu.wait_indirect_dma semaphore(%arg14 : memref<!tpu.dma_semaphore, #tpu.memory_space<semaphore_mem>>) src(%dma_wait3A_169 : memref<10000x128xf32, #tpu.memory_space<hbm>>) dst(%dma_wait3A_163 : memref<100x128xf32, #tpu.memory_space<vmem>>)
        %run_scoped3A_170 = arith.constant 1 : i32
        %run_scoped3A_171 = arith.constant 1 : i32
        "tpu.region"() ({
          %run_scoped3A_180 = tpu.sem_alloc : memref<!tpu.dma_semaphore, #tpu.memory_space<semaphore_mem>>
          %dma_start3A_181 = arith.constant 0 : i32
          %dma_start3A_182 = arith.constant 0 : i32
          %dma_start3A_183 = tpu.memref_slice %arg8[%run_scoped3A_170, %dma_start3A_181, %dma_start3A_182] : memref<2x100x128xf32, #tpu.memory_space<vmem>> -> memref<1x100x128xf32, #tpu.memory_space<vmem>>
          %dma_start3A_184 = tpu.memref_squeeze %dma_start3A_183 : memref<1x100x128xf32, #tpu.memory_space<vmem>> -> memref<100x128xf32, #tpu.memory_space<vmem>>
          %dma_start3A_185 = arith.constant 0 : i32
          %dma_start3A_186 = tpu.memref_slice %arg10[%run_scoped3A_171, %dma_start3A_185] : memref<2x100xi32, #tpu.memory_space<vmem>> -> memref<1x100xi32, #tpu.memory_space<vmem>>
          %dma_start3A_187 = tpu.memref_squeeze %dma_start3A_186 : memref<1x100xi32, #tpu.memory_space<vmem>> -> memref<100xi32, #tpu.memory_space<vmem>>
          %dma_start3A_188 = arith.constant 0 : i32
          %dma_start3A_189 = arith.constant 0 : i32
          %dma_start3A_190 = tpu.memref_slice %arg12[%dma_start3A_188, %dma_start3A_189] : memref<10000x128xf32, #tpu.memory_space<vmem_shared>> -> memref<10000x128xf32, #tpu.memory_space<vmem_shared>>
          tpu.enqueue_indirect_dma source(%dma_start3A_184 : memref<100x128xf32, #tpu.memory_space<vmem>>) target(%dma_start3A_190 : memref<10000x128xf32, #tpu.memory_space<vmem_shared>>) offsets(%dma_start3A_187 : memref<100xi32, #tpu.memory_space<vmem>>) semaphore(%run_scoped3A_180 : memref<!tpu.dma_semaphore, #tpu.memory_space<semaphore_mem>>) {add = true}
          %dma_wait3A_191 = arith.constant 0 : i32
          %dma_wait3A_192 = arith.constant 0 : i32
          %dma_wait3A_193 = tpu.memref_slice %arg8[%run_scoped3A_170, %dma_wait3A_191, %dma_wait3A_192] : memref<2x100x128xf32, #tpu.memory_space<vmem>> -> memref<1x100x128xf32, #tpu.memory_space<vmem>>
          %dma_wait3A_194 = tpu.memref_squeeze %dma_wait3A_193 : memref<1x100x128xf32, #tpu.memory_space<vmem>> -> memref<100x128xf32, #tpu.memory_space<vmem>>
          %dma_wait3A_195 = arith.constant 0 : i32
          %dma_wait3A_196 = tpu.memref_slice %arg10[%run_scoped3A_171, %dma_wait3A_195] : memref<2x100xi32, #tpu.memory_space<vmem>> -> memref<1x100xi32, #tpu.memory_space<vmem>>
          %dma_wait3A_197 = tpu.memref_squeeze %dma_wait3A_196 : memref<1x100xi32, #tpu.memory_space<vmem>> -> memref<100xi32, #tpu.memory_space<vmem>>
          %dma_wait3A_198 = arith.constant 0 : i32
          %dma_wait3A_199 = arith.constant 0 : i32
          %dma_wait3A_200 = tpu.memref_slice %arg12[%dma_wait3A_198, %dma_wait3A_199] : memref<10000x128xf32, #tpu.memory_space<vmem_shared>> -> memref<10000x128xf32, #tpu.memory_space<vmem_shared>>
          tpu.wait_indirect_dma semaphore(%run_scoped3A_180 : memref<!tpu.dma_semaphore, #tpu.memory_space<semaphore_mem>>) src(%dma_wait3A_194 : memref<100x128xf32, #tpu.memory_space<vmem>>) dst(%dma_wait3A_200 : memref<10000x128xf32, #tpu.memory_space<vmem_shared>>)
          tpu.yield
        }) : () -> ()
        %add3A_172 = arith.constant 3 : i32
        %add3A_173 = arith.addi %mul3A_122, %add3A_172 : i32
        %lt3A_174 = arith.constant 100 : i32
        %lt3A_175 = arith.cmpi slt, %add3A_173, %lt3A_174 : i32
        %convert_element_type3A_176 = arith.extui %lt3A_175 : i1 to i32
        %cond3A_177 = arith.constant 0 : i32
        %cond3A_178 = arith.cmpi ne, %convert_element_type3A_176, %cond3A_177 : i32
        scf.if %cond3A_178 {
          %add3A_180 = arith.constant 3 : i32
          %add3A_181 = arith.addi %mul3A_122, %add3A_180 : i32
          %run_scoped3A_182 = arith.constant 1 : i32
          "tpu.region"() ({
            %run_scoped3A_184 = tpu.sem_alloc : memref<!tpu.dma_semaphore, #tpu.memory_space<semaphore_mem>>
            %dma_start3A_185 = arith.constant 0 : i32
            %dma_start3A_186 = tpu.memref_slice %arg9[%run_scoped3A_182, %dma_start3A_185] : memref<2x100xi32, #tpu.memory_space<vmem>> -> memref<1x100xi32, #tpu.memory_space<vmem>>
            %dma_start3A_187 = tpu.memref_squeeze %dma_start3A_186 : memref<1x100xi32, #tpu.memory_space<vmem>> -> memref<100xi32, #tpu.memory_space<vmem>>
            %dma_start3A_188 = arith.constant 0 : i32
            %dma_start3A_189 = tpu.memref_slice %arg4[%arg1, %add3A_181, %dma_start3A_188] : memref<16x100x100xi32, #tpu.memory_space<hbm>> -> memref<1x1x100xi32, #tpu.memory_space<hbm>>
            %dma_start3A_190 = tpu.memref_squeeze %dma_start3A_189 : memref<1x1x100xi32, #tpu.memory_space<hbm>> -> memref<100xi32, #tpu.memory_space<hbm>>
            %dma_start3A_191 = arith.constant 0 : i32
            %dma_start3A_192 = tpu.memref_slice %arg9[%run_scoped3A_182, %dma_start3A_191] : memref<2x100xi32, #tpu.memory_space<vmem>> -> memref<1x100xi32, #tpu.memory_space<vmem>>
            %dma_start3A_193 = tpu.memref_squeeze %dma_start3A_192 : memref<1x100xi32, #tpu.memory_space<vmem>> -> memref<100xi32, #tpu.memory_space<vmem>>
            %dma_start3A_194 = arith.constant 0 : i32
            %dma_start3A_195 = tpu.memref_slice %arg4[%arg1, %add3A_181, %dma_start3A_194] : memref<16x100x100xi32, #tpu.memory_space<hbm>> -> memref<1x1x100xi32, #tpu.memory_space<hbm>>
            %dma_start3A_196 = tpu.memref_squeeze %dma_start3A_195 : memref<1x1x100xi32, #tpu.memory_space<hbm>> -> memref<100xi32, #tpu.memory_space<hbm>>
            tpu.enqueue_dma source(%dma_start3A_196 : memref<100xi32, #tpu.memory_space<hbm>>) target(%dma_start3A_193 : memref<100xi32, #tpu.memory_space<vmem>>) target_semaphore(%run_scoped3A_184 : memref<!tpu.dma_semaphore, #tpu.memory_space<semaphore_mem>>)
            %dma_wait3A_197 = arith.constant 0 : i32
            %dma_wait3A_198 = tpu.memref_slice %arg9[%run_scoped3A_182, %dma_wait3A_197] : memref<2x100xi32, #tpu.memory_space<vmem>> -> memref<1x100xi32, #tpu.memory_space<vmem>>
            %dma_wait3A_199 = tpu.memref_squeeze %dma_wait3A_198 : memref<1x100xi32, #tpu.memory_space<vmem>> -> memref<100xi32, #tpu.memory_space<vmem>>
            %dma_wait3A_200 = arith.constant 0 : i32
            %dma_wait3A_201 = tpu.memref_slice %arg4[%arg1, %add3A_181, %dma_wait3A_200] : memref<16x100x100xi32, #tpu.memory_space<hbm>> -> memref<1x1x100xi32, #tpu.memory_space<hbm>>
            %dma_wait3A_202 = tpu.memref_squeeze %dma_wait3A_201 : memref<1x1x100xi32, #tpu.memory_space<hbm>> -> memref<100xi32, #tpu.memory_space<hbm>>
            %dma_wait3A_203 = arith.constant 0 : i32
            %dma_wait3A_204 = tpu.memref_slice %arg9[%run_scoped3A_182, %dma_wait3A_203] : memref<2x100xi32, #tpu.memory_space<vmem>> -> memref<1x100xi32, #tpu.memory_space<vmem>>
            %dma_wait3A_205 = tpu.memref_squeeze %dma_wait3A_204 : memref<1x100xi32, #tpu.memory_space<vmem>> -> memref<100xi32, #tpu.memory_space<vmem>>
            %dma_wait3A_206 = arith.constant 0 : i32
            %dma_wait3A_207 = tpu.memref_slice %arg4[%arg1, %add3A_181, %dma_wait3A_206] : memref<16x100x100xi32, #tpu.memory_space<hbm>> -> memref<1x1x100xi32, #tpu.memory_space<hbm>>
            %dma_wait3A_208 = tpu.memref_squeeze %dma_wait3A_207 : memref<1x1x100xi32, #tpu.memory_space<hbm>> -> memref<100xi32, #tpu.memory_space<hbm>>
            tpu.wait_dma2 semaphore(%run_scoped3A_184 : memref<!tpu.dma_semaphore, #tpu.memory_space<semaphore_mem>>) src(%dma_wait3A_208 : memref<100xi32, #tpu.memory_space<hbm>>) dst(%dma_wait3A_205 : memref<100xi32, #tpu.memory_space<vmem>>)
            tpu.yield
          }) : () -> ()
          %run_scoped3A_183 = arith.constant 1 : i32
          "tpu.region"() ({
            %run_scoped3A_184 = tpu.sem_alloc : memref<!tpu.dma_semaphore, #tpu.memory_space<semaphore_mem>>
            %dma_start3A_185 = arith.constant 0 : i32
            %dma_start3A_186 = tpu.memref_slice %arg10[%run_scoped3A_183, %dma_start3A_185] : memref<2x100xi32, #tpu.memory_space<vmem>> -> memref<1x100xi32, #tpu.memory_space<vmem>>
            %dma_start3A_187 = tpu.memref_squeeze %dma_start3A_186 : memref<1x100xi32, #tpu.memory_space<vmem>> -> memref<100xi32, #tpu.memory_space<vmem>>
            %dma_start3A_188 = arith.constant 0 : i32
            %dma_start3A_189 = tpu.memref_slice %arg5[%arg1, %add3A_181, %dma_start3A_188] : memref<16x100x100xi32, #tpu.memory_space<hbm>> -> memref<1x1x100xi32, #tpu.memory_space<hbm>>
            %dma_start3A_190 = tpu.memref_squeeze %dma_start3A_189 : memref<1x1x100xi32, #tpu.memory_space<hbm>> -> memref<100xi32, #tpu.memory_space<hbm>>
            %dma_start3A_191 = arith.constant 0 : i32
            %dma_start3A_192 = tpu.memref_slice %arg10[%run_scoped3A_183, %dma_start3A_191] : memref<2x100xi32, #tpu.memory_space<vmem>> -> memref<1x100xi32, #tpu.memory_space<vmem>>
            %dma_start3A_193 = tpu.memref_squeeze %dma_start3A_192 : memref<1x100xi32, #tpu.memory_space<vmem>> -> memref<100xi32, #tpu.memory_space<vmem>>
            %dma_start3A_194 = arith.constant 0 : i32
            %dma_start3A_195 = tpu.memref_slice %arg5[%arg1, %add3A_181, %dma_start3A_194] : memref<16x100x100xi32, #tpu.memory_space<hbm>> -> memref<1x1x100xi32, #tpu.memory_space<hbm>>
            %dma_start3A_196 = tpu.memref_squeeze %dma_start3A_195 : memref<1x1x100xi32, #tpu.memory_space<hbm>> -> memref<100xi32, #tpu.memory_space<hbm>>
            tpu.enqueue_dma source(%dma_start3A_196 : memref<100xi32, #tpu.memory_space<hbm>>) target(%dma_start3A_193 : memref<100xi32, #tpu.memory_space<vmem>>) target_semaphore(%run_scoped3A_184 : memref<!tpu.dma_semaphore, #tpu.memory_space<semaphore_mem>>)
            %dma_wait3A_197 = arith.constant 0 : i32
            %dma_wait3A_198 = tpu.memref_slice %arg10[%run_scoped3A_183, %dma_wait3A_197] : memref<2x100xi32, #tpu.memory_space<vmem>> -> memref<1x100xi32, #tpu.memory_space<vmem>>
            %dma_wait3A_199 = tpu.memref_squeeze %dma_wait3A_198 : memref<1x100xi32, #tpu.memory_space<vmem>> -> memref<100xi32, #tpu.memory_space<vmem>>
            %dma_wait3A_200 = arith.constant 0 : i32
            %dma_wait3A_201 = tpu.memref_slice %arg5[%arg1, %add3A_181, %dma_wait3A_200] : memref<16x100x100xi32, #tpu.memory_space<hbm>> -> memref<1x1x100xi32, #tpu.memory_space<hbm>>
            %dma_wait3A_202 = tpu.memref_squeeze %dma_wait3A_201 : memref<1x1x100xi32, #tpu.memory_space<hbm>> -> memref<100xi32, #tpu.memory_space<hbm>>
            %dma_wait3A_203 = arith.constant 0 : i32
            %dma_wait3A_204 = tpu.memref_slice %arg10[%run_scoped3A_183, %dma_wait3A_203] : memref<2x100xi32, #tpu.memory_space<vmem>> -> memref<1x100xi32, #tpu.memory_space<vmem>>
            %dma_wait3A_205 = tpu.memref_squeeze %dma_wait3A_204 : memref<1x100xi32, #tpu.memory_space<vmem>> -> memref<100xi32, #tpu.memory_space<vmem>>
            %dma_wait3A_206 = arith.constant 0 : i32
            %dma_wait3A_207 = tpu.memref_slice %arg5[%arg1, %add3A_181, %dma_wait3A_206] : memref<16x100x100xi32, #tpu.memory_space<hbm>> -> memref<1x1x100xi32, #tpu.memory_space<hbm>>
            %dma_wait3A_208 = tpu.memref_squeeze %dma_wait3A_207 : memref<1x1x100xi32, #tpu.memory_space<hbm>> -> memref<100xi32, #tpu.memory_space<hbm>>
            tpu.wait_dma2 semaphore(%run_scoped3A_184 : memref<!tpu.dma_semaphore, #tpu.memory_space<semaphore_mem>>) src(%dma_wait3A_208 : memref<100xi32, #tpu.memory_space<hbm>>) dst(%dma_wait3A_205 : memref<100xi32, #tpu.memory_space<vmem>>)
            tpu.yield
          }) : () -> ()
        } else {
        }
        %scan3A_179 = arith.constant 0 : i32
        scf.yield %scan3A_179 : i32
      }
      %scan3A_117 = arith.constant 50 : i32
      %barrier3A_118 = arith.constant 0 : index
      tpu.barrier barrier_id(%barrier3A_118)
      "tpu.region"() ({
        %run_scoped3A_119 = tpu.sem_alloc : memref<!tpu.dma_semaphore, #tpu.memory_space<semaphore_mem>>
        %dma_start3A_120 = arith.constant 0 : i32
        %dma_start3A_121 = tpu.memref_slice %arg7[%mul3A_6, %dma_start3A_120] : memref<10000x128xf32, #tpu.memory_space<hbm>> -> memref<640x128xf32, #tpu.memory_space<hbm>>
        %dma_start3A_122 = arith.constant 0 : i32
        %dma_start3A_123 = tpu.memref_slice %arg12[%mul3A_6, %dma_start3A_122] : memref<10000x128xf32, #tpu.memory_space<vmem_shared>> -> memref<640x128xf32, #tpu.memory_space<vmem_shared>>
        tpu.enqueue_dma source(%dma_start3A_123 : memref<640x128xf32, #tpu.memory_space<vmem_shared>>) target(%dma_start3A_121 : memref<640x128xf32, #tpu.memory_space<hbm>>) target_semaphore(%run_scoped3A_119 : memref<!tpu.dma_semaphore, #tpu.memory_space<semaphore_mem>>)
        %dma_wait3A = arith.constant 0 : i32
        %dma_wait3A_124 = tpu.memref_slice %arg7[%mul3A_6, %dma_wait3A] : memref<10000x128xf32, #tpu.memory_space<hbm>> -> memref<640x128xf32, #tpu.memory_space<hbm>>
        %dma_wait3A_125 = arith.constant 0 : i32
        %dma_wait3A_126 = tpu.memref_slice %arg12[%mul3A_6, %dma_wait3A_125] : memref<10000x128xf32, #tpu.memory_space<vmem_shared>> -> memref<640x128xf32, #tpu.memory_space<vmem_shared>>
        tpu.wait_dma2 semaphore(%run_scoped3A_119 : memref<!tpu.dma_semaphore, #tpu.memory_space<semaphore_mem>>) src(%dma_wait3A_126 : memref<640x128xf32, #tpu.memory_space<vmem_shared>>) dst(%dma_wait3A_124 : memref<640x128xf32, #tpu.memory_space<hbm>>)
        tpu.yield
      }) : () -> ()
    } else {
    }
    return
  }
}

module attributes {stable_mosaic.version = 14 : i64} {
  func.func @_tc1_body(%arg0: i32, %arg1: memref<400x256xf32, #tpu.memory_space<vmem>>, %arg2: memref<256x256xf32, #tpu.memory_space<vmem>>, %arg3: memref<400x16xf32, #tpu.memory_space<vmem>>, %arg4: memref<400x16xf32, #tpu.memory_space<vmem>>, %arg5: memref<400x128xf32, #tpu.memory_space<vmem>>, %arg6: memref<400x128xf32, #tpu.memory_space<vmem>>) attributes {dimension_semantics = [#tpu.dimension_semantics<arbitrary>], iteration_bounds = array<i64: 25>, scalar_prefetch = 0 : i64, scratch_operands = 0 : i64, tpu.core_type = #tpu.core_type<tc>, window_params = [{transform_indices = @transform_0, window_bounds = array<i64: 400, 256>}, {pipeline_mode = #tpu.pipeline_mode<synchronous>, transform_indices = @transform_1, window_bounds = array<i64: 256, 256>}, {transform_indices = @transform_2, window_bounds = array<i64: 400, 16>}, {transform_indices = @transform_3, window_bounds = array<i64: 400, 16>}, {transform_indices = @transform_4, window_bounds = array<i64: 400, 128>}, {transform_indices = @transform_5, window_bounds = array<i64: 400, 128>}]} {
    %get3A = arith.constant 0 : index
    %get3A_0 = arith.constant 0 : index
    %get3A_1 = vector.load %arg3[%get3A, %get3A_0] : memref<400x16xf32, #tpu.memory_space<vmem>>, vector<400x16xf32>
    %get3A_2 = arith.constant 0 : index
    %get3A_3 = arith.constant 0 : index
    %get3A_4 = vector.load %arg4[%get3A_2, %get3A_3] : memref<400x16xf32, #tpu.memory_space<vmem>>, vector<400x16xf32>
    %slice3A = vector.extract_strided_slice %get3A_1 {offsets = [0, 0], sizes = [400, 1], strides = [1, 1]} : vector<400x16xf32> to vector<400x1xf32>
    %slice3A_5 = vector.extract_strided_slice %get3A_4 {offsets = [0, 0], sizes = [400, 1], strides = [1, 1]} : vector<400x16xf32> to vector<400x1xf32>
    %add3A = arith.addf %slice3A, %slice3A_5 : vector<400x1xf32>
    %add3A_6 = arith.constant 1.000000e+00 : f32
    %add3A_7 = vector.broadcast %add3A_6 : f32 to vector<400x1xf32>
    %add3A_8 = arith.addf %add3A, %add3A_7 : vector<400x1xf32>
    %rsqrt3A = math.rsqrt %add3A_8 : vector<400x1xf32>
    %get3A_9 = arith.constant 0 : index
    %get3A_10 = arith.constant 0 : index
    %get3A_11 = vector.load %arg1[%get3A_9, %get3A_10] : memref<400x256xf32, #tpu.memory_space<vmem>>, vector<400x256xf32>
    %get3A_12 = arith.constant 0 : index
    %get3A_13 = arith.constant 0 : index
    %get3A_14 = vector.load %arg2[%get3A_12, %get3A_13] : memref<256x256xf32, #tpu.memory_space<vmem>>, vector<256x256xf32>
    %dot_general3A = arith.constant dense<0.000000e+00> : vector<400x256xf32>
    %dot_general3A_15 = tpu.matmul %get3A_11, %get3A_14, %dot_general3A {dimension_numbers = #tpu.dot_dimension_numbers<[1], [0], [0], [1], [0, 0, 1, 1], [], []>, transpose_lhs_hint = false} : vector<400x256xf32>, vector<256x256xf32>, vector<400x256xf32> -> vector<400x256xf32>
    %mul3A = vector.broadcast %rsqrt3A : vector<400x1xf32> to vector<400x256xf32>
    %mul3A_16 = arith.mulf %dot_general3A_15, %mul3A : vector<400x256xf32>
    %slice3A_17 = vector.extract_strided_slice %mul3A_16 {offsets = [0, 0], sizes = [400, 128], strides = [1, 1]} : vector<400x256xf32> to vector<400x128xf32>
    %swap3A = arith.constant 0 : index
    %swap3A_18 = arith.constant 0 : index
    %swap3A_19 = vector.load %arg5[%swap3A, %swap3A_18] : memref<400x128xf32, #tpu.memory_space<vmem>>, vector<400x128xf32>
    tpu.vector_store %arg5[%swap3A, %swap3A_18], %slice3A_17 {strides = array<i32>} : memref<400x128xf32, #tpu.memory_space<vmem>>, vector<400x128xf32>,
    %slice3A_20 = vector.extract_strided_slice %mul3A_16 {offsets = [0, 128], sizes = [400, 128], strides = [1, 1]} : vector<400x256xf32> to vector<400x128xf32>
    %swap3A_21 = arith.constant 0 : index
    %swap3A_22 = arith.constant 0 : index
    %swap3A_23 = vector.load %arg6[%swap3A_21, %swap3A_22] : memref<400x128xf32, #tpu.memory_space<vmem>>, vector<400x128xf32>
    tpu.vector_store %arg6[%swap3A_21, %swap3A_22], %slice3A_20 {strides = array<i32>} : memref<400x128xf32, #tpu.memory_space<vmem>>, vector<400x128xf32>,
    return
  }
  func.func @transform_0(%arg0: i32) -> (i32, i32) {
    %c0_i32 = arith.constant 0 : i32
    %c0_i32_0 = arith.constant 0 : i32
    return %arg0, %c0_i32 : i32, i32
  }
  func.func @transform_1(%arg0: i32) -> (i32, i32) {
    %c0_i32 = arith.constant 0 : i32
    %c0_i32_0 = arith.constant 0 : i32
    %c0_i32_1 = arith.constant 0 : i32
    return %c0_i32, %c0_i32_0 : i32, i32
  }
  func.func @transform_2(%arg0: i32) -> (i32, i32) {
    %c0_i32 = arith.constant 0 : i32
    %c0_i32_0 = arith.constant 0 : i32
    return %arg0, %c0_i32 : i32, i32
  }
  func.func @transform_3(%arg0: i32) -> (i32, i32) {
    %c0_i32 = arith.constant 0 : i32
    %c0_i32_0 = arith.constant 0 : i32
    return %arg0, %c0_i32 : i32, i32
  }
  func.func @transform_4(%arg0: i32) -> (i32, i32) {
    %c0_i32 = arith.constant 0 : i32
    %c0_i32_0 = arith.constant 0 : i32
    return %arg0, %c0_i32 : i32, i32
  }
  func.func @transform_5(%arg0: i32) -> (i32, i32) {
    %c0_i32 = arith.constant 0 : i32
    %c0_i32_0 = arith.constant 0 : i32
    return %arg0, %c0_i32 : i32, i32
  }
}

module attributes {stable_mosaic.version = 14 : i64} {
  func.func @_tc2_body(%arg0: i32, %arg1: memref<400x128xf32, #tpu.memory_space<vmem>>, %arg2: memref<400x128xf32, #tpu.memory_space<vmem>>, %arg3: memref<400x128xf32, #tpu.memory_space<vmem>>, %arg4: memref<400x128xf32, #tpu.memory_space<vmem>>, %arg5: memref<400x16xf32, #tpu.memory_space<vmem>>, %arg6: memref<400x16xf32, #tpu.memory_space<vmem>>, %arg7: memref<1x256xf32, #tpu.memory_space<vmem>>, %arg8: memref<256x256xf32, #tpu.memory_space<vmem>>, %arg9: memref<400x128xf32, #tpu.memory_space<vmem>>, %arg10: memref<400x128xf32, #tpu.memory_space<vmem>>) attributes {dimension_semantics = [#tpu.dimension_semantics<arbitrary>], iteration_bounds = array<i64: 25>, scalar_prefetch = 0 : i64, scratch_operands = 0 : i64, tpu.core_type = #tpu.core_type<tc>, window_params = [{transform_indices = @transform_0, window_bounds = array<i64: 400, 128>}, {transform_indices = @transform_1, window_bounds = array<i64: 400, 128>}, {transform_indices = @transform_2, window_bounds = array<i64: 400, 128>}, {transform_indices = @transform_3, window_bounds = array<i64: 400, 128>}, {transform_indices = @transform_4, window_bounds = array<i64: 400, 16>}, {transform_indices = @transform_5, window_bounds = array<i64: 400, 16>}, {pipeline_mode = #tpu.pipeline_mode<synchronous>, transform_indices = @transform_6, window_bounds = array<i64: 1, 256>}, {pipeline_mode = #tpu.pipeline_mode<synchronous>, transform_indices = @transform_7, window_bounds = array<i64: 256, 256>}, {transform_indices = @transform_8, window_bounds = array<i64: 400, 128>}, {transform_indices = @transform_9, window_bounds = array<i64: 400, 128>}]} {
    %get3A = arith.constant 0 : index
    %get3A_0 = arith.constant 0 : index
    %get3A_1 = vector.load %arg5[%get3A, %get3A_0] : memref<400x16xf32, #tpu.memory_space<vmem>>, vector<400x16xf32>
    %get3A_2 = arith.constant 0 : index
    %get3A_3 = arith.constant 0 : index
    %get3A_4 = vector.load %arg6[%get3A_2, %get3A_3] : memref<400x16xf32, #tpu.memory_space<vmem>>, vector<400x16xf32>
    %slice3A = vector.extract_strided_slice %get3A_1 {offsets = [0, 0], sizes = [400, 1], strides = [1, 1]} : vector<400x16xf32> to vector<400x1xf32>
    %slice3A_5 = vector.extract_strided_slice %get3A_4 {offsets = [0, 0], sizes = [400, 1], strides = [1, 1]} : vector<400x16xf32> to vector<400x1xf32>
    %add3A = arith.addf %slice3A, %slice3A_5 : vector<400x1xf32>
    %add3A_6 = arith.constant 1.000000e+00 : f32
    %add3A_7 = vector.broadcast %add3A_6 : f32 to vector<400x1xf32>
    %add3A_8 = arith.addf %add3A, %add3A_7 : vector<400x1xf32>
    %rsqrt3A = math.rsqrt %add3A_8 : vector<400x1xf32>
    %get3A_9 = arith.constant 0 : index
    %get3A_10 = arith.constant 0 : index
    %get3A_11 = vector.load %arg1[%get3A_9, %get3A_10] : memref<400x128xf32, #tpu.memory_space<vmem>>, vector<400x128xf32>
    %get3A_12 = arith.constant 0 : index
    %get3A_13 = arith.constant 0 : index
    %get3A_14 = vector.load %arg3[%get3A_12, %get3A_13] : memref<400x128xf32, #tpu.memory_space<vmem>>, vector<400x128xf32>
    %add3A_15 = arith.addf %get3A_11, %get3A_14 : vector<400x128xf32>
    %get3A_16 = arith.constant 0 : index
    %get3A_17 = arith.constant 0 : index
    %get3A_18 = vector.load %arg2[%get3A_16, %get3A_17] : memref<400x128xf32, #tpu.memory_space<vmem>>, vector<400x128xf32>
    %get3A_19 = arith.constant 0 : index
    %get3A_20 = arith.constant 0 : index
    %get3A_21 = vector.load %arg4[%get3A_19, %get3A_20] : memref<400x128xf32, #tpu.memory_space<vmem>>, vector<400x128xf32>
    %add3A_22 = arith.addf %get3A_18, %get3A_21 : vector<400x128xf32>
    %concatenate3A = tpu.concatenate %add3A_15, %add3A_22 in 1 : vector<400x128xf32>, vector<400x128xf32> -> vector<400x256xf32>
    %mul3A = vector.broadcast %rsqrt3A : vector<400x1xf32> to vector<400x256xf32>
    %mul3A_23 = arith.mulf %mul3A, %concatenate3A : vector<400x256xf32>
    %get3A_24 = arith.constant 0 : index
    %get3A_25 = arith.constant 0 : index
    %get3A_26 = vector.load %arg7[%get3A_24, %get3A_25] : memref<1x256xf32, #tpu.memory_space<vmem>>, vector<1x256xf32>
    %add3A_27 = vector.broadcast %get3A_26 : vector<1x256xf32> to vector<400x256xf32>
    %add3A_28 = arith.addf %mul3A_23, %add3A_27 : vector<400x256xf32>
    %max3A = arith.constant 0.000000e+00 : f32
    %max3A_29 = vector.broadcast %max3A : f32 to vector<400x256xf32>
    %max3A_30 = arith.maximumf %add3A_28, %max3A_29 : vector<400x256xf32>
    %get3A_31 = arith.constant 0 : index
    %get3A_32 = arith.constant 0 : index
    %get3A_33 = vector.load %arg8[%get3A_31, %get3A_32] : memref<256x256xf32, #tpu.memory_space<vmem>>, vector<256x256xf32>
    %dot_general3A = arith.constant dense<0.000000e+00> : vector<400x256xf32>
    %dot_general3A_34 = tpu.matmul %max3A_30, %get3A_33, %dot_general3A {dimension_numbers = #tpu.dot_dimension_numbers<[1], [0], [0], [1], [0, 0, 1, 1], [], []>, transpose_lhs_hint = false} : vector<400x256xf32>, vector<256x256xf32>, vector<400x256xf32> -> vector<400x256xf32>
    %mul3A_35 = vector.broadcast %rsqrt3A : vector<400x1xf32> to vector<400x256xf32>
    %mul3A_36 = arith.mulf %dot_general3A_34, %mul3A_35 : vector<400x256xf32>
    %slice3A_37 = vector.extract_strided_slice %mul3A_36 {offsets = [0, 0], sizes = [400, 128], strides = [1, 1]} : vector<400x256xf32> to vector<400x128xf32>
    %swap3A = arith.constant 0 : index
    %swap3A_38 = arith.constant 0 : index
    %swap3A_39 = vector.load %arg9[%swap3A, %swap3A_38] : memref<400x128xf32, #tpu.memory_space<vmem>>, vector<400x128xf32>
    tpu.vector_store %arg9[%swap3A, %swap3A_38], %slice3A_37 {strides = array<i32>} : memref<400x128xf32, #tpu.memory_space<vmem>>, vector<400x128xf32>,
    %slice3A_40 = vector.extract_strided_slice %mul3A_36 {offsets = [0, 128], sizes = [400, 128], strides = [1, 1]} : vector<400x256xf32> to vector<400x128xf32>
    %swap3A_41 = arith.constant 0 : index
    %swap3A_42 = arith.constant 0 : index
    %swap3A_43 = vector.load %arg10[%swap3A_41, %swap3A_42] : memref<400x128xf32, #tpu.memory_space<vmem>>, vector<400x128xf32>
    tpu.vector_store %arg10[%swap3A_41, %swap3A_42], %slice3A_40 {strides = array<i32>} : memref<400x128xf32, #tpu.memory_space<vmem>>, vector<400x128xf32>,
    return
  }
  func.func @transform_0(%arg0: i32) -> (i32, i32) {
    %c0_i32 = arith.constant 0 : i32
    %c0_i32_0 = arith.constant 0 : i32
    return %arg0, %c0_i32 : i32, i32
  }
  func.func @transform_1(%arg0: i32) -> (i32, i32) {
    %c0_i32 = arith.constant 0 : i32
    %c0_i32_0 = arith.constant 0 : i32
    return %arg0, %c0_i32 : i32, i32
  }
  func.func @transform_2(%arg0: i32) -> (i32, i32) {
    %c0_i32 = arith.constant 0 : i32
    %c0_i32_0 = arith.constant 0 : i32
    return %arg0, %c0_i32 : i32, i32
  }
  func.func @transform_3(%arg0: i32) -> (i32, i32) {
    %c0_i32 = arith.constant 0 : i32
    %c0_i32_0 = arith.constant 0 : i32
    return %arg0, %c0_i32 : i32, i32
  }
  func.func @transform_4(%arg0: i32) -> (i32, i32) {
    %c0_i32 = arith.constant 0 : i32
    %c0_i32_0 = arith.constant 0 : i32
    return %arg0, %c0_i32 : i32, i32
  }
  func.func @transform_5(%arg0: i32) -> (i32, i32) {
    %c0_i32 = arith.constant 0 : i32
    %c0_i32_0 = arith.constant 0 : i32
    return %arg0, %c0_i32 : i32, i32
  }
  func.func @transform_6(%arg0: i32) -> (i32, i32) {
    %c0_i32 = arith.constant 0 : i32
    %c0_i32_0 = arith.constant 0 : i32
    %c0_i32_1 = arith.constant 0 : i32
    return %c0_i32, %c0_i32_0 : i32, i32
  }
  func.func @transform_7(%arg0: i32) -> (i32, i32) {
    %c0_i32 = arith.constant 0 : i32
    %c0_i32_0 = arith.constant 0 : i32
    %c0_i32_1 = arith.constant 0 : i32
    return %c0_i32, %c0_i32_0 : i32, i32
  }
  func.func @transform_8(%arg0: i32) -> (i32, i32) {
    %c0_i32 = arith.constant 0 : i32
    %c0_i32_0 = arith.constant 0 : i32
    return %arg0, %c0_i32 : i32, i32
  }
  func.func @transform_9(%arg0: i32) -> (i32, i32) {
    %c0_i32 = arith.constant 0 : i32
    %c0_i32_0 = arith.constant 0 : i32
    return %arg0, %c0_i32 : i32, i32
  }
}

module attributes {stable_mosaic.version = 14 : i64} {
  func.func @_tc3_body(%arg0: i32, %arg1: memref<128x128xf32, #tpu.memory_space<vmem>>, %arg2: memref<128x128xf32, #tpu.memory_space<vmem>>, %arg3: memref<128x128xf32, #tpu.memory_space<vmem>>, %arg4: memref<128x128xf32, #tpu.memory_space<vmem>>, %arg5: memref<128x16xf32, #tpu.memory_space<vmem>>, %arg6: memref<128x16xf32, #tpu.memory_space<vmem>>, %arg7: memref<1x256xf32, #tpu.memory_space<vmem>>, %arg8: memref<256x256xf32, #tpu.memory_space<vmem>>, %arg9: memref<1x256xf32, #tpu.memory_space<vmem>>, %arg10: memref<256x64xf32, #tpu.memory_space<vmem>>, %arg11: memref<1x64xf32, #tpu.memory_space<vmem>>, %arg12: memref<16x64xf32, #tpu.memory_space<vmem>>) attributes {dimension_semantics = [#tpu.dimension_semantics<arbitrary>], iteration_bounds = array<i64: 1>, scalar_prefetch = 0 : i64, scratch_operands = 0 : i64, tpu.core_type = #tpu.core_type<tc>, window_params = [{transform_indices = @transform_0, window_bounds = array<i64: 128, 128>}, {transform_indices = @transform_1, window_bounds = array<i64: 128, 128>}, {transform_indices = @transform_2, window_bounds = array<i64: 128, 128>}, {transform_indices = @transform_3, window_bounds = array<i64: 128, 128>}, {transform_indices = @transform_4, window_bounds = array<i64: 128, 16>}, {transform_indices = @transform_5, window_bounds = array<i64: 128, 16>}, {pipeline_mode = #tpu.pipeline_mode<synchronous>, transform_indices = @transform_6, window_bounds = array<i64: 1, 256>}, {pipeline_mode = #tpu.pipeline_mode<synchronous>, transform_indices = @transform_7, window_bounds = array<i64: 256, 256>}, {pipeline_mode = #tpu.pipeline_mode<synchronous>, transform_indices = @transform_8, window_bounds = array<i64: 1, 256>}, {pipeline_mode = #tpu.pipeline_mode<synchronous>, transform_indices = @transform_9, window_bounds = array<i64: 256, 64>}, {pipeline_mode = #tpu.pipeline_mode<synchronous>, transform_indices = @transform_10, window_bounds = array<i64: 1, 64>}, {pipeline_mode = #tpu.pipeline_mode<synchronous>, transform_indices = @transform_11, window_bounds = array<i64: 16, 64>}]} {
    %get3A = arith.constant 0 : index
    %get3A_0 = arith.constant 0 : index
    %get3A_1 = vector.load %arg5[%get3A, %get3A_0] : memref<128x16xf32, #tpu.memory_space<vmem>>, vector<128x16xf32>
    %get3A_2 = arith.constant 0 : index
    %get3A_3 = arith.constant 0 : index
    %get3A_4 = vector.load %arg6[%get3A_2, %get3A_3] : memref<128x16xf32, #tpu.memory_space<vmem>>, vector<128x16xf32>
    %slice3A = vector.extract_strided_slice %get3A_1 {offsets = [0, 0], sizes = [128, 1], strides = [1, 1]} : vector<128x16xf32> to vector<128x1xf32>
    %slice3A_5 = vector.extract_strided_slice %get3A_4 {offsets = [0, 0], sizes = [128, 1], strides = [1, 1]} : vector<128x16xf32> to vector<128x1xf32>
    %add3A = arith.addf %slice3A, %slice3A_5 : vector<128x1xf32>
    %add3A_6 = arith.constant 1.000000e+00 : f32
    %add3A_7 = vector.broadcast %add3A_6 : f32 to vector<128x1xf32>
    %add3A_8 = arith.addf %add3A, %add3A_7 : vector<128x1xf32>
    %rsqrt3A = math.rsqrt %add3A_8 : vector<128x1xf32>
    %get3A_9 = arith.constant 0 : index
    %get3A_10 = arith.constant 0 : index
    %get3A_11 = vector.load %arg1[%get3A_9, %get3A_10] : memref<128x128xf32, #tpu.memory_space<vmem>>, vector<128x128xf32>
    %get3A_12 = arith.constant 0 : index
    %get3A_13 = arith.constant 0 : index
    %get3A_14 = vector.load %arg3[%get3A_12, %get3A_13] : memref<128x128xf32, #tpu.memory_space<vmem>>, vector<128x128xf32>
    %add3A_15 = arith.addf %get3A_11, %get3A_14 : vector<128x128xf32>
    %get3A_16 = arith.constant 0 : index
    %get3A_17 = arith.constant 0 : index
    %get3A_18 = vector.load %arg2[%get3A_16, %get3A_17] : memref<128x128xf32, #tpu.memory_space<vmem>>, vector<128x128xf32>
    %get3A_19 = arith.constant 0 : index
    %get3A_20 = arith.constant 0 : index
    %get3A_21 = vector.load %arg4[%get3A_19, %get3A_20] : memref<128x128xf32, #tpu.memory_space<vmem>>, vector<128x128xf32>
    %add3A_22 = arith.addf %get3A_18, %get3A_21 : vector<128x128xf32>
    %concatenate3A = tpu.concatenate %add3A_15, %add3A_22 in 1 : vector<128x128xf32>, vector<128x128xf32> -> vector<128x256xf32>
    %mul3A = vector.broadcast %rsqrt3A : vector<128x1xf32> to vector<128x256xf32>
    %mul3A_23 = arith.mulf %mul3A, %concatenate3A : vector<128x256xf32>
    %get3A_24 = arith.constant 0 : index
    %get3A_25 = arith.constant 0 : index
    %get3A_26 = vector.load %arg7[%get3A_24, %get3A_25] : memref<1x256xf32, #tpu.memory_space<vmem>>, vector<1x256xf32>
    %add3A_27 = vector.broadcast %get3A_26 : vector<1x256xf32> to vector<128x256xf32>
    %add3A_28 = arith.addf %mul3A_23, %add3A_27 : vector<128x256xf32>
    %iota3A = tpu.iota {dimensions = array<i32: 0>} : vector<16x128xi32>
    %iota3A_29 = tpu.iota {dimensions = array<i32: 1>} : vector<16x128xi32>
    %jit3A = arith.constant 8 : i32
    %div3A = vector.broadcast %jit3A : i32 to vector<16x128xi32>
    %div3A_30 = arith.divsi %iota3A_29, %div3A : vector<16x128xi32>
    %sign3A = arith.constant 0 : i32
    %sign3A_31 = vector.broadcast %sign3A : i32 to vector<16x128xi32>
    %sign3A_32 = arith.cmpi sgt, %iota3A_29, %sign3A_31 : vector<16x128xi32>
    %sign3A_33 = arith.extui %sign3A_32 : vector<16x128xi1> to vector<16x128xi32>
    %sign3A_34 = arith.constant 0 : i32
    %sign3A_35 = vector.broadcast %sign3A_34 : i32 to vector<16x128xi32>
    %sign3A_36 = arith.cmpi slt, %iota3A_29, %sign3A_35 : vector<16x128xi32>
    %sign3A_37 = arith.extui %sign3A_36 : vector<16x128xi1> to vector<16x128xi32>
    %sign3A_38 = arith.subi %sign3A_33, %sign3A_37 : vector<16x128xi32>
    %sign3A_39 = arith.constant 0 : i32
    %sign3A_40 = arith.cmpi sgt, %jit3A, %sign3A_39 : i32
    %sign3A_41 = arith.extui %sign3A_40 : i1 to i32
    %sign3A_42 = arith.constant 0 : i32
    %sign3A_43 = arith.cmpi slt, %jit3A, %sign3A_42 : i32
    %sign3A_44 = arith.extui %sign3A_43 : i1 to i32
    %sign3A_45 = arith.subi %sign3A_41, %sign3A_44 : i32
    %ne3A = vector.broadcast %sign3A_45 : i32 to vector<16x128xi32>
    %ne3A_46 = arith.cmpi ne, %sign3A_38, %ne3A : vector<16x128xi32>
    %rem3A = vector.broadcast %jit3A : i32 to vector<16x128xi32>
    %rem3A_47 = arith.remsi %iota3A_29, %rem3A : vector<16x128xi32>
    %ne3A_48 = arith.constant 0 : i32
    %ne3A_49 = vector.broadcast %ne3A_48 : i32 to vector<16x128xi32>
    %ne3A_50 = arith.cmpi ne, %rem3A_47, %ne3A_49 : vector<16x128xi32>
    %and3A = arith.andi %ne3A_46, %ne3A_50 : vector<16x128xi1>
    %sub3A = arith.constant 1 : i32
    %sub3A_51 = vector.broadcast %sub3A : i32 to vector<16x128xi32>
    %sub3A_52 = arith.subi %div3A_30, %sub3A_51 : vector<16x128xi32>
    %select_n3A = arith.select %and3A, %sub3A_52, %div3A_30 : vector<16x128xi1>, vector<16x128xi32>
    %eq3A = arith.cmpi eq, %select_n3A, %iota3A : vector<16x128xi32>
    %jit3A_53 = arith.constant 1.250000e-01 : f32
    %jit3A_54 = arith.constant 0.000000e+00 : f32
    %broadcast_in_dim3A = vector.broadcast %jit3A_53 : f32 to vector<16x128xf32>
    %broadcast_in_dim3A_55 = vector.broadcast %jit3A_54 : f32 to vector<16x128xf32>
    %select_n3A_56 = arith.select %eq3A, %broadcast_in_dim3A, %broadcast_in_dim3A_55 : vector<16x128xi1>, vector<16x128xf32>
    %dot_general3A = arith.constant dense<0.000000e+00> : vector<16x256xf32>
    %dot_general3A_57 = tpu.matmul %select_n3A_56, %add3A_28, %dot_general3A {dimension_numbers = #tpu.dot_dimension_numbers<[1], [0], [0], [1], [0, 0, 1, 1], [], []>, transpose_lhs_hint = false} : vector<16x128xf32>, vector<128x256xf32>, vector<16x256xf32> -> vector<16x256xf32>
    %get3A_58 = arith.constant 0 : index
    %get3A_59 = arith.constant 0 : index
    %get3A_60 = vector.load %arg8[%get3A_58, %get3A_59] : memref<256x256xf32, #tpu.memory_space<vmem>>, vector<256x256xf32>
    %dot_general3A_61 = arith.constant dense<0.000000e+00> : vector<16x256xf32>
    %dot_general3A_62 = tpu.matmul %dot_general3A_57, %get3A_60, %dot_general3A_61 {dimension_numbers = #tpu.dot_dimension_numbers<[1], [0], [0], [1], [0, 0, 1, 1], [], []>, transpose_lhs_hint = false} : vector<16x256xf32>, vector<256x256xf32>, vector<16x256xf32> -> vector<16x256xf32>
    %get3A_63 = arith.constant 0 : index
    %get3A_64 = arith.constant 0 : index
    %get3A_65 = vector.load %arg9[%get3A_63, %get3A_64] : memref<1x256xf32, #tpu.memory_space<vmem>>, vector<1x256xf32>
    %add3A_66 = vector.broadcast %get3A_65 : vector<1x256xf32> to vector<16x256xf32>
    %add3A_67 = arith.addf %dot_general3A_62, %add3A_66 : vector<16x256xf32>
    %max3A = arith.constant 0.000000e+00 : f32
    %max3A_68 = vector.broadcast %max3A : f32 to vector<16x256xf32>
    %max3A_69 = arith.maximumf %add3A_67, %max3A_68 : vector<16x256xf32>
    %get3A_70 = arith.constant 0 : index
    %get3A_71 = arith.constant 0 : index
    %get3A_72 = vector.load %arg10[%get3A_70, %get3A_71] : memref<256x64xf32, #tpu.memory_space<vmem>>, vector<256x64xf32>
    %dot_general3A_73 = arith.constant dense<0.000000e+00> : vector<16x64xf32>
    %dot_general3A_74 = tpu.matmul %max3A_69, %get3A_72, %dot_general3A_73 {dimension_numbers = #tpu.dot_dimension_numbers<[1], [0], [0], [1], [0, 0, 1, 1], [], []>, transpose_lhs_hint = false} : vector<16x256xf32>, vector<256x64xf32>, vector<16x64xf32> -> vector<16x64xf32>
    %get3A_75 = arith.constant 0 : index
    %get3A_76 = arith.constant 0 : index
    %get3A_77 = vector.load %arg11[%get3A_75, %get3A_76] : memref<1x64xf32, #tpu.memory_space<vmem>>, vector<1x64xf32>
    %add3A_78 = vector.broadcast %get3A_77 : vector<1x64xf32> to vector<16x64xf32>
    %add3A_79 = arith.addf %dot_general3A_74, %add3A_78 : vector<16x64xf32>
    %swap3A = arith.constant 0 : index
    %swap3A_80 = arith.constant 0 : index
    %swap3A_81 = vector.load %arg12[%swap3A, %swap3A_80] : memref<16x64xf32, #tpu.memory_space<vmem>>, vector<16x64xf32>
    tpu.vector_store %arg12[%swap3A, %swap3A_80], %add3A_79 {strides = array<i32>} : memref<16x64xf32, #tpu.memory_space<vmem>>, vector<16x64xf32>,
    return
  }
  func.func @transform_0(%arg0: i32) -> (i32, i32) {
    %c0_i32 = arith.constant 0 : i32
    %c0_i32_0 = arith.constant 0 : i32
    %c0_i32_1 = arith.constant 0 : i32
    return %c0_i32, %c0_i32_0 : i32, i32
  }
  func.func @transform_1(%arg0: i32) -> (i32, i32) {
    %c0_i32 = arith.constant 0 : i32
    %c0_i32_0 = arith.constant 0 : i32
    %c0_i32_1 = arith.constant 0 : i32
    return %c0_i32, %c0_i32_0 : i32, i32
  }
  func.func @transform_2(%arg0: i32) -> (i32, i32) {
    %c0_i32 = arith.constant 0 : i32
    %c0_i32_0 = arith.constant 0 : i32
    %c0_i32_1 = arith.constant 0 : i32
    return %c0_i32, %c0_i32_0 : i32, i32
  }
  func.func @transform_3(%arg0: i32) -> (i32, i32) {
    %c0_i32 = arith.constant 0 : i32
    %c0_i32_0 = arith.constant 0 : i32
    %c0_i32_1 = arith.constant 0 : i32
    return %c0_i32, %c0_i32_0 : i32, i32
  }
  func.func @transform_4(%arg0: i32) -> (i32, i32) {
    %c0_i32 = arith.constant 0 : i32
    %c0_i32_0 = arith.constant 0 : i32
    %c0_i32_1 = arith.constant 0 : i32
    return %c0_i32, %c0_i32_0 : i32, i32
  }
  func.func @transform_5(%arg0: i32) -> (i32, i32) {
    %c0_i32 = arith.constant 0 : i32
    %c0_i32_0 = arith.constant 0 : i32
    %c0_i32_1 = arith.constant 0 : i32
    return %c0_i32, %c0_i32_0 : i32, i32
  }
  func.func @transform_6(%arg0: i32) -> (i32, i32) {
    %c0_i32 = arith.constant 0 : i32
    %c0_i32_0 = arith.constant 0 : i32
    %c0_i32_1 = arith.constant 0 : i32
    return %c0_i32, %c0_i32_0 : i32, i32
  }
  func.func @transform_7(%arg0: i32) -> (i32, i32) {
    %c0_i32 = arith.constant 0 : i32
    %c0_i32_0 = arith.constant 0 : i32
    %c0_i32_1 = arith.constant 0 : i32
    return %c0_i32, %c0_i32_0 : i32, i32
  }
  func.func @transform_8(%arg0: i32) -> (i32, i32) {
    %c0_i32 = arith.constant 0 : i32
    %c0_i32_0 = arith.constant 0 : i32
    %c0_i32_1 = arith.constant 0 : i32
    return %c0_i32, %c0_i32_0 : i32, i32
  }
  func.func @transform_9(%arg0: i32) -> (i32, i32) {
    %c0_i32 = arith.constant 0 : i32
    %c0_i32_0 = arith.constant 0 : i32
    %c0_i32_1 = arith.constant 0 : i32
    return %c0_i32, %c0_i32_0 : i32, i32
  }
  func.func @transform_10(%arg0: i32) -> (i32, i32) {
    %c0_i32 = arith.constant 0 : i32
    %c0_i32_0 = arith.constant 0 : i32
    %c0_i32_1 = arith.constant 0 : i32
    return %c0_i32, %c0_i32_0 : i32, i32
  }
  func.func @transform_11(%arg0: i32) -> (i32, i32) {
    %c0_i32 = arith.constant 0 : i32
    %c0_i32_0 = arith.constant 0 : i32
    %c0_i32_1 = arith.constant 0 : i32
    return %c0_i32, %c0_i32_0 : i32, i32
  }
}

</mosaic_0001>

<sc_bundles>
// kernel: kernel.11.cloned.1.call-start
scs
__scs_entry_jumppad:
0x0: {  	(pc) =	sbr.rel $0x88, $3  }
0x1: {  	(tag) =	ssettag $0x0;
	lr =	simm.s32 $0x1  }
0x2: {  	[smem:$0x3F97] =	sst lr;
	_ =	strace $0xD0000000  }
0x3: {  	_ = 	snop  }
0x4: {  	_ = 	snop  }
0x5: {  	_ = 	snop  }
0x6: {  	_ = 	snop  }
0x7: {  	_ = 	snop  }
__scs_overlays_trampoline_lowered:
0x8: {  	[smem:$0x3FA6] =	sst s0  }
0x9: {  	[smem:$0x3FA7] =	sst s1  }
0xa: {  	[smem:$0x3FA8] =	sst s2  }
0xb: {  	[smem:$0x3FA9] =	sst s3  }
0xc: {  	[smem:$0x3FAA] =	sst s4  }
0xd: {  	[smem:$0x3FAB] =	sst s5  }
0xe: {  	[smem:$0x3FAC] =	sst s6  }
0xf: {  	[smem:$0x3FAD] =	sst s7  }
0x10: {  	[smem:$0x3FAE] =	sst s8  }
0x11: {  	[smem:$0x3FAF] =	sst s9;
	s0 =	simm.s32 @!p0 $0x0  }
0x12: {  	s1 =	sld [smem:$0x3F95];
	s0 =	simm.s32 @p0 $0x1  }
0x13: {  	[smem:$0x3FB0] =	sst s0;
	s0 =	simm.s32 @!p1 $0x0  }
0x14: {  	s2 =	sld [smem:$0x3F94];
	s0 =	simm.s32 @p1 $0x1  }
0x15: {  	[smem:$0x3FB1] =	sst s0;
	s0 =	simm.s32 @!p2 $0x0  }
0x16: {  	s3 =	sld [smem:$0x3FDB];
	s0 =	simm.s32 @p2 $0x1  }
0x17: {  	s4 =	simm.s32 $0x1BF5;
	[smem:$0x3FB3] =	sst s0  }
0x18: {  	s0 =	sld [smem:$0x3F96];
	_ =	swait.ge [sflag:s4], $0x0  }
0x19: {  	s7 =	sld [smem:$0x3F97]  }
0x1a: {  	s8 =	sadd.s32 $0xFFFFE003, lr  }
0x1b: {  	s9 =	sadd.s32 $0xFFFFFEF7, lr;
	s5 =	simm.s32 $0xFFFFFFFF;
	p2 =	slt.u32 s8, $0xFFFFF086  }
0x1c: {  	p1 =	slt.u32 s9, $0xF7A;
	s5 =	simm.s32 @!p2 $0x0  }
0x1d: {  	s5 =	simm.s32 @p1 $0x1;
	p0 =	seq.s32 s7, s2  }
0x1e: {  	s7 =	smul.u32 @!p0 $0xF7A, s2;
	p2 =	seq.s32 @!p0 s5, $0x0  }
0x1f: {  	s9 =	smul.u32 $0xF7A, s1;
	s8 =	simm.s32 @!p0 $0x1BF5;
	p2 =	por !p2, p0  }
0x20: {  	[sflag:s8] =	ssyncset.s32 @!p0 $0xFFFFF086;
	s6 =	sadd.s32 @!p0 s3, s7;
	s7 =	simm.s32 @!p0 $0x108  }
0x21: {  	s3 =	sadd.s32 s3, s9;
	s6 =	sadd.s32 @!p0 $0x88, s6;
	s7 =	simm.s32 @p2 $0x1082  }
0x22: {  	[simem:s7], [sflag:s8] =	dma.local @!p0 [hbm:s6], $0xF7A  }
0x23: {  	s9 =	sor.u32 $0xD0000000, s2;
	s6 =	simm.s32 $0x108;
	_ =	swait.ge @!p0 [sflag:s8], $0x0  }
0x24: {  	s3 =	sadd.s32 $0x88, s3;
	s6 =	simm.s32 @!p1 $0x1082;
	[sflag:s4] =	ssyncset.s32 $0xFFFFF086  }
0x25: {  	[simem:s6], [sflag:s4] =	dma.local [hbm:s3], $0xF7A  }
0x26: {  	[smem:$0x3F97] =	sst s1;
	(tag) =	ssettag s2;
	_ =	strace s9  }
0x27: {  	s1 =	sld [smem:$0x3FA7]  }
0x28: {  	s2 =	sld [smem:$0x3FA8]  }
0x29: {  	s4 =	sld [smem:$0x3FAA]  }
0x2a: {  	p0 =	seq.s32 s5, $0x0;
	s5 =	sld [smem:$0x3FAB]  }
0x2b: {  	s6 =	sld [smem:$0x3FAC]  }
0x2c: {  	s7 =	sld [smem:$0x3FAD]  }
0x2d: {  	s3 =	simm.s32 $0x108;
	s8 =	sld [smem:$0x3FAE]  }
0x2e: {  	s3 =	simm.s32 @!p0 $0x1082;
	s9 =	sld [smem:$0x3FAF]  }
0x2f: {  	lr =	sadd.s32 s0, s3;
	s0 =	sld [smem:$0x3FA6]  }
0x30: {  	s3 =	sld [smem:$0x3FA9]  }
0x31: {  	[smem:$0x3FB2] =	sst s10  }
0x32: {  	s10 =	sld [smem:$0x3FB0];
	_ =	sdelay $0x3  }
0x33: {  	p0 =	seq.s32 s10, $0x1;
	s10 =	sld [smem:$0x3FB2];
	_ =	sdelay $0x3  }
0x34: {  	[smem:$0x3FB2] =	sst s10  }
0x35: {  	s10 =	sld [smem:$0x3FB1];
	_ =	sdelay $0x3  }
0x36: {  	p1 =	seq.s32 s10, $0x1;
	s10 =	sld [smem:$0x3FB2];
	_ =	sdelay $0x3  }
0x37: {  	[smem:$0x3FB2] =	sst s10  }
0x38: {  	s10 =	sld [smem:$0x3FB3]  }
0x39: {  	_ = 	snop;
	(pc) =	sbr.ind lr, $3  }
0x3a: {  	_ = 	snop  }
0x3b: {  	_ = 	snop  }
0x3c: {  	p2 =	seq.s32 s10, $0x1;
	s10 =	sld [smem:$0x3FB2]  }
0x3d: {  	_ =	shalt  }
0x3e: {  	_ =	shalt  }
0x3f: {  	_ =	shalt  }
0x40: {  	_ =	shalt  }
0x41: {  	_ =	shalt  }
0x42: {  	_ =	shalt  }
0x43: {  	_ =	shalt  }
0x44: {  	_ =	shalt  }
0x45: {  	_ =	shalt  }
0x46: {  	_ =	shalt  }
0x47: {  	_ =	shalt  }
0x48: {  	_ =	shalt  }
0x49: {  	_ =	shalt  }
0x4a: {  	_ =	shalt  }
0x4b: {  	_ =	shalt  }
0x4c: {  	_ =	shalt  }
0x4d: {  	_ =	shalt  }
0x4e: {  	_ =	shalt  }
0x4f: {  	_ =	shalt  }
0x50: {  	_ =	shalt  }
0x51: {  	_ =	shalt  }
0x52: {  	_ =	shalt  }
0x53: {  	_ =	shalt  }
0x54: {  	_ =	shalt  }
0x55: {  	_ =	shalt  }
0x56: {  	_ =	shalt  }
0x57: {  	_ =	shalt  }
0x58: {  	_ =	shalt  }
0x59: {  	_ =	shalt  }
0x5a: {  	_ =	shalt  }
0x5b: {  	_ =	shalt  }
0x5c: {  	_ =	shalt  }
0x5d: {  	_ =	shalt  }
0x5e: {  	_ =	shalt  }
0x5f: {  	_ =	shalt  }
0x60: {  	_ =	shalt  }
0x61: {  	_ =	shalt  }
0x62: {  	_ =	shalt  }
0x63: {  	_ =	shalt  }
0x64: {  	_ =	shalt  }
0x65: {  	_ =	shalt  }
0x66: {  	_ =	shalt  }
0x67: {  	_ =	shalt  }
0x68: {  	_ =	shalt  }
0x69: {  	_ =	shalt  }
0x6a: {  	_ =	shalt  }
0x6b: {  	_ =	shalt  }
0x6c: {  	_ =	shalt  }
0x6d: {  	_ =	shalt  }
0x6e: {  	_ =	shalt  }
0x6f: {  	_ =	shalt  }
0x70: {  	_ =	shalt  }
0x71: {  	_ =	shalt  }
0x72: {  	_ =	shalt  }
0x73: {  	_ =	shalt  }
0x74: {  	_ =	shalt  }
0x75: {  	_ =	shalt  }
0x76: {  	_ =	shalt  }
0x77: {  	_ =	shalt  }
0x78: {  	_ =	shalt  }
0x79: {  	_ =	shalt  }
0x7a: {  	_ =	shalt  }
0x7b: {  	_ =	shalt  }
0x7c: {  	_ =	shalt  }
0x7d: {  	_ =	shalt  }
0x7e: {  	_ =	shalt  }
0x7f: {  	_ =	shalt  }
0x80: {  	_ =	shalt  }
0x81: {  	_ =	shalt  }
0x82: {  	_ =	shalt  }
0x83: {  	_ =	shalt  }
0x84: {  	_ =	shalt  }
0x85: {  	_ =	shalt  }
0x86: {  	_ =	shalt  }
0x87: {  	_ =	shalt  }
.Lfunc_end0:
.L_simem_size_0:
called_computation.1_lowered:
.L_overlay_start_0:
0x88: {  	s2 =	sld [smem:$0x3FD9]  }
0x89: {  	s3 =	sld [smem:$0x3FFE];
	_ =	sdelay $0x1  }
0x8a: {  	s1 =	srdreg.scid  }
0x8b: {  	s0 =	sand.u32 $0x1, s1  }
0x8c: {  	s16 =	sshll.u32 s0, $0xA;
	s2 =	sadd.s32 s3, s2  }
0x8d: {  	s2 =	sadd.s32 s2, s16  }
0x8e: {  	[smem:$0x3FBE] =	sst s2  }
0x8f: {  	_ = 	snop  }
0x90: {  	(tm) =	ssettm $0x1  }
0x91: {  	s17 =	sld [smem:$0x3FFB];
	_ =	sdelay $0x3  }
0x92: {  	_ =	strace s17  }
0x93: {  	s2 =	sld [smem:$0x3FFC];
	_ =	sdelay $0x3  }
0x94: {  	_ =	strace s2  }
0x95: {  	s2 =	sld [smem:$0x3FFD];
	_ =	sdelay $0x3  }
0x96: {  	_ =	strace s2  }
0x97: {  	_ =	strace $0x8FFFFFFF  }
0x98: {  	s18 =	sld [smem:$0x3FDB];
	_ =	sdelay $0x1  }
0x99: {  	s19 =	simm.s32 $_scs_section_size  }
0x9a: {  	s4 =	simm.s32 $_size__tile_overlayer_lowered;
	s5 =	simm.s32 $_tile_overlayer_lowered  }
0x9b: {  	s22 =	simm.s32 $0x1BFF;
	s21 =	sshll.u32 s5, $0x1;
	s2 =	sadd.s32 s19, s18  }
0x9c: {  	s6 =	simm.s32 $0x0;
	s20 =	sshll.u32 s4, $0x1;
	s4 =	sadd.s32 s21, s2  }
0x9d: {  	[timem:s6], [sflag:s22] =	dma.local [hbm:s4], s20  }
0x9e: {  	_ =	swait.ge [sflag:s22], s20  }
0x9f: {  	s3 =	ssub.s32 $0x0, s20;
	[sflag:s22] =	ssyncset.done $0x0  }
0xa0: {  	[sflag:s22] =	ssyncadd.s32 s3;
	_ =	sdelay $0x1  }
0xa1: {  	s23 =	simm.s32 $0x1B8B  }
0xa2: {  	_ =	swait.ge [sflag:s23], $0x1  }
0xa3: {  	[sflag:s23] =	ssyncset.done $0x0  }
0xa4: {  	s25 =	simm.s32 $0x1B8E;
	s24 =	sld [smem:$0x3FFE];
	[sflag:s23] =	ssyncadd.s32 $0xFFFFFFFF  }
0xa5: {  	s26 =	simm.s32 $execute0_lowered;
	[smem:$0x3FD2] =	sst s25  }
0xa6: {  	s4 =	sshll.u32 s26, $0x1;
	_ =	strace $0x80000049;
	[dreg:$0x1] =	wrdreg $0xFFFFFFFF  }
0xa7: {  	s28 =	simm.s32 $_size_execute0_lowered;
	s2 =	sadd.s32 s2, s4;
	[dreg:$0x0] =	wrdreg $0x0  }
0xa8: {  	s4 =	sshll.u32 s28, $0x1;
	[dreg:$0x2] =	wrdreg s2  }
0xa9: {  	[dreg:$0x3] =	wrdreg s4  }
0xaa: {  	[dreg:$0x4] =	wrdreg $0xC0  }
0xab: {  	_ =	task [dreg:s6], $0x5FFFF  }
0xac: {  	[dreg:$0x1] =	wrdreg $0xFFFFFFFF  }
0xad: {  	[dreg:$0x0] =	wrdreg $0x60  }
0xae: {  	[dreg:$0x2] =	wrdreg s24  }
0xaf: {  	[dreg:$0x3] =	wrdreg $0x72000  }
0xb0: {  	[dreg:$0x4] =	wrdreg $0x9  }
0xb1: {  	_ =	task.clear_ibuf [dreg:s6], $0x5FFFF;
	_ =	strace $0x90000049  }
0xb2: {  	s29 =	simm.s32 $0x9;
	_ =	strace $0x8000004B  }
0xb3: {  	_ =	swait.ge [sflag:s29], $0x1  }
0xb4: {  	[sflag:s29] =	ssyncadd.s32 $0xFFFFFFFF  }
0xb5: {  	_ =	strace $0x9000004B  }
0xb6: {  	_ =	sfence  }
0xb7: {  	s30 =	sld [smem:$0x0];
	_ =	sdelay $0x2  }
0xb8: {  	s31 =	sshll.u32 s1, $0xD;
	s1 =	sshrl.u32 s1, $0x2  }
0xb9: {  	s3 =	sand.u32 $0x4000, s31;
	s1 =	sadd.s32 s1, s30  }
0xba: {  	s0 =	sor.u32 s3, s0;
	s1 =	sshll.u32 s1, $0x11  }
0xbb: {  	s0 =	sor.u32 s1, s0  }
0xbc: {  	s0 =	sadd.s32 $0x8F2B, s0  }
0xbd: {  	[sflag:s0] =	ssyncadd.remote.s32 $0x1  }
0xbe: {  	_ =	sfence.sel $0xFFFF  }
0xbf: {  	[dreg:$0x0] =	wrdreg $0xFFFFFFFF;
	(pc) =	sbr.abs _section_cstart, $3  }
0xc0: {  	[dreg:$0x1] =	wrdreg $0xFFFFFFFF  }
0xc1: {  	_ =	task.clear_ibuf [dreg:s6], $0x2FFFF;
	_ =	strace $0x9FFFFFFF  }
0xc2: {  	(tm) =	ssettm $0x7FFFFFFF  }
0xc3: {  	_ =	shalt  }
tec
execute0_lowered:
.L_overlay_start_1:
0x0: {  	(tag) =	ssettag $0x1  }
0x1: {  	s0 =	rddreg [dreg:$0x0]  }
0x2: {  	s1 =	rddreg [dreg:$0x1];
	s3 =	simm.s32 $0x0  }
0x3: {  	s12 =	stileid.u32;
	[smem:$0x7FF] =	sst s3  }
0x4: {  	s4 =	sadd.s32 $0x6F000, s0;
	s8 =	smul.u32 $0x4E000, s12;
	s5 =	sadd.s32 $0x96200, s0  }
0x5: {  	s6 =	sadd.s32 $0x68800, s0;
	s7 =	sadd.s32 $0x62000, s0;
	s14 =	smul.u32 $0x3400, s12  }
0x6: {  	s9 =	sadd.s32 $0xBD400, s0;
	s0 =	sadd.s32 $0xE4600, s0;
	_ =	strace $0x8000004A  }
0x7: {  	[dreg:$0x3] =	wrdreg s9;
	s8 =	sshrl.u32 s8, $0x2;
	s16 =	sshrl.u32 s14, $0x3  }
0x8: {  	[dreg:$0x4] =	wrdreg s0;
	s9 =	sadd.s32 s8, s1;
	s19 =	sadd.s32 s6, s16  }
0x9: {  	s2 =	srdreg.scid;
	s8 =	sadd.s32 $0x800, s9;
	[dreg:$0xe] =	wrdreg s19  }
0xa: {  	s2 =	sand.u32 $0x1, s2;
	s25 =	sadd.s32 $0x1000, s9;
	[dreg:$0x5] =	wrdreg s8  }
0xb: {  	s10 =	ssub.s32 $0x2, s2;
	s26 =	sadd.s32 $0x1800, s9;
	[dreg:$0x6] =	wrdreg s25  }
0xc: {  	s11 =	sshrl.u32 s10, $0x1;
	s28 =	sadd.s32 $0x2000, s9;
	[dreg:$0x7] =	wrdreg s26  }
0xd: {  	s24 =	ssub.s32 s10, s11;
	s10 =	sadd.s32 $0x2800, s9;
	[dreg:$0x8] =	wrdreg s28  }
0xe: {  	s11 =	sadd.s32 $0x3000, s9;
	[dreg:$0x9] =	wrdreg s10  }
0xf: {  	s13 =	sadd.s32 $0x3800, s9;
	[dreg:$0xa] =	wrdreg s11  }
0x10: {  	s15 =	sadd.s32 $0x4000, s9;
	[dreg:$0xb] =	wrdreg s13  }
0x11: {  	s18 =	sor.u32 $0x10, s16;
	s17 =	sadd.s32 $0x4800, s9;
	[dreg:$0xc] =	wrdreg s15  }
0x12: {  	s20 =	sadd.s32 s6, s18;
	[dreg:$0xd] =	wrdreg s17  }
0x13: {  	p0 =	seq.s32 s2, $0x1;
	s2 =	sadd.s32 s7, s18;
	[dreg:$0x10] =	wrdreg s20  }
0x14: {  	s0 =	smax.u32 s24, $0x1;
	[dreg:$0x11] =	wrdreg s2  }
0x15: {  	s21 =	sadd.s32 $0x5000, s9;
	[dreg:$0x12] =	wrdreg s0  }
0x16: {  	s22 =	sadd.s32 $0x5800, s9;
	[dreg:$0x13] =	wrdreg s21  }
0x17: {  	s23 =	sadd.s32 $0x6000, s9;
	[dreg:$0x14] =	wrdreg s22  }
0x18: {  	s24 =	sadd.s32 $0x6800, s9;
	[dreg:$0x15] =	wrdreg s23  }
0x19: {  	s18 =	sadd.s32 $0xC800, s9;
	[dreg:$0x16] =	wrdreg s24  }
0x1a: {  	s19 =	sadd.s32 $0xD000, s9;
	[smem:$0x7F4] =	sst s18  }
0x1b: {  	s8 =	sadd.s32 s7, s16;
	[smem:$0x7F5] =	sst s19  }
0x1c: {  	s25 =	sadd.s32 $0x7000, s9;
	[dreg:$0xf] =	wrdreg s8  }
0x1d: {  	s26 =	sadd.s32 $0x7800, s9;
	[dreg:$0x17] =	wrdreg s25  }
0x1e: {  	s28 =	sadd.s32 $0x8000, s9;
	[dreg:$0x18] =	wrdreg s26  }
0x1f: {  	s2 =	sadd.s32 $0x8800, s9;
	[dreg:$0x19] =	wrdreg s28  }
0x20: {  	s10 =	sadd.s32 $0x9800, s9;
	[dreg:$0x1a] =	wrdreg s2  }
0x21: {  	s11 =	sadd.s32 $0xA000, s9;
	[dreg:$0x1c] =	wrdreg s10  }
0x22: {  	s13 =	sadd.s32 $0xA800, s9;
	[dreg:$0x1d] =	wrdreg s11  }
0x23: {  	s15 =	sadd.s32 $0xB000, s9;
	[dreg:$0x1e] =	wrdreg s13  }
0x24: {  	s29 =	sadd.s32 $0x11800, s9;
	s16 =	sadd.s32 $0xB800, s9;
	[dreg:$0x1f] =	wrdreg s15  }
0x25: {  	s30 =	sadd.s32 $0x12000, s9;
	s17 =	sadd.s32 $0xC000, s9;
	[smem:$0x7F2] =	sst s16  }
0x26: {  	s31 =	sadd.s32 $0x12800, s9;
	s20 =	sadd.s32 $0xD800, s9;
	[smem:$0x7F3] =	sst s17  }
0x27: {  	s21 =	sadd.s32 $0xE000, s9;
	s22 =	sadd.s32 $0xE800, s9;
	[smem:$0x7F6] =	sst s20  }
0x28: {  	s23 =	sadd.s32 $0xF000, s9;
	s24 =	sadd.s32 $0xF800, s9;
	[smem:$0x7F7] =	sst s21  }
0x29: {  	s0 =	sadd.s32 $0x13000, s9;
	s18 =	simm.s32 $0x3400;
	[smem:$0x7F8] =	sst s22  }
0x2a: {  	s19 =	simm.s32 $0x1;
	s8 =	sadd.s32 $0x9000, s9;
	[smem:$0x7F9] =	sst s23  }
0x2b: {  	[smem:$0x7FA] =	sst s24;
	s25 =	sadd.s32 $0x10000, s9;
	s26 =	sadd.s32 $0x10800, s9  }
0x2c: {  	s28 =	sadd.s32 $0x11000, s9;
	s10 =	smul.u32 $0x2700, s12;
	s2 =	simm.s32 $0x6A00  }
.Ltmp0:
0x2d: {  	s11 =	simm.s32 $0x3;
	s12 =	simm.s32 $0x6800;
	(pc) =	sbr.rel .LBB2_1-.Ltmp0, $4  }
0x2e: {  	s13 =	simm.s32 $0x6900;
	s15 =	simm.s32 $0x6880;
	[dreg:$0x1b] =	wrdreg s8  }
0x2f: {  	s16 =	simm.s32 $0x6980;
	s17 =	simm.s32 $0x64;
	[smem:$0x7FB] =	sst s25  }
0x30: {  	s20 =	simm.s32 $0x4;
	s21 =	simm.s32 $0x2;
	[smem:$0x7FC] =	sst s26  }
0x31: {  	v0 =	vimm.f32 $0.0e+00;
	s22 =	simm.s32 $0x0;
	[smem:$0x7FD] =	sst s28;
	s8 =	sadd.s32 $0x13800, s9  }
.LBB2_6:
0x32: {  	[sflag:s19] =	ssyncadd.s32 $0xFFFFCE00  }
0x33: {  	[spmem:s1] =	stream.indirect.scatter.add.f32 [tilespmem:s3], [sflag:$0x4], $0x80, s13, s17, $0xb8;
	[tilespmem:$0x1AA80] =	vst v63  }
0x34: {  	_ =	swait.ge [sflag:s20], $0x3200  }
0x35: {  	s24 =	sshrl.u32 s26, $0x3;
	[sflag:s20] =	ssyncset.done $0x0  }
0x36: {  	s25 =	sadd.s32 s6, s24;
	[sflag:s20] =	ssyncadd.s32 $0xFFFFCE00  }
0x37: {  	[tilespmem:s12], [sflag:$0x4] =	stream.linear.gather [hbm4b:s25+s3], $0x80, $0x38;
	[tilespmem:$0x1AA80] =	vst v63  }
0x38: {  	_ =	swait.ge [sflag:s20], $0x80  }
0x39: {  	[sflag:s20] =	ssyncset.done $0x0  }
0x3a: {  	s24 =	sadd.s32 s7, s24;
	[sflag:s20] =	ssyncadd.s32 $0xFFFFFF80  }
0x3b: {  	[tilespmem:s13], [sflag:$0x4] =	stream.linear.gather [hbm4b:s24+s3], $0x80, $0x38;
	[tilespmem:$0x1AA80] =	vst v63  }
0x3c: {  	_ =	swait.ge [sflag:s20], $0x80  }
0x3d: {  	[sflag:s20] =	ssyncset.done $0x0  }
0x3e: {  	[sflag:s20] =	ssyncadd.s32 $0xFFFFFF80  }
0x3f: {  	[tilespmem:s3], [sflag:$0x1] =	stream.indirect.gather [hbm4b:s4+s17], $0x80, s12, s17, $0xb8;
	[tilespmem:$0x1AA80] =	vst v63  }
0x40: {  	_ =	swait.ge [sflag:s21], $0x3200  }
0x41: {  	s25 =	sand.u32 $0x7C00, s23;
	[sflag:s21] =	ssyncset.done $0x0  }
0x42: {  	s26 =	sand.u32 $0x380, s23;
	s24 =	sadd.s32 s14, s25;
	[sflag:s21] =	ssyncadd.s32 $0xFFFFCE00  }
0x43: {  	[spmem:s1] =	stream.indirect.scatter.add.f32 [tilespmem:s18], [sflag:$0x4], $0x80, s16, s17, $0xb8;
	[tilespmem:$0x1AA80] =	vst v63  }
0x44: {  	s23 =	sor.u32 s26, s24;
	_ =	swait.ge [sflag:s20], $0x3200  }
0x45: {  	s23 =	sshrl.u32 s23, $0x3;
	[sflag:s20] =	ssyncset.done $0x0  }
0x46: {  	s28 =	sadd.s32 s6, s23;
	[sflag:s20] =	ssyncadd.s32 $0xFFFFCE00  }
0x47: {  	[tilespmem:s15], [sflag:$0x4] =	stream.linear.gather [hbm4b:s28+s3], $0x80, $0x38;
	[tilespmem:$0x1AA80] =	vst v63  }
0x48: {  	_ =	swait.ge [sflag:s20], $0x80  }
0x49: {  	[sflag:s20] =	ssyncset.done $0x0  }
0x4a: {  	s23 =	sadd.s32 s7, s23;
	[sflag:s20] =	ssyncadd.s32 $0xFFFFFF80  }
0x4b: {  	[tilespmem:s16], [sflag:$0x3] =	stream.linear.gather [hbm4b:s23+s3], $0x80, $0x38;
	[tilespmem:$0x1AA80] =	vst v63  }
0x4c: {  	_ =	swait.ge [sflag:s11], $0x80  }
0x4d: {  	[sflag:s11] =	ssyncset.done $0x0  }
0x4e: {  	[sflag:s11] =	ssyncadd.s32 $0xFFFFFF80  }
0x4f: {  	[tilespmem:s18], [sflag:$0x2] =	stream.indirect.gather [hbm4b:s4+s17], $0x80, s15, s17, $0xb8;
	[tilespmem:$0x1AA80] =	vst v63  }
0x50: {  	_ =	swait.ge [sflag:s19], $0x3200  }
0x51: {  	[sflag:s19] =	ssyncset.done $0x0  }
0x52: {  	[sflag:s19] =	ssyncadd.s32 $0xFFFFCE00  }
0x53: {  	[spmem:s1] =	stream.indirect.scatter.add.f32 [tilespmem:s3], [sflag:$0x4], $0x80, s13, s17, $0xb8;
	[tilespmem:$0x1AA80] =	vst v63  }
0x54: {  	_ =	swait.ge [sflag:s20], $0x3200  }
0x55: {  	[sflag:s20] =	ssyncset.done $0x0  }
0x56: {  	s23 =	rddreg [dreg:$0x3];
	[sflag:s20] =	ssyncadd.s32 $0xFFFFCE00  }
.LBB2_10:
0x57: {  	_ =	swait.ge [sflag:s21], $0x3200  }
0x58: {  	[sflag:s21] =	ssyncset.done $0x0  }
0x59: {  	[sflag:s21] =	ssyncadd.s32 $0xFFFFCE00  }
0x5a: {  	[spmem:s1] =	stream.indirect.scatter.add.f32 [tilespmem:s18], [sflag:$0x4], $0x80, s16, s17, $0xb8;
	[tilespmem:$0x1AA80] =	vst v63  }
0x5b: {  	_ =	swait.ge [sflag:s20], $0x3200  }
0x5c: {  	s24 =	stileid.u32;
	[sflag:s20] =	ssyncset.done $0x0  }
0x5d: {  	s23 =	sadd.s32 s23, s10;
	s24 =	sshll.u32 s24, $0x6;
	[sflag:s20] =	ssyncadd.s32 $0xFFFFCE00  }
0x5e: {  	s25 =	sshrl.u32 s9, $0x3;
	s24 =	sor.u32 $0x1C03, s24;
	[bflag:$0x0] =	sbarrier.arrive $0xFFFF  }
0x5f: {  	[hbm:s23], [sflag:s24] =	dma.local [spmem:s25], $0x2800  }
0x60: {  	_ =	swait.ge [sflag:s11], $0x2800  }
0x61: {  	s22 =	sadd.s32 $0x1, s22;
	s28 =	rddreg [dreg:$0x12]  }
0x62: {  	p1 =	sne.s32 s22, s28  }
.Ltmp1:
0x63: {  	_ = 	snop;
	(pc) =	sbr.rel @!p1 .LBB2_11-.Ltmp1, $3  }
0x64: {  	_ =	sdelay $0x1  }
0x65: {  	[sflag:s11] =	ssyncset.done $0x0  }
0x66: {  	[sflag:s11] =	ssyncadd.s32 $0xFFFFD800  }
.LBB2_1:
0x67: {  	s23 =	simm.s32 $0x0;
	s24 =	simm.s32 $0x200  }
.LBB2_2:
0x68: {  	p1 =	sne.s32 s24, $0x1E00;
	[tilespmem:s23+$0x6A70] =	vst v0  }
0x69: {  	[tilespmem:s23+$0x6A00] =	vst v0  }
0x6a: {  	[tilespmem:s23+$0x6A10] =	vst v0  }
.Ltmp2:
0x6b: {  	[tilespmem:s23+$0x6A20] =	vst v0;
	(pc) =	sbr.rel @p1 .LBB2_2-.Ltmp2, $4  }
0x6c: {  	[tilespmem:s23+$0x6A30] =	vst v0  }
0x6d: {  	[tilespmem:s23+$0x6A40] =	vst v0  }
0x6e: {  	[tilespmem:s23+$0x6A50] =	vst v0  }
0x6f: {  	[tilespmem:s23+$0x6A60] =	vst v0;
	s23 =	sshra.s32 s24, $0x2;
	s24 =	sadd.s32 $0x200, s24  }
0x70: {  	[tilespmem:s23+$0x6A70] =	vst v0  }
0x71: {  	[tilespmem:s23+$0x6A00] =	vst v0  }
0x72: {  	[tilespmem:s23+$0x6A10] =	vst v0  }
0x73: {  	[tilespmem:s23+$0x6A20] =	vst v0  }
0x74: {  	[tilespmem:s23+$0x6A30] =	vst v0  }
0x75: {  	[tilespmem:s23+$0x6A40] =	vst v0  }
0x76: {  	[tilespmem:s23+$0x6A50] =	vst v0  }
0x77: {  	[tilespmem:s23+$0x6A60] =	vst v0  }
0x78: {  	[spmem:s9] =	stream.linear.scatter [tilespmem:s2], [sflag:$0x3], $0x800, $0x38;
	[tilespmem:$0x1AA80] =	vst v63  }
0x79: {  	_ =	swait.ge [sflag:s11], $0x800  }
0x7a: {  	[sflag:s11] =	ssyncset.done $0x0  }
0x7b: {  	s26 =	rddreg [dreg:$0x5];
	[sflag:s11] =	ssyncadd.s32 $0xFFFFF800  }
0x7c: {  	[spmem:s26] =	stream.linear.scatter [tilespmem:s2], [sflag:$0x3], $0x800, $0x38;
	[tilespmem:$0x1AA80] =	vst v63  }
0x7d: {  	_ =	swait.ge [sflag:s11], $0x800  }
0x7e: {  	[sflag:s11] =	ssyncset.done $0x0  }
0x7f: {  	s28 =	rddreg [dreg:$0x6];
	[sflag:s11] =	ssyncadd.s32 $0xFFFFF800  }
0x80: {  	[spmem:s28] =	stream.linear.scatter [tilespmem:s2], [sflag:$0x3], $0x800, $0x38;
	[tilespmem:$0x1AA80] =	vst v63  }
0x81: {  	_ =	swait.ge [sflag:s11], $0x800  }
0x82: {  	[sflag:s11] =	ssyncset.done $0x0  }
0x83: {  	s24 =	rddreg [dreg:$0x7];
	[sflag:s11] =	ssyncadd.s32 $0xFFFFF800  }
0x84: {  	[spmem:s24] =	stream.linear.scatter [tilespmem:s2], [sflag:$0x3], $0x800, $0x38;
	[tilespmem:$0x1AA80] =	vst v63  }
0x85: {  	_ =	swait.ge [sflag:s11], $0x800  }
0x86: {  	[sflag:s11] =	ssyncset.done $0x0  }
0x87: {  	s25 =	rddreg [dreg:$0x8];
	[sflag:s11] =	ssyncadd.s32 $0xFFFFF800  }
0x88: {  	[spmem:s25] =	stream.linear.scatter [tilespmem:s2], [sflag:$0x3], $0x800, $0x38;
	[tilespmem:$0x1AA80] =	vst v63  }
0x89: {  	_ =	swait.ge [sflag:s11], $0x800  }
0x8a: {  	[sflag:s11] =	ssyncset.done $0x0  }
0x8b: {  	s26 =	rddreg [dreg:$0x9];
	[sflag:s11] =	ssyncadd.s32 $0xFFFFF800  }
0x8c: {  	[spmem:s26] =	stream.linear.scatter [tilespmem:s2], [sflag:$0x3], $0x800, $0x38;
	[tilespmem:$0x1AA80] =	vst v63  }
0x8d: {  	_ =	swait.ge [sflag:s11], $0x800  }
0x8e: {  	[sflag:s11] =	ssyncset.done $0x0  }
0x8f: {  	s28 =	rddreg [dreg:$0xa];
	[sflag:s11] =	ssyncadd.s32 $0xFFFFF800  }
0x90: {  	[spmem:s28] =	stream.linear.scatter [tilespmem:s2], [sflag:$0x3], $0x800, $0x38;
	[tilespmem:$0x1AA80] =	vst v63  }
0x91: {  	_ =	swait.ge [sflag:s11], $0x800  }
0x92: {  	[sflag:s11] =	ssyncset.done $0x0  }
0x93: {  	s24 =	rddreg [dreg:$0xb];
	[sflag:s11] =	ssyncadd.s32 $0xFFFFF800  }
0x94: {  	[spmem:s24] =	stream.linear.scatter [tilespmem:s2], [sflag:$0x3], $0x800, $0x38;
	[tilespmem:$0x1AA80] =	vst v63  }
0x95: {  	_ =	swait.ge [sflag:s11], $0x800  }
0x96: {  	[sflag:s11] =	ssyncset.done $0x0  }
0x97: {  	s25 =	rddreg [dreg:$0xc];
	[sflag:s11] =	ssyncadd.s32 $0xFFFFF800  }
0x98: {  	[spmem:s25] =	stream.linear.scatter [tilespmem:s2], [sflag:$0x3], $0x800, $0x38;
	[tilespmem:$0x1AA80] =	vst v63  }
0x99: {  	_ =	swait.ge [sflag:s11], $0x800  }
0x9a: {  	[sflag:s11] =	ssyncset.done $0x0  }
0x9b: {  	s26 =	rddreg [dreg:$0xd];
	[sflag:s11] =	ssyncadd.s32 $0xFFFFF800  }
0x9c: {  	[spmem:s26] =	stream.linear.scatter [tilespmem:s2], [sflag:$0x3], $0x800, $0x38;
	[tilespmem:$0x1AA80] =	vst v63  }
0x9d: {  	_ =	swait.ge [sflag:s11], $0x800  }
0x9e: {  	[sflag:s11] =	ssyncset.done $0x0  }
0x9f: {  	s28 =	rddreg [dreg:$0x13];
	[sflag:s11] =	ssyncadd.s32 $0xFFFFF800  }
0xa0: {  	[spmem:s28] =	stream.linear.scatter [tilespmem:s2], [sflag:$0x3], $0x800, $0x38;
	[tilespmem:$0x1AA80] =	vst v63  }
0xa1: {  	_ =	swait.ge [sflag:s11], $0x800  }
0xa2: {  	[sflag:s11] =	ssyncset.done $0x0  }
0xa3: {  	s24 =	rddreg [dreg:$0x14];
	[sflag:s11] =	ssyncadd.s32 $0xFFFFF800  }
0xa4: {  	[spmem:s24] =	stream.linear.scatter [tilespmem:s2], [sflag:$0x3], $0x800, $0x38;
	[tilespmem:$0x1AA80] =	vst v63  }
0xa5: {  	_ =	swait.ge [sflag:s11], $0x800  }
0xa6: {  	[sflag:s11] =	ssyncset.done $0x0  }
0xa7: {  	s25 =	rddreg [dreg:$0x15];
	[sflag:s11] =	ssyncadd.s32 $0xFFFFF800  }
0xa8: {  	[spmem:s25] =	stream.linear.scatter [tilespmem:s2], [sflag:$0x3], $0x800, $0x38;
	[tilespmem:$0x1AA80] =	vst v63  }
0xa9: {  	_ =	swait.ge [sflag:s11], $0x800  }
0xaa: {  	[sflag:s11] =	ssyncset.done $0x0  }
0xab: {  	s26 =	rddreg [dreg:$0x16];
	[sflag:s11] =	ssyncadd.s32 $0xFFFFF800  }
0xac: {  	[spmem:s26] =	stream.linear.scatter [tilespmem:s2], [sflag:$0x3], $0x800, $0x38;
	[tilespmem:$0x1AA80] =	vst v63  }
0xad: {  	_ =	swait.ge [sflag:s11], $0x800  }
0xae: {  	[sflag:s11] =	ssyncset.done $0x0  }
0xaf: {  	s28 =	rddreg [dreg:$0x17];
	[sflag:s11] =	ssyncadd.s32 $0xFFFFF800  }
0xb0: {  	[spmem:s28] =	stream.linear.scatter [tilespmem:s2], [sflag:$0x3], $0x800, $0x38;
	[tilespmem:$0x1AA80] =	vst v63  }
0xb1: {  	_ =	swait.ge [sflag:s11], $0x800  }
0xb2: {  	[sflag:s11] =	ssyncset.done $0x0  }
0xb3: {  	s24 =	rddreg [dreg:$0x18];
	[sflag:s11] =	ssyncadd.s32 $0xFFFFF800  }
0xb4: {  	[spmem:s24] =	stream.linear.scatter [tilespmem:s2], [sflag:$0x3], $0x800, $0x38;
	[tilespmem:$0x1AA80] =	vst v63  }
0xb5: {  	_ =	swait.ge [sflag:s11], $0x800  }
0xb6: {  	[sflag:s11] =	ssyncset.done $0x0  }
0xb7: {  	s25 =	rddreg [dreg:$0x19];
	[sflag:s11] =	ssyncadd.s32 $0xFFFFF800  }
0xb8: {  	[spmem:s25] =	stream.linear.scatter [tilespmem:s2], [sflag:$0x3], $0x800, $0x38;
	[tilespmem:$0x1AA80] =	vst v63  }
0xb9: {  	_ =	swait.ge [sflag:s11], $0x800  }
0xba: {  	[sflag:s11] =	ssyncset.done $0x0  }
0xbb: {  	s26 =	rddreg [dreg:$0x1a];
	[sflag:s11] =	ssyncadd.s32 $0xFFFFF800  }
0xbc: {  	[spmem:s26] =	stream.linear.scatter [tilespmem:s2], [sflag:$0x3], $0x800, $0x38;
	[tilespmem:$0x1AA80] =	vst v63  }
0xbd: {  	_ =	swait.ge [sflag:s11], $0x800  }
0xbe: {  	[sflag:s11] =	ssyncset.done $0x0  }
0xbf: {  	s28 =	rddreg [dreg:$0x1b];
	[sflag:s11] =	ssyncadd.s32 $0xFFFFF800  }
0xc0: {  	[spmem:s28] =	stream.linear.scatter [tilespmem:s2], [sflag:$0x3], $0x800, $0x38;
	[tilespmem:$0x1AA80] =	vst v63  }
0xc1: {  	_ =	swait.ge [sflag:s11], $0x800  }
0xc2: {  	[sflag:s11] =	ssyncset.done $0x0  }
0xc3: {  	s24 =	rddreg [dreg:$0x1c];
	[sflag:s11] =	ssyncadd.s32 $0xFFFFF800  }
0xc4: {  	[spmem:s24] =	stream.linear.scatter [tilespmem:s2], [sflag:$0x3], $0x800, $0x38;
	[tilespmem:$0x1AA80] =	vst v63  }
0xc5: {  	_ =	swait.ge [sflag:s11], $0x800  }
0xc6: {  	[sflag:s11] =	ssyncset.done $0x0  }
0xc7: {  	s25 =	rddreg [dreg:$0x1d];
	[sflag:s11] =	ssyncadd.s32 $0xFFFFF800  }
0xc8: {  	[spmem:s25] =	stream.linear.scatter [tilespmem:s2], [sflag:$0x3], $0x800, $0x38;
	[tilespmem:$0x1AA80] =	vst v63  }
0xc9: {  	_ =	swait.ge [sflag:s11], $0x800  }
0xca: {  	[sflag:s11] =	ssyncset.done $0x0  }
0xcb: {  	s26 =	rddreg [dreg:$0x1e];
	[sflag:s11] =	ssyncadd.s32 $0xFFFFF800  }
0xcc: {  	[spmem:s26] =	stream.linear.scatter [tilespmem:s2], [sflag:$0x3], $0x800, $0x38;
	[tilespmem:$0x1AA80] =	vst v63  }
0xcd: {  	_ =	swait.ge [sflag:s11], $0x800  }
0xce: {  	[sflag:s11] =	ssyncset.done $0x0  }
0xcf: {  	s28 =	rddreg [dreg:$0x1f];
	[sflag:s11] =	ssyncadd.s32 $0xFFFFF800  }
0xd0: {  	[spmem:s28] =	stream.linear.scatter [tilespmem:s2], [sflag:$0x3], $0x800, $0x38;
	[tilespmem:$0x1AA80] =	vst v63  }
0xd1: {  	_ =	swait.ge [sflag:s11], $0x800  }
0xd2: {  	s24 =	sld [smem:$0x7F2]  }
0xd3: {  	[sflag:s11] =	ssyncset.done $0x0  }
0xd4: {  	[sflag:s11] =	ssyncadd.s32 $0xFFFFF800  }
0xd5: {  	[spmem:s24] =	stream.linear.scatter [tilespmem:s2], [sflag:$0x3], $0x800, $0x38;
	[tilespmem:$0x1AA80] =	vst v63  }
0xd6: {  	_ =	swait.ge [sflag:s11], $0x800  }
0xd7: {  	s25 =	sld [smem:$0x7F3]  }
0xd8: {  	[sflag:s11] =	ssyncset.done $0x0  }
0xd9: {  	[sflag:s11] =	ssyncadd.s32 $0xFFFFF800  }
0xda: {  	[spmem:s25] =	stream.linear.scatter [tilespmem:s2], [sflag:$0x3], $0x800, $0x38;
	[tilespmem:$0x1AA80] =	vst v63  }
0xdb: {  	_ =	swait.ge [sflag:s11], $0x800  }
0xdc: {  	s26 =	sld [smem:$0x7F4]  }
0xdd: {  	[sflag:s11] =	ssyncset.done $0x0  }
0xde: {  	[sflag:s11] =	ssyncadd.s32 $0xFFFFF800  }
0xdf: {  	[spmem:s26] =	stream.linear.scatter [tilespmem:s2], [sflag:$0x3], $0x800, $0x38;
	[tilespmem:$0x1AA80] =	vst v63  }
0xe0: {  	_ =	swait.ge [sflag:s11], $0x800  }
0xe1: {  	s28 =	sld [smem:$0x7F5]  }
0xe2: {  	[sflag:s11] =	ssyncset.done $0x0  }
0xe3: {  	[sflag:s11] =	ssyncadd.s32 $0xFFFFF800  }
0xe4: {  	[spmem:s28] =	stream.linear.scatter [tilespmem:s2], [sflag:$0x3], $0x800, $0x38;
	[tilespmem:$0x1AA80] =	vst v63  }
0xe5: {  	_ =	swait.ge [sflag:s11], $0x800  }
0xe6: {  	s24 =	sld [smem:$0x7F6]  }
0xe7: {  	[sflag:s11] =	ssyncset.done $0x0  }
0xe8: {  	[sflag:s11] =	ssyncadd.s32 $0xFFFFF800  }
0xe9: {  	[spmem:s24] =	stream.linear.scatter [tilespmem:s2], [sflag:$0x3], $0x800, $0x38;
	[tilespmem:$0x1AA80] =	vst v63  }
0xea: {  	_ =	swait.ge [sflag:s11], $0x800  }
0xeb: {  	s25 =	sld [smem:$0x7F7]  }
0xec: {  	[sflag:s11] =	ssyncset.done $0x0  }
0xed: {  	[sflag:s11] =	ssyncadd.s32 $0xFFFFF800  }
0xee: {  	[spmem:s25] =	stream.linear.scatter [tilespmem:s2], [sflag:$0x3], $0x800, $0x38;
	[tilespmem:$0x1AA80] =	vst v63  }
0xef: {  	_ =	swait.ge [sflag:s11], $0x800  }
0xf0: {  	s26 =	sld [smem:$0x7F8]  }
0xf1: {  	[sflag:s11] =	ssyncset.done $0x0  }
0xf2: {  	[sflag:s11] =	ssyncadd.s32 $0xFFFFF800  }
0xf3: {  	[spmem:s26] =	stream.linear.scatter [tilespmem:s2], [sflag:$0x3], $0x800, $0x38;
	[tilespmem:$0x1AA80] =	vst v63  }
0xf4: {  	_ =	swait.ge [sflag:s11], $0x800  }
0xf5: {  	s28 =	sld [smem:$0x7F9]  }
0xf6: {  	[sflag:s11] =	ssyncset.done $0x0  }
0xf7: {  	[sflag:s11] =	ssyncadd.s32 $0xFFFFF800  }
0xf8: {  	[spmem:s28] =	stream.linear.scatter [tilespmem:s2], [sflag:$0x3], $0x800, $0x38;
	[tilespmem:$0x1AA80] =	vst v63  }
0xf9: {  	_ =	swait.ge [sflag:s11], $0x800  }
0xfa: {  	s24 =	sld [smem:$0x7FA]  }
0xfb: {  	[sflag:s11] =	ssyncset.done $0x0  }
0xfc: {  	[sflag:s11] =	ssyncadd.s32 $0xFFFFF800  }
0xfd: {  	[spmem:s24] =	stream.linear.scatter [tilespmem:s2], [sflag:$0x3], $0x800, $0x38;
	[tilespmem:$0x1AA80] =	vst v63  }
0xfe: {  	_ =	swait.ge [sflag:s11], $0x800  }
0xff: {  	s25 =	sld [smem:$0x7FB]  }
0x100: {  	[sflag:s11] =	ssyncset.done $0x0  }
0x101: {  	[sflag:s11] =	ssyncadd.s32 $0xFFFFF800  }
0x102: {  	[spmem:s25] =	stream.linear.scatter [tilespmem:s2], [sflag:$0x3], $0x800, $0x38;
	[tilespmem:$0x1AA80] =	vst v63  }
0x103: {  	_ =	swait.ge [sflag:s11], $0x800  }
0x104: {  	s26 =	sld [smem:$0x7FC]  }
0x105: {  	[sflag:s11] =	ssyncset.done $0x0  }
0x106: {  	[sflag:s11] =	ssyncadd.s32 $0xFFFFF800  }
0x107: {  	[spmem:s26] =	stream.linear.scatter [tilespmem:s2], [sflag:$0x3], $0x800, $0x38;
	[tilespmem:$0x1AA80] =	vst v63  }
0x108: {  	_ =	swait.ge [sflag:s11], $0x800  }
0x109: {  	s28 =	sld [smem:$0x7FD]  }
0x10a: {  	[sflag:s11] =	ssyncset.done $0x0  }
0x10b: {  	[sflag:s11] =	ssyncadd.s32 $0xFFFFF800  }
0x10c: {  	[spmem:s28] =	stream.linear.scatter [tilespmem:s2], [sflag:$0x3], $0x800, $0x38;
	[tilespmem:$0x1AA80] =	vst v63  }
0x10d: {  	_ =	swait.ge [sflag:s11], $0x800  }
0x10e: {  	[sflag:s11] =	ssyncset.done $0x0  }
0x10f: {  	[sflag:s11] =	ssyncadd.s32 $0xFFFFF800  }
0x110: {  	[spmem:s29] =	stream.linear.scatter [tilespmem:s2], [sflag:$0x3], $0x800, $0x38;
	[tilespmem:$0x1AA80] =	vst v63  }
0x111: {  	_ =	swait.ge [sflag:s11], $0x800  }
0x112: {  	[sflag:s11] =	ssyncset.done $0x0  }
0x113: {  	[sflag:s11] =	ssyncadd.s32 $0xFFFFF800  }
0x114: {  	[spmem:s30] =	stream.linear.scatter [tilespmem:s2], [sflag:$0x3], $0x800, $0x38;
	[tilespmem:$0x1AA80] =	vst v63  }
0x115: {  	_ =	swait.ge [sflag:s11], $0x800  }
0x116: {  	[sflag:s11] =	ssyncset.done $0x0  }
0x117: {  	[sflag:s11] =	ssyncadd.s32 $0xFFFFF800  }
0x118: {  	[spmem:s31] =	stream.linear.scatter [tilespmem:s2], [sflag:$0x3], $0x800, $0x38;
	[tilespmem:$0x1AA80] =	vst v63  }
0x119: {  	_ =	swait.ge [sflag:s11], $0x800  }
0x11a: {  	[sflag:s11] =	ssyncset.done $0x0  }
0x11b: {  	[sflag:s11] =	ssyncadd.s32 $0xFFFFF800  }
0x11c: {  	[spmem:s0] =	stream.linear.scatter [tilespmem:s2], [sflag:$0x3], $0x800, $0x38;
	[tilespmem:$0x1AA80] =	vst v63  }
0x11d: {  	_ =	swait.ge [sflag:s11], $0x800  }
0x11e: {  	[sflag:s11] =	ssyncset.done $0x0  }
0x11f: {  	[sflag:s11] =	ssyncadd.s32 $0xFFFFF800  }
0x120: {  	[spmem:s8] =	stream.linear.scatter [tilespmem:s2], [sflag:$0x3], $0x800, $0x38;
	[tilespmem:$0x1AA80] =	vst v63  }
0x121: {  	_ =	swait.ge [sflag:s11], $0x800  }
0x122: {  	[sflag:s11] =	ssyncset.done $0x0  }
0x123: {  	[sflag:s11] =	ssyncadd.s32 $0xFFFFF800  }
0x124: {  	[bflag:$0x0] =	sbarrier.arrive $0xFFFF  }
0x125: {  	s24 =	rddreg [dreg:$0xe]  }
0x126: {  	[tilespmem:s12], [sflag:$0x3] =	stream.linear.gather [hbm4b:s24+s3], $0x80, $0x38;
	[tilespmem:$0x1AA80] =	vst v63  }
0x127: {  	_ =	swait.ge [sflag:s11], $0x80  }
0x128: {  	[sflag:s11] =	ssyncset.done $0x0  }
0x129: {  	s25 =	rddreg [dreg:$0xf];
	[sflag:s11] =	ssyncadd.s32 $0xFFFFFF80  }
0x12a: {  	[tilespmem:s13], [sflag:$0x3] =	stream.linear.gather [hbm4b:s25+s3], $0x80, $0x38;
	[tilespmem:$0x1AA80] =	vst v63  }
0x12b: {  	_ =	swait.ge [sflag:s11], $0x80  }
0x12c: {  	[sflag:s11] =	ssyncset.done $0x0  }
0x12d: {  	s26 =	rddreg [dreg:$0x10];
	[sflag:s11] =	ssyncadd.s32 $0xFFFFFF80  }
0x12e: {  	[tilespmem:s15], [sflag:$0x3] =	stream.linear.gather [hbm4b:s26+s3], $0x80, $0x38;
	[tilespmem:$0x1AA80] =	vst v63  }
0x12f: {  	_ =	swait.ge [sflag:s11], $0x80  }
0x130: {  	[sflag:s11] =	ssyncset.done $0x0  }
.Ltmp3:
0x131: {  	s28 =	rddreg [dreg:$0x11];
	[sflag:s11] =	ssyncadd.s32 $0xFFFFFF80;
	(pc) =	sbr.rel @!p0 .LBB2_4-.Ltmp3, $4  }
0x132: {  	[tilespmem:s16], [sflag:$0x3] =	stream.linear.gather [hbm4b:s28+s3], $0x80, $0x38;
	[tilespmem:$0x1AA80] =	vst v63  }
0x133: {  	_ =	swait.ge [sflag:s11], $0x80  }
0x134: {  	[sflag:s11] =	ssyncset.done $0x0  }
0x135: {  	[sflag:s11] =	ssyncadd.s32 $0xFFFFFF80  }
0x136: {  	[tilespmem:s3], [sflag:$0x1] =	stream.indirect.gather [hbm4b:s5+s17], $0x80, s12, s17, $0xb8;
	[tilespmem:$0x1AA80] =	vst v63  }
0x137: {  	_ = 	snop  }
0x138: {  	[tilespmem:s18], [sflag:$0x2] =	stream.indirect.gather [hbm4b:s5+s17], $0x80, s15, s17, $0xb8;
	[tilespmem:$0x1AA80] =	vst v63  }
0x139: {  	s23 =	simm.s32 $0x100;
	_ =	swait.ge [sflag:s19], $0x3200  }
0x13a: {  	s24 =	sand.u32 $0x7C00, s23;
	[sflag:s19] =	ssyncset.done $0x0  }
0x13b: {  	s23 =	sand.u32 $0x300, s23;
	s24 =	sadd.s32 s14, s24;
	[sflag:s19] =	ssyncadd.s32 $0xFFFFCE00  }
0x13c: {  	[spmem:s1] =	stream.indirect.scatter.add.f32 [tilespmem:s3], [sflag:$0x4], $0x80, s13, s17, $0xb8;
	[tilespmem:$0x1AA80] =	vst v63  }
0x13d: {  	s23 =	sor.u32 s23, s24;
	_ =	swait.ge [sflag:s20], $0x3200  }
0x13e: {  	s23 =	sshrl.u32 s23, $0x3;
	[sflag:s20] =	ssyncset.done $0x0  }
0x13f: {  	s26 =	sadd.s32 s6, s23;
	[sflag:s20] =	ssyncadd.s32 $0xFFFFCE00  }
0x140: {  	[tilespmem:s12], [sflag:$0x4] =	stream.linear.gather [hbm4b:s26+s3], $0x80, $0x38;
	[tilespmem:$0x1AA80] =	vst v63  }
0x141: {  	_ =	swait.ge [sflag:s20], $0x80  }
0x142: {  	[sflag:s20] =	ssyncset.done $0x0  }
0x143: {  	s23 =	sadd.s32 s7, s23;
	[sflag:s20] =	ssyncadd.s32 $0xFFFFFF80  }
0x144: {  	[tilespmem:s13], [sflag:$0x4] =	stream.linear.gather [hbm4b:s23+s3], $0x80, $0x38;
	[tilespmem:$0x1AA80] =	vst v63  }
0x145: {  	_ =	swait.ge [sflag:s20], $0x80  }
0x146: {  	[sflag:s20] =	ssyncset.done $0x0  }
0x147: {  	[sflag:s20] =	ssyncadd.s32 $0xFFFFFF80  }
0x148: {  	[tilespmem:s3], [sflag:$0x1] =	stream.indirect.gather [hbm4b:s5+s17], $0x80, s12, s17, $0xb8;
	[tilespmem:$0x1AA80] =	vst v63  }
0x149: {  	s28 =	simm.s32 $0x180;
	_ =	swait.ge [sflag:s21], $0x3200  }
0x14a: {  	s25 =	sand.u32 $0x7C00, s28;
	[sflag:s21] =	ssyncset.done $0x0  }
0x14b: {  	s24 =	sadd.s32 s14, s25;
	s23 =	sand.u32 $0x380, s28;
	[sflag:s21] =	ssyncadd.s32 $0xFFFFCE00  }
0x14c: {  	[spmem:s1] =	stream.indirect.scatter.add.f32 [tilespmem:s18], [sflag:$0x4], $0x80, s16, s17, $0xb8;
	[tilespmem:$0x1AA80] =	vst v63  }
0x14d: {  	s23 =	sor.u32 s23, s24;
	_ =	swait.ge [sflag:s20], $0x3200  }
0x14e: {  	s23 =	sshrl.u32 s23, $0x3;
	[sflag:s20] =	ssyncset.done $0x0  }
0x14f: {  	s26 =	sadd.s32 s6, s23;
	[sflag:s20] =	ssyncadd.s32 $0xFFFFCE00  }
0x150: {  	[tilespmem:s15], [sflag:$0x4] =	stream.linear.gather [hbm4b:s26+s3], $0x80, $0x38;
	[tilespmem:$0x1AA80] =	vst v63  }
0x151: {  	_ =	swait.ge [sflag:s20], $0x80  }
0x152: {  	[sflag:s20] =	ssyncset.done $0x0  }
0x153: {  	s23 =	sadd.s32 s7, s23;
	[sflag:s20] =	ssyncadd.s32 $0xFFFFFF80  }
0x154: {  	[tilespmem:s16], [sflag:$0x3] =	stream.linear.gather [hbm4b:s23+s3], $0x80, $0x38;
	[tilespmem:$0x1AA80] =	vst v63  }
0x155: {  	_ =	swait.ge [sflag:s11], $0x80  }
0x156: {  	s28 =	simm.s32 $0x200;
	[sflag:s11] =	ssyncset.done $0x0  }
0x157: {  	s25 =	sand.u32 $0x7C00, s28;
	s24 =	sand.u32 $0x300, s28;
	[sflag:s11] =	ssyncadd.s32 $0xFFFFFF80  }
0x158: {  	[tilespmem:s18], [sflag:$0x2] =	stream.indirect.gather [hbm4b:s5+s17], $0x80, s15, s17, $0xb8;
	[tilespmem:$0x1AA80] =	vst v63  }
0x159: {  	s26 =	sadd.s32 s14, s25;
	s25 =	simm.s32 $0x380;
	_ =	swait.ge [sflag:s19], $0x3200  }
0x15a: {  	s26 =	sor.u32 s24, s26;
	s23 =	simm.s32 $0x280;
	[sflag:s19] =	ssyncset.done $0x0  }
.LBB2_8:
0x15b: {  	s26 =	sshrl.u32 s26, $0x3  }
0x15c: {  	[sflag:s19] =	ssyncadd.s32 $0xFFFFCE00;
	s28 =	smov.u32 s25;
	s24 =	sadd.s32 $0x100, s25  }
0x15d: {  	[spmem:s1] =	stream.indirect.scatter.add.f32 [tilespmem:s3], [sflag:$0x4], $0x80, s13, s17, $0xb8;
	[tilespmem:$0x1AA80] =	vst v63  }
0x15e: {  	p1 =	sne.s32 s25, $0x3180;
	_ =	swait.ge [sflag:s20], $0x3200  }
0x15f: {  	[sflag:s20] =	ssyncset.done $0x0  }
0x160: {  	s25 =	sadd.s32 s6, s26;
	[sflag:s20] =	ssyncadd.s32 $0xFFFFCE00  }
0x161: {  	[tilespmem:s12], [sflag:$0x4] =	stream.linear.gather [hbm4b:s25+s3], $0x80, $0x38;
	[tilespmem:$0x1AA80] =	vst v63  }
0x162: {  	_ =	swait.ge [sflag:s20], $0x80  }
0x163: {  	[sflag:s20] =	ssyncset.done $0x0  }
0x164: {  	s25 =	sadd.s32 s7, s26;
	[sflag:s20] =	ssyncadd.s32 $0xFFFFFF80  }
0x165: {  	[tilespmem:s13], [sflag:$0x4] =	stream.linear.gather [hbm4b:s25+s3], $0x80, $0x38;
	[tilespmem:$0x1AA80] =	vst v63  }
0x166: {  	_ =	swait.ge [sflag:s20], $0x80  }
0x167: {  	[sflag:s20] =	ssyncset.done $0x0  }
0x168: {  	[sflag:s20] =	ssyncadd.s32 $0xFFFFFF80  }
0x169: {  	[tilespmem:s3], [sflag:$0x1] =	stream.indirect.gather [hbm4b:s5+s17], $0x80, s12, s17, $0xb8;
	[tilespmem:$0x1AA80] =	vst v63  }
0x16a: {  	_ =	swait.ge [sflag:s21], $0x3200  }
0x16b: {  	[sflag:s21] =	ssyncset.done $0x0  }
0x16c: {  	s25 =	sand.u32 $0x7C00, s23;
	[sflag:s21] =	ssyncadd.s32 $0xFFFFCE00  }
0x16d: {  	[spmem:s1] =	stream.indirect.scatter.add.f32 [tilespmem:s18], [sflag:$0x4], $0x80, s16, s17, $0xb8;
	[tilespmem:$0x1AA80] =	vst v63  }
0x16e: {  	s23 =	sand.u32 $0x380, s23;
	s25 =	sadd.s32 s14, s25;
	_ =	swait.ge [sflag:s20], $0x3200  }
0x16f: {  	s25 =	sor.u32 s23, s25;
	s23 =	smov.u32 s28;
	[sflag:s20] =	ssyncset.done $0x0  }
0x170: {  	s25 =	sshrl.u32 s25, $0x3;
	[sflag:s20] =	ssyncadd.s32 $0xFFFFCE00  }
0x171: {  	s26 =	sadd.s32 s6, s25  }
0x172: {  	[tilespmem:s15], [sflag:$0x4] =	stream.linear.gather [hbm4b:s26+s3], $0x80, $0x38;
	[tilespmem:$0x1AA80] =	vst v63  }
0x173: {  	_ =	swait.ge [sflag:s20], $0x80  }
0x174: {  	[sflag:s20] =	ssyncset.done $0x0  }
0x175: {  	s25 =	sadd.s32 s7, s25;
	[sflag:s20] =	ssyncadd.s32 $0xFFFFFF80  }
0x176: {  	[tilespmem:s16], [sflag:$0x3] =	stream.linear.gather [hbm4b:s25+s3], $0x80, $0x38;
	[tilespmem:$0x1AA80] =	vst v63  }
0x177: {  	_ =	swait.ge [sflag:s11], $0x80  }
.Ltmp4:
0x178: {  	s25 =	sadd.s32 $0xFFFFFF80, s23;
	[sflag:s11] =	ssyncset.done $0x0;
	(pc) =	sbr.rel @p1 .LBB2_8-.Ltmp4, $4  }
0x179: {  	s26 =	sand.u32 $0x7C00, s25;
	[sflag:s11] =	ssyncadd.s32 $0xFFFFFF80  }
0x17a: {  	[tilespmem:s18], [sflag:$0x2] =	stream.indirect.gather [hbm4b:s5+s17], $0x80, s15, s17, $0xb8;
	[tilespmem:$0x1AA80] =	vst v63  }
0x17b: {  	s25 =	sand.u32 $0x300, s25;
	s26 =	sadd.s32 s14, s26;
	_ =	swait.ge [sflag:s19], $0x3200  }
0x17c: {  	s26 =	sor.u32 s25, s26;
	s25 =	smov.u32 s24;
	[sflag:s19] =	ssyncset.done $0x0  }
0x17d: {  	[sflag:s19] =	ssyncadd.s32 $0xFFFFCE00  }
0x17e: {  	[spmem:s1] =	stream.indirect.scatter.add.f32 [tilespmem:s3], [sflag:$0x4], $0x80, s13, s17, $0xb8;
	[tilespmem:$0x1AA80] =	vst v63  }
0x17f: {  	_ =	swait.ge [sflag:s20], $0x3200  }
0x180: {  	s24 =	sshrl.u32 s26, $0x3;
	[sflag:s20] =	ssyncset.done $0x0  }
0x181: {  	s25 =	sadd.s32 s6, s24;
	[sflag:s20] =	ssyncadd.s32 $0xFFFFCE00  }
0x182: {  	[tilespmem:s12], [sflag:$0x4] =	stream.linear.gather [hbm4b:s25+s3], $0x80, $0x38;
	[tilespmem:$0x1AA80] =	vst v63  }
0x183: {  	_ =	swait.ge [sflag:s20], $0x80  }
0x184: {  	[sflag:s20] =	ssyncset.done $0x0  }
0x185: {  	s24 =	sadd.s32 s7, s24;
	[sflag:s20] =	ssyncadd.s32 $0xFFFFFF80  }
0x186: {  	[tilespmem:s13], [sflag:$0x4] =	stream.linear.gather [hbm4b:s24+s3], $0x80, $0x38;
	[tilespmem:$0x1AA80] =	vst v63  }
0x187: {  	_ =	swait.ge [sflag:s20], $0x80  }
0x188: {  	[sflag:s20] =	ssyncset.done $0x0  }
0x189: {  	[sflag:s20] =	ssyncadd.s32 $0xFFFFFF80  }
0x18a: {  	[tilespmem:s3], [sflag:$0x1] =	stream.indirect.gather [hbm4b:s5+s17], $0x80, s12, s17, $0xb8;
	[tilespmem:$0x1AA80] =	vst v63  }
0x18b: {  	_ =	swait.ge [sflag:s21], $0x3200  }
0x18c: {  	s25 =	sand.u32 $0x7C00, s23;
	[sflag:s21] =	ssyncset.done $0x0  }
0x18d: {  	s26 =	sand.u32 $0x380, s23;
	s24 =	sadd.s32 s14, s25;
	[sflag:s21] =	ssyncadd.s32 $0xFFFFCE00  }
0x18e: {  	[spmem:s1] =	stream.indirect.scatter.add.f32 [tilespmem:s18], [sflag:$0x4], $0x80, s16, s17, $0xb8;
	[tilespmem:$0x1AA80] =	vst v63  }
0x18f: {  	s23 =	sor.u32 s26, s24;
	_ =	swait.ge [sflag:s20], $0x3200  }
0x190: {  	s23 =	sshrl.u32 s23, $0x3;
	[sflag:s20] =	ssyncset.done $0x0  }
0x191: {  	s28 =	sadd.s32 s6, s23;
	[sflag:s20] =	ssyncadd.s32 $0xFFFFCE00  }
0x192: {  	[tilespmem:s15], [sflag:$0x4] =	stream.linear.gather [hbm4b:s28+s3], $0x80, $0x38;
	[tilespmem:$0x1AA80] =	vst v63  }
0x193: {  	_ =	swait.ge [sflag:s20], $0x80  }
0x194: {  	[sflag:s20] =	ssyncset.done $0x0  }
0x195: {  	s23 =	sadd.s32 s7, s23;
	[sflag:s20] =	ssyncadd.s32 $0xFFFFFF80  }
0x196: {  	[tilespmem:s16], [sflag:$0x3] =	stream.linear.gather [hbm4b:s23+s3], $0x80, $0x38;
	[tilespmem:$0x1AA80] =	vst v63  }
0x197: {  	_ =	swait.ge [sflag:s11], $0x80  }
0x198: {  	[sflag:s11] =	ssyncset.done $0x0  }
0x199: {  	[sflag:s11] =	ssyncadd.s32 $0xFFFFFF80  }
0x19a: {  	[tilespmem:s18], [sflag:$0x2] =	stream.indirect.gather [hbm4b:s5+s17], $0x80, s15, s17, $0xb8;
	[tilespmem:$0x1AA80] =	vst v63  }
0x19b: {  	_ =	swait.ge [sflag:s19], $0x3200  }
0x19c: {  	[sflag:s19] =	ssyncset.done $0x0  }
.Ltmp5:
0x19d: {  	[sflag:s19] =	ssyncadd.s32 $0xFFFFCE00;
	(pc) =	sbr.rel .LBB2_10-.Ltmp5, $4  }
0x19e: {  	[spmem:s1] =	stream.indirect.scatter.add.f32 [tilespmem:s3], [sflag:$0x4], $0x80, s13, s17, $0xb8;
	[tilespmem:$0x1AA80] =	vst v63  }
0x19f: {  	_ =	swait.ge [sflag:s20], $0x3200  }
0x1a0: {  	[sflag:s20] =	ssyncset.done $0x0  }
0x1a1: {  	s23 =	rddreg [dreg:$0x4];
	[sflag:s20] =	ssyncadd.s32 $0xFFFFCE00  }
.LBB2_4:
0x1a2: {  	[tilespmem:s3], [sflag:$0x1] =	stream.indirect.gather [hbm4b:s4+s17], $0x80, s12, s17, $0xb8;
	[tilespmem:$0x1AA80] =	vst v63  }
0x1a3: {  	_ = 	snop  }
0x1a4: {  	[tilespmem:s18], [sflag:$0x2] =	stream.indirect.gather [hbm4b:s4+s17], $0x80, s15, s17, $0xb8;
	[tilespmem:$0x1AA80] =	vst v63  }
0x1a5: {  	s23 =	simm.s32 $0x100;
	_ =	swait.ge [sflag:s19], $0x3200  }
0x1a6: {  	s24 =	sand.u32 $0x7C00, s23;
	[sflag:s19] =	ssyncset.done $0x0  }
0x1a7: {  	s23 =	sand.u32 $0x300, s23;
	s24 =	sadd.s32 s14, s24;
	[sflag:s19] =	ssyncadd.s32 $0xFFFFCE00  }
0x1a8: {  	[spmem:s1] =	stream.indirect.scatter.add.f32 [tilespmem:s3], [sflag:$0x4], $0x80, s13, s17, $0xb8;
	[tilespmem:$0x1AA80] =	vst v63  }
0x1a9: {  	s23 =	sor.u32 s23, s24;
	_ =	swait.ge [sflag:s20], $0x3200  }
0x1aa: {  	s23 =	sshrl.u32 s23, $0x3;
	[sflag:s20] =	ssyncset.done $0x0  }
0x1ab: {  	s26 =	sadd.s32 s6, s23;
	[sflag:s20] =	ssyncadd.s32 $0xFFFFCE00  }
0x1ac: {  	[tilespmem:s12], [sflag:$0x4] =	stream.linear.gather [hbm4b:s26+s3], $0x80, $0x38;
	[tilespmem:$0x1AA80] =	vst v63  }
0x1ad: {  	_ =	swait.ge [sflag:s20], $0x80  }
0x1ae: {  	[sflag:s20] =	ssyncset.done $0x0  }
0x1af: {  	s23 =	sadd.s32 s7, s23;
	[sflag:s20] =	ssyncadd.s32 $0xFFFFFF80  }
0x1b0: {  	[tilespmem:s13], [sflag:$0x4] =	stream.linear.gather [hbm4b:s23+s3], $0x80, $0x38;
	[tilespmem:$0x1AA80] =	vst v63  }
0x1b1: {  	_ =	swait.ge [sflag:s20], $0x80  }
0x1b2: {  	[sflag:s20] =	ssyncset.done $0x0  }
0x1b3: {  	[sflag:s20] =	ssyncadd.s32 $0xFFFFFF80  }
0x1b4: {  	[tilespmem:s3], [sflag:$0x1] =	stream.indirect.gather [hbm4b:s4+s17], $0x80, s12, s17, $0xb8;
	[tilespmem:$0x1AA80] =	vst v63  }
0x1b5: {  	s28 =	simm.s32 $0x180;
	_ =	swait.ge [sflag:s21], $0x3200  }
0x1b6: {  	s25 =	sand.u32 $0x7C00, s28;
	[sflag:s21] =	ssyncset.done $0x0  }
0x1b7: {  	s24 =	sadd.s32 s14, s25;
	s23 =	sand.u32 $0x380, s28;
	[sflag:s21] =	ssyncadd.s32 $0xFFFFCE00  }
0x1b8: {  	[spmem:s1] =	stream.indirect.scatter.add.f32 [tilespmem:s18], [sflag:$0x4], $0x80, s16, s17, $0xb8;
	[tilespmem:$0x1AA80] =	vst v63  }
0x1b9: {  	s23 =	sor.u32 s23, s24;
	_ =	swait.ge [sflag:s20], $0x3200  }
0x1ba: {  	s23 =	sshrl.u32 s23, $0x3;
	[sflag:s20] =	ssyncset.done $0x0  }
0x1bb: {  	s26 =	sadd.s32 s6, s23;
	[sflag:s20] =	ssyncadd.s32 $0xFFFFCE00  }
0x1bc: {  	[tilespmem:s15], [sflag:$0x4] =	stream.linear.gather [hbm4b:s26+s3], $0x80, $0x38;
	[tilespmem:$0x1AA80] =	vst v63  }
0x1bd: {  	_ =	swait.ge [sflag:s20], $0x80  }
0x1be: {  	[sflag:s20] =	ssyncset.done $0x0  }
0x1bf: {  	s23 =	sadd.s32 s7, s23;
	[sflag:s20] =	ssyncadd.s32 $0xFFFFFF80  }
0x1c0: {  	[tilespmem:s16], [sflag:$0x3] =	stream.linear.gather [hbm4b:s23+s3], $0x80, $0x38;
	[tilespmem:$0x1AA80] =	vst v63  }
0x1c1: {  	_ =	swait.ge [sflag:s11], $0x80  }
0x1c2: {  	s28 =	simm.s32 $0x200;
	[sflag:s11] =	ssyncset.done $0x0  }
0x1c3: {  	s25 =	sand.u32 $0x7C00, s28;
	s24 =	simm.s32 $0x380;
	[sflag:s11] =	ssyncadd.s32 $0xFFFFFF80  }
0x1c4: {  	[tilespmem:s18], [sflag:$0x2] =	stream.indirect.gather [hbm4b:s4+s17], $0x80, s15, s17, $0xb8;
	[tilespmem:$0x1AA80] =	vst v63  }
0x1c5: {  	s25 =	sadd.s32 s14, s25;
	s26 =	sand.u32 $0x300, s28;
	_ =	swait.ge [sflag:s19], $0x3200  }
0x1c6: {  	s26 =	sor.u32 s26, s25;
	s23 =	simm.s32 $0x280;
	[sflag:s19] =	ssyncset.done $0x0  }
.LBB2_5:
0x1c7: {  	s26 =	sshrl.u32 s26, $0x3  }
0x1c8: {  	[sflag:s19] =	ssyncadd.s32 $0xFFFFCE00;
	s28 =	smov.u32 s24;
	s25 =	sadd.s32 $0x100, s24  }
0x1c9: {  	[spmem:s1] =	stream.indirect.scatter.add.f32 [tilespmem:s3], [sflag:$0x4], $0x80, s13, s17, $0xb8;
	[tilespmem:$0x1AA80] =	vst v63  }
0x1ca: {  	p1 =	seq.s32 s24, $0x3180;
	_ =	swait.ge [sflag:s20], $0x3200  }
0x1cb: {  	[sflag:s20] =	ssyncset.done $0x0  }
0x1cc: {  	s24 =	sadd.s32 s6, s26;
	[sflag:s20] =	ssyncadd.s32 $0xFFFFCE00  }
0x1cd: {  	[tilespmem:s12], [sflag:$0x4] =	stream.linear.gather [hbm4b:s24+s3], $0x80, $0x38;
	[tilespmem:$0x1AA80] =	vst v63  }
0x1ce: {  	_ =	swait.ge [sflag:s20], $0x80  }
0x1cf: {  	[sflag:s20] =	ssyncset.done $0x0  }
0x1d0: {  	s24 =	sadd.s32 s7, s26;
	[sflag:s20] =	ssyncadd.s32 $0xFFFFFF80  }
0x1d1: {  	[tilespmem:s13], [sflag:$0x4] =	stream.linear.gather [hbm4b:s24+s3], $0x80, $0x38;
	[tilespmem:$0x1AA80] =	vst v63  }
0x1d2: {  	_ =	swait.ge [sflag:s20], $0x80  }
0x1d3: {  	[sflag:s20] =	ssyncset.done $0x0  }
0x1d4: {  	[sflag:s20] =	ssyncadd.s32 $0xFFFFFF80  }
0x1d5: {  	[tilespmem:s3], [sflag:$0x1] =	stream.indirect.gather [hbm4b:s4+s17], $0x80, s12, s17, $0xb8;
	[tilespmem:$0x1AA80] =	vst v63  }
0x1d6: {  	_ =	swait.ge [sflag:s21], $0x3200  }
0x1d7: {  	[sflag:s21] =	ssyncset.done $0x0  }
0x1d8: {  	s24 =	sand.u32 $0x7C00, s23;
	[sflag:s21] =	ssyncadd.s32 $0xFFFFCE00  }
0x1d9: {  	[spmem:s1] =	stream.indirect.scatter.add.f32 [tilespmem:s18], [sflag:$0x4], $0x80, s16, s17, $0xb8;
	[tilespmem:$0x1AA80] =	vst v63  }
0x1da: {  	s23 =	sand.u32 $0x380, s23;
	s24 =	sadd.s32 s14, s24;
	_ =	swait.ge [sflag:s20], $0x3200  }
0x1db: {  	s24 =	sor.u32 s23, s24;
	s23 =	smov.u32 s28;
	[sflag:s20] =	ssyncset.done $0x0  }
0x1dc: {  	s24 =	sshrl.u32 s24, $0x3;
	[sflag:s20] =	ssyncadd.s32 $0xFFFFCE00  }
0x1dd: {  	s26 =	sadd.s32 s6, s24  }
0x1de: {  	[tilespmem:s15], [sflag:$0x4] =	stream.linear.gather [hbm4b:s26+s3], $0x80, $0x38;
	[tilespmem:$0x1AA80] =	vst v63  }
0x1df: {  	_ =	swait.ge [sflag:s20], $0x80  }
0x1e0: {  	[sflag:s20] =	ssyncset.done $0x0  }
0x1e1: {  	s24 =	sadd.s32 s7, s24;
	[sflag:s20] =	ssyncadd.s32 $0xFFFFFF80  }
0x1e2: {  	[tilespmem:s16], [sflag:$0x3] =	stream.linear.gather [hbm4b:s24+s3], $0x80, $0x38;
	[tilespmem:$0x1AA80] =	vst v63  }
0x1e3: {  	_ =	swait.ge [sflag:s11], $0x80  }
.Ltmp6:
0x1e4: {  	s24 =	sadd.s32 $0xFFFFFF80, s23;
	[sflag:s11] =	ssyncset.done $0x0;
	(pc) =	sbr.rel @!p1 .LBB2_5-.Ltmp6, $4  }
0x1e5: {  	s26 =	sand.u32 $0x7C00, s24;
	[sflag:s11] =	ssyncadd.s32 $0xFFFFFF80  }
0x1e6: {  	[tilespmem:s18], [sflag:$0x2] =	stream.indirect.gather [hbm4b:s4+s17], $0x80, s15, s17, $0xb8;
	[tilespmem:$0x1AA80] =	vst v63  }
0x1e7: {  	s24 =	sand.u32 $0x300, s24;
	s26 =	sadd.s32 s14, s26;
	_ =	swait.ge [sflag:s19], $0x3200  }
0x1e8: {  	s26 =	sor.u32 s24, s26;
	s24 =	smov.u32 s25;
	[sflag:s19] =	ssyncset.done $0x0  }
.Ltmp7:
0x1e9: {  	_ = 	snop;
	(pc) =	sbr.rel .LBB2_6-.Ltmp7, $1  }
0x1ea: {  	_ =	sdelay $0x3  }
.LBB2_11:
0x1eb: {  	_ =	sfence.sel $0x180000  }
0x1ec: {  	[bflag:$0x0] =	sbarrier.arrive $0xFFFF  }
0x1ed: {  	_ =	strace $0x9000004A  }
0x1ee: {  	s0 =	stileid.u32;
	[bflag:$0x2] =	sbarrier.arrive $0xFFFF  }
0x1ef: {  	p0 =	sne.s32 s0, $0x0;
	s0 =	rddreg [dreg:$0x2]  }
0x1f0: {  	s0 =	sadd.s32 @!p0 $0x100000, s0  }
0x1f1: {  	[sflag:s0] =	ssyncadd.tile.s32 @!p0 $0x1;
	_ =	shalt  }
.Lfunc_end2:
_tile_overlayer_lowered:
.L_overlay_start_2:
0x1f2: {  	(tag) =	ssettag $0x2  }
0x1f3: {  	s0 =	rddreg [dreg:$0x0];
	s2 =	stileid.u32  }
0x1f4: {  	s1 =	rddreg [dreg:$0x1];
	p0 =	sne.s32 s2, $0x0  }
0x1f5: {  	s3 =	rddreg [dreg:$0x2];
	[bflag:$0x3] =	sbarrier.arrive $0xFFFF;
	s2 =	simm.s32 @!p0 $0x1C03  }
0x1f6: {  	[timem:s3], [sflag:s2] =	dma.local @!p0 [hbm:s0], s1  }
0x1f7: {  	s0 =	simm.s32 @!p0 $0x3  }
0x1f8: {  	_ =	swait.ge @!p0 [sflag:s0], s1  }
0x1f9: {  	s1 =	ssub.s32 @!p0 $0x0, s1;
	[sflag:s0] =	ssyncset.done @!p0 $0x0  }
0x1fa: {  	[sflag:s0] =	ssyncadd.s32 @!p0 s1  }
0x1fb: {  	[bflag:$0x3] =	sbarrier.arrive $0xFFFF  }
0x1fc: {  	_ =	shalt  }

// kernel: kernel.14.cloned.1.call-start
scs
__scs_entry_jumppad:
0x0: {  	(pc) =	sbr.rel $0x88, $3  }
0x1: {  	(tag) =	ssettag $0x0;
	lr =	simm.s32 $0x1  }
0x2: {  	[smem:$0x3F97] =	sst lr;
	_ =	strace $0xD0000000  }
0x3: {  	_ = 	snop  }
0x4: {  	_ = 	snop  }
0x5: {  	_ = 	snop  }
0x6: {  	_ = 	snop  }
0x7: {  	_ = 	snop  }
__scs_overlays_trampoline_lowered:
0x8: {  	[smem:$0x3FA6] =	sst s0  }
0x9: {  	[smem:$0x3FA7] =	sst s1  }
0xa: {  	[smem:$0x3FA8] =	sst s2  }
0xb: {  	[smem:$0x3FA9] =	sst s3  }
0xc: {  	[smem:$0x3FAA] =	sst s4  }
0xd: {  	[smem:$0x3FAB] =	sst s5  }
0xe: {  	[smem:$0x3FAC] =	sst s6  }
0xf: {  	[smem:$0x3FAD] =	sst s7  }
0x10: {  	[smem:$0x3FAE] =	sst s8  }
0x11: {  	[smem:$0x3FAF] =	sst s9;
	s0 =	simm.s32 @!p0 $0x0  }
0x12: {  	s1 =	sld [smem:$0x3F95];
	s0 =	simm.s32 @p0 $0x1  }
0x13: {  	[smem:$0x3FB0] =	sst s0;
	s0 =	simm.s32 @!p1 $0x0  }
0x14: {  	s2 =	sld [smem:$0x3F94];
	s0 =	simm.s32 @p1 $0x1  }
0x15: {  	[smem:$0x3FB1] =	sst s0;
	s0 =	simm.s32 @!p2 $0x0  }
0x16: {  	s3 =	sld [smem:$0x3FDB];
	s0 =	simm.s32 @p2 $0x1  }
0x17: {  	s4 =	simm.s32 $0x1BF5;
	[smem:$0x3FB3] =	sst s0  }
0x18: {  	s0 =	sld [smem:$0x3F96];
	_ =	swait.ge [sflag:s4], $0x0  }
0x19: {  	s7 =	sld [smem:$0x3F97]  }
0x1a: {  	s8 =	sadd.s32 $0xFFFFE003, lr  }
0x1b: {  	s9 =	sadd.s32 $0xFFFFFEF7, lr;
	s5 =	simm.s32 $0xFFFFFFFF;
	p2 =	slt.u32 s8, $0xFFFFF086  }
0x1c: {  	p1 =	slt.u32 s9, $0xF7A;
	s5 =	simm.s32 @!p2 $0x0  }
0x1d: {  	s5 =	simm.s32 @p1 $0x1;
	p0 =	seq.s32 s7, s2  }
0x1e: {  	s7 =	smul.u32 @!p0 $0xF7A, s2;
	p2 =	seq.s32 @!p0 s5, $0x0  }
0x1f: {  	s9 =	smul.u32 $0xF7A, s1;
	s8 =	simm.s32 @!p0 $0x1BF5;
	p2 =	por !p2, p0  }
0x20: {  	[sflag:s8] =	ssyncset.s32 @!p0 $0xFFFFF086;
	s6 =	sadd.s32 @!p0 s3, s7;
	s7 =	simm.s32 @!p0 $0x108  }
0x21: {  	s3 =	sadd.s32 s3, s9;
	s6 =	sadd.s32 @!p0 $0x88, s6;
	s7 =	simm.s32 @p2 $0x1082  }
0x22: {  	[simem:s7], [sflag:s8] =	dma.local @!p0 [hbm:s6], $0xF7A  }
0x23: {  	s9 =	sor.u32 $0xD0000000, s2;
	s6 =	simm.s32 $0x108;
	_ =	swait.ge @!p0 [sflag:s8], $0x0  }
0x24: {  	s3 =	sadd.s32 $0x88, s3;
	s6 =	simm.s32 @!p1 $0x1082;
	[sflag:s4] =	ssyncset.s32 $0xFFFFF086  }
0x25: {  	[simem:s6], [sflag:s4] =	dma.local [hbm:s3], $0xF7A  }
0x26: {  	[smem:$0x3F97] =	sst s1;
	(tag) =	ssettag s2;
	_ =	strace s9  }
0x27: {  	s1 =	sld [smem:$0x3FA7]  }
0x28: {  	s2 =	sld [smem:$0x3FA8]  }
0x29: {  	s4 =	sld [smem:$0x3FAA]  }
0x2a: {  	p0 =	seq.s32 s5, $0x0;
	s5 =	sld [smem:$0x3FAB]  }
0x2b: {  	s6 =	sld [smem:$0x3FAC]  }
0x2c: {  	s7 =	sld [smem:$0x3FAD]  }
0x2d: {  	s3 =	simm.s32 $0x108;
	s8 =	sld [smem:$0x3FAE]  }
0x2e: {  	s3 =	simm.s32 @!p0 $0x1082;
	s9 =	sld [smem:$0x3FAF]  }
0x2f: {  	lr =	sadd.s32 s0, s3;
	s0 =	sld [smem:$0x3FA6]  }
0x30: {  	s3 =	sld [smem:$0x3FA9]  }
0x31: {  	[smem:$0x3FB2] =	sst s10  }
0x32: {  	s10 =	sld [smem:$0x3FB0];
	_ =	sdelay $0x3  }
0x33: {  	p0 =	seq.s32 s10, $0x1;
	s10 =	sld [smem:$0x3FB2];
	_ =	sdelay $0x3  }
0x34: {  	[smem:$0x3FB2] =	sst s10  }
0x35: {  	s10 =	sld [smem:$0x3FB1];
	_ =	sdelay $0x3  }
0x36: {  	p1 =	seq.s32 s10, $0x1;
	s10 =	sld [smem:$0x3FB2];
	_ =	sdelay $0x3  }
0x37: {  	[smem:$0x3FB2] =	sst s10  }
0x38: {  	s10 =	sld [smem:$0x3FB3]  }
0x39: {  	_ = 	snop;
	(pc) =	sbr.ind lr, $3  }
0x3a: {  	_ = 	snop  }
0x3b: {  	_ = 	snop  }
0x3c: {  	p2 =	seq.s32 s10, $0x1;
	s10 =	sld [smem:$0x3FB2]  }
0x3d: {  	_ =	shalt  }
0x3e: {  	_ =	shalt  }
0x3f: {  	_ =	shalt  }
0x40: {  	_ =	shalt  }
0x41: {  	_ =	shalt  }
0x42: {  	_ =	shalt  }
0x43: {  	_ =	shalt  }
0x44: {  	_ =	shalt  }
0x45: {  	_ =	shalt  }
0x46: {  	_ =	shalt  }
0x47: {  	_ =	shalt  }
0x48: {  	_ =	shalt  }
0x49: {  	_ =	shalt  }
0x4a: {  	_ =	shalt  }
0x4b: {  	_ =	shalt  }
0x4c: {  	_ =	shalt  }
0x4d: {  	_ =	shalt  }
0x4e: {  	_ =	shalt  }
0x4f: {  	_ =	shalt  }
0x50: {  	_ =	shalt  }
0x51: {  	_ =	shalt  }
0x52: {  	_ =	shalt  }
0x53: {  	_ =	shalt  }
0x54: {  	_ =	shalt  }
0x55: {  	_ =	shalt  }
0x56: {  	_ =	shalt  }
0x57: {  	_ =	shalt  }
0x58: {  	_ =	shalt  }
0x59: {  	_ =	shalt  }
0x5a: {  	_ =	shalt  }
0x5b: {  	_ =	shalt  }
0x5c: {  	_ =	shalt  }
0x5d: {  	_ =	shalt  }
0x5e: {  	_ =	shalt  }
0x5f: {  	_ =	shalt  }
0x60: {  	_ =	shalt  }
0x61: {  	_ =	shalt  }
0x62: {  	_ =	shalt  }
0x63: {  	_ =	shalt  }
0x64: {  	_ =	shalt  }
0x65: {  	_ =	shalt  }
0x66: {  	_ =	shalt  }
0x67: {  	_ =	shalt  }
0x68: {  	_ =	shalt  }
0x69: {  	_ =	shalt  }
0x6a: {  	_ =	shalt  }
0x6b: {  	_ =	shalt  }
0x6c: {  	_ =	shalt  }
0x6d: {  	_ =	shalt  }
0x6e: {  	_ =	shalt  }
0x6f: {  	_ =	shalt  }
0x70: {  	_ =	shalt  }
0x71: {  	_ =	shalt  }
0x72: {  	_ =	shalt  }
0x73: {  	_ =	shalt  }
0x74: {  	_ =	shalt  }
0x75: {  	_ =	shalt  }
0x76: {  	_ =	shalt  }
0x77: {  	_ =	shalt  }
0x78: {  	_ =	shalt  }
0x79: {  	_ =	shalt  }
0x7a: {  	_ =	shalt  }
0x7b: {  	_ =	shalt  }
0x7c: {  	_ =	shalt  }
0x7d: {  	_ =	shalt  }
0x7e: {  	_ =	shalt  }
0x7f: {  	_ =	shalt  }
0x80: {  	_ =	shalt  }
0x81: {  	_ =	shalt  }
0x82: {  	_ =	shalt  }
0x83: {  	_ =	shalt  }
0x84: {  	_ =	shalt  }
0x85: {  	_ =	shalt  }
0x86: {  	_ =	shalt  }
0x87: {  	_ =	shalt  }
.Lfunc_end0:
.L_simem_size_0:
called_computation.2_lowered:
.L_overlay_start_0:
0x88: {  	s2 =	sld [smem:$0x3FD9]  }
0x89: {  	s3 =	sld [smem:$0x3FFE];
	_ =	sdelay $0x1  }
0x8a: {  	s1 =	srdreg.scid  }
0x8b: {  	s0 =	sand.u32 $0x1, s1  }
0x8c: {  	s16 =	sshll.u32 s0, $0xA;
	s2 =	sadd.s32 s3, s2  }
0x8d: {  	s2 =	sadd.s32 s2, s16  }
0x8e: {  	[smem:$0x3FBE] =	sst s2  }
0x8f: {  	_ = 	snop  }
0x90: {  	(tm) =	ssettm $0x1  }
0x91: {  	s17 =	sld [smem:$0x3FFB];
	_ =	sdelay $0x3  }
0x92: {  	_ =	strace s17  }
0x93: {  	s2 =	sld [smem:$0x3FFC];
	_ =	sdelay $0x3  }
0x94: {  	_ =	strace s2  }
0x95: {  	s2 =	sld [smem:$0x3FFD];
	_ =	sdelay $0x3  }
0x96: {  	_ =	strace s2  }
0x97: {  	_ =	strace $0x8FFFFFFF  }
0x98: {  	s18 =	sld [smem:$0x3FDB];
	_ =	sdelay $0x1  }
0x99: {  	s19 =	simm.s32 $_scs_section_size  }
0x9a: {  	s4 =	simm.s32 $_size__tile_overlayer_lowered;
	s5 =	simm.s32 $_tile_overlayer_lowered  }
0x9b: {  	s22 =	simm.s32 $0x1BFF;
	s21 =	sshll.u32 s5, $0x1;
	s2 =	sadd.s32 s19, s18  }
0x9c: {  	s6 =	simm.s32 $0x0;
	s20 =	sshll.u32 s4, $0x1;
	s4 =	sadd.s32 s21, s2  }
0x9d: {  	[timem:s6], [sflag:s22] =	dma.local [hbm:s4], s20  }
0x9e: {  	_ =	swait.ge [sflag:s22], s20  }
0x9f: {  	s3 =	ssub.s32 $0x0, s20;
	[sflag:s22] =	ssyncset.done $0x0  }
0xa0: {  	[sflag:s22] =	ssyncadd.s32 s3;
	_ =	sdelay $0x1  }
0xa1: {  	s23 =	simm.s32 $0x1B8B  }
0xa2: {  	_ =	swait.ge [sflag:s23], $0x1  }
0xa3: {  	[sflag:s23] =	ssyncset.done $0x0  }
0xa4: {  	s25 =	simm.s32 $0x1B8E;
	s24 =	sld [smem:$0x3FFE];
	[sflag:s23] =	ssyncadd.s32 $0xFFFFFFFF  }
0xa5: {  	s26 =	simm.s32 $execute0_lowered;
	[smem:$0x3FD2] =	sst s25  }
0xa6: {  	s4 =	sshll.u32 s26, $0x1;
	_ =	strace $0x8000004C;
	[dreg:$0x1] =	wrdreg $0xFFFFFFFF  }
0xa7: {  	s28 =	simm.s32 $_size_execute0_lowered;
	s2 =	sadd.s32 s2, s4;
	[dreg:$0x0] =	wrdreg $0x0  }
0xa8: {  	s4 =	sshll.u32 s28, $0x1;
	[dreg:$0x2] =	wrdreg s2  }
0xa9: {  	[dreg:$0x3] =	wrdreg s4  }
0xaa: {  	[dreg:$0x4] =	wrdreg $0xC0  }
0xab: {  	_ =	task [dreg:s6], $0x5FFFF  }
0xac: {  	[dreg:$0x1] =	wrdreg $0xFFFFFFFF  }
0xad: {  	[dreg:$0x0] =	wrdreg $0x60  }
0xae: {  	[dreg:$0x2] =	wrdreg s24  }
0xaf: {  	[dreg:$0x3] =	wrdreg $0x72000  }
0xb0: {  	[dreg:$0x4] =	wrdreg $0x9  }
0xb1: {  	_ =	task.clear_ibuf [dreg:s6], $0x5FFFF;
	_ =	strace $0x9000004C  }
0xb2: {  	s29 =	simm.s32 $0x9;
	_ =	strace $0x8000004E  }
0xb3: {  	_ =	swait.ge [sflag:s29], $0x1  }
0xb4: {  	[sflag:s29] =	ssyncadd.s32 $0xFFFFFFFF  }
0xb5: {  	_ =	strace $0x9000004E  }
0xb6: {  	_ =	sfence  }
0xb7: {  	s30 =	sld [smem:$0x0];
	_ =	sdelay $0x2  }
0xb8: {  	s31 =	sshll.u32 s1, $0xD;
	s1 =	sshrl.u32 s1, $0x2  }
0xb9: {  	s3 =	sand.u32 $0x4000, s31;
	s1 =	sadd.s32 s1, s30  }
0xba: {  	s0 =	sor.u32 s3, s0;
	s1 =	sshll.u32 s1, $0x11  }
0xbb: {  	s0 =	sor.u32 s1, s0  }
0xbc: {  	s0 =	sadd.s32 $0x8F2B, s0  }
0xbd: {  	[sflag:s0] =	ssyncadd.remote.s32 $0x1  }
0xbe: {  	_ =	sfence.sel $0xFFFF  }
0xbf: {  	[dreg:$0x0] =	wrdreg $0xFFFFFFFF;
	(pc) =	sbr.abs _section_cstart, $3  }
0xc0: {  	[dreg:$0x1] =	wrdreg $0xFFFFFFFF  }
0xc1: {  	_ =	task.clear_ibuf [dreg:s6], $0x2FFFF;
	_ =	strace $0x9FFFFFFF  }
0xc2: {  	(tm) =	ssettm $0x7FFFFFFF  }
0xc3: {  	_ =	shalt  }
tec
execute0_lowered:
.L_overlay_start_1:
0x0: {  	(tag) =	ssettag $0x1  }
0x1: {  	s0 =	rddreg [dreg:$0x0]  }
0x2: {  	s1 =	rddreg [dreg:$0x1];
	s3 =	simm.s32 $0x0  }
0x3: {  	s12 =	stileid.u32;
	[smem:$0x7FF] =	sst s3  }
0x4: {  	s4 =	sadd.s32 $0x6F000, s0;
	s8 =	smul.u32 $0x4E000, s12;
	s5 =	sadd.s32 $0x96200, s0  }
0x5: {  	s6 =	sadd.s32 $0x68800, s0;
	s7 =	sadd.s32 $0x62000, s0;
	s14 =	smul.u32 $0x3400, s12  }
0x6: {  	s9 =	sadd.s32 $0xBD400, s0;
	s0 =	sadd.s32 $0xE4600, s0;
	_ =	strace $0x8000004D  }
0x7: {  	[dreg:$0x3] =	wrdreg s9;
	s8 =	sshrl.u32 s8, $0x2;
	s16 =	sshrl.u32 s14, $0x3  }
0x8: {  	[dreg:$0x4] =	wrdreg s0;
	s9 =	sadd.s32 s8, s1;
	s19 =	sadd.s32 s6, s16  }
0x9: {  	s2 =	srdreg.scid;
	s8 =	sadd.s32 $0x800, s9;
	[dreg:$0xe] =	wrdreg s19  }
0xa: {  	s2 =	sand.u32 $0x1, s2;
	s25 =	sadd.s32 $0x1000, s9;
	[dreg:$0x5] =	wrdreg s8  }
0xb: {  	s10 =	ssub.s32 $0x2, s2;
	s26 =	sadd.s32 $0x1800, s9;
	[dreg:$0x6] =	wrdreg s25  }
0xc: {  	s11 =	sshrl.u32 s10, $0x1;
	s28 =	sadd.s32 $0x2000, s9;
	[dreg:$0x7] =	wrdreg s26  }
0xd: {  	s24 =	ssub.s32 s10, s11;
	s10 =	sadd.s32 $0x2800, s9;
	[dreg:$0x8] =	wrdreg s28  }
0xe: {  	s11 =	sadd.s32 $0x3000, s9;
	[dreg:$0x9] =	wrdreg s10  }
0xf: {  	s13 =	sadd.s32 $0x3800, s9;
	[dreg:$0xa] =	wrdreg s11  }
0x10: {  	s15 =	sadd.s32 $0x4000, s9;
	[dreg:$0xb] =	wrdreg s13  }
0x11: {  	s18 =	sor.u32 $0x10, s16;
	s17 =	sadd.s32 $0x4800, s9;
	[dreg:$0xc] =	wrdreg s15  }
0x12: {  	s20 =	sadd.s32 s6, s18;
	[dreg:$0xd] =	wrdreg s17  }
0x13: {  	p0 =	seq.s32 s2, $0x1;
	s2 =	sadd.s32 s7, s18;
	[dreg:$0x10] =	wrdreg s20  }
0x14: {  	s0 =	smax.u32 s24, $0x1;
	[dreg:$0x11] =	wrdreg s2  }
0x15: {  	s21 =	sadd.s32 $0x5000, s9;
	[dreg:$0x12] =	wrdreg s0  }
0x16: {  	s22 =	sadd.s32 $0x5800, s9;
	[dreg:$0x13] =	wrdreg s21  }
0x17: {  	s23 =	sadd.s32 $0x6000, s9;
	[dreg:$0x14] =	wrdreg s22  }
0x18: {  	s24 =	sadd.s32 $0x6800, s9;
	[dreg:$0x15] =	wrdreg s23  }
0x19: {  	s18 =	sadd.s32 $0xC800, s9;
	[dreg:$0x16] =	wrdreg s24  }
0x1a: {  	s19 =	sadd.s32 $0xD000, s9;
	[smem:$0x7F4] =	sst s18  }
0x1b: {  	s8 =	sadd.s32 s7, s16;
	[smem:$0x7F5] =	sst s19  }
0x1c: {  	s25 =	sadd.s32 $0x7000, s9;
	[dreg:$0xf] =	wrdreg s8  }
0x1d: {  	s26 =	sadd.s32 $0x7800, s9;
	[dreg:$0x17] =	wrdreg s25  }
0x1e: {  	s28 =	sadd.s32 $0x8000, s9;
	[dreg:$0x18] =	wrdreg s26  }
0x1f: {  	s2 =	sadd.s32 $0x8800, s9;
	[dreg:$0x19] =	wrdreg s28  }
0x20: {  	s10 =	sadd.s32 $0x9800, s9;
	[dreg:$0x1a] =	wrdreg s2  }
0x21: {  	s11 =	sadd.s32 $0xA000, s9;
	[dreg:$0x1c] =	wrdreg s10  }
0x22: {  	s13 =	sadd.s32 $0xA800, s9;
	[dreg:$0x1d] =	wrdreg s11  }
0x23: {  	s15 =	sadd.s32 $0xB000, s9;
	[dreg:$0x1e] =	wrdreg s13  }
0x24: {  	s29 =	sadd.s32 $0x11800, s9;
	s16 =	sadd.s32 $0xB800, s9;
	[dreg:$0x1f] =	wrdreg s15  }
0x25: {  	s30 =	sadd.s32 $0x12000, s9;
	s17 =	sadd.s32 $0xC000, s9;
	[smem:$0x7F2] =	sst s16  }
0x26: {  	s31 =	sadd.s32 $0x12800, s9;
	s20 =	sadd.s32 $0xD800, s9;
	[smem:$0x7F3] =	sst s17  }
0x27: {  	s21 =	sadd.s32 $0xE000, s9;
	s22 =	sadd.s32 $0xE800, s9;
	[smem:$0x7F6] =	sst s20  }
0x28: {  	s23 =	sadd.s32 $0xF000, s9;
	s24 =	sadd.s32 $0xF800, s9;
	[smem:$0x7F7] =	sst s21  }
0x29: {  	s0 =	sadd.s32 $0x13000, s9;
	s18 =	simm.s32 $0x3400;
	[smem:$0x7F8] =	sst s22  }
0x2a: {  	s19 =	simm.s32 $0x1;
	s8 =	sadd.s32 $0x9000, s9;
	[smem:$0x7F9] =	sst s23  }
0x2b: {  	[smem:$0x7FA] =	sst s24;
	s25 =	sadd.s32 $0x10000, s9;
	s26 =	sadd.s32 $0x10800, s9  }
0x2c: {  	s28 =	sadd.s32 $0x11000, s9;
	s10 =	smul.u32 $0x2700, s12;
	s2 =	simm.s32 $0x6A00  }
.Ltmp0:
0x2d: {  	s11 =	simm.s32 $0x3;
	s12 =	simm.s32 $0x6800;
	(pc) =	sbr.rel .LBB2_1-.Ltmp0, $4  }
0x2e: {  	s13 =	simm.s32 $0x6900;
	s15 =	simm.s32 $0x6880;
	[dreg:$0x1b] =	wrdreg s8  }
0x2f: {  	s16 =	simm.s32 $0x6980;
	s17 =	simm.s32 $0x64;
	[smem:$0x7FB] =	sst s25  }
0x30: {  	s20 =	simm.s32 $0x4;
	s21 =	simm.s32 $0x2;
	[smem:$0x7FC] =	sst s26  }
0x31: {  	v0 =	vimm.f32 $0.0e+00;
	s22 =	simm.s32 $0x0;
	[smem:$0x7FD] =	sst s28;
	s8 =	sadd.s32 $0x13800, s9  }
.LBB2_6:
0x32: {  	[sflag:s19] =	ssyncadd.s32 $0xFFFFCE00  }
0x33: {  	[spmem:s1] =	stream.indirect.scatter.add.f32 [tilespmem:s3], [sflag:$0x4], $0x80, s13, s17, $0xb8;
	[tilespmem:$0x1AA80] =	vst v63  }
0x34: {  	_ =	swait.ge [sflag:s20], $0x3200  }
0x35: {  	s24 =	sshrl.u32 s26, $0x3;
	[sflag:s20] =	ssyncset.done $0x0  }
0x36: {  	s25 =	sadd.s32 s6, s24;
	[sflag:s20] =	ssyncadd.s32 $0xFFFFCE00  }
0x37: {  	[tilespmem:s12], [sflag:$0x4] =	stream.linear.gather [hbm4b:s25+s3], $0x80, $0x38;
	[tilespmem:$0x1AA80] =	vst v63  }
0x38: {  	_ =	swait.ge [sflag:s20], $0x80  }
0x39: {  	[sflag:s20] =	ssyncset.done $0x0  }
0x3a: {  	s24 =	sadd.s32 s7, s24;
	[sflag:s20] =	ssyncadd.s32 $0xFFFFFF80  }
0x3b: {  	[tilespmem:s13], [sflag:$0x4] =	stream.linear.gather [hbm4b:s24+s3], $0x80, $0x38;
	[tilespmem:$0x1AA80] =	vst v63  }
0x3c: {  	_ =	swait.ge [sflag:s20], $0x80  }
0x3d: {  	[sflag:s20] =	ssyncset.done $0x0  }
0x3e: {  	[sflag:s20] =	ssyncadd.s32 $0xFFFFFF80  }
0x3f: {  	[tilespmem:s3], [sflag:$0x1] =	stream.indirect.gather [hbm4b:s4+s17], $0x80, s12, s17, $0xb8;
	[tilespmem:$0x1AA80] =	vst v63  }
0x40: {  	_ =	swait.ge [sflag:s21], $0x3200  }
0x41: {  	s25 =	sand.u32 $0x7C00, s23;
	[sflag:s21] =	ssyncset.done $0x0  }
0x42: {  	s26 =	sand.u32 $0x380, s23;
	s24 =	sadd.s32 s14, s25;
	[sflag:s21] =	ssyncadd.s32 $0xFFFFCE00  }
0x43: {  	[spmem:s1] =	stream.indirect.scatter.add.f32 [tilespmem:s18], [sflag:$0x4], $0x80, s16, s17, $0xb8;
	[tilespmem:$0x1AA80] =	vst v63  }
0x44: {  	s23 =	sor.u32 s26, s24;
	_ =	swait.ge [sflag:s20], $0x3200  }
0x45: {  	s23 =	sshrl.u32 s23, $0x3;
	[sflag:s20] =	ssyncset.done $0x0  }
0x46: {  	s28 =	sadd.s32 s6, s23;
	[sflag:s20] =	ssyncadd.s32 $0xFFFFCE00  }
0x47: {  	[tilespmem:s15], [sflag:$0x4] =	stream.linear.gather [hbm4b:s28+s3], $0x80, $0x38;
	[tilespmem:$0x1AA80] =	vst v63  }
0x48: {  	_ =	swait.ge [sflag:s20], $0x80  }
0x49: {  	[sflag:s20] =	ssyncset.done $0x0  }
0x4a: {  	s23 =	sadd.s32 s7, s23;
	[sflag:s20] =	ssyncadd.s32 $0xFFFFFF80  }
0x4b: {  	[tilespmem:s16], [sflag:$0x3] =	stream.linear.gather [hbm4b:s23+s3], $0x80, $0x38;
	[tilespmem:$0x1AA80] =	vst v63  }
0x4c: {  	_ =	swait.ge [sflag:s11], $0x80  }
0x4d: {  	[sflag:s11] =	ssyncset.done $0x0  }
0x4e: {  	[sflag:s11] =	ssyncadd.s32 $0xFFFFFF80  }
0x4f: {  	[tilespmem:s18], [sflag:$0x2] =	stream.indirect.gather [hbm4b:s4+s17], $0x80, s15, s17, $0xb8;
	[tilespmem:$0x1AA80] =	vst v63  }
0x50: {  	_ =	swait.ge [sflag:s19], $0x3200  }
0x51: {  	[sflag:s19] =	ssyncset.done $0x0  }
0x52: {  	[sflag:s19] =	ssyncadd.s32 $0xFFFFCE00  }
0x53: {  	[spmem:s1] =	stream.indirect.scatter.add.f32 [tilespmem:s3], [sflag:$0x4], $0x80, s13, s17, $0xb8;
	[tilespmem:$0x1AA80] =	vst v63  }
0x54: {  	_ =	swait.ge [sflag:s20], $0x3200  }
0x55: {  	[sflag:s20] =	ssyncset.done $0x0  }
0x56: {  	s23 =	rddreg [dreg:$0x3];
	[sflag:s20] =	ssyncadd.s32 $0xFFFFCE00  }
.LBB2_10:
0x57: {  	_ =	swait.ge [sflag:s21], $0x3200  }
0x58: {  	[sflag:s21] =	ssyncset.done $0x0  }
0x59: {  	[sflag:s21] =	ssyncadd.s32 $0xFFFFCE00  }
0x5a: {  	[spmem:s1] =	stream.indirect.scatter.add.f32 [tilespmem:s18], [sflag:$0x4], $0x80, s16, s17, $0xb8;
	[tilespmem:$0x1AA80] =	vst v63  }
0x5b: {  	_ =	swait.ge [sflag:s20], $0x3200  }
0x5c: {  	s24 =	stileid.u32;
	[sflag:s20] =	ssyncset.done $0x0  }
0x5d: {  	s23 =	sadd.s32 s23, s10;
	s24 =	sshll.u32 s24, $0x6;
	[sflag:s20] =	ssyncadd.s32 $0xFFFFCE00  }
0x5e: {  	s25 =	sshrl.u32 s9, $0x3;
	s24 =	sor.u32 $0x1C03, s24;
	[bflag:$0x0] =	sbarrier.arrive $0xFFFF  }
0x5f: {  	[hbm:s23], [sflag:s24] =	dma.local [spmem:s25], $0x2800  }
0x60: {  	_ =	swait.ge [sflag:s11], $0x2800  }
0x61: {  	s22 =	sadd.s32 $0x1, s22;
	s28 =	rddreg [dreg:$0x12]  }
0x62: {  	p1 =	sne.s32 s22, s28  }
.Ltmp1:
0x63: {  	_ = 	snop;
	(pc) =	sbr.rel @!p1 .LBB2_11-.Ltmp1, $3  }
0x64: {  	_ =	sdelay $0x1  }
0x65: {  	[sflag:s11] =	ssyncset.done $0x0  }
0x66: {  	[sflag:s11] =	ssyncadd.s32 $0xFFFFD800  }
.LBB2_1:
0x67: {  	s23 =	simm.s32 $0x0;
	s24 =	simm.s32 $0x200  }
.LBB2_2:
0x68: {  	p1 =	sne.s32 s24, $0x1E00;
	[tilespmem:s23+$0x6A70] =	vst v0  }
0x69: {  	[tilespmem:s23+$0x6A00] =	vst v0  }
0x6a: {  	[tilespmem:s23+$0x6A10] =	vst v0  }
.Ltmp2:
0x6b: {  	[tilespmem:s23+$0x6A20] =	vst v0;
	(pc) =	sbr.rel @p1 .LBB2_2-.Ltmp2, $4  }
0x6c: {  	[tilespmem:s23+$0x6A30] =	vst v0  }
0x6d: {  	[tilespmem:s23+$0x6A40] =	vst v0  }
0x6e: {  	[tilespmem:s23+$0x6A50] =	vst v0  }
0x6f: {  	[tilespmem:s23+$0x6A60] =	vst v0;
	s23 =	sshra.s32 s24, $0x2;
	s24 =	sadd.s32 $0x200, s24  }
0x70: {  	[tilespmem:s23+$0x6A70] =	vst v0  }
0x71: {  	[tilespmem:s23+$0x6A00] =	vst v0  }
0x72: {  	[tilespmem:s23+$0x6A10] =	vst v0  }
0x73: {  	[tilespmem:s23+$0x6A20] =	vst v0  }
0x74: {  	[tilespmem:s23+$0x6A30] =	vst v0  }
0x75: {  	[tilespmem:s23+$0x6A40] =	vst v0  }
0x76: {  	[tilespmem:s23+$0x6A50] =	vst v0  }
0x77: {  	[tilespmem:s23+$0x6A60] =	vst v0  }
0x78: {  	[spmem:s9] =	stream.linear.scatter [tilespmem:s2], [sflag:$0x3], $0x800, $0x38;
	[tilespmem:$0x1AA80] =	vst v63  }
0x79: {  	_ =	swait.ge [sflag:s11], $0x800  }
0x7a: {  	[sflag:s11] =	ssyncset.done $0x0  }
0x7b: {  	s26 =	rddreg [dreg:$0x5];
	[sflag:s11] =	ssyncadd.s32 $0xFFFFF800  }
0x7c: {  	[spmem:s26] =	stream.linear.scatter [tilespmem:s2], [sflag:$0x3], $0x800, $0x38;
	[tilespmem:$0x1AA80] =	vst v63  }
0x7d: {  	_ =	swait.ge [sflag:s11], $0x800  }
0x7e: {  	[sflag:s11] =	ssyncset.done $0x0  }
0x7f: {  	s28 =	rddreg [dreg:$0x6];
	[sflag:s11] =	ssyncadd.s32 $0xFFFFF800  }
0x80: {  	[spmem:s28] =	stream.linear.scatter [tilespmem:s2], [sflag:$0x3], $0x800, $0x38;
	[tilespmem:$0x1AA80] =	vst v63  }
0x81: {  	_ =	swait.ge [sflag:s11], $0x800  }
0x82: {  	[sflag:s11] =	ssyncset.done $0x0  }
0x83: {  	s24 =	rddreg [dreg:$0x7];
	[sflag:s11] =	ssyncadd.s32 $0xFFFFF800  }
0x84: {  	[spmem:s24] =	stream.linear.scatter [tilespmem:s2], [sflag:$0x3], $0x800, $0x38;
	[tilespmem:$0x1AA80] =	vst v63  }
0x85: {  	_ =	swait.ge [sflag:s11], $0x800  }
0x86: {  	[sflag:s11] =	ssyncset.done $0x0  }
0x87: {  	s25 =	rddreg [dreg:$0x8];
	[sflag:s11] =	ssyncadd.s32 $0xFFFFF800  }
0x88: {  	[spmem:s25] =	stream.linear.scatter [tilespmem:s2], [sflag:$0x3], $0x800, $0x38;
	[tilespmem:$0x1AA80] =	vst v63  }
0x89: {  	_ =	swait.ge [sflag:s11], $0x800  }
0x8a: {  	[sflag:s11] =	ssyncset.done $0x0  }
0x8b: {  	s26 =	rddreg [dreg:$0x9];
	[sflag:s11] =	ssyncadd.s32 $0xFFFFF800  }
0x8c: {  	[spmem:s26] =	stream.linear.scatter [tilespmem:s2], [sflag:$0x3], $0x800, $0x38;
	[tilespmem:$0x1AA80] =	vst v63  }
0x8d: {  	_ =	swait.ge [sflag:s11], $0x800  }
0x8e: {  	[sflag:s11] =	ssyncset.done $0x0  }
0x8f: {  	s28 =	rddreg [dreg:$0xa];
	[sflag:s11] =	ssyncadd.s32 $0xFFFFF800  }
0x90: {  	[spmem:s28] =	stream.linear.scatter [tilespmem:s2], [sflag:$0x3], $0x800, $0x38;
	[tilespmem:$0x1AA80] =	vst v63  }
0x91: {  	_ =	swait.ge [sflag:s11], $0x800  }
0x92: {  	[sflag:s11] =	ssyncset.done $0x0  }
0x93: {  	s24 =	rddreg [dreg:$0xb];
	[sflag:s11] =	ssyncadd.s32 $0xFFFFF800  }
0x94: {  	[spmem:s24] =	stream.linear.scatter [tilespmem:s2], [sflag:$0x3], $0x800, $0x38;
	[tilespmem:$0x1AA80] =	vst v63  }
0x95: {  	_ =	swait.ge [sflag:s11], $0x800  }
0x96: {  	[sflag:s11] =	ssyncset.done $0x0  }
0x97: {  	s25 =	rddreg [dreg:$0xc];
	[sflag:s11] =	ssyncadd.s32 $0xFFFFF800  }
0x98: {  	[spmem:s25] =	stream.linear.scatter [tilespmem:s2], [sflag:$0x3], $0x800, $0x38;
	[tilespmem:$0x1AA80] =	vst v63  }
0x99: {  	_ =	swait.ge [sflag:s11], $0x800  }
0x9a: {  	[sflag:s11] =	ssyncset.done $0x0  }
0x9b: {  	s26 =	rddreg [dreg:$0xd];
	[sflag:s11] =	ssyncadd.s32 $0xFFFFF800  }
0x9c: {  	[spmem:s26] =	stream.linear.scatter [tilespmem:s2], [sflag:$0x3], $0x800, $0x38;
	[tilespmem:$0x1AA80] =	vst v63  }
0x9d: {  	_ =	swait.ge [sflag:s11], $0x800  }
0x9e: {  	[sflag:s11] =	ssyncset.done $0x0  }
0x9f: {  	s28 =	rddreg [dreg:$0x13];
	[sflag:s11] =	ssyncadd.s32 $0xFFFFF800  }
0xa0: {  	[spmem:s28] =	stream.linear.scatter [tilespmem:s2], [sflag:$0x3], $0x800, $0x38;
	[tilespmem:$0x1AA80] =	vst v63  }
0xa1: {  	_ =	swait.ge [sflag:s11], $0x800  }
0xa2: {  	[sflag:s11] =	ssyncset.done $0x0  }
0xa3: {  	s24 =	rddreg [dreg:$0x14];
	[sflag:s11] =	ssyncadd.s32 $0xFFFFF800  }
0xa4: {  	[spmem:s24] =	stream.linear.scatter [tilespmem:s2], [sflag:$0x3], $0x800, $0x38;
	[tilespmem:$0x1AA80] =	vst v63  }
0xa5: {  	_ =	swait.ge [sflag:s11], $0x800  }
0xa6: {  	[sflag:s11] =	ssyncset.done $0x0  }
0xa7: {  	s25 =	rddreg [dreg:$0x15];
	[sflag:s11] =	ssyncadd.s32 $0xFFFFF800  }
0xa8: {  	[spmem:s25] =	stream.linear.scatter [tilespmem:s2], [sflag:$0x3], $0x800, $0x38;
	[tilespmem:$0x1AA80] =	vst v63  }
0xa9: {  	_ =	swait.ge [sflag:s11], $0x800  }
0xaa: {  	[sflag:s11] =	ssyncset.done $0x0  }
0xab: {  	s26 =	rddreg [dreg:$0x16];
	[sflag:s11] =	ssyncadd.s32 $0xFFFFF800  }
0xac: {  	[spmem:s26] =	stream.linear.scatter [tilespmem:s2], [sflag:$0x3], $0x800, $0x38;
	[tilespmem:$0x1AA80] =	vst v63  }
0xad: {  	_ =	swait.ge [sflag:s11], $0x800  }
0xae: {  	[sflag:s11] =	ssyncset.done $0x0  }
0xaf: {  	s28 =	rddreg [dreg:$0x17];
	[sflag:s11] =	ssyncadd.s32 $0xFFFFF800  }
0xb0: {  	[spmem:s28] =	stream.linear.scatter [tilespmem:s2], [sflag:$0x3], $0x800, $0x38;
	[tilespmem:$0x1AA80] =	vst v63  }
0xb1: {  	_ =	swait.ge [sflag:s11], $0x800  }
0xb2: {  	[sflag:s11] =	ssyncset.done $0x0  }
0xb3: {  	s24 =	rddreg [dreg:$0x18];
	[sflag:s11] =	ssyncadd.s32 $0xFFFFF800  }
0xb4: {  	[spmem:s24] =	stream.linear.scatter [tilespmem:s2], [sflag:$0x3], $0x800, $0x38;
	[tilespmem:$0x1AA80] =	vst v63  }
0xb5: {  	_ =	swait.ge [sflag:s11], $0x800  }
0xb6: {  	[sflag:s11] =	ssyncset.done $0x0  }
0xb7: {  	s25 =	rddreg [dreg:$0x19];
	[sflag:s11] =	ssyncadd.s32 $0xFFFFF800  }
0xb8: {  	[spmem:s25] =	stream.linear.scatter [tilespmem:s2], [sflag:$0x3], $0x800, $0x38;
	[tilespmem:$0x1AA80] =	vst v63  }
0xb9: {  	_ =	swait.ge [sflag:s11], $0x800  }
0xba: {  	[sflag:s11] =	ssyncset.done $0x0  }
0xbb: {  	s26 =	rddreg [dreg:$0x1a];
	[sflag:s11] =	ssyncadd.s32 $0xFFFFF800  }
0xbc: {  	[spmem:s26] =	stream.linear.scatter [tilespmem:s2], [sflag:$0x3], $0x800, $0x38;
	[tilespmem:$0x1AA80] =	vst v63  }
0xbd: {  	_ =	swait.ge [sflag:s11], $0x800  }
0xbe: {  	[sflag:s11] =	ssyncset.done $0x0  }
0xbf: {  	s28 =	rddreg [dreg:$0x1b];
	[sflag:s11] =	ssyncadd.s32 $0xFFFFF800  }
0xc0: {  	[spmem:s28] =	stream.linear.scatter [tilespmem:s2], [sflag:$0x3], $0x800, $0x38;
	[tilespmem:$0x1AA80] =	vst v63  }
0xc1: {  	_ =	swait.ge [sflag:s11], $0x800  }
0xc2: {  	[sflag:s11] =	ssyncset.done $0x0  }
0xc3: {  	s24 =	rddreg [dreg:$0x1c];
	[sflag:s11] =	ssyncadd.s32 $0xFFFFF800  }
0xc4: {  	[spmem:s24] =	stream.linear.scatter [tilespmem:s2], [sflag:$0x3], $0x800, $0x38;
	[tilespmem:$0x1AA80] =	vst v63  }
0xc5: {  	_ =	swait.ge [sflag:s11], $0x800  }
0xc6: {  	[sflag:s11] =	ssyncset.done $0x0  }
0xc7: {  	s25 =	rddreg [dreg:$0x1d];
	[sflag:s11] =	ssyncadd.s32 $0xFFFFF800  }
0xc8: {  	[spmem:s25] =	stream.linear.scatter [tilespmem:s2], [sflag:$0x3], $0x800, $0x38;
	[tilespmem:$0x1AA80] =	vst v63  }
0xc9: {  	_ =	swait.ge [sflag:s11], $0x800  }
0xca: {  	[sflag:s11] =	ssyncset.done $0x0  }
0xcb: {  	s26 =	rddreg [dreg:$0x1e];
	[sflag:s11] =	ssyncadd.s32 $0xFFFFF800  }
0xcc: {  	[spmem:s26] =	stream.linear.scatter [tilespmem:s2], [sflag:$0x3], $0x800, $0x38;
	[tilespmem:$0x1AA80] =	vst v63  }
0xcd: {  	_ =	swait.ge [sflag:s11], $0x800  }
0xce: {  	[sflag:s11] =	ssyncset.done $0x0  }
0xcf: {  	s28 =	rddreg [dreg:$0x1f];
	[sflag:s11] =	ssyncadd.s32 $0xFFFFF800  }
0xd0: {  	[spmem:s28] =	stream.linear.scatter [tilespmem:s2], [sflag:$0x3], $0x800, $0x38;
	[tilespmem:$0x1AA80] =	vst v63  }
0xd1: {  	_ =	swait.ge [sflag:s11], $0x800  }
0xd2: {  	s24 =	sld [smem:$0x7F2]  }
0xd3: {  	[sflag:s11] =	ssyncset.done $0x0  }
0xd4: {  	[sflag:s11] =	ssyncadd.s32 $0xFFFFF800  }
0xd5: {  	[spmem:s24] =	stream.linear.scatter [tilespmem:s2], [sflag:$0x3], $0x800, $0x38;
	[tilespmem:$0x1AA80] =	vst v63  }
0xd6: {  	_ =	swait.ge [sflag:s11], $0x800  }
0xd7: {  	s25 =	sld [smem:$0x7F3]  }
0xd8: {  	[sflag:s11] =	ssyncset.done $0x0  }
0xd9: {  	[sflag:s11] =	ssyncadd.s32 $0xFFFFF800  }
0xda: {  	[spmem:s25] =	stream.linear.scatter [tilespmem:s2], [sflag:$0x3], $0x800, $0x38;
	[tilespmem:$0x1AA80] =	vst v63  }
0xdb: {  	_ =	swait.ge [sflag:s11], $0x800  }
0xdc: {  	s26 =	sld [smem:$0x7F4]  }
0xdd: {  	[sflag:s11] =	ssyncset.done $0x0  }
0xde: {  	[sflag:s11] =	ssyncadd.s32 $0xFFFFF800  }
0xdf: {  	[spmem:s26] =	stream.linear.scatter [tilespmem:s2], [sflag:$0x3], $0x800, $0x38;
	[tilespmem:$0x1AA80] =	vst v63  }
0xe0: {  	_ =	swait.ge [sflag:s11], $0x800  }
0xe1: {  	s28 =	sld [smem:$0x7F5]  }
0xe2: {  	[sflag:s11] =	ssyncset.done $0x0  }
0xe3: {  	[sflag:s11] =	ssyncadd.s32 $0xFFFFF800  }
0xe4: {  	[spmem:s28] =	stream.linear.scatter [tilespmem:s2], [sflag:$0x3], $0x800, $0x38;
	[tilespmem:$0x1AA80] =	vst v63  }
0xe5: {  	_ =	swait.ge [sflag:s11], $0x800  }
0xe6: {  	s24 =	sld [smem:$0x7F6]  }
0xe7: {  	[sflag:s11] =	ssyncset.done $0x0  }
0xe8: {  	[sflag:s11] =	ssyncadd.s32 $0xFFFFF800  }
0xe9: {  	[spmem:s24] =	stream.linear.scatter [tilespmem:s2], [sflag:$0x3], $0x800, $0x38;
	[tilespmem:$0x1AA80] =	vst v63  }
0xea: {  	_ =	swait.ge [sflag:s11], $0x800  }
0xeb: {  	s25 =	sld [smem:$0x7F7]  }
0xec: {  	[sflag:s11] =	ssyncset.done $0x0  }
0xed: {  	[sflag:s11] =	ssyncadd.s32 $0xFFFFF800  }
0xee: {  	[spmem:s25] =	stream.linear.scatter [tilespmem:s2], [sflag:$0x3], $0x800, $0x38;
	[tilespmem:$0x1AA80] =	vst v63  }
0xef: {  	_ =	swait.ge [sflag:s11], $0x800  }
0xf0: {  	s26 =	sld [smem:$0x7F8]  }
0xf1: {  	[sflag:s11] =	ssyncset.done $0x0  }
0xf2: {  	[sflag:s11] =	ssyncadd.s32 $0xFFFFF800  }
0xf3: {  	[spmem:s26] =	stream.linear.scatter [tilespmem:s2], [sflag:$0x3], $0x800, $0x38;
	[tilespmem:$0x1AA80] =	vst v63  }
0xf4: {  	_ =	swait.ge [sflag:s11], $0x800  }
0xf5: {  	s28 =	sld [smem:$0x7F9]  }
0xf6: {  	[sflag:s11] =	ssyncset.done $0x0  }
0xf7: {  	[sflag:s11] =	ssyncadd.s32 $0xFFFFF800  }
0xf8: {  	[spmem:s28] =	stream.linear.scatter [tilespmem:s2], [sflag:$0x3], $0x800, $0x38;
	[tilespmem:$0x1AA80] =	vst v63  }
0xf9: {  	_ =	swait.ge [sflag:s11], $0x800  }
0xfa: {  	s24 =	sld [smem:$0x7FA]  }
0xfb: {  	[sflag:s11] =	ssyncset.done $0x0  }
0xfc: {  	[sflag:s11] =	ssyncadd.s32 $0xFFFFF800  }
0xfd: {  	[spmem:s24] =	stream.linear.scatter [tilespmem:s2], [sflag:$0x3], $0x800, $0x38;
	[tilespmem:$0x1AA80] =	vst v63  }
0xfe: {  	_ =	swait.ge [sflag:s11], $0x800  }
0xff: {  	s25 =	sld [smem:$0x7FB]  }
0x100: {  	[sflag:s11] =	ssyncset.done $0x0  }
0x101: {  	[sflag:s11] =	ssyncadd.s32 $0xFFFFF800  }
0x102: {  	[spmem:s25] =	stream.linear.scatter [tilespmem:s2], [sflag:$0x3], $0x800, $0x38;
	[tilespmem:$0x1AA80] =	vst v63  }
0x103: {  	_ =	swait.ge [sflag:s11], $0x800  }
0x104: {  	s26 =	sld [smem:$0x7FC]  }
0x105: {  	[sflag:s11] =	ssyncset.done $0x0  }
0x106: {  	[sflag:s11] =	ssyncadd.s32 $0xFFFFF800  }
0x107: {  	[spmem:s26] =	stream.linear.scatter [tilespmem:s2], [sflag:$0x3], $0x800, $0x38;
	[tilespmem:$0x1AA80] =	vst v63  }
0x108: {  	_ =	swait.ge [sflag:s11], $0x800  }
0x109: {  	s28 =	sld [smem:$0x7FD]  }
0x10a: {  	[sflag:s11] =	ssyncset.done $0x0  }
0x10b: {  	[sflag:s11] =	ssyncadd.s32 $0xFFFFF800  }
0x10c: {  	[spmem:s28] =	stream.linear.scatter [tilespmem:s2], [sflag:$0x3], $0x800, $0x38;
	[tilespmem:$0x1AA80] =	vst v63  }
0x10d: {  	_ =	swait.ge [sflag:s11], $0x800  }
0x10e: {  	[sflag:s11] =	ssyncset.done $0x0  }
0x10f: {  	[sflag:s11] =	ssyncadd.s32 $0xFFFFF800  }
0x110: {  	[spmem:s29] =	stream.linear.scatter [tilespmem:s2], [sflag:$0x3], $0x800, $0x38;
	[tilespmem:$0x1AA80] =	vst v63  }
0x111: {  	_ =	swait.ge [sflag:s11], $0x800  }
0x112: {  	[sflag:s11] =	ssyncset.done $0x0  }
0x113: {  	[sflag:s11] =	ssyncadd.s32 $0xFFFFF800  }
0x114: {  	[spmem:s30] =	stream.linear.scatter [tilespmem:s2], [sflag:$0x3], $0x800, $0x38;
	[tilespmem:$0x1AA80] =	vst v63  }
0x115: {  	_ =	swait.ge [sflag:s11], $0x800  }
0x116: {  	[sflag:s11] =	ssyncset.done $0x0  }
0x117: {  	[sflag:s11] =	ssyncadd.s32 $0xFFFFF800  }
0x118: {  	[spmem:s31] =	stream.linear.scatter [tilespmem:s2], [sflag:$0x3], $0x800, $0x38;
	[tilespmem:$0x1AA80] =	vst v63  }
0x119: {  	_ =	swait.ge [sflag:s11], $0x800  }
0x11a: {  	[sflag:s11] =	ssyncset.done $0x0  }
0x11b: {  	[sflag:s11] =	ssyncadd.s32 $0xFFFFF800  }
0x11c: {  	[spmem:s0] =	stream.linear.scatter [tilespmem:s2], [sflag:$0x3], $0x800, $0x38;
	[tilespmem:$0x1AA80] =	vst v63  }
0x11d: {  	_ =	swait.ge [sflag:s11], $0x800  }
0x11e: {  	[sflag:s11] =	ssyncset.done $0x0  }
0x11f: {  	[sflag:s11] =	ssyncadd.s32 $0xFFFFF800  }
0x120: {  	[spmem:s8] =	stream.linear.scatter [tilespmem:s2], [sflag:$0x3], $0x800, $0x38;
	[tilespmem:$0x1AA80] =	vst v63  }
0x121: {  	_ =	swait.ge [sflag:s11], $0x800  }
0x122: {  	[sflag:s11] =	ssyncset.done $0x0  }
0x123: {  	[sflag:s11] =	ssyncadd.s32 $0xFFFFF800  }
0x124: {  	[bflag:$0x0] =	sbarrier.arrive $0xFFFF  }
0x125: {  	s24 =	rddreg [dreg:$0xe]  }
0x126: {  	[tilespmem:s12], [sflag:$0x3] =	stream.linear.gather [hbm4b:s24+s3], $0x80, $0x38;
	[tilespmem:$0x1AA80] =	vst v63  }
0x127: {  	_ =	swait.ge [sflag:s11], $0x80  }
0x128: {  	[sflag:s11] =	ssyncset.done $0x0  }
0x129: {  	s25 =	rddreg [dreg:$0xf];
	[sflag:s11] =	ssyncadd.s32 $0xFFFFFF80  }
0x12a: {  	[tilespmem:s13], [sflag:$0x3] =	stream.linear.gather [hbm4b:s25+s3], $0x80, $0x38;
	[tilespmem:$0x1AA80] =	vst v63  }
0x12b: {  	_ =	swait.ge [sflag:s11], $0x80  }
0x12c: {  	[sflag:s11] =	ssyncset.done $0x0  }
0x12d: {  	s26 =	rddreg [dreg:$0x10];
	[sflag:s11] =	ssyncadd.s32 $0xFFFFFF80  }
0x12e: {  	[tilespmem:s15], [sflag:$0x3] =	stream.linear.gather [hbm4b:s26+s3], $0x80, $0x38;
	[tilespmem:$0x1AA80] =	vst v63  }
0x12f: {  	_ =	swait.ge [sflag:s11], $0x80  }
0x130: {  	[sflag:s11] =	ssyncset.done $0x0  }
.Ltmp3:
0x131: {  	s28 =	rddreg [dreg:$0x11];
	[sflag:s11] =	ssyncadd.s32 $0xFFFFFF80;
	(pc) =	sbr.rel @!p0 .LBB2_4-.Ltmp3, $4  }
0x132: {  	[tilespmem:s16], [sflag:$0x3] =	stream.linear.gather [hbm4b:s28+s3], $0x80, $0x38;
	[tilespmem:$0x1AA80] =	vst v63  }
0x133: {  	_ =	swait.ge [sflag:s11], $0x80  }
0x134: {  	[sflag:s11] =	ssyncset.done $0x0  }
0x135: {  	[sflag:s11] =	ssyncadd.s32 $0xFFFFFF80  }
0x136: {  	[tilespmem:s3], [sflag:$0x1] =	stream.indirect.gather [hbm4b:s5+s17], $0x80, s12, s17, $0xb8;
	[tilespmem:$0x1AA80] =	vst v63  }
0x137: {  	_ = 	snop  }
0x138: {  	[tilespmem:s18], [sflag:$0x2] =	stream.indirect.gather [hbm4b:s5+s17], $0x80, s15, s17, $0xb8;
	[tilespmem:$0x1AA80] =	vst v63  }
0x139: {  	s23 =	simm.s32 $0x100;
	_ =	swait.ge [sflag:s19], $0x3200  }
0x13a: {  	s24 =	sand.u32 $0x7C00, s23;
	[sflag:s19] =	ssyncset.done $0x0  }
0x13b: {  	s23 =	sand.u32 $0x300, s23;
	s24 =	sadd.s32 s14, s24;
	[sflag:s19] =	ssyncadd.s32 $0xFFFFCE00  }
0x13c: {  	[spmem:s1] =	stream.indirect.scatter.add.f32 [tilespmem:s3], [sflag:$0x4], $0x80, s13, s17, $0xb8;
	[tilespmem:$0x1AA80] =	vst v63  }
0x13d: {  	s23 =	sor.u32 s23, s24;
	_ =	swait.ge [sflag:s20], $0x3200  }
0x13e: {  	s23 =	sshrl.u32 s23, $0x3;
	[sflag:s20] =	ssyncset.done $0x0  }
0x13f: {  	s26 =	sadd.s32 s6, s23;
	[sflag:s20] =	ssyncadd.s32 $0xFFFFCE00  }
0x140: {  	[tilespmem:s12], [sflag:$0x4] =	stream.linear.gather [hbm4b:s26+s3], $0x80, $0x38;
	[tilespmem:$0x1AA80] =	vst v63  }
0x141: {  	_ =	swait.ge [sflag:s20], $0x80  }
0x142: {  	[sflag:s20] =	ssyncset.done $0x0  }
0x143: {  	s23 =	sadd.s32 s7, s23;
	[sflag:s20] =	ssyncadd.s32 $0xFFFFFF80  }
0x144: {  	[tilespmem:s13], [sflag:$0x4] =	stream.linear.gather [hbm4b:s23+s3], $0x80, $0x38;
	[tilespmem:$0x1AA80] =	vst v63  }
0x145: {  	_ =	swait.ge [sflag:s20], $0x80  }
0x146: {  	[sflag:s20] =	ssyncset.done $0x0  }
0x147: {  	[sflag:s20] =	ssyncadd.s32 $0xFFFFFF80  }
0x148: {  	[tilespmem:s3], [sflag:$0x1] =	stream.indirect.gather [hbm4b:s5+s17], $0x80, s12, s17, $0xb8;
	[tilespmem:$0x1AA80] =	vst v63  }
0x149: {  	s28 =	simm.s32 $0x180;
	_ =	swait.ge [sflag:s21], $0x3200  }
0x14a: {  	s25 =	sand.u32 $0x7C00, s28;
	[sflag:s21] =	ssyncset.done $0x0  }
0x14b: {  	s24 =	sadd.s32 s14, s25;
	s23 =	sand.u32 $0x380, s28;
	[sflag:s21] =	ssyncadd.s32 $0xFFFFCE00  }
0x14c: {  	[spmem:s1] =	stream.indirect.scatter.add.f32 [tilespmem:s18], [sflag:$0x4], $0x80, s16, s17, $0xb8;
	[tilespmem:$0x1AA80] =	vst v63  }
0x14d: {  	s23 =	sor.u32 s23, s24;
	_ =	swait.ge [sflag:s20], $0x3200  }
0x14e: {  	s23 =	sshrl.u32 s23, $0x3;
	[sflag:s20] =	ssyncset.done $0x0  }
0x14f: {  	s26 =	sadd.s32 s6, s23;
	[sflag:s20] =	ssyncadd.s32 $0xFFFFCE00  }
0x150: {  	[tilespmem:s15], [sflag:$0x4] =	stream.linear.gather [hbm4b:s26+s3], $0x80, $0x38;
	[tilespmem:$0x1AA80] =	vst v63  }
0x151: {  	_ =	swait.ge [sflag:s20], $0x80  }
0x152: {  	[sflag:s20] =	ssyncset.done $0x0  }
0x153: {  	s23 =	sadd.s32 s7, s23;
	[sflag:s20] =	ssyncadd.s32 $0xFFFFFF80  }
0x154: {  	[tilespmem:s16], [sflag:$0x3] =	stream.linear.gather [hbm4b:s23+s3], $0x80, $0x38;
	[tilespmem:$0x1AA80] =	vst v63  }
0x155: {  	_ =	swait.ge [sflag:s11], $0x80  }
0x156: {  	s28 =	simm.s32 $0x200;
	[sflag:s11] =	ssyncset.done $0x0  }
0x157: {  	s25 =	sand.u32 $0x7C00, s28;
	s24 =	sand.u32 $0x300, s28;
	[sflag:s11] =	ssyncadd.s32 $0xFFFFFF80  }
0x158: {  	[tilespmem:s18], [sflag:$0x2] =	stream.indirect.gather [hbm4b:s5+s17], $0x80, s15, s17, $0xb8;
	[tilespmem:$0x1AA80] =	vst v63  }
0x159: {  	s26 =	sadd.s32 s14, s25;
	s25 =	simm.s32 $0x380;
	_ =	swait.ge [sflag:s19], $0x3200  }
0x15a: {  	s26 =	sor.u32 s24, s26;
	s23 =	simm.s32 $0x280;
	[sflag:s19] =	ssyncset.done $0x0  }
.LBB2_8:
0x15b: {  	s26 =	sshrl.u32 s26, $0x3  }
0x15c: {  	[sflag:s19] =	ssyncadd.s32 $0xFFFFCE00;
	s28 =	smov.u32 s25;
	s24 =	sadd.s32 $0x100, s25  }
0x15d: {  	[spmem:s1] =	stream.indirect.scatter.add.f32 [tilespmem:s3], [sflag:$0x4], $0x80, s13, s17, $0xb8;
	[tilespmem:$0x1AA80] =	vst v63  }
0x15e: {  	p1 =	sne.s32 s25, $0x3180;
	_ =	swait.ge [sflag:s20], $0x3200  }
0x15f: {  	[sflag:s20] =	ssyncset.done $0x0  }
0x160: {  	s25 =	sadd.s32 s6, s26;
	[sflag:s20] =	ssyncadd.s32 $0xFFFFCE00  }
0x161: {  	[tilespmem:s12], [sflag:$0x4] =	stream.linear.gather [hbm4b:s25+s3], $0x80, $0x38;
	[tilespmem:$0x1AA80] =	vst v63  }
0x162: {  	_ =	swait.ge [sflag:s20], $0x80  }
0x163: {  	[sflag:s20] =	ssyncset.done $0x0  }
0x164: {  	s25 =	sadd.s32 s7, s26;
	[sflag:s20] =	ssyncadd.s32 $0xFFFFFF80  }
0x165: {  	[tilespmem:s13], [sflag:$0x4] =	stream.linear.gather [hbm4b:s25+s3], $0x80, $0x38;
	[tilespmem:$0x1AA80] =	vst v63  }
0x166: {  	_ =	swait.ge [sflag:s20], $0x80  }
0x167: {  	[sflag:s20] =	ssyncset.done $0x0  }
0x168: {  	[sflag:s20] =	ssyncadd.s32 $0xFFFFFF80  }
0x169: {  	[tilespmem:s3], [sflag:$0x1] =	stream.indirect.gather [hbm4b:s5+s17], $0x80, s12, s17, $0xb8;
	[tilespmem:$0x1AA80] =	vst v63  }
0x16a: {  	_ =	swait.ge [sflag:s21], $0x3200  }
0x16b: {  	[sflag:s21] =	ssyncset.done $0x0  }
0x16c: {  	s25 =	sand.u32 $0x7C00, s23;
	[sflag:s21] =	ssyncadd.s32 $0xFFFFCE00  }
0x16d: {  	[spmem:s1] =	stream.indirect.scatter.add.f32 [tilespmem:s18], [sflag:$0x4], $0x80, s16, s17, $0xb8;
	[tilespmem:$0x1AA80] =	vst v63  }
0x16e: {  	s23 =	sand.u32 $0x380, s23;
	s25 =	sadd.s32 s14, s25;
	_ =	swait.ge [sflag:s20], $0x3200  }
0x16f: {  	s25 =	sor.u32 s23, s25;
	s23 =	smov.u32 s28;
	[sflag:s20] =	ssyncset.done $0x0  }
0x170: {  	s25 =	sshrl.u32 s25, $0x3;
	[sflag:s20] =	ssyncadd.s32 $0xFFFFCE00  }
0x171: {  	s26 =	sadd.s32 s6, s25  }
0x172: {  	[tilespmem:s15], [sflag:$0x4] =	stream.linear.gather [hbm4b:s26+s3], $0x80, $0x38;
	[tilespmem:$0x1AA80] =	vst v63  }
0x173: {  	_ =	swait.ge [sflag:s20], $0x80  }
0x174: {  	[sflag:s20] =	ssyncset.done $0x0  }
0x175: {  	s25 =	sadd.s32 s7, s25;
	[sflag:s20] =	ssyncadd.s32 $0xFFFFFF80  }
0x176: {  	[tilespmem:s16], [sflag:$0x3] =	stream.linear.gather [hbm4b:s25+s3], $0x80, $0x38;
	[tilespmem:$0x1AA80] =	vst v63  }
0x177: {  	_ =	swait.ge [sflag:s11], $0x80  }
.Ltmp4:
0x178: {  	s25 =	sadd.s32 $0xFFFFFF80, s23;
	[sflag:s11] =	ssyncset.done $0x0;
	(pc) =	sbr.rel @p1 .LBB2_8-.Ltmp4, $4  }
0x179: {  	s26 =	sand.u32 $0x7C00, s25;
	[sflag:s11] =	ssyncadd.s32 $0xFFFFFF80  }
0x17a: {  	[tilespmem:s18], [sflag:$0x2] =	stream.indirect.gather [hbm4b:s5+s17], $0x80, s15, s17, $0xb8;
	[tilespmem:$0x1AA80] =	vst v63  }
0x17b: {  	s25 =	sand.u32 $0x300, s25;
	s26 =	sadd.s32 s14, s26;
	_ =	swait.ge [sflag:s19], $0x3200  }
0x17c: {  	s26 =	sor.u32 s25, s26;
	s25 =	smov.u32 s24;
	[sflag:s19] =	ssyncset.done $0x0  }
0x17d: {  	[sflag:s19] =	ssyncadd.s32 $0xFFFFCE00  }
0x17e: {  	[spmem:s1] =	stream.indirect.scatter.add.f32 [tilespmem:s3], [sflag:$0x4], $0x80, s13, s17, $0xb8;
	[tilespmem:$0x1AA80] =	vst v63  }
0x17f: {  	_ =	swait.ge [sflag:s20], $0x3200  }
0x180: {  	s24 =	sshrl.u32 s26, $0x3;
	[sflag:s20] =	ssyncset.done $0x0  }
0x181: {  	s25 =	sadd.s32 s6, s24;
	[sflag:s20] =	ssyncadd.s32 $0xFFFFCE00  }
0x182: {  	[tilespmem:s12], [sflag:$0x4] =	stream.linear.gather [hbm4b:s25+s3], $0x80, $0x38;
	[tilespmem:$0x1AA80] =	vst v63  }
0x183: {  	_ =	swait.ge [sflag:s20], $0x80  }
0x184: {  	[sflag:s20] =	ssyncset.done $0x0  }
0x185: {  	s24 =	sadd.s32 s7, s24;
	[sflag:s20] =	ssyncadd.s32 $0xFFFFFF80  }
0x186: {  	[tilespmem:s13], [sflag:$0x4] =	stream.linear.gather [hbm4b:s24+s3], $0x80, $0x38;
	[tilespmem:$0x1AA80] =	vst v63  }
0x187: {  	_ =	swait.ge [sflag:s20], $0x80  }
0x188: {  	[sflag:s20] =	ssyncset.done $0x0  }
0x189: {  	[sflag:s20] =	ssyncadd.s32 $0xFFFFFF80  }
0x18a: {  	[tilespmem:s3], [sflag:$0x1] =	stream.indirect.gather [hbm4b:s5+s17], $0x80, s12, s17, $0xb8;
	[tilespmem:$0x1AA80] =	vst v63  }
0x18b: {  	_ =	swait.ge [sflag:s21], $0x3200  }
0x18c: {  	s25 =	sand.u32 $0x7C00, s23;
	[sflag:s21] =	ssyncset.done $0x0  }
0x18d: {  	s26 =	sand.u32 $0x380, s23;
	s24 =	sadd.s32 s14, s25;
	[sflag:s21] =	ssyncadd.s32 $0xFFFFCE00  }
0x18e: {  	[spmem:s1] =	stream.indirect.scatter.add.f32 [tilespmem:s18], [sflag:$0x4], $0x80, s16, s17, $0xb8;
	[tilespmem:$0x1AA80] =	vst v63  }
0x18f: {  	s23 =	sor.u32 s26, s24;
	_ =	swait.ge [sflag:s20], $0x3200  }
0x190: {  	s23 =	sshrl.u32 s23, $0x3;
	[sflag:s20] =	ssyncset.done $0x0  }
0x191: {  	s28 =	sadd.s32 s6, s23;
	[sflag:s20] =	ssyncadd.s32 $0xFFFFCE00  }
0x192: {  	[tilespmem:s15], [sflag:$0x4] =	stream.linear.gather [hbm4b:s28+s3], $0x80, $0x38;
	[tilespmem:$0x1AA80] =	vst v63  }
0x193: {  	_ =	swait.ge [sflag:s20], $0x80  }
0x194: {  	[sflag:s20] =	ssyncset.done $0x0  }
0x195: {  	s23 =	sadd.s32 s7, s23;
	[sflag:s20] =	ssyncadd.s32 $0xFFFFFF80  }
0x196: {  	[tilespmem:s16], [sflag:$0x3] =	stream.linear.gather [hbm4b:s23+s3], $0x80, $0x38;
	[tilespmem:$0x1AA80] =	vst v63  }
0x197: {  	_ =	swait.ge [sflag:s11], $0x80  }
0x198: {  	[sflag:s11] =	ssyncset.done $0x0  }
0x199: {  	[sflag:s11] =	ssyncadd.s32 $0xFFFFFF80  }
0x19a: {  	[tilespmem:s18], [sflag:$0x2] =	stream.indirect.gather [hbm4b:s5+s17], $0x80, s15, s17, $0xb8;
	[tilespmem:$0x1AA80] =	vst v63  }
0x19b: {  	_ =	swait.ge [sflag:s19], $0x3200  }
0x19c: {  	[sflag:s19] =	ssyncset.done $0x0  }
.Ltmp5:
0x19d: {  	[sflag:s19] =	ssyncadd.s32 $0xFFFFCE00;
	(pc) =	sbr.rel .LBB2_10-.Ltmp5, $4  }
0x19e: {  	[spmem:s1] =	stream.indirect.scatter.add.f32 [tilespmem:s3], [sflag:$0x4], $0x80, s13, s17, $0xb8;
	[tilespmem:$0x1AA80] =	vst v63  }
0x19f: {  	_ =	swait.ge [sflag:s20], $0x3200  }
0x1a0: {  	[sflag:s20] =	ssyncset.done $0x0  }
0x1a1: {  	s23 =	rddreg [dreg:$0x4];
	[sflag:s20] =	ssyncadd.s32 $0xFFFFCE00  }
.LBB2_4:
0x1a2: {  	[tilespmem:s3], [sflag:$0x1] =	stream.indirect.gather [hbm4b:s4+s17], $0x80, s12, s17, $0xb8;
	[tilespmem:$0x1AA80] =	vst v63  }
0x1a3: {  	_ = 	snop  }
0x1a4: {  	[tilespmem:s18], [sflag:$0x2] =	stream.indirect.gather [hbm4b:s4+s17], $0x80, s15, s17, $0xb8;
	[tilespmem:$0x1AA80] =	vst v63  }
0x1a5: {  	s23 =	simm.s32 $0x100;
	_ =	swait.ge [sflag:s19], $0x3200  }
0x1a6: {  	s24 =	sand.u32 $0x7C00, s23;
	[sflag:s19] =	ssyncset.done $0x0  }
0x1a7: {  	s23 =	sand.u32 $0x300, s23;
	s24 =	sadd.s32 s14, s24;
	[sflag:s19] =	ssyncadd.s32 $0xFFFFCE00  }
0x1a8: {  	[spmem:s1] =	stream.indirect.scatter.add.f32 [tilespmem:s3], [sflag:$0x4], $0x80, s13, s17, $0xb8;
	[tilespmem:$0x1AA80] =	vst v63  }
0x1a9: {  	s23 =	sor.u32 s23, s24;
	_ =	swait.ge [sflag:s20], $0x3200  }
0x1aa: {  	s23 =	sshrl.u32 s23, $0x3;
	[sflag:s20] =	ssyncset.done $0x0  }
0x1ab: {  	s26 =	sadd.s32 s6, s23;
	[sflag:s20] =	ssyncadd.s32 $0xFFFFCE00  }
0x1ac: {  	[tilespmem:s12], [sflag:$0x4] =	stream.linear.gather [hbm4b:s26+s3], $0x80, $0x38;
	[tilespmem:$0x1AA80] =	vst v63  }
0x1ad: {  	_ =	swait.ge [sflag:s20], $0x80  }
0x1ae: {  	[sflag:s20] =	ssyncset.done $0x0  }
0x1af: {  	s23 =	sadd.s32 s7, s23;
	[sflag:s20] =	ssyncadd.s32 $0xFFFFFF80  }
0x1b0: {  	[tilespmem:s13], [sflag:$0x4] =	stream.linear.gather [hbm4b:s23+s3], $0x80, $0x38;
	[tilespmem:$0x1AA80] =	vst v63  }
0x1b1: {  	_ =	swait.ge [sflag:s20], $0x80  }
0x1b2: {  	[sflag:s20] =	ssyncset.done $0x0  }
0x1b3: {  	[sflag:s20] =	ssyncadd.s32 $0xFFFFFF80  }
0x1b4: {  	[tilespmem:s3], [sflag:$0x1] =	stream.indirect.gather [hbm4b:s4+s17], $0x80, s12, s17, $0xb8;
	[tilespmem:$0x1AA80] =	vst v63  }
0x1b5: {  	s28 =	simm.s32 $0x180;
	_ =	swait.ge [sflag:s21], $0x3200  }
0x1b6: {  	s25 =	sand.u32 $0x7C00, s28;
	[sflag:s21] =	ssyncset.done $0x0  }
0x1b7: {  	s24 =	sadd.s32 s14, s25;
	s23 =	sand.u32 $0x380, s28;
	[sflag:s21] =	ssyncadd.s32 $0xFFFFCE00  }
0x1b8: {  	[spmem:s1] =	stream.indirect.scatter.add.f32 [tilespmem:s18], [sflag:$0x4], $0x80, s16, s17, $0xb8;
	[tilespmem:$0x1AA80] =	vst v63  }
0x1b9: {  	s23 =	sor.u32 s23, s24;
	_ =	swait.ge [sflag:s20], $0x3200  }
0x1ba: {  	s23 =	sshrl.u32 s23, $0x3;
	[sflag:s20] =	ssyncset.done $0x0  }
0x1bb: {  	s26 =	sadd.s32 s6, s23;
	[sflag:s20] =	ssyncadd.s32 $0xFFFFCE00  }
0x1bc: {  	[tilespmem:s15], [sflag:$0x4] =	stream.linear.gather [hbm4b:s26+s3], $0x80, $0x38;
	[tilespmem:$0x1AA80] =	vst v63  }
0x1bd: {  	_ =	swait.ge [sflag:s20], $0x80  }
0x1be: {  	[sflag:s20] =	ssyncset.done $0x0  }
0x1bf: {  	s23 =	sadd.s32 s7, s23;
	[sflag:s20] =	ssyncadd.s32 $0xFFFFFF80  }
0x1c0: {  	[tilespmem:s16], [sflag:$0x3] =	stream.linear.gather [hbm4b:s23+s3], $0x80, $0x38;
	[tilespmem:$0x1AA80] =	vst v63  }
0x1c1: {  	_ =	swait.ge [sflag:s11], $0x80  }
0x1c2: {  	s28 =	simm.s32 $0x200;
	[sflag:s11] =	ssyncset.done $0x0  }
0x1c3: {  	s25 =	sand.u32 $0x7C00, s28;
	s24 =	simm.s32 $0x380;
	[sflag:s11] =	ssyncadd.s32 $0xFFFFFF80  }
0x1c4: {  	[tilespmem:s18], [sflag:$0x2] =	stream.indirect.gather [hbm4b:s4+s17], $0x80, s15, s17, $0xb8;
	[tilespmem:$0x1AA80] =	vst v63  }
0x1c5: {  	s25 =	sadd.s32 s14, s25;
	s26 =	sand.u32 $0x300, s28;
	_ =	swait.ge [sflag:s19], $0x3200  }
0x1c6: {  	s26 =	sor.u32 s26, s25;
	s23 =	simm.s32 $0x280;
	[sflag:s19] =	ssyncset.done $0x0  }
.LBB2_5:
0x1c7: {  	s26 =	sshrl.u32 s26, $0x3  }
0x1c8: {  	[sflag:s19] =	ssyncadd.s32 $0xFFFFCE00;
	s28 =	smov.u32 s24;
	s25 =	sadd.s32 $0x100, s24  }
0x1c9: {  	[spmem:s1] =	stream.indirect.scatter.add.f32 [tilespmem:s3], [sflag:$0x4], $0x80, s13, s17, $0xb8;
	[tilespmem:$0x1AA80] =	vst v63  }
0x1ca: {  	p1 =	seq.s32 s24, $0x3180;
	_ =	swait.ge [sflag:s20], $0x3200  }
0x1cb: {  	[sflag:s20] =	ssyncset.done $0x0  }
0x1cc: {  	s24 =	sadd.s32 s6, s26;
	[sflag:s20] =	ssyncadd.s32 $0xFFFFCE00  }
0x1cd: {  	[tilespmem:s12], [sflag:$0x4] =	stream.linear.gather [hbm4b:s24+s3], $0x80, $0x38;
	[tilespmem:$0x1AA80] =	vst v63  }
0x1ce: {  	_ =	swait.ge [sflag:s20], $0x80  }
0x1cf: {  	[sflag:s20] =	ssyncset.done $0x0  }
0x1d0: {  	s24 =	sadd.s32 s7, s26;
	[sflag:s20] =	ssyncadd.s32 $0xFFFFFF80  }
0x1d1: {  	[tilespmem:s13], [sflag:$0x4] =	stream.linear.gather [hbm4b:s24+s3], $0x80, $0x38;
	[tilespmem:$0x1AA80] =	vst v63  }
0x1d2: {  	_ =	swait.ge [sflag:s20], $0x80  }
0x1d3: {  	[sflag:s20] =	ssyncset.done $0x0  }
0x1d4: {  	[sflag:s20] =	ssyncadd.s32 $0xFFFFFF80  }
0x1d5: {  	[tilespmem:s3], [sflag:$0x1] =	stream.indirect.gather [hbm4b:s4+s17], $0x80, s12, s17, $0xb8;
	[tilespmem:$0x1AA80] =	vst v63  }
0x1d6: {  	_ =	swait.ge [sflag:s21], $0x3200  }
0x1d7: {  	[sflag:s21] =	ssyncset.done $0x0  }
0x1d8: {  	s24 =	sand.u32 $0x7C00, s23;
	[sflag:s21] =	ssyncadd.s32 $0xFFFFCE00  }
0x1d9: {  	[spmem:s1] =	stream.indirect.scatter.add.f32 [tilespmem:s18], [sflag:$0x4], $0x80, s16, s17, $0xb8;
	[tilespmem:$0x1AA80] =	vst v63  }
0x1da: {  	s23 =	sand.u32 $0x380, s23;
	s24 =	sadd.s32 s14, s24;
	_ =	swait.ge [sflag:s20], $0x3200  }
0x1db: {  	s24 =	sor.u32 s23, s24;
	s23 =	smov.u32 s28;
	[sflag:s20] =	ssyncset.done $0x0  }
0x1dc: {  	s24 =	sshrl.u32 s24, $0x3;
	[sflag:s20] =	ssyncadd.s32 $0xFFFFCE00  }
0x1dd: {  	s26 =	sadd.s32 s6, s24  }
0x1de: {  	[tilespmem:s15], [sflag:$0x4] =	stream.linear.gather [hbm4b:s26+s3], $0x80, $0x38;
	[tilespmem:$0x1AA80] =	vst v63  }
0x1df: {  	_ =	swait.ge [sflag:s20], $0x80  }
0x1e0: {  	[sflag:s20] =	ssyncset.done $0x0  }
0x1e1: {  	s24 =	sadd.s32 s7, s24;
	[sflag:s20] =	ssyncadd.s32 $0xFFFFFF80  }
0x1e2: {  	[tilespmem:s16], [sflag:$0x3] =	stream.linear.gather [hbm4b:s24+s3], $0x80, $0x38;
	[tilespmem:$0x1AA80] =	vst v63  }
0x1e3: {  	_ =	swait.ge [sflag:s11], $0x80  }
.Ltmp6:
0x1e4: {  	s24 =	sadd.s32 $0xFFFFFF80, s23;
	[sflag:s11] =	ssyncset.done $0x0;
	(pc) =	sbr.rel @!p1 .LBB2_5-.Ltmp6, $4  }
0x1e5: {  	s26 =	sand.u32 $0x7C00, s24;
	[sflag:s11] =	ssyncadd.s32 $0xFFFFFF80  }
0x1e6: {  	[tilespmem:s18], [sflag:$0x2] =	stream.indirect.gather [hbm4b:s4+s17], $0x80, s15, s17, $0xb8;
	[tilespmem:$0x1AA80] =	vst v63  }
0x1e7: {  	s24 =	sand.u32 $0x300, s24;
	s26 =	sadd.s32 s14, s26;
	_ =	swait.ge [sflag:s19], $0x3200  }
0x1e8: {  	s26 =	sor.u32 s24, s26;
	s24 =	smov.u32 s25;
	[sflag:s19] =	ssyncset.done $0x0  }
.Ltmp7:
0x1e9: {  	_ = 	snop;
	(pc) =	sbr.rel .LBB2_6-.Ltmp7, $1  }
0x1ea: {  	_ =	sdelay $0x3  }
.LBB2_11:
0x1eb: {  	_ =	sfence.sel $0x180000  }
0x1ec: {  	[bflag:$0x0] =	sbarrier.arrive $0xFFFF  }
0x1ed: {  	_ =	strace $0x9000004D  }
0x1ee: {  	s0 =	stileid.u32;
	[bflag:$0x2] =	sbarrier.arrive $0xFFFF  }
0x1ef: {  	p0 =	sne.s32 s0, $0x0;
	s0 =	rddreg [dreg:$0x2]  }
0x1f0: {  	s0 =	sadd.s32 @!p0 $0x100000, s0  }
0x1f1: {  	[sflag:s0] =	ssyncadd.tile.s32 @!p0 $0x1;
	_ =	shalt  }
.Lfunc_end2:
_tile_overlayer_lowered:
.L_overlay_start_2:
0x1f2: {  	(tag) =	ssettag $0x2  }
0x1f3: {  	s0 =	rddreg [dreg:$0x0];
	s2 =	stileid.u32  }
0x1f4: {  	s1 =	rddreg [dreg:$0x1];
	p0 =	sne.s32 s2, $0x0  }
0x1f5: {  	s3 =	rddreg [dreg:$0x2];
	[bflag:$0x3] =	sbarrier.arrive $0xFFFF;
	s2 =	simm.s32 @!p0 $0x1C03  }
0x1f6: {  	[timem:s3], [sflag:s2] =	dma.local @!p0 [hbm:s0], s1  }
0x1f7: {  	s0 =	simm.s32 @!p0 $0x3  }
0x1f8: {  	_ =	swait.ge @!p0 [sflag:s0], s1  }
0x1f9: {  	s1 =	ssub.s32 @!p0 $0x0, s1;
	[sflag:s0] =	ssyncset.done @!p0 $0x0  }
0x1fa: {  	[sflag:s0] =	ssyncadd.s32 @!p0 s1  }
0x1fb: {  	[bflag:$0x3] =	sbarrier.arrive $0xFFFF  }
0x1fc: {  	_ =	shalt  }

// kernel: kernel.8.cloned.1.call-start
scs
__scs_entry_jumppad:
0x0: {  	(pc) =	sbr.rel $0x88, $3  }
0x1: {  	(tag) =	ssettag $0x0;
	lr =	simm.s32 $0x1  }
0x2: {  	[smem:$0x3F97] =	sst lr;
	_ =	strace $0xD0000000  }
0x3: {  	_ = 	snop  }
0x4: {  	_ = 	snop  }
0x5: {  	_ = 	snop  }
0x6: {  	_ = 	snop  }
0x7: {  	_ = 	snop  }
__scs_overlays_trampoline_lowered:
0x8: {  	[smem:$0x3FA6] =	sst s0  }
0x9: {  	[smem:$0x3FA7] =	sst s1  }
0xa: {  	[smem:$0x3FA8] =	sst s2  }
0xb: {  	[smem:$0x3FA9] =	sst s3  }
0xc: {  	[smem:$0x3FAA] =	sst s4  }
0xd: {  	[smem:$0x3FAB] =	sst s5  }
0xe: {  	[smem:$0x3FAC] =	sst s6  }
0xf: {  	[smem:$0x3FAD] =	sst s7  }
0x10: {  	[smem:$0x3FAE] =	sst s8  }
0x11: {  	[smem:$0x3FAF] =	sst s9;
	s0 =	simm.s32 @!p0 $0x0  }
0x12: {  	s1 =	sld [smem:$0x3F95];
	s0 =	simm.s32 @p0 $0x1  }
0x13: {  	[smem:$0x3FB0] =	sst s0;
	s0 =	simm.s32 @!p1 $0x0  }
0x14: {  	s2 =	sld [smem:$0x3F94];
	s0 =	simm.s32 @p1 $0x1  }
0x15: {  	[smem:$0x3FB1] =	sst s0;
	s0 =	simm.s32 @!p2 $0x0  }
0x16: {  	s3 =	sld [smem:$0x3FDB];
	s0 =	simm.s32 @p2 $0x1  }
0x17: {  	s4 =	simm.s32 $0x1BF5;
	[smem:$0x3FB3] =	sst s0  }
0x18: {  	s0 =	sld [smem:$0x3F96];
	_ =	swait.ge [sflag:s4], $0x0  }
0x19: {  	s7 =	sld [smem:$0x3F97]  }
0x1a: {  	s8 =	sadd.s32 $0xFFFFE003, lr  }
0x1b: {  	s9 =	sadd.s32 $0xFFFFFEF7, lr;
	s5 =	simm.s32 $0xFFFFFFFF;
	p2 =	slt.u32 s8, $0xFFFFF086  }
0x1c: {  	p1 =	slt.u32 s9, $0xF7A;
	s5 =	simm.s32 @!p2 $0x0  }
0x1d: {  	s5 =	simm.s32 @p1 $0x1;
	p0 =	seq.s32 s7, s2  }
0x1e: {  	s7 =	smul.u32 @!p0 $0xF7A, s2;
	p2 =	seq.s32 @!p0 s5, $0x0  }
0x1f: {  	s9 =	smul.u32 $0xF7A, s1;
	s8 =	simm.s32 @!p0 $0x1BF5;
	p2 =	por !p2, p0  }
0x20: {  	[sflag:s8] =	ssyncset.s32 @!p0 $0xFFFFF086;
	s6 =	sadd.s32 @!p0 s3, s7;
	s7 =	simm.s32 @!p0 $0x108  }
0x21: {  	s3 =	sadd.s32 s3, s9;
	s6 =	sadd.s32 @!p0 $0x88, s6;
	s7 =	simm.s32 @p2 $0x1082  }
0x22: {  	[simem:s7], [sflag:s8] =	dma.local @!p0 [hbm:s6], $0xF7A  }
0x23: {  	s9 =	sor.u32 $0xD0000000, s2;
	s6 =	simm.s32 $0x108;
	_ =	swait.ge @!p0 [sflag:s8], $0x0  }
0x24: {  	s3 =	sadd.s32 $0x88, s3;
	s6 =	simm.s32 @!p1 $0x1082;
	[sflag:s4] =	ssyncset.s32 $0xFFFFF086  }
0x25: {  	[simem:s6], [sflag:s4] =	dma.local [hbm:s3], $0xF7A  }
0x26: {  	[smem:$0x3F97] =	sst s1;
	(tag) =	ssettag s2;
	_ =	strace s9  }
0x27: {  	s1 =	sld [smem:$0x3FA7]  }
0x28: {  	s2 =	sld [smem:$0x3FA8]  }
0x29: {  	s4 =	sld [smem:$0x3FAA]  }
0x2a: {  	p0 =	seq.s32 s5, $0x0;
	s5 =	sld [smem:$0x3FAB]  }
0x2b: {  	s6 =	sld [smem:$0x3FAC]  }
0x2c: {  	s7 =	sld [smem:$0x3FAD]  }
0x2d: {  	s3 =	simm.s32 $0x108;
	s8 =	sld [smem:$0x3FAE]  }
0x2e: {  	s3 =	simm.s32 @!p0 $0x1082;
	s9 =	sld [smem:$0x3FAF]  }
0x2f: {  	lr =	sadd.s32 s0, s3;
	s0 =	sld [smem:$0x3FA6]  }
0x30: {  	s3 =	sld [smem:$0x3FA9]  }
0x31: {  	[smem:$0x3FB2] =	sst s10  }
0x32: {  	s10 =	sld [smem:$0x3FB0];
	_ =	sdelay $0x3  }
0x33: {  	p0 =	seq.s32 s10, $0x1;
	s10 =	sld [smem:$0x3FB2];
	_ =	sdelay $0x3  }
0x34: {  	[smem:$0x3FB2] =	sst s10  }
0x35: {  	s10 =	sld [smem:$0x3FB1];
	_ =	sdelay $0x3  }
0x36: {  	p1 =	seq.s32 s10, $0x1;
	s10 =	sld [smem:$0x3FB2];
	_ =	sdelay $0x3  }
0x37: {  	[smem:$0x3FB2] =	sst s10  }
0x38: {  	s10 =	sld [smem:$0x3FB3]  }
0x39: {  	_ = 	snop;
	(pc) =	sbr.ind lr, $3  }
0x3a: {  	_ = 	snop  }
0x3b: {  	_ = 	snop  }
0x3c: {  	p2 =	seq.s32 s10, $0x1;
	s10 =	sld [smem:$0x3FB2]  }
0x3d: {  	_ =	shalt  }
0x3e: {  	_ =	shalt  }
0x3f: {  	_ =	shalt  }
0x40: {  	_ =	shalt  }
0x41: {  	_ =	shalt  }
0x42: {  	_ =	shalt  }
0x43: {  	_ =	shalt  }
0x44: {  	_ =	shalt  }
0x45: {  	_ =	shalt  }
0x46: {  	_ =	shalt  }
0x47: {  	_ =	shalt  }
0x48: {  	_ =	shalt  }
0x49: {  	_ =	shalt  }
0x4a: {  	_ =	shalt  }
0x4b: {  	_ =	shalt  }
0x4c: {  	_ =	shalt  }
0x4d: {  	_ =	shalt  }
0x4e: {  	_ =	shalt  }
0x4f: {  	_ =	shalt  }
0x50: {  	_ =	shalt  }
0x51: {  	_ =	shalt  }
0x52: {  	_ =	shalt  }
0x53: {  	_ =	shalt  }
0x54: {  	_ =	shalt  }
0x55: {  	_ =	shalt  }
0x56: {  	_ =	shalt  }
0x57: {  	_ =	shalt  }
0x58: {  	_ =	shalt  }
0x59: {  	_ =	shalt  }
0x5a: {  	_ =	shalt  }
0x5b: {  	_ =	shalt  }
0x5c: {  	_ =	shalt  }
0x5d: {  	_ =	shalt  }
0x5e: {  	_ =	shalt  }
0x5f: {  	_ =	shalt  }
0x60: {  	_ =	shalt  }
0x61: {  	_ =	shalt  }
0x62: {  	_ =	shalt  }
0x63: {  	_ =	shalt  }
0x64: {  	_ =	shalt  }
0x65: {  	_ =	shalt  }
0x66: {  	_ =	shalt  }
0x67: {  	_ =	shalt  }
0x68: {  	_ =	shalt  }
0x69: {  	_ =	shalt  }
0x6a: {  	_ =	shalt  }
0x6b: {  	_ =	shalt  }
0x6c: {  	_ =	shalt  }
0x6d: {  	_ =	shalt  }
0x6e: {  	_ =	shalt  }
0x6f: {  	_ =	shalt  }
0x70: {  	_ =	shalt  }
0x71: {  	_ =	shalt  }
0x72: {  	_ =	shalt  }
0x73: {  	_ =	shalt  }
0x74: {  	_ =	shalt  }
0x75: {  	_ =	shalt  }
0x76: {  	_ =	shalt  }
0x77: {  	_ =	shalt  }
0x78: {  	_ =	shalt  }
0x79: {  	_ =	shalt  }
0x7a: {  	_ =	shalt  }
0x7b: {  	_ =	shalt  }
0x7c: {  	_ =	shalt  }
0x7d: {  	_ =	shalt  }
0x7e: {  	_ =	shalt  }
0x7f: {  	_ =	shalt  }
0x80: {  	_ =	shalt  }
0x81: {  	_ =	shalt  }
0x82: {  	_ =	shalt  }
0x83: {  	_ =	shalt  }
0x84: {  	_ =	shalt  }
0x85: {  	_ =	shalt  }
0x86: {  	_ =	shalt  }
0x87: {  	_ =	shalt  }
.Lfunc_end0:
.L_simem_size_0:
called_computation_lowered:
.L_overlay_start_0:
0x88: {  	s2 =	sld [smem:$0x3FD9]  }
0x89: {  	s3 =	sld [smem:$0x3FFE];
	_ =	sdelay $0x1  }
0x8a: {  	s1 =	srdreg.scid  }
0x8b: {  	s0 =	sand.u32 $0x1, s1  }
0x8c: {  	s16 =	sshll.u32 s0, $0xA;
	s2 =	sadd.s32 s3, s2  }
0x8d: {  	s2 =	sadd.s32 s2, s16  }
0x8e: {  	[smem:$0x3FBE] =	sst s2  }
0x8f: {  	_ = 	snop  }
0x90: {  	(tm) =	ssettm $0x1  }
0x91: {  	s17 =	sld [smem:$0x3FFB];
	_ =	sdelay $0x3  }
0x92: {  	_ =	strace s17  }
0x93: {  	s2 =	sld [smem:$0x3FFC];
	_ =	sdelay $0x3  }
0x94: {  	_ =	strace s2  }
0x95: {  	s2 =	sld [smem:$0x3FFD];
	_ =	sdelay $0x3  }
0x96: {  	_ =	strace s2  }
0x97: {  	_ =	strace $0x8FFFFFFF  }
0x98: {  	s18 =	sld [smem:$0x3FDB];
	_ =	sdelay $0x1  }
0x99: {  	s19 =	simm.s32 $_scs_section_size  }
0x9a: {  	s4 =	simm.s32 $_size__tile_overlayer_lowered;
	s5 =	simm.s32 $_tile_overlayer_lowered  }
0x9b: {  	s22 =	simm.s32 $0x1BFF;
	s21 =	sshll.u32 s5, $0x1;
	s2 =	sadd.s32 s19, s18  }
0x9c: {  	s6 =	simm.s32 $0x0;
	s20 =	sshll.u32 s4, $0x1;
	s4 =	sadd.s32 s21, s2  }
0x9d: {  	[timem:s6], [sflag:s22] =	dma.local [hbm:s4], s20  }
0x9e: {  	_ =	swait.ge [sflag:s22], s20  }
0x9f: {  	s3 =	ssub.s32 $0x0, s20;
	[sflag:s22] =	ssyncset.done $0x0  }
0xa0: {  	[sflag:s22] =	ssyncadd.s32 s3;
	_ =	sdelay $0x1  }
0xa1: {  	s23 =	simm.s32 $0x1B8B  }
0xa2: {  	_ =	swait.ge [sflag:s23], $0x1  }
0xa3: {  	[sflag:s23] =	ssyncset.done $0x0  }
0xa4: {  	s25 =	simm.s32 $0x1B8E;
	s24 =	sld [smem:$0x3FFE];
	[sflag:s23] =	ssyncadd.s32 $0xFFFFFFFF  }
0xa5: {  	s26 =	simm.s32 $execute0_lowered;
	[smem:$0x3FD2] =	sst s25  }
0xa6: {  	s4 =	sshll.u32 s26, $0x1;
	_ =	strace $0x80000046;
	[dreg:$0x1] =	wrdreg $0xFFFFFFFF  }
0xa7: {  	s28 =	simm.s32 $_size_execute0_lowered;
	s2 =	sadd.s32 s2, s4;
	[dreg:$0x0] =	wrdreg $0x0  }
0xa8: {  	s4 =	sshll.u32 s28, $0x1;
	[dreg:$0x2] =	wrdreg s2  }
0xa9: {  	[dreg:$0x3] =	wrdreg s4  }
0xaa: {  	[dreg:$0x4] =	wrdreg $0xC0  }
0xab: {  	_ =	task [dreg:s6], $0x5FFFF  }
0xac: {  	[dreg:$0x1] =	wrdreg $0xFFFFFFFF  }
0xad: {  	[dreg:$0x0] =	wrdreg $0x60  }
0xae: {  	[dreg:$0x2] =	wrdreg s24  }
0xaf: {  	[dreg:$0x3] =	wrdreg $0x94000  }
0xb0: {  	[dreg:$0x4] =	wrdreg $0x9  }
0xb1: {  	_ =	task.clear_ibuf [dreg:s6], $0x5FFFF;
	_ =	strace $0x90000046  }
0xb2: {  	s29 =	simm.s32 $0x9;
	_ =	strace $0x80000048  }
0xb3: {  	_ =	swait.ge [sflag:s29], $0x1  }
0xb4: {  	[sflag:s29] =	ssyncadd.s32 $0xFFFFFFFF  }
0xb5: {  	_ =	strace $0x90000048  }
0xb6: {  	_ =	sfence  }
0xb7: {  	s30 =	sld [smem:$0x0];
	_ =	sdelay $0x2  }
0xb8: {  	s31 =	sshll.u32 s1, $0xD;
	s1 =	sshrl.u32 s1, $0x2  }
0xb9: {  	s3 =	sand.u32 $0x4000, s31;
	s1 =	sadd.s32 s1, s30  }
0xba: {  	s0 =	sor.u32 s3, s0;
	s1 =	sshll.u32 s1, $0x11  }
0xbb: {  	s0 =	sor.u32 s1, s0  }
0xbc: {  	s0 =	sadd.s32 $0x8F2B, s0  }
0xbd: {  	[sflag:s0] =	ssyncadd.remote.s32 $0x1  }
0xbe: {  	_ =	sfence.sel $0xFFFF  }
0xbf: {  	[dreg:$0x0] =	wrdreg $0xFFFFFFFF;
	(pc) =	sbr.abs _section_cstart, $3  }
0xc0: {  	[dreg:$0x1] =	wrdreg $0xFFFFFFFF  }
0xc1: {  	_ =	task.clear_ibuf [dreg:s6], $0x2FFFF;
	_ =	strace $0x9FFFFFFF  }
0xc2: {  	(tm) =	ssettm $0x7FFFFFFF  }
0xc3: {  	_ =	shalt  }
tec
execute0_lowered:
.L_overlay_start_1:
0x0: {  	(tag) =	ssettag $0x1  }
0x1: {  	s11 =	rddreg [dreg:$0x0]  }
0x2: {  	s2 =	rddreg [dreg:$0x1]  }
0x3: {  	s0 =	rddreg [dreg:$0x2]  }
0x4: {  	s3 =	simm.s32 $0x0;
	s1 =	stileid.u32;
	s5 =	srdreg.scid  }
0x5: {  	s12 =	simm.s32 $0x3AE00;
	s14 =	simm.s32 $0x5400;
	s15 =	simm.s32 $0x28  }
0x6: {  	s18 =	simm.s32 $0x0;
	[smem:$0x7FF] =	sst s3;
	s6 =	smul.u32 $0x4E000, s1  }
0x7: {  	s4 =	sshll.u32 s1, $0xB;
	s8 =	sand.u32 $0x1, s5;
	s13 =	smul.u32 $0x2700, s1  }
0x8: {  	s16 =	sshll.u32 s1, $0x6;
	_ =	strace $0x80000047;
	s4 =	sadd.s32 s4, s11  }
0x9: {  	s5 =	ssub.s32 $0x2, s8;
	s7 =	sshll.u32 s8, $0xF;
	p0 =	seq.s32 s8, $0x1  }
0xa: {  	s16 =	sor.u32 $0x1C01, s16;
	s6 =	sshrl.u32 s6, $0x2;
	s9 =	sshrl.u32 s5, $0x1  }
0xb: {  	s7 =	sadd.s32 s7, s4;
	s12 =	simm.s32 @!p0 $0x13C00;
	s4 =	sadd.s32 s6, s2  }
0xc: {  	s10 =	ssub.s32 s5, s9;
	s5 =	sadd.s32 $0x3C00, s7;
	s11 =	sadd.s32 s12, s11  }
0xd: {  	s12 =	simm.s32 $0x1400;
	s6 =	sadd.s32 $0x4000, s4;
	s7 =	sadd.s32 $0x8000, s4  }
0xe: {  	s8 =	sadd.s32 $0xC000, s4;
	s9 =	sadd.s32 $0x10000, s4;
	s10 =	smax.u32 s10, $0x1  }
0xf: {  	v0 =	vimm.f32 $1.000000000e+00;
	v1 =	vimm.f32 $0.0e+00;
	s11 =	sadd.s32 s11, s13;
	s13 =	simm.s32 $0x1;
	s17 =	sshrl.u32 s4, $0x3  }
.LBB2_1:
0x10: {  	[tilespmem:$0x0] =	vst v0  }
0x11: {  	[tilespmem:$0x80] =	vst v0  }
0x12: {  	[tilespmem:$0x100] =	vst v0  }
0x13: {  	[tilespmem:$0x180] =	vst v0  }
0x14: {  	[tilespmem:$0x200] =	vst v0  }
0x15: {  	[tilespmem:$0x280] =	vst v0  }
0x16: {  	[tilespmem:$0x300] =	vst v0  }
0x17: {  	[tilespmem:$0x380] =	vst v0  }
0x18: {  	[tilespmem:$0x400] =	vst v0  }
0x19: {  	[tilespmem:$0x480] =	vst v0  }
0x1a: {  	[tilespmem:$0x500] =	vst v0  }
0x1b: {  	[tilespmem:$0x580] =	vst v0  }
0x1c: {  	[tilespmem:$0x600] =	vst v0  }
0x1d: {  	[tilespmem:$0x680] =	vst v0  }
0x1e: {  	[tilespmem:$0x700] =	vst v0  }
0x1f: {  	[tilespmem:$0x780] =	vst v0  }
0x20: {  	[tilespmem:$0x800] =	vst v0  }
0x21: {  	[tilespmem:$0x880] =	vst v0  }
0x22: {  	[tilespmem:$0x900] =	vst v0  }
0x23: {  	[tilespmem:$0x980] =	vst v0  }
0x24: {  	[tilespmem:$0xA00] =	vst v0  }
0x25: {  	[tilespmem:$0xA80] =	vst v0  }
0x26: {  	[tilespmem:$0xB00] =	vst v0  }
0x27: {  	[tilespmem:$0xB80] =	vst v0  }
0x28: {  	[tilespmem:$0xC00] =	vst v0  }
0x29: {  	[tilespmem:$0xC80] =	vst v0  }
0x2a: {  	[tilespmem:$0xD00] =	vst v0  }
0x2b: {  	[tilespmem:$0xD80] =	vst v0  }
0x2c: {  	[tilespmem:$0xE00] =	vst v0  }
0x2d: {  	[tilespmem:$0xE80] =	vst v0  }
0x2e: {  	[tilespmem:$0xF00] =	vst v0  }
0x2f: {  	[tilespmem:$0xF80] =	vst v0  }
0x30: {  	[tilespmem:$0x1000] =	vst v0  }
0x31: {  	[tilespmem:$0x1080] =	vst v0  }
0x32: {  	[tilespmem:$0x1100] =	vst v0  }
0x33: {  	[tilespmem:$0x1180] =	vst v0  }
0x34: {  	[tilespmem:$0x1200] =	vst v0  }
0x35: {  	[tilespmem:$0x1280] =	vst v0  }
0x36: {  	[tilespmem:$0x1300] =	vst v0  }
0x37: {  	[tilespmem:$0x1380] =	vst v0;
	s19 =	simm.s32 $0x200;
	s20 =	simm.s32 $0x0  }
.LBB2_2:
0x38: {  	p0 =	sne.s32 s19, $0xFE00;
	[tilespmem:s20+$0x5400] =	vst v1;
	s20 =	smov.u32 s19;
	s19 =	sadd.s32 $0x200, s19  }
.Ltmp0:
0x39: {  	(pc) =	sbr.rel @p0 .LBB2_2-.Ltmp0, $2  }
0x3a: {  	_ =	sdelay $0x2  }
0x3b: {  	s20 =	sshra.s32 s20, $0x2  }
0x3c: {  	[tilespmem:s20+$0x5400] =	vst v1;
	s19 =	simm.s32 $0x0  }
0x3d: {  	[tilespmem:s12], [sflag:$0x1] =	stream.linear.gather [hbm4b:s5+s19], $0x3E80, $0x38;
	[tilespmem:$0xBB10] =	vst v63  }
0x3e: {  	_ =	swait.ge [sflag:s13], $0x3E80  }
0x3f: {  	[sflag:s13] =	ssyncset.done $0x0  }
0x40: {  	[sflag:s13] =	ssyncadd.s32 $0xFFFFC180  }
0x41: {  	[spmem:s4] =	stream.linear.scatter [tilespmem:s14], [sflag:$0x1], $0x4000, $0x38;
	[tilespmem:$0xBB10] =	vst v63  }
0x42: {  	_ =	swait.ge [sflag:s13], $0x4000  }
0x43: {  	[sflag:s13] =	ssyncset.done $0x0  }
0x44: {  	[sflag:s13] =	ssyncadd.s32 $0xFFFFC000  }
0x45: {  	[spmem:s6] =	stream.linear.scatter [tilespmem:s14], [sflag:$0x1], $0x4000, $0x38;
	[tilespmem:$0xBB10] =	vst v63  }
0x46: {  	_ =	swait.ge [sflag:s13], $0x4000  }
0x47: {  	[sflag:s13] =	ssyncset.done $0x0  }
0x48: {  	[sflag:s13] =	ssyncadd.s32 $0xFFFFC000  }
0x49: {  	[spmem:s7] =	stream.linear.scatter [tilespmem:s14], [sflag:$0x1], $0x4000, $0x38;
	[tilespmem:$0xBB10] =	vst v63  }
0x4a: {  	_ =	swait.ge [sflag:s13], $0x4000  }
0x4b: {  	[sflag:s13] =	ssyncset.done $0x0  }
0x4c: {  	[sflag:s13] =	ssyncadd.s32 $0xFFFFC000  }
0x4d: {  	[spmem:s8] =	stream.linear.scatter [tilespmem:s14], [sflag:$0x1], $0x4000, $0x38;
	[tilespmem:$0xBB10] =	vst v63  }
0x4e: {  	_ =	swait.ge [sflag:s13], $0x4000  }
0x4f: {  	[sflag:s13] =	ssyncset.done $0x0  }
0x50: {  	[sflag:s13] =	ssyncadd.s32 $0xFFFFC000  }
0x51: {  	[spmem:s9] =	stream.linear.scatter [tilespmem:s14], [sflag:$0x1], $0x4000, $0x38;
	[tilespmem:$0xBB10] =	vst v63  }
0x52: {  	_ =	swait.ge [sflag:s13], $0x4000  }
0x53: {  	[sflag:s13] =	ssyncset.done $0x0  }
0x54: {  	[sflag:s13] =	ssyncadd.s32 $0xFFFFC000  }
0x55: {  	s31 =	simm.s32 $0x1400;
	[bflag:$0x0] =	sbarrier.arrive $0xFFFF  }
0x56: {  	[spmem:s2] =	stream.indirect.scatter.add.f32 [tilespmem:s3], [sflag:$0x1], $0x10, s31, s15, $0xb8;
	[tilespmem:$0xBB10] =	vst v63  }
0x57: {  	s19 =	simm.s32 $0x200;
	_ =	swait.ge [sflag:s13], $0x280  }
.LBB2_4:
0x58: {  	s20 =	sshra.s32 s19, $0x2;
	[sflag:s13] =	ssyncset.done $0x0;
	p0 =	sne.s32 s19, $0xF800  }
.Ltmp1:
0x59: {  	s20 =	sadd.s32 $0x1400, s20;
	[sflag:s13] =	ssyncadd.s32 $0xFFFFFD80;
	(pc) =	sbr.rel @p0 .LBB2_4-.Ltmp1, $3  }
0x5a: {  	[spmem:s2] =	stream.indirect.scatter.add.f32 [tilespmem:s3], [sflag:$0x1], $0x10, s20, s15, $0xb8;
	[tilespmem:$0xBB10] =	vst v63  }
0x5b: {  	s19 =	sadd.s32 $0x200, s19;
	_ =	sdelay $0x1  }
0x5c: {  	_ =	swait.ge [sflag:s13], $0x280  }
0x5d: {  	[sflag:s13] =	ssyncset.done $0x0;
	s18 =	sadd.s32 $0x1, s18  }
0x5e: {  	[sflag:s13] =	ssyncadd.s32 $0xFFFFFD80;
	p0 =	sne.s32 s18, s10  }
.Ltmp2:
0x5f: {  	[bflag:$0x0] =	sbarrier.arrive $0xFFFF;
	(pc) =	sbr.rel @p0 .LBB2_1-.Ltmp2, $4  }
0x60: {  	[hbm:s11], [sflag:s16] =	dma.local [spmem:s17], $0x2800  }
0x61: {  	_ =	swait.ge [sflag:s13], $0x2800  }
0x62: {  	[sflag:s13] =	ssyncset.done $0x0  }
0x63: {  	[sflag:s13] =	ssyncadd.s32 $0xFFFFD800  }
0x64: {  	_ =	sfence.sel $0x180000  }
0x65: {  	[bflag:$0x0] =	sbarrier.arrive $0xFFFF  }
0x66: {  	p0 =	sne.s32 s1, $0x0;
	_ =	strace $0x90000047  }
0x67: {  	s0 =	sadd.s32 @!p0 $0x100000, s0;
	[bflag:$0x2] =	sbarrier.arrive $0xFFFF  }
0x68: {  	[sflag:s0] =	ssyncadd.tile.s32 @!p0 $0x1;
	_ =	shalt  }
.Lfunc_end2:
_tile_overlayer_lowered:
.L_overlay_start_2:
0x69: {  	(tag) =	ssettag $0x2  }
0x6a: {  	s0 =	rddreg [dreg:$0x0];
	s2 =	stileid.u32  }
0x6b: {  	s1 =	rddreg [dreg:$0x1];
	p0 =	sne.s32 s2, $0x0  }
0x6c: {  	s3 =	rddreg [dreg:$0x2];
	[bflag:$0x3] =	sbarrier.arrive $0xFFFF;
	s2 =	simm.s32 @!p0 $0x1C01  }
0x6d: {  	[timem:s3], [sflag:s2] =	dma.local @!p0 [hbm:s0], s1  }
0x6e: {  	s0 =	simm.s32 @!p0 $0x1  }
0x6f: {  	_ =	swait.ge @!p0 [sflag:s0], s1  }
0x70: {  	s1 =	ssub.s32 @!p0 $0x0, s1;
	[sflag:s0] =	ssyncset.done @!p0 $0x0  }
0x71: {  	[sflag:s0] =	ssyncadd.s32 @!p0 s1  }
0x72: {  	[bflag:$0x3] =	sbarrier.arrive $0xFFFF  }
0x73: {  	_ =	shalt  }

</sc_bundles>
